<compile_context>
chip_gen: v7x
topology: tpu7x:2x2x1
jax: 0.10.2.dev20260603
libtpu: 0.0.44.dev20260713+nightly
codegen_flags: <defaults>
</compile_context>

<pallas_src>
import functools

import jax
import jax.numpy as jnp
from jax import lax
from jax.experimental import pallas as pl
from jax.experimental.pallas import tpu as pltpu
from jax.experimental.pallas import tpu_sc as plsc

_NC = 2
_NS = 16


def _select_kernel(xyz1t_ref, xyz2_ref, p1t_ref, w1t_ref, b1r_ref,
                   i0_ref, i1_ref, i2_ref, w0_ref, w1_ref, w2_ref, p1_ref,
                   *, M, TN):
    b = pl.program_id(0)

    @pl.when(pl.program_id(1) == 0)
    def _():
        p1_ref[0] = (
            jnp.dot(p1t_ref[0], w1t_ref[...],
                    preferred_element_type=jnp.float32)
            + b1r_ref[...]
        )

    x1t = xyz1t_ref[0]
    x2 = xyz2_ref[0]

    d0 = x1t[:, 0][:, None] - x2[0][None, :]
    d1 = x1t[:, 1][:, None] - x2[1][None, :]
    d2 = x1t[:, 2][:, None] - x2[2][None, :]
    D = d0 * d0 + d1 * d1 + d2 * d2

    m0 = jnp.min(D, axis=0, keepdims=True)
    D1 = jnp.where(D == m0, jnp.inf, D)
    m1 = jnp.min(D1, axis=0, keepdims=True)
    D2 = jnp.where(D1 == m1, jnp.inf, D1)
    m2 = jnp.min(D2, axis=0, keepdims=True)

    r0 = 1.0 / (m0 + 0.1)
    r1 = 1.0 / (m1 + 0.1)
    r2 = 1.0 / (m2 + 0.1)
    norm = r0 + r1 + r2
    w0_ref[0, 0] = r0 / norm
    w1_ref[0, 0] = r1 / norm
    w2_ref[0, 0] = r2 / norm

    iota0 = lax.broadcasted_iota(jnp.int32, (M, TN), 0)
    gbase = b * M
    for m_val, i_ref in ((m0, i0_ref), (m1, i1_ref), (m2, i2_ref)):
        idx = jnp.max(jnp.where(D == m_val, iota0, -1), axis=0, keepdims=True)
        i_ref[0, 0] = jnp.clip(idx, 0, M - 1) + gbase


def _combine_kernel(g0_ref, g1_ref, g2_ref, w0_ref, w1_ref, w2_ref,
                    p2_ref, w2m_ref, b2c_ref, out_ref):
    w0 = jnp.transpose(w0_ref[0, 0])
    w1 = jnp.transpose(w1_ref[0, 0])
    w2 = jnp.transpose(w2_ref[0, 0])
    ws = g0_ref[0, 0] * w0 + g1_ref[0, 0] * w1 + g2_ref[0, 0] * w2
    p2 = (
        jnp.dot(w2m_ref[...], p2_ref[0], preferred_element_type=jnp.float32)
        + b2c_ref[...]
    )
    out_ref[0] = jnp.transpose(ws) + p2


def _make_sc_gather(ROWS, O, CH, n_workers):
    rpw = ROWS // n_workers
    nchunk = rpw // CH
    mesh = plsc.VectorSubcoreMesh(core_axis_name="c", subcore_axis_name="s")
    f32 = jnp.float32

    @functools.partial(
        pl.kernel, mesh=mesh,
        out_type=(jax.ShapeDtypeStruct((ROWS, O), f32),) * 3,
        scratch_types=(
            [pltpu.VMEM((CH,), jnp.int32)] * 3
            + [pltpu.VMEM((CH, O), f32)] * 3
            + [pltpu.SemaphoreType.DMA]
        ),
    )
    def sc_gather(i0h, i1h, i2h, p1h, g0h, g1h, g2h,
                  iv0, iv1, iv2, gv0, gv1, gv2, sem):
        wid = lax.axis_index("s") * _NC + lax.axis_index("c")
        for c in range(nchunk):
            base = wid * rpw + c * CH
            sl = pl.ds(base, CH)
            pltpu.sync_copy(i0h.at[sl], iv0)
            pltpu.sync_copy(i1h.at[sl], iv1)
            pltpu.sync_copy(i2h.at[sl], iv2)
            c0 = pltpu.async_copy(p1h.at[iv0], gv0, sem)
            c1 = pltpu.async_copy(p1h.at[iv1], gv1, sem)
            c2 = pltpu.async_copy(p1h.at[iv2], gv2, sem)
            c0.wait()
            c1.wait()
            c2.wait()
            pltpu.sync_copy(gv0, g0h.at[sl])
            pltpu.sync_copy(gv1, g1h.at[sl])
            pltpu.sync_copy(gv2, g2h.at[sl])

    return sc_gather


def _chunk(h, Bc, xyz_1t, xyz_2, points_1t, points_2, w1t, b1r, W2, b2c,
           M, N, C, O, TN):
    NB = N // TN
    ROWS = Bc * N
    b0 = h * Bc

    idx_w_specs = pl.BlockSpec((1, 1, 1, TN), lambda b, nb: (b, nb, 0, 0))
    sel_out = pl.pallas_call(
        functools.partial(_select_kernel, M=M, TN=TN),
        grid=(Bc, NB),
        in_specs=[
            pl.BlockSpec((1, M, 3), lambda b, nb: (b0 + b, 0, 0)),
            pl.BlockSpec((1, 3, TN), lambda b, nb: (b0 + b, 0, nb)),
            pl.BlockSpec((1, M, C), lambda b, nb: (b0 + b, 0, 0)),
            pl.BlockSpec((C, O), lambda b, nb: (0, 0)),
            pl.BlockSpec((1, O), lambda b, nb: (0, 0)),
        ],
        out_specs=(
            [idx_w_specs] * 6
            + [pl.BlockSpec((1, M, O), lambda b, nb: (b, 0, 0))]
        ),
        out_shape=(
            [jax.ShapeDtypeStruct((Bc, NB, 1, TN), jnp.int32)] * 3
            + [jax.ShapeDtypeStruct((Bc, NB, 1, TN), jnp.float32)] * 3
            + [jax.ShapeDtypeStruct((Bc, M, O), jnp.float32)]
        ),
    )(xyz_1t, xyz_2, points_1t, w1t, b1r)
    i0, i1, i2, w0, w1, w2, p1rows = sel_out

    sc_gather = _make_sc_gather(ROWS, O, CH=128, n_workers=_NC * _NS)
    g0, g1, g2 = sc_gather(
        i0.reshape(ROWS), i1.reshape(ROWS), i2.reshape(ROWS),
        p1rows.reshape(Bc * M, O))
    TNC = 1024
    NBC = N // TNC
    g0 = g0.reshape(Bc, NBC, TNC, O)
    g1 = g1.reshape(Bc, NBC, TNC, O)
    g2 = g2.reshape(Bc, NBC, TNC, O)
    w0 = w0.reshape(Bc, NBC, 1, TNC)
    w1 = w1.reshape(Bc, NBC, 1, TNC)
    w2 = w2.reshape(Bc, NBC, 1, TNC)

    g_spec = pl.BlockSpec((1, 1, TNC, O), lambda b, nb: (b, nb, 0, 0))
    wc_spec = pl.BlockSpec((1, 1, 1, TNC), lambda b, nb: (b, nb, 0, 0))
    return pl.pallas_call(
        _combine_kernel,
        grid=(Bc, NBC),
        in_specs=[
            g_spec, g_spec, g_spec,
            wc_spec, wc_spec, wc_spec,
            pl.BlockSpec((1, O, TNC), lambda b, nb: (b0 + b, 0, nb)),
            pl.BlockSpec((O, O), lambda b, nb: (0, 0)),
            pl.BlockSpec((O, 1), lambda b, nb: (0, 0)),
        ],
        out_specs=pl.BlockSpec((1, O, TNC), lambda b, nb: (b, 0, nb)),
        out_shape=jax.ShapeDtypeStruct((Bc, O, N), jnp.float32),
    )(g0, g1, g2, w0, w1, w2, points_2, W2, b2c)


def kernel(xyz_1, xyz_2, points_1, points_2, W1, b1, W2, b2):
    B, _, M = xyz_1.shape
    N = xyz_2.shape[2]
    C = points_1.shape[1]
    O = W1.shape[0]
    TN = 512
    CHUNKS = 4
    Bc = B // CHUNKS

    xyz_1t = jnp.transpose(xyz_1, (0, 2, 1))
    points_1t = jnp.transpose(points_1, (0, 2, 1))
    w1t = W1.T
    b1r = b1.reshape(1, O)
    b2c = b2.reshape(O, 1)

    outs = [
        _chunk(h, Bc, xyz_1t, xyz_2, points_1t, points_2,
               w1t, b1r, W2, b2c, M, N, C, O, TN)
        for h in range(CHUNKS)
    ]
    out = jnp.concatenate(outs, axis=0) if CHUNKS > 1 else outs[0]

    return (xyz_2, out)

# --- scband reference (transcript-rebuilt; emitter-appended) ---
"""Pipeline reference for scband-tulayer-30090540876460 (READ-ONLY COPY).

The authoritative reference and input builder live on the scoring server;
editing this copy changes nothing except your own understanding.
"""

import jax, jax.numpy as jnp
import numpy as np


def setup_inputs(seed: int = 0) -> dict:
    key = jax.random.key(seed)
    ks = jax.random.split(key, 8)
    B, M, N, C, O = 4, 2048, 8192, 256, 256
    return {
        "xyz_1": jax.random.normal(ks[0], (B, 3, M), jnp.float32),
        "xyz_2": jax.random.normal(ks[1], (B, 3, N), jnp.float32),
        "points_1": jax.random.normal(ks[2], (B, C, M), jnp.float32),
        "points_2": jax.random.normal(ks[3], (B, O, N), jnp.float32),
        "W1": jax.random.normal(ks[4], (O, C), jnp.float32) * 0.02,
        "b1": jnp.zeros((O,), jnp.float32),
        "W2": jax.random.normal(ks[5], (O, O), jnp.float32) * 0.02,
        "b2": jnp.zeros((O,), jnp.float32),
    }


def reference(xyz_1, xyz_2, points_1, points_2, W1, b1, W2, b2):
    k = 3
    # 1x1 Conv1d == channel matmul
    p1 = jnp.einsum('oc,bcm->bom', W1, points_1) + b1[None, :, None]  # [B,O,M]
    p2 = jnp.einsum('oc,bcn->bon', W2, points_2) + b2[None, :, None]  # [B,O,N]
    src = jnp.transpose(xyz_2, (0, 2, 1))  # [B,N,3]
    dst = jnp.transpose(xyz_1, (0, 2, 1))  # [B,M,3]
    # pairwise squared distances [B,N,M]
    dists = jnp.sum((src[:, :, None, :] - dst[:, None, :, :]) ** 2, axis=-1)
    # k smallest distances == top_k of negated distances
    neg_d, idx = jax.lax.top_k(-dists, k)  # idx: [B,N,k]
    d = -neg_d  # [B,N,k], ascending
    dist_recip = 1.0 / (d + 0.1)
    norm = jnp.sum(dist_recip, axis=2, keepdims=True)
    weight = dist_recip / norm  # [B,N,k]
    # grouping_operation: gather p1 [B,O,M] with idx [B,N,k] -> [B,O,N,k]
    grouped = jax.vmap(lambda p, i: p[:, i])(p1, idx)
    interpolated = jnp.sum(grouped * weight[:, None, :, :], axis=-1)  # [B,O,N]
    return (xyz_2, interpolated + p2)

if __name__ == "__main__":
    import jax
    _d = setup_inputs()
    print(jax.jit(kernel)(*tuple(_d.values())))

</pallas_src>

<mosaic_0001>
#map = affine_map<(d0, d1) -> (0)>
#map1 = affine_map<(d0, d1) -> (0, 0)>
module attributes {stable_mosaic.version = 14 : i64} {
  func.func @sc_gather(%arg0: i32, %arg1: i32, %arg2: memref<8192xi32, #tpu.memory_space<hbm>>, %arg3: memref<8192xi32, #tpu.memory_space<hbm>>, %arg4: memref<8192xi32, #tpu.memory_space<hbm>>, %arg5: memref<2048x256xf32, #tpu.memory_space<hbm>>, %arg6: memref<8192x256xf32, #tpu.memory_space<hbm>>, %arg7: memref<8192x256xf32, #tpu.memory_space<hbm>>, %arg8: memref<8192x256xf32, #tpu.memory_space<hbm>>, %arg9: memref<128xi32, #tpu.memory_space<vmem>>, %arg10: memref<128xi32, #tpu.memory_space<vmem>>, %arg11: memref<128xi32, #tpu.memory_space<vmem>>, %arg12: memref<128x256xf32, #tpu.memory_space<vmem>>, %arg13: memref<128x256xf32, #tpu.memory_space<vmem>>, %arg14: memref<128x256xf32, #tpu.memory_space<vmem>>, %arg15: memref<!tpu.dma_semaphore, #tpu.memory_space<semaphore_mem>>) attributes {dimension_semantics = [#tpu.dimension_semantics<core_parallel>, #tpu.dimension_semantics<subcore_parallel>], iteration_bounds = array<i64: 2, 16>, scalar_prefetch = 0 : i64, scratch_operands = 7 : i64, tpu.core_type = #tpu.core_type<sc_vector_subcore>, window_params = [{transform_indices = #map}, {transform_indices = #map}, {transform_indices = #map}, {transform_indices = #map1}, {transform_indices = #map1}, {transform_indices = #map1}, {transform_indices = #map1}]} {
    %mul3A = arith.constant 2 : i32
    %mul3A_0 = arith.muli %arg1, %mul3A : i32
    %add3A = arith.addi %mul3A_0, %arg0 : i32
    %mul3A_1 = arith.constant 256 : i32
    %mul3A_2 = arith.muli %add3A, %mul3A_1 : i32
    %add3A_3 = arith.constant 0 : i32
    %add3A_4 = arith.addi %mul3A_2, %add3A_3 : i32
    "tpu.region"() ({
      %run_scoped3A = tpu.sem_alloc : memref<!tpu.dma_semaphore, #tpu.memory_space<semaphore_mem>>
      %dma_start3A_43 = tpu.memref_slice %arg2[%add3A_4] : memref<8192xi32, #tpu.memory_space<hbm>> -> memref<128xi32, #tpu.memory_space<hbm>>
      %dma_start3A_44 = tpu.memref_slice %arg2[%add3A_4] : memref<8192xi32, #tpu.memory_space<hbm>> -> memref<128xi32, #tpu.memory_space<hbm>>
      tpu.enqueue_dma source(%dma_start3A_44 : memref<128xi32, #tpu.memory_space<hbm>>) target(%arg9 : memref<128xi32, #tpu.memory_space<vmem>>) target_semaphore(%run_scoped3A : memref<!tpu.dma_semaphore, #tpu.memory_space<semaphore_mem>>)
      %dma_wait3A_45 = tpu.memref_slice %arg2[%add3A_4] : memref<8192xi32, #tpu.memory_space<hbm>> -> memref<128xi32, #tpu.memory_space<hbm>>
      %dma_wait3A_46 = tpu.memref_slice %arg2[%add3A_4] : memref<8192xi32, #tpu.memory_space<hbm>> -> memref<128xi32, #tpu.memory_space<hbm>>
      tpu.wait_dma2 semaphore(%run_scoped3A : memref<!tpu.dma_semaphore, #tpu.memory_space<semaphore_mem>>) src(%dma_wait3A_46 : memref<128xi32, #tpu.memory_space<hbm>>) dst(%arg9 : memref<128xi32, #tpu.memory_space<vmem>>)
      tpu.yield
    }) : () -> ()
    "tpu.region"() ({
      %run_scoped3A = tpu.sem_alloc : memref<!tpu.dma_semaphore, #tpu.memory_space<semaphore_mem>>
      %dma_start3A_43 = tpu.memref_slice %arg3[%add3A_4] : memref<8192xi32, #tpu.memory_space<hbm>> -> memref<128xi32, #tpu.memory_space<hbm>>
      %dma_start3A_44 = tpu.memref_slice %arg3[%add3A_4] : memref<8192xi32, #tpu.memory_space<hbm>> -> memref<128xi32, #tpu.memory_space<hbm>>
      tpu.enqueue_dma source(%dma_start3A_44 : memref<128xi32, #tpu.memory_space<hbm>>) target(%arg10 : memref<128xi32, #tpu.memory_space<vmem>>) target_semaphore(%run_scoped3A : memref<!tpu.dma_semaphore, #tpu.memory_space<semaphore_mem>>)
      %dma_wait3A_45 = tpu.memref_slice %arg3[%add3A_4] : memref<8192xi32, #tpu.memory_space<hbm>> -> memref<128xi32, #tpu.memory_space<hbm>>
      %dma_wait3A_46 = tpu.memref_slice %arg3[%add3A_4] : memref<8192xi32, #tpu.memory_space<hbm>> -> memref<128xi32, #tpu.memory_space<hbm>>
      tpu.wait_dma2 semaphore(%run_scoped3A : memref<!tpu.dma_semaphore, #tpu.memory_space<semaphore_mem>>) src(%dma_wait3A_46 : memref<128xi32, #tpu.memory_space<hbm>>) dst(%arg10 : memref<128xi32, #tpu.memory_space<vmem>>)
      tpu.yield
    }) : () -> ()
    "tpu.region"() ({
      %run_scoped3A = tpu.sem_alloc : memref<!tpu.dma_semaphore, #tpu.memory_space<semaphore_mem>>
      %dma_start3A_43 = tpu.memref_slice %arg4[%add3A_4] : memref<8192xi32, #tpu.memory_space<hbm>> -> memref<128xi32, #tpu.memory_space<hbm>>
      %dma_start3A_44 = tpu.memref_slice %arg4[%add3A_4] : memref<8192xi32, #tpu.memory_space<hbm>> -> memref<128xi32, #tpu.memory_space<hbm>>
      tpu.enqueue_dma source(%dma_start3A_44 : memref<128xi32, #tpu.memory_space<hbm>>) target(%arg11 : memref<128xi32, #tpu.memory_space<vmem>>) target_semaphore(%run_scoped3A : memref<!tpu.dma_semaphore, #tpu.memory_space<semaphore_mem>>)
      %dma_wait3A_45 = tpu.memref_slice %arg4[%add3A_4] : memref<8192xi32, #tpu.memory_space<hbm>> -> memref<128xi32, #tpu.memory_space<hbm>>
      %dma_wait3A_46 = tpu.memref_slice %arg4[%add3A_4] : memref<8192xi32, #tpu.memory_space<hbm>> -> memref<128xi32, #tpu.memory_space<hbm>>
      tpu.wait_dma2 semaphore(%run_scoped3A : memref<!tpu.dma_semaphore, #tpu.memory_space<semaphore_mem>>) src(%dma_wait3A_46 : memref<128xi32, #tpu.memory_space<hbm>>) dst(%arg11 : memref<128xi32, #tpu.memory_space<vmem>>)
      tpu.yield
    }) : () -> ()
    %dma_start3A = arith.constant 0 : i32
    %dma_start3A_5 = arith.constant 0 : i32
    %dma_start3A_6 = tpu.memref_slice %arg5[%dma_start3A, %dma_start3A_5] : memref<2048x256xf32, #tpu.memory_space<hbm>> -> memref<2048x256xf32, #tpu.memory_space<hbm>>
    tpu.enqueue_indirect_dma source(%dma_start3A_6 : memref<2048x256xf32, #tpu.memory_space<hbm>>) target(%arg12 : memref<128x256xf32, #tpu.memory_space<vmem>>) offsets(%arg9 : memref<128xi32, #tpu.memory_space<vmem>>) semaphore(%arg15 : memref<!tpu.dma_semaphore, #tpu.memory_space<semaphore_mem>>)
    %dma_start3A_7 = arith.constant 0 : i32
    %dma_start3A_8 = arith.constant 0 : i32
    %dma_start3A_9 = tpu.memref_slice %arg5[%dma_start3A_7, %dma_start3A_8] : memref<2048x256xf32, #tpu.memory_space<hbm>> -> memref<2048x256xf32, #tpu.memory_space<hbm>>
    tpu.enqueue_indirect_dma source(%dma_start3A_9 : memref<2048x256xf32, #tpu.memory_space<hbm>>) target(%arg13 : memref<128x256xf32, #tpu.memory_space<vmem>>) offsets(%arg10 : memref<128xi32, #tpu.memory_space<vmem>>) semaphore(%arg15 : memref<!tpu.dma_semaphore, #tpu.memory_space<semaphore_mem>>)
    %dma_start3A_10 = arith.constant 0 : i32
    %dma_start3A_11 = arith.constant 0 : i32
    %dma_start3A_12 = tpu.memref_slice %arg5[%dma_start3A_10, %dma_start3A_11] : memref<2048x256xf32, #tpu.memory_space<hbm>> -> memref<2048x256xf32, #tpu.memory_space<hbm>>
    tpu.enqueue_indirect_dma source(%dma_start3A_12 : memref<2048x256xf32, #tpu.memory_space<hbm>>) target(%arg14 : memref<128x256xf32, #tpu.memory_space<vmem>>) offsets(%arg11 : memref<128xi32, #tpu.memory_space<vmem>>) semaphore(%arg15 : memref<!tpu.dma_semaphore, #tpu.memory_space<semaphore_mem>>)
    %dma_wait3A = arith.constant 0 : i32
    %dma_wait3A_13 = arith.constant 0 : i32
    %dma_wait3A_14 = tpu.memref_slice %arg5[%dma_wait3A, %dma_wait3A_13] : memref<2048x256xf32, #tpu.memory_space<hbm>> -> memref<2048x256xf32, #tpu.memory_space<hbm>>
    tpu.wait_indirect_dma semaphore(%arg15 : memref<!tpu.dma_semaphore, #tpu.memory_space<semaphore_mem>>) src(%dma_wait3A_14 : memref<2048x256xf32, #tpu.memory_space<hbm>>) dst(%arg12 : memref<128x256xf32, #tpu.memory_space<vmem>>)
    %dma_wait3A_15 = arith.constant 0 : i32
    %dma_wait3A_16 = arith.constant 0 : i32
    %dma_wait3A_17 = tpu.memref_slice %arg5[%dma_wait3A_15, %dma_wait3A_16] : memref<2048x256xf32, #tpu.memory_space<hbm>> -> memref<2048x256xf32, #tpu.memory_space<hbm>>
    tpu.wait_indirect_dma semaphore(%arg15 : memref<!tpu.dma_semaphore, #tpu.memory_space<semaphore_mem>>) src(%dma_wait3A_17 : memref<2048x256xf32, #tpu.memory_space<hbm>>) dst(%arg13 : memref<128x256xf32, #tpu.memory_space<vmem>>)
    %dma_wait3A_18 = arith.constant 0 : i32
    %dma_wait3A_19 = arith.constant 0 : i32
    %dma_wait3A_20 = tpu.memref_slice %arg5[%dma_wait3A_18, %dma_wait3A_19] : memref<2048x256xf32, #tpu.memory_space<hbm>> -> memref<2048x256xf32, #tpu.memory_space<hbm>>
    tpu.wait_indirect_dma semaphore(%arg15 : memref<!tpu.dma_semaphore, #tpu.memory_space<semaphore_mem>>) src(%dma_wait3A_20 : memref<2048x256xf32, #tpu.memory_space<hbm>>) dst(%arg14 : memref<128x256xf32, #tpu.memory_space<vmem>>)
    "tpu.region"() ({
      %run_scoped3A = tpu.sem_alloc : memref<!tpu.dma_semaphore, #tpu.memory_space<semaphore_mem>>
      %dma_start3A_43 = arith.constant 0 : i32
      %dma_start3A_44 = tpu.memref_slice %arg6[%add3A_4, %dma_start3A_43] : memref<8192x256xf32, #tpu.memory_space<hbm>> -> memref<128x256xf32, #tpu.memory_space<hbm>>
      %dma_start3A_45 = arith.constant 0 : i32
      %dma_start3A_46 = tpu.memref_slice %arg6[%add3A_4, %dma_start3A_45] : memref<8192x256xf32, #tpu.memory_space<hbm>> -> memref<128x256xf32, #tpu.memory_space<hbm>>
      tpu.enqueue_dma source(%arg12 : memref<128x256xf32, #tpu.memory_space<vmem>>) target(%dma_start3A_46 : memref<128x256xf32, #tpu.memory_space<hbm>>) target_semaphore(%run_scoped3A : memref<!tpu.dma_semaphore, #tpu.memory_space<semaphore_mem>>)
      %dma_wait3A_47 = arith.constant 0 : i32
      %dma_wait3A_48 = tpu.memref_slice %arg6[%add3A_4, %dma_wait3A_47] : memref<8192x256xf32, #tpu.memory_space<hbm>> -> memref<128x256xf32, #tpu.memory_space<hbm>>
      %dma_wait3A_49 = arith.constant 0 : i32
      %dma_wait3A_50 = tpu.memref_slice %arg6[%add3A_4, %dma_wait3A_49] : memref<8192x256xf32, #tpu.memory_space<hbm>> -> memref<128x256xf32, #tpu.memory_space<hbm>>
      tpu.wait_dma2 semaphore(%run_scoped3A : memref<!tpu.dma_semaphore, #tpu.memory_space<semaphore_mem>>) src(%arg12 : memref<128x256xf32, #tpu.memory_space<vmem>>) dst(%dma_wait3A_50 : memref<128x256xf32, #tpu.memory_space<hbm>>)
      tpu.yield
    }) : () -> ()
    "tpu.region"() ({
      %run_scoped3A = tpu.sem_alloc : memref<!tpu.dma_semaphore, #tpu.memory_space<semaphore_mem>>
      %dma_start3A_43 = arith.constant 0 : i32
      %dma_start3A_44 = tpu.memref_slice %arg7[%add3A_4, %dma_start3A_43] : memref<8192x256xf32, #tpu.memory_space<hbm>> -> memref<128x256xf32, #tpu.memory_space<hbm>>
      %dma_start3A_45 = arith.constant 0 : i32
      %dma_start3A_46 = tpu.memref_slice %arg7[%add3A_4, %dma_start3A_45] : memref<8192x256xf32, #tpu.memory_space<hbm>> -> memref<128x256xf32, #tpu.memory_space<hbm>>
      tpu.enqueue_dma source(%arg13 : memref<128x256xf32, #tpu.memory_space<vmem>>) target(%dma_start3A_46 : memref<128x256xf32, #tpu.memory_space<hbm>>) target_semaphore(%run_scoped3A : memref<!tpu.dma_semaphore, #tpu.memory_space<semaphore_mem>>)
      %dma_wait3A_47 = arith.constant 0 : i32
      %dma_wait3A_48 = tpu.memref_slice %arg7[%add3A_4, %dma_wait3A_47] : memref<8192x256xf32, #tpu.memory_space<hbm>> -> memref<128x256xf32, #tpu.memory_space<hbm>>
      %dma_wait3A_49 = arith.constant 0 : i32
      %dma_wait3A_50 = tpu.memref_slice %arg7[%add3A_4, %dma_wait3A_49] : memref<8192x256xf32, #tpu.memory_space<hbm>> -> memref<128x256xf32, #tpu.memory_space<hbm>>
      tpu.wait_dma2 semaphore(%run_scoped3A : memref<!tpu.dma_semaphore, #tpu.memory_space<semaphore_mem>>) src(%arg13 : memref<128x256xf32, #tpu.memory_space<vmem>>) dst(%dma_wait3A_50 : memref<128x256xf32, #tpu.memory_space<hbm>>)
      tpu.yield
    }) : () -> ()
    "tpu.region"() ({
      %run_scoped3A = tpu.sem_alloc : memref<!tpu.dma_semaphore, #tpu.memory_space<semaphore_mem>>
      %dma_start3A_43 = arith.constant 0 : i32
      %dma_start3A_44 = tpu.memref_slice %arg8[%add3A_4, %dma_start3A_43] : memref<8192x256xf32, #tpu.memory_space<hbm>> -> memref<128x256xf32, #tpu.memory_space<hbm>>
      %dma_start3A_45 = arith.constant 0 : i32
      %dma_start3A_46 = tpu.memref_slice %arg8[%add3A_4, %dma_start3A_45] : memref<8192x256xf32, #tpu.memory_space<hbm>> -> memref<128x256xf32, #tpu.memory_space<hbm>>
      tpu.enqueue_dma source(%arg14 : memref<128x256xf32, #tpu.memory_space<vmem>>) target(%dma_start3A_46 : memref<128x256xf32, #tpu.memory_space<hbm>>) target_semaphore(%run_scoped3A : memref<!tpu.dma_semaphore, #tpu.memory_space<semaphore_mem>>)
      %dma_wait3A_47 = arith.constant 0 : i32
      %dma_wait3A_48 = tpu.memref_slice %arg8[%add3A_4, %dma_wait3A_47] : memref<8192x256xf32, #tpu.memory_space<hbm>> -> memref<128x256xf32, #tpu.memory_space<hbm>>
      %dma_wait3A_49 = arith.constant 0 : i32
      %dma_wait3A_50 = tpu.memref_slice %arg8[%add3A_4, %dma_wait3A_49] : memref<8192x256xf32, #tpu.memory_space<hbm>> -> memref<128x256xf32, #tpu.memory_space<hbm>>
      tpu.wait_dma2 semaphore(%run_scoped3A : memref<!tpu.dma_semaphore, #tpu.memory_space<semaphore_mem>>) src(%arg14 : memref<128x256xf32, #tpu.memory_space<vmem>>) dst(%dma_wait3A_50 : memref<128x256xf32, #tpu.memory_space<hbm>>)
      tpu.yield
    }) : () -> ()
    %mul3A_21 = arith.constant 256 : i32
    %mul3A_22 = arith.muli %add3A, %mul3A_21 : i32
    %add3A_23 = arith.constant 128 : i32
    %add3A_24 = arith.addi %mul3A_22, %add3A_23 : i32
    "tpu.region"() ({
      %run_scoped3A = tpu.sem_alloc : memref<!tpu.dma_semaphore, #tpu.memory_space<semaphore_mem>>
      %dma_start3A_43 = tpu.memref_slice %arg2[%add3A_24] : memref<8192xi32, #tpu.memory_space<hbm>> -> memref<128xi32, #tpu.memory_space<hbm>>
      %dma_start3A_44 = tpu.memref_slice %arg2[%add3A_24] : memref<8192xi32, #tpu.memory_space<hbm>> -> memref<128xi32, #tpu.memory_space<hbm>>
      tpu.enqueue_dma source(%dma_start3A_44 : memref<128xi32, #tpu.memory_space<hbm>>) target(%arg9 : memref<128xi32, #tpu.memory_space<vmem>>) target_semaphore(%run_scoped3A : memref<!tpu.dma_semaphore, #tpu.memory_space<semaphore_mem>>)
      %dma_wait3A_45 = tpu.memref_slice %arg2[%add3A_24] : memref<8192xi32, #tpu.memory_space<hbm>> -> memref<128xi32, #tpu.memory_space<hbm>>
      %dma_wait3A_46 = tpu.memref_slice %arg2[%add3A_24] : memref<8192xi32, #tpu.memory_space<hbm>> -> memref<128xi32, #tpu.memory_space<hbm>>
      tpu.wait_dma2 semaphore(%run_scoped3A : memref<!tpu.dma_semaphore, #tpu.memory_space<semaphore_mem>>) src(%dma_wait3A_46 : memref<128xi32, #tpu.memory_space<hbm>>) dst(%arg9 : memref<128xi32, #tpu.memory_space<vmem>>)
      tpu.yield
    }) : () -> ()
    "tpu.region"() ({
      %run_scoped3A = tpu.sem_alloc : memref<!tpu.dma_semaphore, #tpu.memory_space<semaphore_mem>>
      %dma_start3A_43 = tpu.memref_slice %arg3[%add3A_24] : memref<8192xi32, #tpu.memory_space<hbm>> -> memref<128xi32, #tpu.memory_space<hbm>>
      %dma_start3A_44 = tpu.memref_slice %arg3[%add3A_24] : memref<8192xi32, #tpu.memory_space<hbm>> -> memref<128xi32, #tpu.memory_space<hbm>>
      tpu.enqueue_dma source(%dma_start3A_44 : memref<128xi32, #tpu.memory_space<hbm>>) target(%arg10 : memref<128xi32, #tpu.memory_space<vmem>>) target_semaphore(%run_scoped3A : memref<!tpu.dma_semaphore, #tpu.memory_space<semaphore_mem>>)
      %dma_wait3A_45 = tpu.memref_slice %arg3[%add3A_24] : memref<8192xi32, #tpu.memory_space<hbm>> -> memref<128xi32, #tpu.memory_space<hbm>>
      %dma_wait3A_46 = tpu.memref_slice %arg3[%add3A_24] : memref<8192xi32, #tpu.memory_space<hbm>> -> memref<128xi32, #tpu.memory_space<hbm>>
      tpu.wait_dma2 semaphore(%run_scoped3A : memref<!tpu.dma_semaphore, #tpu.memory_space<semaphore_mem>>) src(%dma_wait3A_46 : memref<128xi32, #tpu.memory_space<hbm>>) dst(%arg10 : memref<128xi32, #tpu.memory_space<vmem>>)
      tpu.yield
    }) : () -> ()
    "tpu.region"() ({
      %run_scoped3A = tpu.sem_alloc : memref<!tpu.dma_semaphore, #tpu.memory_space<semaphore_mem>>
      %dma_start3A_43 = tpu.memref_slice %arg4[%add3A_24] : memref<8192xi32, #tpu.memory_space<hbm>> -> memref<128xi32, #tpu.memory_space<hbm>>
      %dma_start3A_44 = tpu.memref_slice %arg4[%add3A_24] : memref<8192xi32, #tpu.memory_space<hbm>> -> memref<128xi32, #tpu.memory_space<hbm>>
      tpu.enqueue_dma source(%dma_start3A_44 : memref<128xi32, #tpu.memory_space<hbm>>) target(%arg11 : memref<128xi32, #tpu.memory_space<vmem>>) target_semaphore(%run_scoped3A : memref<!tpu.dma_semaphore, #tpu.memory_space<semaphore_mem>>)
      %dma_wait3A_45 = tpu.memref_slice %arg4[%add3A_24] : memref<8192xi32, #tpu.memory_space<hbm>> -> memref<128xi32, #tpu.memory_space<hbm>>
      %dma_wait3A_46 = tpu.memref_slice %arg4[%add3A_24] : memref<8192xi32, #tpu.memory_space<hbm>> -> memref<128xi32, #tpu.memory_space<hbm>>
      tpu.wait_dma2 semaphore(%run_scoped3A : memref<!tpu.dma_semaphore, #tpu.memory_space<semaphore_mem>>) src(%dma_wait3A_46 : memref<128xi32, #tpu.memory_space<hbm>>) dst(%arg11 : memref<128xi32, #tpu.memory_space<vmem>>)
      tpu.yield
    }) : () -> ()
    %dma_start3A_25 = arith.constant 0 : i32
    %dma_start3A_26 = arith.constant 0 : i32
    %dma_start3A_27 = tpu.memref_slice %arg5[%dma_start3A_25, %dma_start3A_26] : memref<2048x256xf32, #tpu.memory_space<hbm>> -> memref<2048x256xf32, #tpu.memory_space<hbm>>
    tpu.enqueue_indirect_dma source(%dma_start3A_27 : memref<2048x256xf32, #tpu.memory_space<hbm>>) target(%arg12 : memref<128x256xf32, #tpu.memory_space<vmem>>) offsets(%arg9 : memref<128xi32, #tpu.memory_space<vmem>>) semaphore(%arg15 : memref<!tpu.dma_semaphore, #tpu.memory_space<semaphore_mem>>)
    %dma_start3A_28 = arith.constant 0 : i32
    %dma_start3A_29 = arith.constant 0 : i32
    %dma_start3A_30 = tpu.memref_slice %arg5[%dma_start3A_28, %dma_start3A_29] : memref<2048x256xf32, #tpu.memory_space<hbm>> -> memref<2048x256xf32, #tpu.memory_space<hbm>>
    tpu.enqueue_indirect_dma source(%dma_start3A_30 : memref<2048x256xf32, #tpu.memory_space<hbm>>) target(%arg13 : memref<128x256xf32, #tpu.memory_space<vmem>>) offsets(%arg10 : memref<128xi32, #tpu.memory_space<vmem>>) semaphore(%arg15 : memref<!tpu.dma_semaphore, #tpu.memory_space<semaphore_mem>>)
    %dma_start3A_31 = arith.constant 0 : i32
    %dma_start3A_32 = arith.constant 0 : i32
    %dma_start3A_33 = tpu.memref_slice %arg5[%dma_start3A_31, %dma_start3A_32] : memref<2048x256xf32, #tpu.memory_space<hbm>> -> memref<2048x256xf32, #tpu.memory_space<hbm>>
    tpu.enqueue_indirect_dma source(%dma_start3A_33 : memref<2048x256xf32, #tpu.memory_space<hbm>>) target(%arg14 : memref<128x256xf32, #tpu.memory_space<vmem>>) offsets(%arg11 : memref<128xi32, #tpu.memory_space<vmem>>) semaphore(%arg15 : memref<!tpu.dma_semaphore, #tpu.memory_space<semaphore_mem>>)
    %dma_wait3A_34 = arith.constant 0 : i32
    %dma_wait3A_35 = arith.constant 0 : i32
    %dma_wait3A_36 = tpu.memref_slice %arg5[%dma_wait3A_34, %dma_wait3A_35] : memref<2048x256xf32, #tpu.memory_space<hbm>> -> memref<2048x256xf32, #tpu.memory_space<hbm>>
    tpu.wait_indirect_dma semaphore(%arg15 : memref<!tpu.dma_semaphore, #tpu.memory_space<semaphore_mem>>) src(%dma_wait3A_36 : memref<2048x256xf32, #tpu.memory_space<hbm>>) dst(%arg12 : memref<128x256xf32, #tpu.memory_space<vmem>>)
    %dma_wait3A_37 = arith.constant 0 : i32
    %dma_wait3A_38 = arith.constant 0 : i32
    %dma_wait3A_39 = tpu.memref_slice %arg5[%dma_wait3A_37, %dma_wait3A_38] : memref<2048x256xf32, #tpu.memory_space<hbm>> -> memref<2048x256xf32, #tpu.memory_space<hbm>>
    tpu.wait_indirect_dma semaphore(%arg15 : memref<!tpu.dma_semaphore, #tpu.memory_space<semaphore_mem>>) src(%dma_wait3A_39 : memref<2048x256xf32, #tpu.memory_space<hbm>>) dst(%arg13 : memref<128x256xf32, #tpu.memory_space<vmem>>)
    %dma_wait3A_40 = arith.constant 0 : i32
    %dma_wait3A_41 = arith.constant 0 : i32
    %dma_wait3A_42 = tpu.memref_slice %arg5[%dma_wait3A_40, %dma_wait3A_41] : memref<2048x256xf32, #tpu.memory_space<hbm>> -> memref<2048x256xf32, #tpu.memory_space<hbm>>
    tpu.wait_indirect_dma semaphore(%arg15 : memref<!tpu.dma_semaphore, #tpu.memory_space<semaphore_mem>>) src(%dma_wait3A_42 : memref<2048x256xf32, #tpu.memory_space<hbm>>) dst(%arg14 : memref<128x256xf32, #tpu.memory_space<vmem>>)
    "tpu.region"() ({
      %run_scoped3A = tpu.sem_alloc : memref<!tpu.dma_semaphore, #tpu.memory_space<semaphore_mem>>
      %dma_start3A_43 = arith.constant 0 : i32
      %dma_start3A_44 = tpu.memref_slice %arg6[%add3A_24, %dma_start3A_43] : memref<8192x256xf32, #tpu.memory_space<hbm>> -> memref<128x256xf32, #tpu.memory_space<hbm>>
      %dma_start3A_45 = arith.constant 0 : i32
      %dma_start3A_46 = tpu.memref_slice %arg6[%add3A_24, %dma_start3A_45] : memref<8192x256xf32, #tpu.memory_space<hbm>> -> memref<128x256xf32, #tpu.memory_space<hbm>>
      tpu.enqueue_dma source(%arg12 : memref<128x256xf32, #tpu.memory_space<vmem>>) target(%dma_start3A_46 : memref<128x256xf32, #tpu.memory_space<hbm>>) target_semaphore(%run_scoped3A : memref<!tpu.dma_semaphore, #tpu.memory_space<semaphore_mem>>)
      %dma_wait3A_47 = arith.constant 0 : i32
      %dma_wait3A_48 = tpu.memref_slice %arg6[%add3A_24, %dma_wait3A_47] : memref<8192x256xf32, #tpu.memory_space<hbm>> -> memref<128x256xf32, #tpu.memory_space<hbm>>
      %dma_wait3A_49 = arith.constant 0 : i32
      %dma_wait3A_50 = tpu.memref_slice %arg6[%add3A_24, %dma_wait3A_49] : memref<8192x256xf32, #tpu.memory_space<hbm>> -> memref<128x256xf32, #tpu.memory_space<hbm>>
      tpu.wait_dma2 semaphore(%run_scoped3A : memref<!tpu.dma_semaphore, #tpu.memory_space<semaphore_mem>>) src(%arg12 : memref<128x256xf32, #tpu.memory_space<vmem>>) dst(%dma_wait3A_50 : memref<128x256xf32, #tpu.memory_space<hbm>>)
      tpu.yield
    }) : () -> ()
    "tpu.region"() ({
      %run_scoped3A = tpu.sem_alloc : memref<!tpu.dma_semaphore, #tpu.memory_space<semaphore_mem>>
      %dma_start3A_43 = arith.constant 0 : i32
      %dma_start3A_44 = tpu.memref_slice %arg7[%add3A_24, %dma_start3A_43] : memref<8192x256xf32, #tpu.memory_space<hbm>> -> memref<128x256xf32, #tpu.memory_space<hbm>>
      %dma_start3A_45 = arith.constant 0 : i32
      %dma_start3A_46 = tpu.memref_slice %arg7[%add3A_24, %dma_start3A_45] : memref<8192x256xf32, #tpu.memory_space<hbm>> -> memref<128x256xf32, #tpu.memory_space<hbm>>
      tpu.enqueue_dma source(%arg13 : memref<128x256xf32, #tpu.memory_space<vmem>>) target(%dma_start3A_46 : memref<128x256xf32, #tpu.memory_space<hbm>>) target_semaphore(%run_scoped3A : memref<!tpu.dma_semaphore, #tpu.memory_space<semaphore_mem>>)
      %dma_wait3A_47 = arith.constant 0 : i32
      %dma_wait3A_48 = tpu.memref_slice %arg7[%add3A_24, %dma_wait3A_47] : memref<8192x256xf32, #tpu.memory_space<hbm>> -> memref<128x256xf32, #tpu.memory_space<hbm>>
      %dma_wait3A_49 = arith.constant 0 : i32
      %dma_wait3A_50 = tpu.memref_slice %arg7[%add3A_24, %dma_wait3A_49] : memref<8192x256xf32, #tpu.memory_space<hbm>> -> memref<128x256xf32, #tpu.memory_space<hbm>>
      tpu.wait_dma2 semaphore(%run_scoped3A : memref<!tpu.dma_semaphore, #tpu.memory_space<semaphore_mem>>) src(%arg13 : memref<128x256xf32, #tpu.memory_space<vmem>>) dst(%dma_wait3A_50 : memref<128x256xf32, #tpu.memory_space<hbm>>)
      tpu.yield
    }) : () -> ()
    "tpu.region"() ({
      %run_scoped3A = tpu.sem_alloc : memref<!tpu.dma_semaphore, #tpu.memory_space<semaphore_mem>>
      %dma_start3A_43 = arith.constant 0 : i32
      %dma_start3A_44 = tpu.memref_slice %arg8[%add3A_24, %dma_start3A_43] : memref<8192x256xf32, #tpu.memory_space<hbm>> -> memref<128x256xf32, #tpu.memory_space<hbm>>
      %dma_start3A_45 = arith.constant 0 : i32
      %dma_start3A_46 = tpu.memref_slice %arg8[%add3A_24, %dma_start3A_45] : memref<8192x256xf32, #tpu.memory_space<hbm>> -> memref<128x256xf32, #tpu.memory_space<hbm>>
      tpu.enqueue_dma source(%arg14 : memref<128x256xf32, #tpu.memory_space<vmem>>) target(%dma_start3A_46 : memref<128x256xf32, #tpu.memory_space<hbm>>) target_semaphore(%run_scoped3A : memref<!tpu.dma_semaphore, #tpu.memory_space<semaphore_mem>>)
      %dma_wait3A_47 = arith.constant 0 : i32
      %dma_wait3A_48 = tpu.memref_slice %arg8[%add3A_24, %dma_wait3A_47] : memref<8192x256xf32, #tpu.memory_space<hbm>> -> memref<128x256xf32, #tpu.memory_space<hbm>>
      %dma_wait3A_49 = arith.constant 0 : i32
      %dma_wait3A_50 = tpu.memref_slice %arg8[%add3A_24, %dma_wait3A_49] : memref<8192x256xf32, #tpu.memory_space<hbm>> -> memref<128x256xf32, #tpu.memory_space<hbm>>
      tpu.wait_dma2 semaphore(%run_scoped3A : memref<!tpu.dma_semaphore, #tpu.memory_space<semaphore_mem>>) src(%arg14 : memref<128x256xf32, #tpu.memory_space<vmem>>) dst(%dma_wait3A_50 : memref<128x256xf32, #tpu.memory_space<hbm>>)
      tpu.yield
    }) : () -> ()
    return
  }
}

#map = affine_map<(d0, d1) -> (0)>
#map1 = affine_map<(d0, d1) -> (0, 0)>
module attributes {stable_mosaic.version = 14 : i64} {
  func.func @sc_gather(%arg0: i32, %arg1: i32, %arg2: memref<8192xi32, #tpu.memory_space<hbm>>, %arg3: memref<8192xi32, #tpu.memory_space<hbm>>, %arg4: memref<8192xi32, #tpu.memory_space<hbm>>, %arg5: memref<2048x256xf32, #tpu.memory_space<hbm>>, %arg6: memref<8192x256xf32, #tpu.memory_space<hbm>>, %arg7: memref<8192x256xf32, #tpu.memory_space<hbm>>, %arg8: memref<8192x256xf32, #tpu.memory_space<hbm>>, %arg9: memref<128xi32, #tpu.memory_space<vmem>>, %arg10: memref<128xi32, #tpu.memory_space<vmem>>, %arg11: memref<128xi32, #tpu.memory_space<vmem>>, %arg12: memref<128x256xf32, #tpu.memory_space<vmem>>, %arg13: memref<128x256xf32, #tpu.memory_space<vmem>>, %arg14: memref<128x256xf32, #tpu.memory_space<vmem>>, %arg15: memref<!tpu.dma_semaphore, #tpu.memory_space<semaphore_mem>>) attributes {dimension_semantics = [#tpu.dimension_semantics<core_parallel>, #tpu.dimension_semantics<subcore_parallel>], iteration_bounds = array<i64: 2, 16>, scalar_prefetch = 0 : i64, scratch_operands = 7 : i64, tpu.core_type = #tpu.core_type<sc_vector_subcore>, window_params = [{transform_indices = #map}, {transform_indices = #map}, {transform_indices = #map}, {transform_indices = #map1}, {transform_indices = #map1}, {transform_indices = #map1}, {transform_indices = #map1}]} {
    %mul3A = arith.constant 2 : i32
    %mul3A_0 = arith.muli %arg1, %mul3A : i32
    %add3A = arith.addi %mul3A_0, %arg0 : i32
    %mul3A_1 = arith.constant 256 : i32
    %mul3A_2 = arith.muli %add3A, %mul3A_1 : i32
    %add3A_3 = arith.constant 0 : i32
    %add3A_4 = arith.addi %mul3A_2, %add3A_3 : i32
    "tpu.region"() ({
      %run_scoped3A = tpu.sem_alloc : memref<!tpu.dma_semaphore, #tpu.memory_space<semaphore_mem>>
      %dma_start3A_43 = tpu.memref_slice %arg2[%add3A_4] : memref<8192xi32, #tpu.memory_space<hbm>> -> memref<128xi32, #tpu.memory_space<hbm>>
      %dma_start3A_44 = tpu.memref_slice %arg2[%add3A_4] : memref<8192xi32, #tpu.memory_space<hbm>> -> memref<128xi32, #tpu.memory_space<hbm>>
      tpu.enqueue_dma source(%dma_start3A_44 : memref<128xi32, #tpu.memory_space<hbm>>) target(%arg9 : memref<128xi32, #tpu.memory_space<vmem>>) target_semaphore(%run_scoped3A : memref<!tpu.dma_semaphore, #tpu.memory_space<semaphore_mem>>)
      %dma_wait3A_45 = tpu.memref_slice %arg2[%add3A_4] : memref<8192xi32, #tpu.memory_space<hbm>> -> memref<128xi32, #tpu.memory_space<hbm>>
      %dma_wait3A_46 = tpu.memref_slice %arg2[%add3A_4] : memref<8192xi32, #tpu.memory_space<hbm>> -> memref<128xi32, #tpu.memory_space<hbm>>
      tpu.wait_dma2 semaphore(%run_scoped3A : memref<!tpu.dma_semaphore, #tpu.memory_space<semaphore_mem>>) src(%dma_wait3A_46 : memref<128xi32, #tpu.memory_space<hbm>>) dst(%arg9 : memref<128xi32, #tpu.memory_space<vmem>>)
      tpu.yield
    }) : () -> ()
    "tpu.region"() ({
      %run_scoped3A = tpu.sem_alloc : memref<!tpu.dma_semaphore, #tpu.memory_space<semaphore_mem>>
      %dma_start3A_43 = tpu.memref_slice %arg3[%add3A_4] : memref<8192xi32, #tpu.memory_space<hbm>> -> memref<128xi32, #tpu.memory_space<hbm>>
      %dma_start3A_44 = tpu.memref_slice %arg3[%add3A_4] : memref<8192xi32, #tpu.memory_space<hbm>> -> memref<128xi32, #tpu.memory_space<hbm>>
      tpu.enqueue_dma source(%dma_start3A_44 : memref<128xi32, #tpu.memory_space<hbm>>) target(%arg10 : memref<128xi32, #tpu.memory_space<vmem>>) target_semaphore(%run_scoped3A : memref<!tpu.dma_semaphore, #tpu.memory_space<semaphore_mem>>)
      %dma_wait3A_45 = tpu.memref_slice %arg3[%add3A_4] : memref<8192xi32, #tpu.memory_space<hbm>> -> memref<128xi32, #tpu.memory_space<hbm>>
      %dma_wait3A_46 = tpu.memref_slice %arg3[%add3A_4] : memref<8192xi32, #tpu.memory_space<hbm>> -> memref<128xi32, #tpu.memory_space<hbm>>
      tpu.wait_dma2 semaphore(%run_scoped3A : memref<!tpu.dma_semaphore, #tpu.memory_space<semaphore_mem>>) src(%dma_wait3A_46 : memref<128xi32, #tpu.memory_space<hbm>>) dst(%arg10 : memref<128xi32, #tpu.memory_space<vmem>>)
      tpu.yield
    }) : () -> ()
    "tpu.region"() ({
      %run_scoped3A = tpu.sem_alloc : memref<!tpu.dma_semaphore, #tpu.memory_space<semaphore_mem>>
      %dma_start3A_43 = tpu.memref_slice %arg4[%add3A_4] : memref<8192xi32, #tpu.memory_space<hbm>> -> memref<128xi32, #tpu.memory_space<hbm>>
      %dma_start3A_44 = tpu.memref_slice %arg4[%add3A_4] : memref<8192xi32, #tpu.memory_space<hbm>> -> memref<128xi32, #tpu.memory_space<hbm>>
      tpu.enqueue_dma source(%dma_start3A_44 : memref<128xi32, #tpu.memory_space<hbm>>) target(%arg11 : memref<128xi32, #tpu.memory_space<vmem>>) target_semaphore(%run_scoped3A : memref<!tpu.dma_semaphore, #tpu.memory_space<semaphore_mem>>)
      %dma_wait3A_45 = tpu.memref_slice %arg4[%add3A_4] : memref<8192xi32, #tpu.memory_space<hbm>> -> memref<128xi32, #tpu.memory_space<hbm>>
      %dma_wait3A_46 = tpu.memref_slice %arg4[%add3A_4] : memref<8192xi32, #tpu.memory_space<hbm>> -> memref<128xi32, #tpu.memory_space<hbm>>
      tpu.wait_dma2 semaphore(%run_scoped3A : memref<!tpu.dma_semaphore, #tpu.memory_space<semaphore_mem>>) src(%dma_wait3A_46 : memref<128xi32, #tpu.memory_space<hbm>>) dst(%arg11 : memref<128xi32, #tpu.memory_space<vmem>>)
      tpu.yield
    }) : () -> ()
    %dma_start3A = arith.constant 0 : i32
    %dma_start3A_5 = arith.constant 0 : i32
    %dma_start3A_6 = tpu.memref_slice %arg5[%dma_start3A, %dma_start3A_5] : memref<2048x256xf32, #tpu.memory_space<hbm>> -> memref<2048x256xf32, #tpu.memory_space<hbm>>
    tpu.enqueue_indirect_dma source(%dma_start3A_6 : memref<2048x256xf32, #tpu.memory_space<hbm>>) target(%arg12 : memref<128x256xf32, #tpu.memory_space<vmem>>) offsets(%arg9 : memref<128xi32, #tpu.memory_space<vmem>>) semaphore(%arg15 : memref<!tpu.dma_semaphore, #tpu.memory_space<semaphore_mem>>)
    %dma_start3A_7 = arith.constant 0 : i32
    %dma_start3A_8 = arith.constant 0 : i32
    %dma_start3A_9 = tpu.memref_slice %arg5[%dma_start3A_7, %dma_start3A_8] : memref<2048x256xf32, #tpu.memory_space<hbm>> -> memref<2048x256xf32, #tpu.memory_space<hbm>>
    tpu.enqueue_indirect_dma source(%dma_start3A_9 : memref<2048x256xf32, #tpu.memory_space<hbm>>) target(%arg13 : memref<128x256xf32, #tpu.memory_space<vmem>>) offsets(%arg10 : memref<128xi32, #tpu.memory_space<vmem>>) semaphore(%arg15 : memref<!tpu.dma_semaphore, #tpu.memory_space<semaphore_mem>>)
    %dma_start3A_10 = arith.constant 0 : i32
    %dma_start3A_11 = arith.constant 0 : i32
    %dma_start3A_12 = tpu.memref_slice %arg5[%dma_start3A_10, %dma_start3A_11] : memref<2048x256xf32, #tpu.memory_space<hbm>> -> memref<2048x256xf32, #tpu.memory_space<hbm>>
    tpu.enqueue_indirect_dma source(%dma_start3A_12 : memref<2048x256xf32, #tpu.memory_space<hbm>>) target(%arg14 : memref<128x256xf32, #tpu.memory_space<vmem>>) offsets(%arg11 : memref<128xi32, #tpu.memory_space<vmem>>) semaphore(%arg15 : memref<!tpu.dma_semaphore, #tpu.memory_space<semaphore_mem>>)
    %dma_wait3A = arith.constant 0 : i32
    %dma_wait3A_13 = arith.constant 0 : i32
    %dma_wait3A_14 = tpu.memref_slice %arg5[%dma_wait3A, %dma_wait3A_13] : memref<2048x256xf32, #tpu.memory_space<hbm>> -> memref<2048x256xf32, #tpu.memory_space<hbm>>
    tpu.wait_indirect_dma semaphore(%arg15 : memref<!tpu.dma_semaphore, #tpu.memory_space<semaphore_mem>>) src(%dma_wait3A_14 : memref<2048x256xf32, #tpu.memory_space<hbm>>) dst(%arg12 : memref<128x256xf32, #tpu.memory_space<vmem>>)
    %dma_wait3A_15 = arith.constant 0 : i32
    %dma_wait3A_16 = arith.constant 0 : i32
    %dma_wait3A_17 = tpu.memref_slice %arg5[%dma_wait3A_15, %dma_wait3A_16] : memref<2048x256xf32, #tpu.memory_space<hbm>> -> memref<2048x256xf32, #tpu.memory_space<hbm>>
    tpu.wait_indirect_dma semaphore(%arg15 : memref<!tpu.dma_semaphore, #tpu.memory_space<semaphore_mem>>) src(%dma_wait3A_17 : memref<2048x256xf32, #tpu.memory_space<hbm>>) dst(%arg13 : memref<128x256xf32, #tpu.memory_space<vmem>>)
    %dma_wait3A_18 = arith.constant 0 : i32
    %dma_wait3A_19 = arith.constant 0 : i32
    %dma_wait3A_20 = tpu.memref_slice %arg5[%dma_wait3A_18, %dma_wait3A_19] : memref<2048x256xf32, #tpu.memory_space<hbm>> -> memref<2048x256xf32, #tpu.memory_space<hbm>>
    tpu.wait_indirect_dma semaphore(%arg15 : memref<!tpu.dma_semaphore, #tpu.memory_space<semaphore_mem>>) src(%dma_wait3A_20 : memref<2048x256xf32, #tpu.memory_space<hbm>>) dst(%arg14 : memref<128x256xf32, #tpu.memory_space<vmem>>)
    "tpu.region"() ({
      %run_scoped3A = tpu.sem_alloc : memref<!tpu.dma_semaphore, #tpu.memory_space<semaphore_mem>>
      %dma_start3A_43 = arith.constant 0 : i32
      %dma_start3A_44 = tpu.memref_slice %arg6[%add3A_4, %dma_start3A_43] : memref<8192x256xf32, #tpu.memory_space<hbm>> -> memref<128x256xf32, #tpu.memory_space<hbm>>
      %dma_start3A_45 = arith.constant 0 : i32
      %dma_start3A_46 = tpu.memref_slice %arg6[%add3A_4, %dma_start3A_45] : memref<8192x256xf32, #tpu.memory_space<hbm>> -> memref<128x256xf32, #tpu.memory_space<hbm>>
      tpu.enqueue_dma source(%arg12 : memref<128x256xf32, #tpu.memory_space<vmem>>) target(%dma_start3A_46 : memref<128x256xf32, #tpu.memory_space<hbm>>) target_semaphore(%run_scoped3A : memref<!tpu.dma_semaphore, #tpu.memory_space<semaphore_mem>>)
      %dma_wait3A_47 = arith.constant 0 : i32
      %dma_wait3A_48 = tpu.memref_slice %arg6[%add3A_4, %dma_wait3A_47] : memref<8192x256xf32, #tpu.memory_space<hbm>> -> memref<128x256xf32, #tpu.memory_space<hbm>>
      %dma_wait3A_49 = arith.constant 0 : i32
      %dma_wait3A_50 = tpu.memref_slice %arg6[%add3A_4, %dma_wait3A_49] : memref<8192x256xf32, #tpu.memory_space<hbm>> -> memref<128x256xf32, #tpu.memory_space<hbm>>
      tpu.wait_dma2 semaphore(%run_scoped3A : memref<!tpu.dma_semaphore, #tpu.memory_space<semaphore_mem>>) src(%arg12 : memref<128x256xf32, #tpu.memory_space<vmem>>) dst(%dma_wait3A_50 : memref<128x256xf32, #tpu.memory_space<hbm>>)
      tpu.yield
    }) : () -> ()
    "tpu.region"() ({
      %run_scoped3A = tpu.sem_alloc : memref<!tpu.dma_semaphore, #tpu.memory_space<semaphore_mem>>
      %dma_start3A_43 = arith.constant 0 : i32
      %dma_start3A_44 = tpu.memref_slice %arg7[%add3A_4, %dma_start3A_43] : memref<8192x256xf32, #tpu.memory_space<hbm>> -> memref<128x256xf32, #tpu.memory_space<hbm>>
      %dma_start3A_45 = arith.constant 0 : i32
      %dma_start3A_46 = tpu.memref_slice %arg7[%add3A_4, %dma_start3A_45] : memref<8192x256xf32, #tpu.memory_space<hbm>> -> memref<128x256xf32, #tpu.memory_space<hbm>>
      tpu.enqueue_dma source(%arg13 : memref<128x256xf32, #tpu.memory_space<vmem>>) target(%dma_start3A_46 : memref<128x256xf32, #tpu.memory_space<hbm>>) target_semaphore(%run_scoped3A : memref<!tpu.dma_semaphore, #tpu.memory_space<semaphore_mem>>)
      %dma_wait3A_47 = arith.constant 0 : i32
      %dma_wait3A_48 = tpu.memref_slice %arg7[%add3A_4, %dma_wait3A_47] : memref<8192x256xf32, #tpu.memory_space<hbm>> -> memref<128x256xf32, #tpu.memory_space<hbm>>
      %dma_wait3A_49 = arith.constant 0 : i32
      %dma_wait3A_50 = tpu.memref_slice %arg7[%add3A_4, %dma_wait3A_49] : memref<8192x256xf32, #tpu.memory_space<hbm>> -> memref<128x256xf32, #tpu.memory_space<hbm>>
      tpu.wait_dma2 semaphore(%run_scoped3A : memref<!tpu.dma_semaphore, #tpu.memory_space<semaphore_mem>>) src(%arg13 : memref<128x256xf32, #tpu.memory_space<vmem>>) dst(%dma_wait3A_50 : memref<128x256xf32, #tpu.memory_space<hbm>>)
      tpu.yield
    }) : () -> ()
    "tpu.region"() ({
      %run_scoped3A = tpu.sem_alloc : memref<!tpu.dma_semaphore, #tpu.memory_space<semaphore_mem>>
      %dma_start3A_43 = arith.constant 0 : i32
      %dma_start3A_44 = tpu.memref_slice %arg8[%add3A_4, %dma_start3A_43] : memref<8192x256xf32, #tpu.memory_space<hbm>> -> memref<128x256xf32, #tpu.memory_space<hbm>>
      %dma_start3A_45 = arith.constant 0 : i32
      %dma_start3A_46 = tpu.memref_slice %arg8[%add3A_4, %dma_start3A_45] : memref<8192x256xf32, #tpu.memory_space<hbm>> -> memref<128x256xf32, #tpu.memory_space<hbm>>
      tpu.enqueue_dma source(%arg14 : memref<128x256xf32, #tpu.memory_space<vmem>>) target(%dma_start3A_46 : memref<128x256xf32, #tpu.memory_space<hbm>>) target_semaphore(%run_scoped3A : memref<!tpu.dma_semaphore, #tpu.memory_space<semaphore_mem>>)
      %dma_wait3A_47 = arith.constant 0 : i32
      %dma_wait3A_48 = tpu.memref_slice %arg8[%add3A_4, %dma_wait3A_47] : memref<8192x256xf32, #tpu.memory_space<hbm>> -> memref<128x256xf32, #tpu.memory_space<hbm>>
      %dma_wait3A_49 = arith.constant 0 : i32
      %dma_wait3A_50 = tpu.memref_slice %arg8[%add3A_4, %dma_wait3A_49] : memref<8192x256xf32, #tpu.memory_space<hbm>> -> memref<128x256xf32, #tpu.memory_space<hbm>>
      tpu.wait_dma2 semaphore(%run_scoped3A : memref<!tpu.dma_semaphore, #tpu.memory_space<semaphore_mem>>) src(%arg14 : memref<128x256xf32, #tpu.memory_space<vmem>>) dst(%dma_wait3A_50 : memref<128x256xf32, #tpu.memory_space<hbm>>)
      tpu.yield
    }) : () -> ()
    %mul3A_21 = arith.constant 256 : i32
    %mul3A_22 = arith.muli %add3A, %mul3A_21 : i32
    %add3A_23 = arith.constant 128 : i32
    %add3A_24 = arith.addi %mul3A_22, %add3A_23 : i32
    "tpu.region"() ({
      %run_scoped3A = tpu.sem_alloc : memref<!tpu.dma_semaphore, #tpu.memory_space<semaphore_mem>>
      %dma_start3A_43 = tpu.memref_slice %arg2[%add3A_24] : memref<8192xi32, #tpu.memory_space<hbm>> -> memref<128xi32, #tpu.memory_space<hbm>>
      %dma_start3A_44 = tpu.memref_slice %arg2[%add3A_24] : memref<8192xi32, #tpu.memory_space<hbm>> -> memref<128xi32, #tpu.memory_space<hbm>>
      tpu.enqueue_dma source(%dma_start3A_44 : memref<128xi32, #tpu.memory_space<hbm>>) target(%arg9 : memref<128xi32, #tpu.memory_space<vmem>>) target_semaphore(%run_scoped3A : memref<!tpu.dma_semaphore, #tpu.memory_space<semaphore_mem>>)
      %dma_wait3A_45 = tpu.memref_slice %arg2[%add3A_24] : memref<8192xi32, #tpu.memory_space<hbm>> -> memref<128xi32, #tpu.memory_space<hbm>>
      %dma_wait3A_46 = tpu.memref_slice %arg2[%add3A_24] : memref<8192xi32, #tpu.memory_space<hbm>> -> memref<128xi32, #tpu.memory_space<hbm>>
      tpu.wait_dma2 semaphore(%run_scoped3A : memref<!tpu.dma_semaphore, #tpu.memory_space<semaphore_mem>>) src(%dma_wait3A_46 : memref<128xi32, #tpu.memory_space<hbm>>) dst(%arg9 : memref<128xi32, #tpu.memory_space<vmem>>)
      tpu.yield
    }) : () -> ()
    "tpu.region"() ({
      %run_scoped3A = tpu.sem_alloc : memref<!tpu.dma_semaphore, #tpu.memory_space<semaphore_mem>>
      %dma_start3A_43 = tpu.memref_slice %arg3[%add3A_24] : memref<8192xi32, #tpu.memory_space<hbm>> -> memref<128xi32, #tpu.memory_space<hbm>>
      %dma_start3A_44 = tpu.memref_slice %arg3[%add3A_24] : memref<8192xi32, #tpu.memory_space<hbm>> -> memref<128xi32, #tpu.memory_space<hbm>>
      tpu.enqueue_dma source(%dma_start3A_44 : memref<128xi32, #tpu.memory_space<hbm>>) target(%arg10 : memref<128xi32, #tpu.memory_space<vmem>>) target_semaphore(%run_scoped3A : memref<!tpu.dma_semaphore, #tpu.memory_space<semaphore_mem>>)
      %dma_wait3A_45 = tpu.memref_slice %arg3[%add3A_24] : memref<8192xi32, #tpu.memory_space<hbm>> -> memref<128xi32, #tpu.memory_space<hbm>>
      %dma_wait3A_46 = tpu.memref_slice %arg3[%add3A_24] : memref<8192xi32, #tpu.memory_space<hbm>> -> memref<128xi32, #tpu.memory_space<hbm>>
      tpu.wait_dma2 semaphore(%run_scoped3A : memref<!tpu.dma_semaphore, #tpu.memory_space<semaphore_mem>>) src(%dma_wait3A_46 : memref<128xi32, #tpu.memory_space<hbm>>) dst(%arg10 : memref<128xi32, #tpu.memory_space<vmem>>)
      tpu.yield
    }) : () -> ()
    "tpu.region"() ({
      %run_scoped3A = tpu.sem_alloc : memref<!tpu.dma_semaphore, #tpu.memory_space<semaphore_mem>>
      %dma_start3A_43 = tpu.memref_slice %arg4[%add3A_24] : memref<8192xi32, #tpu.memory_space<hbm>> -> memref<128xi32, #tpu.memory_space<hbm>>
      %dma_start3A_44 = tpu.memref_slice %arg4[%add3A_24] : memref<8192xi32, #tpu.memory_space<hbm>> -> memref<128xi32, #tpu.memory_space<hbm>>
      tpu.enqueue_dma source(%dma_start3A_44 : memref<128xi32, #tpu.memory_space<hbm>>) target(%arg11 : memref<128xi32, #tpu.memory_space<vmem>>) target_semaphore(%run_scoped3A : memref<!tpu.dma_semaphore, #tpu.memory_space<semaphore_mem>>)
      %dma_wait3A_45 = tpu.memref_slice %arg4[%add3A_24] : memref<8192xi32, #tpu.memory_space<hbm>> -> memref<128xi32, #tpu.memory_space<hbm>>
      %dma_wait3A_46 = tpu.memref_slice %arg4[%add3A_24] : memref<8192xi32, #tpu.memory_space<hbm>> -> memref<128xi32, #tpu.memory_space<hbm>>
      tpu.wait_dma2 semaphore(%run_scoped3A : memref<!tpu.dma_semaphore, #tpu.memory_space<semaphore_mem>>) src(%dma_wait3A_46 : memref<128xi32, #tpu.memory_space<hbm>>) dst(%arg11 : memref<128xi32, #tpu.memory_space<vmem>>)
      tpu.yield
    }) : () -> ()
    %dma_start3A_25 = arith.constant 0 : i32
    %dma_start3A_26 = arith.constant 0 : i32
    %dma_start3A_27 = tpu.memref_slice %arg5[%dma_start3A_25, %dma_start3A_26] : memref<2048x256xf32, #tpu.memory_space<hbm>> -> memref<2048x256xf32, #tpu.memory_space<hbm>>
    tpu.enqueue_indirect_dma source(%dma_start3A_27 : memref<2048x256xf32, #tpu.memory_space<hbm>>) target(%arg12 : memref<128x256xf32, #tpu.memory_space<vmem>>) offsets(%arg9 : memref<128xi32, #tpu.memory_space<vmem>>) semaphore(%arg15 : memref<!tpu.dma_semaphore, #tpu.memory_space<semaphore_mem>>)
    %dma_start3A_28 = arith.constant 0 : i32
    %dma_start3A_29 = arith.constant 0 : i32
    %dma_start3A_30 = tpu.memref_slice %arg5[%dma_start3A_28, %dma_start3A_29] : memref<2048x256xf32, #tpu.memory_space<hbm>> -> memref<2048x256xf32, #tpu.memory_space<hbm>>
    tpu.enqueue_indirect_dma source(%dma_start3A_30 : memref<2048x256xf32, #tpu.memory_space<hbm>>) target(%arg13 : memref<128x256xf32, #tpu.memory_space<vmem>>) offsets(%arg10 : memref<128xi32, #tpu.memory_space<vmem>>) semaphore(%arg15 : memref<!tpu.dma_semaphore, #tpu.memory_space<semaphore_mem>>)
    %dma_start3A_31 = arith.constant 0 : i32
    %dma_start3A_32 = arith.constant 0 : i32
    %dma_start3A_33 = tpu.memref_slice %arg5[%dma_start3A_31, %dma_start3A_32] : memref<2048x256xf32, #tpu.memory_space<hbm>> -> memref<2048x256xf32, #tpu.memory_space<hbm>>
    tpu.enqueue_indirect_dma source(%dma_start3A_33 : memref<2048x256xf32, #tpu.memory_space<hbm>>) target(%arg14 : memref<128x256xf32, #tpu.memory_space<vmem>>) offsets(%arg11 : memref<128xi32, #tpu.memory_space<vmem>>) semaphore(%arg15 : memref<!tpu.dma_semaphore, #tpu.memory_space<semaphore_mem>>)
    %dma_wait3A_34 = arith.constant 0 : i32
    %dma_wait3A_35 = arith.constant 0 : i32
    %dma_wait3A_36 = tpu.memref_slice %arg5[%dma_wait3A_34, %dma_wait3A_35] : memref<2048x256xf32, #tpu.memory_space<hbm>> -> memref<2048x256xf32, #tpu.memory_space<hbm>>
    tpu.wait_indirect_dma semaphore(%arg15 : memref<!tpu.dma_semaphore, #tpu.memory_space<semaphore_mem>>) src(%dma_wait3A_36 : memref<2048x256xf32, #tpu.memory_space<hbm>>) dst(%arg12 : memref<128x256xf32, #tpu.memory_space<vmem>>)
    %dma_wait3A_37 = arith.constant 0 : i32
    %dma_wait3A_38 = arith.constant 0 : i32
    %dma_wait3A_39 = tpu.memref_slice %arg5[%dma_wait3A_37, %dma_wait3A_38] : memref<2048x256xf32, #tpu.memory_space<hbm>> -> memref<2048x256xf32, #tpu.memory_space<hbm>>
    tpu.wait_indirect_dma semaphore(%arg15 : memref<!tpu.dma_semaphore, #tpu.memory_space<semaphore_mem>>) src(%dma_wait3A_39 : memref<2048x256xf32, #tpu.memory_space<hbm>>) dst(%arg13 : memref<128x256xf32, #tpu.memory_space<vmem>>)
    %dma_wait3A_40 = arith.constant 0 : i32
    %dma_wait3A_41 = arith.constant 0 : i32
    %dma_wait3A_42 = tpu.memref_slice %arg5[%dma_wait3A_40, %dma_wait3A_41] : memref<2048x256xf32, #tpu.memory_space<hbm>> -> memref<2048x256xf32, #tpu.memory_space<hbm>>
    tpu.wait_indirect_dma semaphore(%arg15 : memref<!tpu.dma_semaphore, #tpu.memory_space<semaphore_mem>>) src(%dma_wait3A_42 : memref<2048x256xf32, #tpu.memory_space<hbm>>) dst(%arg14 : memref<128x256xf32, #tpu.memory_space<vmem>>)
    "tpu.region"() ({
      %run_scoped3A = tpu.sem_alloc : memref<!tpu.dma_semaphore, #tpu.memory_space<semaphore_mem>>
      %dma_start3A_43 = arith.constant 0 : i32
      %dma_start3A_44 = tpu.memref_slice %arg6[%add3A_24, %dma_start3A_43] : memref<8192x256xf32, #tpu.memory_space<hbm>> -> memref<128x256xf32, #tpu.memory_space<hbm>>
      %dma_start3A_45 = arith.constant 0 : i32
      %dma_start3A_46 = tpu.memref_slice %arg6[%add3A_24, %dma_start3A_45] : memref<8192x256xf32, #tpu.memory_space<hbm>> -> memref<128x256xf32, #tpu.memory_space<hbm>>
      tpu.enqueue_dma source(%arg12 : memref<128x256xf32, #tpu.memory_space<vmem>>) target(%dma_start3A_46 : memref<128x256xf32, #tpu.memory_space<hbm>>) target_semaphore(%run_scoped3A : memref<!tpu.dma_semaphore, #tpu.memory_space<semaphore_mem>>)
      %dma_wait3A_47 = arith.constant 0 : i32
      %dma_wait3A_48 = tpu.memref_slice %arg6[%add3A_24, %dma_wait3A_47] : memref<8192x256xf32, #tpu.memory_space<hbm>> -> memref<128x256xf32, #tpu.memory_space<hbm>>
      %dma_wait3A_49 = arith.constant 0 : i32
      %dma_wait3A_50 = tpu.memref_slice %arg6[%add3A_24, %dma_wait3A_49] : memref<8192x256xf32, #tpu.memory_space<hbm>> -> memref<128x256xf32, #tpu.memory_space<hbm>>
      tpu.wait_dma2 semaphore(%run_scoped3A : memref<!tpu.dma_semaphore, #tpu.memory_space<semaphore_mem>>) src(%arg12 : memref<128x256xf32, #tpu.memory_space<vmem>>) dst(%dma_wait3A_50 : memref<128x256xf32, #tpu.memory_space<hbm>>)
      tpu.yield
    }) : () -> ()
    "tpu.region"() ({
      %run_scoped3A = tpu.sem_alloc : memref<!tpu.dma_semaphore, #tpu.memory_space<semaphore_mem>>
      %dma_start3A_43 = arith.constant 0 : i32
      %dma_start3A_44 = tpu.memref_slice %arg7[%add3A_24, %dma_start3A_43] : memref<8192x256xf32, #tpu.memory_space<hbm>> -> memref<128x256xf32, #tpu.memory_space<hbm>>
      %dma_start3A_45 = arith.constant 0 : i32
      %dma_start3A_46 = tpu.memref_slice %arg7[%add3A_24, %dma_start3A_45] : memref<8192x256xf32, #tpu.memory_space<hbm>> -> memref<128x256xf32, #tpu.memory_space<hbm>>
      tpu.enqueue_dma source(%arg13 : memref<128x256xf32, #tpu.memory_space<vmem>>) target(%dma_start3A_46 : memref<128x256xf32, #tpu.memory_space<hbm>>) target_semaphore(%run_scoped3A : memref<!tpu.dma_semaphore, #tpu.memory_space<semaphore_mem>>)
      %dma_wait3A_47 = arith.constant 0 : i32
      %dma_wait3A_48 = tpu.memref_slice %arg7[%add3A_24, %dma_wait3A_47] : memref<8192x256xf32, #tpu.memory_space<hbm>> -> memref<128x256xf32, #tpu.memory_space<hbm>>
      %dma_wait3A_49 = arith.constant 0 : i32
      %dma_wait3A_50 = tpu.memref_slice %arg7[%add3A_24, %dma_wait3A_49] : memref<8192x256xf32, #tpu.memory_space<hbm>> -> memref<128x256xf32, #tpu.memory_space<hbm>>
      tpu.wait_dma2 semaphore(%run_scoped3A : memref<!tpu.dma_semaphore, #tpu.memory_space<semaphore_mem>>) src(%arg13 : memref<128x256xf32, #tpu.memory_space<vmem>>) dst(%dma_wait3A_50 : memref<128x256xf32, #tpu.memory_space<hbm>>)
      tpu.yield
    }) : () -> ()
    "tpu.region"() ({
      %run_scoped3A = tpu.sem_alloc : memref<!tpu.dma_semaphore, #tpu.memory_space<semaphore_mem>>
      %dma_start3A_43 = arith.constant 0 : i32
      %dma_start3A_44 = tpu.memref_slice %arg8[%add3A_24, %dma_start3A_43] : memref<8192x256xf32, #tpu.memory_space<hbm>> -> memref<128x256xf32, #tpu.memory_space<hbm>>
      %dma_start3A_45 = arith.constant 0 : i32
      %dma_start3A_46 = tpu.memref_slice %arg8[%add3A_24, %dma_start3A_45] : memref<8192x256xf32, #tpu.memory_space<hbm>> -> memref<128x256xf32, #tpu.memory_space<hbm>>
      tpu.enqueue_dma source(%arg14 : memref<128x256xf32, #tpu.memory_space<vmem>>) target(%dma_start3A_46 : memref<128x256xf32, #tpu.memory_space<hbm>>) target_semaphore(%run_scoped3A : memref<!tpu.dma_semaphore, #tpu.memory_space<semaphore_mem>>)
      %dma_wait3A_47 = arith.constant 0 : i32
      %dma_wait3A_48 = tpu.memref_slice %arg8[%add3A_24, %dma_wait3A_47] : memref<8192x256xf32, #tpu.memory_space<hbm>> -> memref<128x256xf32, #tpu.memory_space<hbm>>
      %dma_wait3A_49 = arith.constant 0 : i32
      %dma_wait3A_50 = tpu.memref_slice %arg8[%add3A_24, %dma_wait3A_49] : memref<8192x256xf32, #tpu.memory_space<hbm>> -> memref<128x256xf32, #tpu.memory_space<hbm>>
      tpu.wait_dma2 semaphore(%run_scoped3A : memref<!tpu.dma_semaphore, #tpu.memory_space<semaphore_mem>>) src(%arg14 : memref<128x256xf32, #tpu.memory_space<vmem>>) dst(%dma_wait3A_50 : memref<128x256xf32, #tpu.memory_space<hbm>>)
      tpu.yield
    }) : () -> ()
    return
  }
}

#map = affine_map<(d0, d1) -> (0)>
#map1 = affine_map<(d0, d1) -> (0, 0)>
module attributes {stable_mosaic.version = 14 : i64} {
  func.func @sc_gather(%arg0: i32, %arg1: i32, %arg2: memref<8192xi32, #tpu.memory_space<hbm>>, %arg3: memref<8192xi32, #tpu.memory_space<hbm>>, %arg4: memref<8192xi32, #tpu.memory_space<hbm>>, %arg5: memref<2048x256xf32, #tpu.memory_space<hbm>>, %arg6: memref<8192x256xf32, #tpu.memory_space<hbm>>, %arg7: memref<8192x256xf32, #tpu.memory_space<hbm>>, %arg8: memref<8192x256xf32, #tpu.memory_space<hbm>>, %arg9: memref<128xi32, #tpu.memory_space<vmem>>, %arg10: memref<128xi32, #tpu.memory_space<vmem>>, %arg11: memref<128xi32, #tpu.memory_space<vmem>>, %arg12: memref<128x256xf32, #tpu.memory_space<vmem>>, %arg13: memref<128x256xf32, #tpu.memory_space<vmem>>, %arg14: memref<128x256xf32, #tpu.memory_space<vmem>>, %arg15: memref<!tpu.dma_semaphore, #tpu.memory_space<semaphore_mem>>) attributes {dimension_semantics = [#tpu.dimension_semantics<core_parallel>, #tpu.dimension_semantics<subcore_parallel>], iteration_bounds = array<i64: 2, 16>, scalar_prefetch = 0 : i64, scratch_operands = 7 : i64, tpu.core_type = #tpu.core_type<sc_vector_subcore>, window_params = [{transform_indices = #map}, {transform_indices = #map}, {transform_indices = #map}, {transform_indices = #map1}, {transform_indices = #map1}, {transform_indices = #map1}, {transform_indices = #map1}]} {
    %mul3A = arith.constant 2 : i32
    %mul3A_0 = arith.muli %arg1, %mul3A : i32
    %add3A = arith.addi %mul3A_0, %arg0 : i32
    %mul3A_1 = arith.constant 256 : i32
    %mul3A_2 = arith.muli %add3A, %mul3A_1 : i32
    %add3A_3 = arith.constant 0 : i32
    %add3A_4 = arith.addi %mul3A_2, %add3A_3 : i32
    "tpu.region"() ({
      %run_scoped3A = tpu.sem_alloc : memref<!tpu.dma_semaphore, #tpu.memory_space<semaphore_mem>>
      %dma_start3A_43 = tpu.memref_slice %arg2[%add3A_4] : memref<8192xi32, #tpu.memory_space<hbm>> -> memref<128xi32, #tpu.memory_space<hbm>>
      %dma_start3A_44 = tpu.memref_slice %arg2[%add3A_4] : memref<8192xi32, #tpu.memory_space<hbm>> -> memref<128xi32, #tpu.memory_space<hbm>>
      tpu.enqueue_dma source(%dma_start3A_44 : memref<128xi32, #tpu.memory_space<hbm>>) target(%arg9 : memref<128xi32, #tpu.memory_space<vmem>>) target_semaphore(%run_scoped3A : memref<!tpu.dma_semaphore, #tpu.memory_space<semaphore_mem>>)
      %dma_wait3A_45 = tpu.memref_slice %arg2[%add3A_4] : memref<8192xi32, #tpu.memory_space<hbm>> -> memref<128xi32, #tpu.memory_space<hbm>>
      %dma_wait3A_46 = tpu.memref_slice %arg2[%add3A_4] : memref<8192xi32, #tpu.memory_space<hbm>> -> memref<128xi32, #tpu.memory_space<hbm>>
      tpu.wait_dma2 semaphore(%run_scoped3A : memref<!tpu.dma_semaphore, #tpu.memory_space<semaphore_mem>>) src(%dma_wait3A_46 : memref<128xi32, #tpu.memory_space<hbm>>) dst(%arg9 : memref<128xi32, #tpu.memory_space<vmem>>)
      tpu.yield
    }) : () -> ()
    "tpu.region"() ({
      %run_scoped3A = tpu.sem_alloc : memref<!tpu.dma_semaphore, #tpu.memory_space<semaphore_mem>>
      %dma_start3A_43 = tpu.memref_slice %arg3[%add3A_4] : memref<8192xi32, #tpu.memory_space<hbm>> -> memref<128xi32, #tpu.memory_space<hbm>>
      %dma_start3A_44 = tpu.memref_slice %arg3[%add3A_4] : memref<8192xi32, #tpu.memory_space<hbm>> -> memref<128xi32, #tpu.memory_space<hbm>>
      tpu.enqueue_dma source(%dma_start3A_44 : memref<128xi32, #tpu.memory_space<hbm>>) target(%arg10 : memref<128xi32, #tpu.memory_space<vmem>>) target_semaphore(%run_scoped3A : memref<!tpu.dma_semaphore, #tpu.memory_space<semaphore_mem>>)
      %dma_wait3A_45 = tpu.memref_slice %arg3[%add3A_4] : memref<8192xi32, #tpu.memory_space<hbm>> -> memref<128xi32, #tpu.memory_space<hbm>>
      %dma_wait3A_46 = tpu.memref_slice %arg3[%add3A_4] : memref<8192xi32, #tpu.memory_space<hbm>> -> memref<128xi32, #tpu.memory_space<hbm>>
      tpu.wait_dma2 semaphore(%run_scoped3A : memref<!tpu.dma_semaphore, #tpu.memory_space<semaphore_mem>>) src(%dma_wait3A_46 : memref<128xi32, #tpu.memory_space<hbm>>) dst(%arg10 : memref<128xi32, #tpu.memory_space<vmem>>)
      tpu.yield
    }) : () -> ()
    "tpu.region"() ({
      %run_scoped3A = tpu.sem_alloc : memref<!tpu.dma_semaphore, #tpu.memory_space<semaphore_mem>>
      %dma_start3A_43 = tpu.memref_slice %arg4[%add3A_4] : memref<8192xi32, #tpu.memory_space<hbm>> -> memref<128xi32, #tpu.memory_space<hbm>>
      %dma_start3A_44 = tpu.memref_slice %arg4[%add3A_4] : memref<8192xi32, #tpu.memory_space<hbm>> -> memref<128xi32, #tpu.memory_space<hbm>>
      tpu.enqueue_dma source(%dma_start3A_44 : memref<128xi32, #tpu.memory_space<hbm>>) target(%arg11 : memref<128xi32, #tpu.memory_space<vmem>>) target_semaphore(%run_scoped3A : memref<!tpu.dma_semaphore, #tpu.memory_space<semaphore_mem>>)
      %dma_wait3A_45 = tpu.memref_slice %arg4[%add3A_4] : memref<8192xi32, #tpu.memory_space<hbm>> -> memref<128xi32, #tpu.memory_space<hbm>>
      %dma_wait3A_46 = tpu.memref_slice %arg4[%add3A_4] : memref<8192xi32, #tpu.memory_space<hbm>> -> memref<128xi32, #tpu.memory_space<hbm>>
      tpu.wait_dma2 semaphore(%run_scoped3A : memref<!tpu.dma_semaphore, #tpu.memory_space<semaphore_mem>>) src(%dma_wait3A_46 : memref<128xi32, #tpu.memory_space<hbm>>) dst(%arg11 : memref<128xi32, #tpu.memory_space<vmem>>)
      tpu.yield
    }) : () -> ()
    %dma_start3A = arith.constant 0 : i32
    %dma_start3A_5 = arith.constant 0 : i32
    %dma_start3A_6 = tpu.memref_slice %arg5[%dma_start3A, %dma_start3A_5] : memref<2048x256xf32, #tpu.memory_space<hbm>> -> memref<2048x256xf32, #tpu.memory_space<hbm>>
    tpu.enqueue_indirect_dma source(%dma_start3A_6 : memref<2048x256xf32, #tpu.memory_space<hbm>>) target(%arg12 : memref<128x256xf32, #tpu.memory_space<vmem>>) offsets(%arg9 : memref<128xi32, #tpu.memory_space<vmem>>) semaphore(%arg15 : memref<!tpu.dma_semaphore, #tpu.memory_space<semaphore_mem>>)
    %dma_start3A_7 = arith.constant 0 : i32
    %dma_start3A_8 = arith.constant 0 : i32
    %dma_start3A_9 = tpu.memref_slice %arg5[%dma_start3A_7, %dma_start3A_8] : memref<2048x256xf32, #tpu.memory_space<hbm>> -> memref<2048x256xf32, #tpu.memory_space<hbm>>
    tpu.enqueue_indirect_dma source(%dma_start3A_9 : memref<2048x256xf32, #tpu.memory_space<hbm>>) target(%arg13 : memref<128x256xf32, #tpu.memory_space<vmem>>) offsets(%arg10 : memref<128xi32, #tpu.memory_space<vmem>>) semaphore(%arg15 : memref<!tpu.dma_semaphore, #tpu.memory_space<semaphore_mem>>)
    %dma_start3A_10 = arith.constant 0 : i32
    %dma_start3A_11 = arith.constant 0 : i32
    %dma_start3A_12 = tpu.memref_slice %arg5[%dma_start3A_10, %dma_start3A_11] : memref<2048x256xf32, #tpu.memory_space<hbm>> -> memref<2048x256xf32, #tpu.memory_space<hbm>>
    tpu.enqueue_indirect_dma source(%dma_start3A_12 : memref<2048x256xf32, #tpu.memory_space<hbm>>) target(%arg14 : memref<128x256xf32, #tpu.memory_space<vmem>>) offsets(%arg11 : memref<128xi32, #tpu.memory_space<vmem>>) semaphore(%arg15 : memref<!tpu.dma_semaphore, #tpu.memory_space<semaphore_mem>>)
    %dma_wait3A = arith.constant 0 : i32
    %dma_wait3A_13 = arith.constant 0 : i32
    %dma_wait3A_14 = tpu.memref_slice %arg5[%dma_wait3A, %dma_wait3A_13] : memref<2048x256xf32, #tpu.memory_space<hbm>> -> memref<2048x256xf32, #tpu.memory_space<hbm>>
    tpu.wait_indirect_dma semaphore(%arg15 : memref<!tpu.dma_semaphore, #tpu.memory_space<semaphore_mem>>) src(%dma_wait3A_14 : memref<2048x256xf32, #tpu.memory_space<hbm>>) dst(%arg12 : memref<128x256xf32, #tpu.memory_space<vmem>>)
    %dma_wait3A_15 = arith.constant 0 : i32
    %dma_wait3A_16 = arith.constant 0 : i32
    %dma_wait3A_17 = tpu.memref_slice %arg5[%dma_wait3A_15, %dma_wait3A_16] : memref<2048x256xf32, #tpu.memory_space<hbm>> -> memref<2048x256xf32, #tpu.memory_space<hbm>>
    tpu.wait_indirect_dma semaphore(%arg15 : memref<!tpu.dma_semaphore, #tpu.memory_space<semaphore_mem>>) src(%dma_wait3A_17 : memref<2048x256xf32, #tpu.memory_space<hbm>>) dst(%arg13 : memref<128x256xf32, #tpu.memory_space<vmem>>)
    %dma_wait3A_18 = arith.constant 0 : i32
    %dma_wait3A_19 = arith.constant 0 : i32
    %dma_wait3A_20 = tpu.memref_slice %arg5[%dma_wait3A_18, %dma_wait3A_19] : memref<2048x256xf32, #tpu.memory_space<hbm>> -> memref<2048x256xf32, #tpu.memory_space<hbm>>
    tpu.wait_indirect_dma semaphore(%arg15 : memref<!tpu.dma_semaphore, #tpu.memory_space<semaphore_mem>>) src(%dma_wait3A_20 : memref<2048x256xf32, #tpu.memory_space<hbm>>) dst(%arg14 : memref<128x256xf32, #tpu.memory_space<vmem>>)
    "tpu.region"() ({
      %run_scoped3A = tpu.sem_alloc : memref<!tpu.dma_semaphore, #tpu.memory_space<semaphore_mem>>
      %dma_start3A_43 = arith.constant 0 : i32
      %dma_start3A_44 = tpu.memref_slice %arg6[%add3A_4, %dma_start3A_43] : memref<8192x256xf32, #tpu.memory_space<hbm>> -> memref<128x256xf32, #tpu.memory_space<hbm>>
      %dma_start3A_45 = arith.constant 0 : i32
      %dma_start3A_46 = tpu.memref_slice %arg6[%add3A_4, %dma_start3A_45] : memref<8192x256xf32, #tpu.memory_space<hbm>> -> memref<128x256xf32, #tpu.memory_space<hbm>>
      tpu.enqueue_dma source(%arg12 : memref<128x256xf32, #tpu.memory_space<vmem>>) target(%dma_start3A_46 : memref<128x256xf32, #tpu.memory_space<hbm>>) target_semaphore(%run_scoped3A : memref<!tpu.dma_semaphore, #tpu.memory_space<semaphore_mem>>)
      %dma_wait3A_47 = arith.constant 0 : i32
      %dma_wait3A_48 = tpu.memref_slice %arg6[%add3A_4, %dma_wait3A_47] : memref<8192x256xf32, #tpu.memory_space<hbm>> -> memref<128x256xf32, #tpu.memory_space<hbm>>
      %dma_wait3A_49 = arith.constant 0 : i32
      %dma_wait3A_50 = tpu.memref_slice %arg6[%add3A_4, %dma_wait3A_49] : memref<8192x256xf32, #tpu.memory_space<hbm>> -> memref<128x256xf32, #tpu.memory_space<hbm>>
      tpu.wait_dma2 semaphore(%run_scoped3A : memref<!tpu.dma_semaphore, #tpu.memory_space<semaphore_mem>>) src(%arg12 : memref<128x256xf32, #tpu.memory_space<vmem>>) dst(%dma_wait3A_50 : memref<128x256xf32, #tpu.memory_space<hbm>>)
      tpu.yield
    }) : () -> ()
    "tpu.region"() ({
      %run_scoped3A = tpu.sem_alloc : memref<!tpu.dma_semaphore, #tpu.memory_space<semaphore_mem>>
      %dma_start3A_43 = arith.constant 0 : i32
      %dma_start3A_44 = tpu.memref_slice %arg7[%add3A_4, %dma_start3A_43] : memref<8192x256xf32, #tpu.memory_space<hbm>> -> memref<128x256xf32, #tpu.memory_space<hbm>>
      %dma_start3A_45 = arith.constant 0 : i32
      %dma_start3A_46 = tpu.memref_slice %arg7[%add3A_4, %dma_start3A_45] : memref<8192x256xf32, #tpu.memory_space<hbm>> -> memref<128x256xf32, #tpu.memory_space<hbm>>
      tpu.enqueue_dma source(%arg13 : memref<128x256xf32, #tpu.memory_space<vmem>>) target(%dma_start3A_46 : memref<128x256xf32, #tpu.memory_space<hbm>>) target_semaphore(%run_scoped3A : memref<!tpu.dma_semaphore, #tpu.memory_space<semaphore_mem>>)
      %dma_wait3A_47 = arith.constant 0 : i32
      %dma_wait3A_48 = tpu.memref_slice %arg7[%add3A_4, %dma_wait3A_47] : memref<8192x256xf32, #tpu.memory_space<hbm>> -> memref<128x256xf32, #tpu.memory_space<hbm>>
      %dma_wait3A_49 = arith.constant 0 : i32
      %dma_wait3A_50 = tpu.memref_slice %arg7[%add3A_4, %dma_wait3A_49] : memref<8192x256xf32, #tpu.memory_space<hbm>> -> memref<128x256xf32, #tpu.memory_space<hbm>>
      tpu.wait_dma2 semaphore(%run_scoped3A : memref<!tpu.dma_semaphore, #tpu.memory_space<semaphore_mem>>) src(%arg13 : memref<128x256xf32, #tpu.memory_space<vmem>>) dst(%dma_wait3A_50 : memref<128x256xf32, #tpu.memory_space<hbm>>)
      tpu.yield
    }) : () -> ()
    "tpu.region"() ({
      %run_scoped3A = tpu.sem_alloc : memref<!tpu.dma_semaphore, #tpu.memory_space<semaphore_mem>>
      %dma_start3A_43 = arith.constant 0 : i32
      %dma_start3A_44 = tpu.memref_slice %arg8[%add3A_4, %dma_start3A_43] : memref<8192x256xf32, #tpu.memory_space<hbm>> -> memref<128x256xf32, #tpu.memory_space<hbm>>
      %dma_start3A_45 = arith.constant 0 : i32
      %dma_start3A_46 = tpu.memref_slice %arg8[%add3A_4, %dma_start3A_45] : memref<8192x256xf32, #tpu.memory_space<hbm>> -> memref<128x256xf32, #tpu.memory_space<hbm>>
      tpu.enqueue_dma source(%arg14 : memref<128x256xf32, #tpu.memory_space<vmem>>) target(%dma_start3A_46 : memref<128x256xf32, #tpu.memory_space<hbm>>) target_semaphore(%run_scoped3A : memref<!tpu.dma_semaphore, #tpu.memory_space<semaphore_mem>>)
      %dma_wait3A_47 = arith.constant 0 : i32
      %dma_wait3A_48 = tpu.memref_slice %arg8[%add3A_4, %dma_wait3A_47] : memref<8192x256xf32, #tpu.memory_space<hbm>> -> memref<128x256xf32, #tpu.memory_space<hbm>>
      %dma_wait3A_49 = arith.constant 0 : i32
      %dma_wait3A_50 = tpu.memref_slice %arg8[%add3A_4, %dma_wait3A_49] : memref<8192x256xf32, #tpu.memory_space<hbm>> -> memref<128x256xf32, #tpu.memory_space<hbm>>
      tpu.wait_dma2 semaphore(%run_scoped3A : memref<!tpu.dma_semaphore, #tpu.memory_space<semaphore_mem>>) src(%arg14 : memref<128x256xf32, #tpu.memory_space<vmem>>) dst(%dma_wait3A_50 : memref<128x256xf32, #tpu.memory_space<hbm>>)
      tpu.yield
    }) : () -> ()
    %mul3A_21 = arith.constant 256 : i32
    %mul3A_22 = arith.muli %add3A, %mul3A_21 : i32
    %add3A_23 = arith.constant 128 : i32
    %add3A_24 = arith.addi %mul3A_22, %add3A_23 : i32
    "tpu.region"() ({
      %run_scoped3A = tpu.sem_alloc : memref<!tpu.dma_semaphore, #tpu.memory_space<semaphore_mem>>
      %dma_start3A_43 = tpu.memref_slice %arg2[%add3A_24] : memref<8192xi32, #tpu.memory_space<hbm>> -> memref<128xi32, #tpu.memory_space<hbm>>
      %dma_start3A_44 = tpu.memref_slice %arg2[%add3A_24] : memref<8192xi32, #tpu.memory_space<hbm>> -> memref<128xi32, #tpu.memory_space<hbm>>
      tpu.enqueue_dma source(%dma_start3A_44 : memref<128xi32, #tpu.memory_space<hbm>>) target(%arg9 : memref<128xi32, #tpu.memory_space<vmem>>) target_semaphore(%run_scoped3A : memref<!tpu.dma_semaphore, #tpu.memory_space<semaphore_mem>>)
      %dma_wait3A_45 = tpu.memref_slice %arg2[%add3A_24] : memref<8192xi32, #tpu.memory_space<hbm>> -> memref<128xi32, #tpu.memory_space<hbm>>
      %dma_wait3A_46 = tpu.memref_slice %arg2[%add3A_24] : memref<8192xi32, #tpu.memory_space<hbm>> -> memref<128xi32, #tpu.memory_space<hbm>>
      tpu.wait_dma2 semaphore(%run_scoped3A : memref<!tpu.dma_semaphore, #tpu.memory_space<semaphore_mem>>) src(%dma_wait3A_46 : memref<128xi32, #tpu.memory_space<hbm>>) dst(%arg9 : memref<128xi32, #tpu.memory_space<vmem>>)
      tpu.yield
    }) : () -> ()
    "tpu.region"() ({
      %run_scoped3A = tpu.sem_alloc : memref<!tpu.dma_semaphore, #tpu.memory_space<semaphore_mem>>
      %dma_start3A_43 = tpu.memref_slice %arg3[%add3A_24] : memref<8192xi32, #tpu.memory_space<hbm>> -> memref<128xi32, #tpu.memory_space<hbm>>
      %dma_start3A_44 = tpu.memref_slice %arg3[%add3A_24] : memref<8192xi32, #tpu.memory_space<hbm>> -> memref<128xi32, #tpu.memory_space<hbm>>
      tpu.enqueue_dma source(%dma_start3A_44 : memref<128xi32, #tpu.memory_space<hbm>>) target(%arg10 : memref<128xi32, #tpu.memory_space<vmem>>) target_semaphore(%run_scoped3A : memref<!tpu.dma_semaphore, #tpu.memory_space<semaphore_mem>>)
      %dma_wait3A_45 = tpu.memref_slice %arg3[%add3A_24] : memref<8192xi32, #tpu.memory_space<hbm>> -> memref<128xi32, #tpu.memory_space<hbm>>
      %dma_wait3A_46 = tpu.memref_slice %arg3[%add3A_24] : memref<8192xi32, #tpu.memory_space<hbm>> -> memref<128xi32, #tpu.memory_space<hbm>>
      tpu.wait_dma2 semaphore(%run_scoped3A : memref<!tpu.dma_semaphore, #tpu.memory_space<semaphore_mem>>) src(%dma_wait3A_46 : memref<128xi32, #tpu.memory_space<hbm>>) dst(%arg10 : memref<128xi32, #tpu.memory_space<vmem>>)
      tpu.yield
    }) : () -> ()
    "tpu.region"() ({
      %run_scoped3A = tpu.sem_alloc : memref<!tpu.dma_semaphore, #tpu.memory_space<semaphore_mem>>
      %dma_start3A_43 = tpu.memref_slice %arg4[%add3A_24] : memref<8192xi32, #tpu.memory_space<hbm>> -> memref<128xi32, #tpu.memory_space<hbm>>
      %dma_start3A_44 = tpu.memref_slice %arg4[%add3A_24] : memref<8192xi32, #tpu.memory_space<hbm>> -> memref<128xi32, #tpu.memory_space<hbm>>
      tpu.enqueue_dma source(%dma_start3A_44 : memref<128xi32, #tpu.memory_space<hbm>>) target(%arg11 : memref<128xi32, #tpu.memory_space<vmem>>) target_semaphore(%run_scoped3A : memref<!tpu.dma_semaphore, #tpu.memory_space<semaphore_mem>>)
      %dma_wait3A_45 = tpu.memref_slice %arg4[%add3A_24] : memref<8192xi32, #tpu.memory_space<hbm>> -> memref<128xi32, #tpu.memory_space<hbm>>
      %dma_wait3A_46 = tpu.memref_slice %arg4[%add3A_24] : memref<8192xi32, #tpu.memory_space<hbm>> -> memref<128xi32, #tpu.memory_space<hbm>>
      tpu.wait_dma2 semaphore(%run_scoped3A : memref<!tpu.dma_semaphore, #tpu.memory_space<semaphore_mem>>) src(%dma_wait3A_46 : memref<128xi32, #tpu.memory_space<hbm>>) dst(%arg11 : memref<128xi32, #tpu.memory_space<vmem>>)
      tpu.yield
    }) : () -> ()
    %dma_start3A_25 = arith.constant 0 : i32
    %dma_start3A_26 = arith.constant 0 : i32
    %dma_start3A_27 = tpu.memref_slice %arg5[%dma_start3A_25, %dma_start3A_26] : memref<2048x256xf32, #tpu.memory_space<hbm>> -> memref<2048x256xf32, #tpu.memory_space<hbm>>
    tpu.enqueue_indirect_dma source(%dma_start3A_27 : memref<2048x256xf32, #tpu.memory_space<hbm>>) target(%arg12 : memref<128x256xf32, #tpu.memory_space<vmem>>) offsets(%arg9 : memref<128xi32, #tpu.memory_space<vmem>>) semaphore(%arg15 : memref<!tpu.dma_semaphore, #tpu.memory_space<semaphore_mem>>)
    %dma_start3A_28 = arith.constant 0 : i32
    %dma_start3A_29 = arith.constant 0 : i32
    %dma_start3A_30 = tpu.memref_slice %arg5[%dma_start3A_28, %dma_start3A_29] : memref<2048x256xf32, #tpu.memory_space<hbm>> -> memref<2048x256xf32, #tpu.memory_space<hbm>>
    tpu.enqueue_indirect_dma source(%dma_start3A_30 : memref<2048x256xf32, #tpu.memory_space<hbm>>) target(%arg13 : memref<128x256xf32, #tpu.memory_space<vmem>>) offsets(%arg10 : memref<128xi32, #tpu.memory_space<vmem>>) semaphore(%arg15 : memref<!tpu.dma_semaphore, #tpu.memory_space<semaphore_mem>>)
    %dma_start3A_31 = arith.constant 0 : i32
    %dma_start3A_32 = arith.constant 0 : i32
    %dma_start3A_33 = tpu.memref_slice %arg5[%dma_start3A_31, %dma_start3A_32] : memref<2048x256xf32, #tpu.memory_space<hbm>> -> memref<2048x256xf32, #tpu.memory_space<hbm>>
    tpu.enqueue_indirect_dma source(%dma_start3A_33 : memref<2048x256xf32, #tpu.memory_space<hbm>>) target(%arg14 : memref<128x256xf32, #tpu.memory_space<vmem>>) offsets(%arg11 : memref<128xi32, #tpu.memory_space<vmem>>) semaphore(%arg15 : memref<!tpu.dma_semaphore, #tpu.memory_space<semaphore_mem>>)
    %dma_wait3A_34 = arith.constant 0 : i32
    %dma_wait3A_35 = arith.constant 0 : i32
    %dma_wait3A_36 = tpu.memref_slice %arg5[%dma_wait3A_34, %dma_wait3A_35] : memref<2048x256xf32, #tpu.memory_space<hbm>> -> memref<2048x256xf32, #tpu.memory_space<hbm>>
    tpu.wait_indirect_dma semaphore(%arg15 : memref<!tpu.dma_semaphore, #tpu.memory_space<semaphore_mem>>) src(%dma_wait3A_36 : memref<2048x256xf32, #tpu.memory_space<hbm>>) dst(%arg12 : memref<128x256xf32, #tpu.memory_space<vmem>>)
    %dma_wait3A_37 = arith.constant 0 : i32
    %dma_wait3A_38 = arith.constant 0 : i32
    %dma_wait3A_39 = tpu.memref_slice %arg5[%dma_wait3A_37, %dma_wait3A_38] : memref<2048x256xf32, #tpu.memory_space<hbm>> -> memref<2048x256xf32, #tpu.memory_space<hbm>>
    tpu.wait_indirect_dma semaphore(%arg15 : memref<!tpu.dma_semaphore, #tpu.memory_space<semaphore_mem>>) src(%dma_wait3A_39 : memref<2048x256xf32, #tpu.memory_space<hbm>>) dst(%arg13 : memref<128x256xf32, #tpu.memory_space<vmem>>)
    %dma_wait3A_40 = arith.constant 0 : i32
    %dma_wait3A_41 = arith.constant 0 : i32
    %dma_wait3A_42 = tpu.memref_slice %arg5[%dma_wait3A_40, %dma_wait3A_41] : memref<2048x256xf32, #tpu.memory_space<hbm>> -> memref<2048x256xf32, #tpu.memory_space<hbm>>
    tpu.wait_indirect_dma semaphore(%arg15 : memref<!tpu.dma_semaphore, #tpu.memory_space<semaphore_mem>>) src(%dma_wait3A_42 : memref<2048x256xf32, #tpu.memory_space<hbm>>) dst(%arg14 : memref<128x256xf32, #tpu.memory_space<vmem>>)
    "tpu.region"() ({
      %run_scoped3A = tpu.sem_alloc : memref<!tpu.dma_semaphore, #tpu.memory_space<semaphore_mem>>
      %dma_start3A_43 = arith.constant 0 : i32
      %dma_start3A_44 = tpu.memref_slice %arg6[%add3A_24, %dma_start3A_43] : memref<8192x256xf32, #tpu.memory_space<hbm>> -> memref<128x256xf32, #tpu.memory_space<hbm>>
      %dma_start3A_45 = arith.constant 0 : i32
      %dma_start3A_46 = tpu.memref_slice %arg6[%add3A_24, %dma_start3A_45] : memref<8192x256xf32, #tpu.memory_space<hbm>> -> memref<128x256xf32, #tpu.memory_space<hbm>>
      tpu.enqueue_dma source(%arg12 : memref<128x256xf32, #tpu.memory_space<vmem>>) target(%dma_start3A_46 : memref<128x256xf32, #tpu.memory_space<hbm>>) target_semaphore(%run_scoped3A : memref<!tpu.dma_semaphore, #tpu.memory_space<semaphore_mem>>)
      %dma_wait3A_47 = arith.constant 0 : i32
      %dma_wait3A_48 = tpu.memref_slice %arg6[%add3A_24, %dma_wait3A_47] : memref<8192x256xf32, #tpu.memory_space<hbm>> -> memref<128x256xf32, #tpu.memory_space<hbm>>
      %dma_wait3A_49 = arith.constant 0 : i32
      %dma_wait3A_50 = tpu.memref_slice %arg6[%add3A_24, %dma_wait3A_49] : memref<8192x256xf32, #tpu.memory_space<hbm>> -> memref<128x256xf32, #tpu.memory_space<hbm>>
      tpu.wait_dma2 semaphore(%run_scoped3A : memref<!tpu.dma_semaphore, #tpu.memory_space<semaphore_mem>>) src(%arg12 : memref<128x256xf32, #tpu.memory_space<vmem>>) dst(%dma_wait3A_50 : memref<128x256xf32, #tpu.memory_space<hbm>>)
      tpu.yield
    }) : () -> ()
    "tpu.region"() ({
      %run_scoped3A = tpu.sem_alloc : memref<!tpu.dma_semaphore, #tpu.memory_space<semaphore_mem>>
      %dma_start3A_43 = arith.constant 0 : i32
      %dma_start3A_44 = tpu.memref_slice %arg7[%add3A_24, %dma_start3A_43] : memref<8192x256xf32, #tpu.memory_space<hbm>> -> memref<128x256xf32, #tpu.memory_space<hbm>>
      %dma_start3A_45 = arith.constant 0 : i32
      %dma_start3A_46 = tpu.memref_slice %arg7[%add3A_24, %dma_start3A_45] : memref<8192x256xf32, #tpu.memory_space<hbm>> -> memref<128x256xf32, #tpu.memory_space<hbm>>
      tpu.enqueue_dma source(%arg13 : memref<128x256xf32, #tpu.memory_space<vmem>>) target(%dma_start3A_46 : memref<128x256xf32, #tpu.memory_space<hbm>>) target_semaphore(%run_scoped3A : memref<!tpu.dma_semaphore, #tpu.memory_space<semaphore_mem>>)
      %dma_wait3A_47 = arith.constant 0 : i32
      %dma_wait3A_48 = tpu.memref_slice %arg7[%add3A_24, %dma_wait3A_47] : memref<8192x256xf32, #tpu.memory_space<hbm>> -> memref<128x256xf32, #tpu.memory_space<hbm>>
      %dma_wait3A_49 = arith.constant 0 : i32
      %dma_wait3A_50 = tpu.memref_slice %arg7[%add3A_24, %dma_wait3A_49] : memref<8192x256xf32, #tpu.memory_space<hbm>> -> memref<128x256xf32, #tpu.memory_space<hbm>>
      tpu.wait_dma2 semaphore(%run_scoped3A : memref<!tpu.dma_semaphore, #tpu.memory_space<semaphore_mem>>) src(%arg13 : memref<128x256xf32, #tpu.memory_space<vmem>>) dst(%dma_wait3A_50 : memref<128x256xf32, #tpu.memory_space<hbm>>)
      tpu.yield
    }) : () -> ()
    "tpu.region"() ({
      %run_scoped3A = tpu.sem_alloc : memref<!tpu.dma_semaphore, #tpu.memory_space<semaphore_mem>>
      %dma_start3A_43 = arith.constant 0 : i32
      %dma_start3A_44 = tpu.memref_slice %arg8[%add3A_24, %dma_start3A_43] : memref<8192x256xf32, #tpu.memory_space<hbm>> -> memref<128x256xf32, #tpu.memory_space<hbm>>
      %dma_start3A_45 = arith.constant 0 : i32
      %dma_start3A_46 = tpu.memref_slice %arg8[%add3A_24, %dma_start3A_45] : memref<8192x256xf32, #tpu.memory_space<hbm>> -> memref<128x256xf32, #tpu.memory_space<hbm>>
      tpu.enqueue_dma source(%arg14 : memref<128x256xf32, #tpu.memory_space<vmem>>) target(%dma_start3A_46 : memref<128x256xf32, #tpu.memory_space<hbm>>) target_semaphore(%run_scoped3A : memref<!tpu.dma_semaphore, #tpu.memory_space<semaphore_mem>>)
      %dma_wait3A_47 = arith.constant 0 : i32
      %dma_wait3A_48 = tpu.memref_slice %arg8[%add3A_24, %dma_wait3A_47] : memref<8192x256xf32, #tpu.memory_space<hbm>> -> memref<128x256xf32, #tpu.memory_space<hbm>>
      %dma_wait3A_49 = arith.constant 0 : i32
      %dma_wait3A_50 = tpu.memref_slice %arg8[%add3A_24, %dma_wait3A_49] : memref<8192x256xf32, #tpu.memory_space<hbm>> -> memref<128x256xf32, #tpu.memory_space<hbm>>
      tpu.wait_dma2 semaphore(%run_scoped3A : memref<!tpu.dma_semaphore, #tpu.memory_space<semaphore_mem>>) src(%arg14 : memref<128x256xf32, #tpu.memory_space<vmem>>) dst(%dma_wait3A_50 : memref<128x256xf32, #tpu.memory_space<hbm>>)
      tpu.yield
    }) : () -> ()
    return
  }
}

#map = affine_map<(d0, d1) -> (0)>
#map1 = affine_map<(d0, d1) -> (0, 0)>
module attributes {stable_mosaic.version = 14 : i64} {
  func.func @sc_gather(%arg0: i32, %arg1: i32, %arg2: memref<8192xi32, #tpu.memory_space<hbm>>, %arg3: memref<8192xi32, #tpu.memory_space<hbm>>, %arg4: memref<8192xi32, #tpu.memory_space<hbm>>, %arg5: memref<2048x256xf32, #tpu.memory_space<hbm>>, %arg6: memref<8192x256xf32, #tpu.memory_space<hbm>>, %arg7: memref<8192x256xf32, #tpu.memory_space<hbm>>, %arg8: memref<8192x256xf32, #tpu.memory_space<hbm>>, %arg9: memref<128xi32, #tpu.memory_space<vmem>>, %arg10: memref<128xi32, #tpu.memory_space<vmem>>, %arg11: memref<128xi32, #tpu.memory_space<vmem>>, %arg12: memref<128x256xf32, #tpu.memory_space<vmem>>, %arg13: memref<128x256xf32, #tpu.memory_space<vmem>>, %arg14: memref<128x256xf32, #tpu.memory_space<vmem>>, %arg15: memref<!tpu.dma_semaphore, #tpu.memory_space<semaphore_mem>>) attributes {dimension_semantics = [#tpu.dimension_semantics<core_parallel>, #tpu.dimension_semantics<subcore_parallel>], iteration_bounds = array<i64: 2, 16>, scalar_prefetch = 0 : i64, scratch_operands = 7 : i64, tpu.core_type = #tpu.core_type<sc_vector_subcore>, window_params = [{transform_indices = #map}, {transform_indices = #map}, {transform_indices = #map}, {transform_indices = #map1}, {transform_indices = #map1}, {transform_indices = #map1}, {transform_indices = #map1}]} {
    %mul3A = arith.constant 2 : i32
    %mul3A_0 = arith.muli %arg1, %mul3A : i32
    %add3A = arith.addi %mul3A_0, %arg0 : i32
    %mul3A_1 = arith.constant 256 : i32
    %mul3A_2 = arith.muli %add3A, %mul3A_1 : i32
    %add3A_3 = arith.constant 0 : i32
    %add3A_4 = arith.addi %mul3A_2, %add3A_3 : i32
    "tpu.region"() ({
      %run_scoped3A = tpu.sem_alloc : memref<!tpu.dma_semaphore, #tpu.memory_space<semaphore_mem>>
      %dma_start3A_43 = tpu.memref_slice %arg2[%add3A_4] : memref<8192xi32, #tpu.memory_space<hbm>> -> memref<128xi32, #tpu.memory_space<hbm>>
      %dma_start3A_44 = tpu.memref_slice %arg2[%add3A_4] : memref<8192xi32, #tpu.memory_space<hbm>> -> memref<128xi32, #tpu.memory_space<hbm>>
      tpu.enqueue_dma source(%dma_start3A_44 : memref<128xi32, #tpu.memory_space<hbm>>) target(%arg9 : memref<128xi32, #tpu.memory_space<vmem>>) target_semaphore(%run_scoped3A : memref<!tpu.dma_semaphore, #tpu.memory_space<semaphore_mem>>)
      %dma_wait3A_45 = tpu.memref_slice %arg2[%add3A_4] : memref<8192xi32, #tpu.memory_space<hbm>> -> memref<128xi32, #tpu.memory_space<hbm>>
      %dma_wait3A_46 = tpu.memref_slice %arg2[%add3A_4] : memref<8192xi32, #tpu.memory_space<hbm>> -> memref<128xi32, #tpu.memory_space<hbm>>
      tpu.wait_dma2 semaphore(%run_scoped3A : memref<!tpu.dma_semaphore, #tpu.memory_space<semaphore_mem>>) src(%dma_wait3A_46 : memref<128xi32, #tpu.memory_space<hbm>>) dst(%arg9 : memref<128xi32, #tpu.memory_space<vmem>>)
      tpu.yield
    }) : () -> ()
    "tpu.region"() ({
      %run_scoped3A = tpu.sem_alloc : memref<!tpu.dma_semaphore, #tpu.memory_space<semaphore_mem>>
      %dma_start3A_43 = tpu.memref_slice %arg3[%add3A_4] : memref<8192xi32, #tpu.memory_space<hbm>> -> memref<128xi32, #tpu.memory_space<hbm>>
      %dma_start3A_44 = tpu.memref_slice %arg3[%add3A_4] : memref<8192xi32, #tpu.memory_space<hbm>> -> memref<128xi32, #tpu.memory_space<hbm>>
      tpu.enqueue_dma source(%dma_start3A_44 : memref<128xi32, #tpu.memory_space<hbm>>) target(%arg10 : memref<128xi32, #tpu.memory_space<vmem>>) target_semaphore(%run_scoped3A : memref<!tpu.dma_semaphore, #tpu.memory_space<semaphore_mem>>)
      %dma_wait3A_45 = tpu.memref_slice %arg3[%add3A_4] : memref<8192xi32, #tpu.memory_space<hbm>> -> memref<128xi32, #tpu.memory_space<hbm>>
      %dma_wait3A_46 = tpu.memref_slice %arg3[%add3A_4] : memref<8192xi32, #tpu.memory_space<hbm>> -> memref<128xi32, #tpu.memory_space<hbm>>
      tpu.wait_dma2 semaphore(%run_scoped3A : memref<!tpu.dma_semaphore, #tpu.memory_space<semaphore_mem>>) src(%dma_wait3A_46 : memref<128xi32, #tpu.memory_space<hbm>>) dst(%arg10 : memref<128xi32, #tpu.memory_space<vmem>>)
      tpu.yield
    }) : () -> ()
    "tpu.region"() ({
      %run_scoped3A = tpu.sem_alloc : memref<!tpu.dma_semaphore, #tpu.memory_space<semaphore_mem>>
      %dma_start3A_43 = tpu.memref_slice %arg4[%add3A_4] : memref<8192xi32, #tpu.memory_space<hbm>> -> memref<128xi32, #tpu.memory_space<hbm>>
      %dma_start3A_44 = tpu.memref_slice %arg4[%add3A_4] : memref<8192xi32, #tpu.memory_space<hbm>> -> memref<128xi32, #tpu.memory_space<hbm>>
      tpu.enqueue_dma source(%dma_start3A_44 : memref<128xi32, #tpu.memory_space<hbm>>) target(%arg11 : memref<128xi32, #tpu.memory_space<vmem>>) target_semaphore(%run_scoped3A : memref<!tpu.dma_semaphore, #tpu.memory_space<semaphore_mem>>)
      %dma_wait3A_45 = tpu.memref_slice %arg4[%add3A_4] : memref<8192xi32, #tpu.memory_space<hbm>> -> memref<128xi32, #tpu.memory_space<hbm>>
      %dma_wait3A_46 = tpu.memref_slice %arg4[%add3A_4] : memref<8192xi32, #tpu.memory_space<hbm>> -> memref<128xi32, #tpu.memory_space<hbm>>
      tpu.wait_dma2 semaphore(%run_scoped3A : memref<!tpu.dma_semaphore, #tpu.memory_space<semaphore_mem>>) src(%dma_wait3A_46 : memref<128xi32, #tpu.memory_space<hbm>>) dst(%arg11 : memref<128xi32, #tpu.memory_space<vmem>>)
      tpu.yield
    }) : () -> ()
    %dma_start3A = arith.constant 0 : i32
    %dma_start3A_5 = arith.constant 0 : i32
    %dma_start3A_6 = tpu.memref_slice %arg5[%dma_start3A, %dma_start3A_5] : memref<2048x256xf32, #tpu.memory_space<hbm>> -> memref<2048x256xf32, #tpu.memory_space<hbm>>
    tpu.enqueue_indirect_dma source(%dma_start3A_6 : memref<2048x256xf32, #tpu.memory_space<hbm>>) target(%arg12 : memref<128x256xf32, #tpu.memory_space<vmem>>) offsets(%arg9 : memref<128xi32, #tpu.memory_space<vmem>>) semaphore(%arg15 : memref<!tpu.dma_semaphore, #tpu.memory_space<semaphore_mem>>)
    %dma_start3A_7 = arith.constant 0 : i32
    %dma_start3A_8 = arith.constant 0 : i32
    %dma_start3A_9 = tpu.memref_slice %arg5[%dma_start3A_7, %dma_start3A_8] : memref<2048x256xf32, #tpu.memory_space<hbm>> -> memref<2048x256xf32, #tpu.memory_space<hbm>>
    tpu.enqueue_indirect_dma source(%dma_start3A_9 : memref<2048x256xf32, #tpu.memory_space<hbm>>) target(%arg13 : memref<128x256xf32, #tpu.memory_space<vmem>>) offsets(%arg10 : memref<128xi32, #tpu.memory_space<vmem>>) semaphore(%arg15 : memref<!tpu.dma_semaphore, #tpu.memory_space<semaphore_mem>>)
    %dma_start3A_10 = arith.constant 0 : i32
    %dma_start3A_11 = arith.constant 0 : i32
    %dma_start3A_12 = tpu.memref_slice %arg5[%dma_start3A_10, %dma_start3A_11] : memref<2048x256xf32, #tpu.memory_space<hbm>> -> memref<2048x256xf32, #tpu.memory_space<hbm>>
    tpu.enqueue_indirect_dma source(%dma_start3A_12 : memref<2048x256xf32, #tpu.memory_space<hbm>>) target(%arg14 : memref<128x256xf32, #tpu.memory_space<vmem>>) offsets(%arg11 : memref<128xi32, #tpu.memory_space<vmem>>) semaphore(%arg15 : memref<!tpu.dma_semaphore, #tpu.memory_space<semaphore_mem>>)
    %dma_wait3A = arith.constant 0 : i32
    %dma_wait3A_13 = arith.constant 0 : i32
    %dma_wait3A_14 = tpu.memref_slice %arg5[%dma_wait3A, %dma_wait3A_13] : memref<2048x256xf32, #tpu.memory_space<hbm>> -> memref<2048x256xf32, #tpu.memory_space<hbm>>
    tpu.wait_indirect_dma semaphore(%arg15 : memref<!tpu.dma_semaphore, #tpu.memory_space<semaphore_mem>>) src(%dma_wait3A_14 : memref<2048x256xf32, #tpu.memory_space<hbm>>) dst(%arg12 : memref<128x256xf32, #tpu.memory_space<vmem>>)
    %dma_wait3A_15 = arith.constant 0 : i32
    %dma_wait3A_16 = arith.constant 0 : i32
    %dma_wait3A_17 = tpu.memref_slice %arg5[%dma_wait3A_15, %dma_wait3A_16] : memref<2048x256xf32, #tpu.memory_space<hbm>> -> memref<2048x256xf32, #tpu.memory_space<hbm>>
    tpu.wait_indirect_dma semaphore(%arg15 : memref<!tpu.dma_semaphore, #tpu.memory_space<semaphore_mem>>) src(%dma_wait3A_17 : memref<2048x256xf32, #tpu.memory_space<hbm>>) dst(%arg13 : memref<128x256xf32, #tpu.memory_space<vmem>>)
    %dma_wait3A_18 = arith.constant 0 : i32
    %dma_wait3A_19 = arith.constant 0 : i32
    %dma_wait3A_20 = tpu.memref_slice %arg5[%dma_wait3A_18, %dma_wait3A_19] : memref<2048x256xf32, #tpu.memory_space<hbm>> -> memref<2048x256xf32, #tpu.memory_space<hbm>>
    tpu.wait_indirect_dma semaphore(%arg15 : memref<!tpu.dma_semaphore, #tpu.memory_space<semaphore_mem>>) src(%dma_wait3A_20 : memref<2048x256xf32, #tpu.memory_space<hbm>>) dst(%arg14 : memref<128x256xf32, #tpu.memory_space<vmem>>)
    "tpu.region"() ({
      %run_scoped3A = tpu.sem_alloc : memref<!tpu.dma_semaphore, #tpu.memory_space<semaphore_mem>>
      %dma_start3A_43 = arith.constant 0 : i32
      %dma_start3A_44 = tpu.memref_slice %arg6[%add3A_4, %dma_start3A_43] : memref<8192x256xf32, #tpu.memory_space<hbm>> -> memref<128x256xf32, #tpu.memory_space<hbm>>
      %dma_start3A_45 = arith.constant 0 : i32
      %dma_start3A_46 = tpu.memref_slice %arg6[%add3A_4, %dma_start3A_45] : memref<8192x256xf32, #tpu.memory_space<hbm>> -> memref<128x256xf32, #tpu.memory_space<hbm>>
      tpu.enqueue_dma source(%arg12 : memref<128x256xf32, #tpu.memory_space<vmem>>) target(%dma_start3A_46 : memref<128x256xf32, #tpu.memory_space<hbm>>) target_semaphore(%run_scoped3A : memref<!tpu.dma_semaphore, #tpu.memory_space<semaphore_mem>>)
      %dma_wait3A_47 = arith.constant 0 : i32
      %dma_wait3A_48 = tpu.memref_slice %arg6[%add3A_4, %dma_wait3A_47] : memref<8192x256xf32, #tpu.memory_space<hbm>> -> memref<128x256xf32, #tpu.memory_space<hbm>>
      %dma_wait3A_49 = arith.constant 0 : i32
      %dma_wait3A_50 = tpu.memref_slice %arg6[%add3A_4, %dma_wait3A_49] : memref<8192x256xf32, #tpu.memory_space<hbm>> -> memref<128x256xf32, #tpu.memory_space<hbm>>
      tpu.wait_dma2 semaphore(%run_scoped3A : memref<!tpu.dma_semaphore, #tpu.memory_space<semaphore_mem>>) src(%arg12 : memref<128x256xf32, #tpu.memory_space<vmem>>) dst(%dma_wait3A_50 : memref<128x256xf32, #tpu.memory_space<hbm>>)
      tpu.yield
    }) : () -> ()
    "tpu.region"() ({
      %run_scoped3A = tpu.sem_alloc : memref<!tpu.dma_semaphore, #tpu.memory_space<semaphore_mem>>
      %dma_start3A_43 = arith.constant 0 : i32
      %dma_start3A_44 = tpu.memref_slice %arg7[%add3A_4, %dma_start3A_43] : memref<8192x256xf32, #tpu.memory_space<hbm>> -> memref<128x256xf32, #tpu.memory_space<hbm>>
      %dma_start3A_45 = arith.constant 0 : i32
      %dma_start3A_46 = tpu.memref_slice %arg7[%add3A_4, %dma_start3A_45] : memref<8192x256xf32, #tpu.memory_space<hbm>> -> memref<128x256xf32, #tpu.memory_space<hbm>>
      tpu.enqueue_dma source(%arg13 : memref<128x256xf32, #tpu.memory_space<vmem>>) target(%dma_start3A_46 : memref<128x256xf32, #tpu.memory_space<hbm>>) target_semaphore(%run_scoped3A : memref<!tpu.dma_semaphore, #tpu.memory_space<semaphore_mem>>)
      %dma_wait3A_47 = arith.constant 0 : i32
      %dma_wait3A_48 = tpu.memref_slice %arg7[%add3A_4, %dma_wait3A_47] : memref<8192x256xf32, #tpu.memory_space<hbm>> -> memref<128x256xf32, #tpu.memory_space<hbm>>
      %dma_wait3A_49 = arith.constant 0 : i32
      %dma_wait3A_50 = tpu.memref_slice %arg7[%add3A_4, %dma_wait3A_49] : memref<8192x256xf32, #tpu.memory_space<hbm>> -> memref<128x256xf32, #tpu.memory_space<hbm>>
      tpu.wait_dma2 semaphore(%run_scoped3A : memref<!tpu.dma_semaphore, #tpu.memory_space<semaphore_mem>>) src(%arg13 : memref<128x256xf32, #tpu.memory_space<vmem>>) dst(%dma_wait3A_50 : memref<128x256xf32, #tpu.memory_space<hbm>>)
      tpu.yield
    }) : () -> ()
    "tpu.region"() ({
      %run_scoped3A = tpu.sem_alloc : memref<!tpu.dma_semaphore, #tpu.memory_space<semaphore_mem>>
      %dma_start3A_43 = arith.constant 0 : i32
      %dma_start3A_44 = tpu.memref_slice %arg8[%add3A_4, %dma_start3A_43] : memref<8192x256xf32, #tpu.memory_space<hbm>> -> memref<128x256xf32, #tpu.memory_space<hbm>>
      %dma_start3A_45 = arith.constant 0 : i32
      %dma_start3A_46 = tpu.memref_slice %arg8[%add3A_4, %dma_start3A_45] : memref<8192x256xf32, #tpu.memory_space<hbm>> -> memref<128x256xf32, #tpu.memory_space<hbm>>
      tpu.enqueue_dma source(%arg14 : memref<128x256xf32, #tpu.memory_space<vmem>>) target(%dma_start3A_46 : memref<128x256xf32, #tpu.memory_space<hbm>>) target_semaphore(%run_scoped3A : memref<!tpu.dma_semaphore, #tpu.memory_space<semaphore_mem>>)
      %dma_wait3A_47 = arith.constant 0 : i32
      %dma_wait3A_48 = tpu.memref_slice %arg8[%add3A_4, %dma_wait3A_47] : memref<8192x256xf32, #tpu.memory_space<hbm>> -> memref<128x256xf32, #tpu.memory_space<hbm>>
      %dma_wait3A_49 = arith.constant 0 : i32
      %dma_wait3A_50 = tpu.memref_slice %arg8[%add3A_4, %dma_wait3A_49] : memref<8192x256xf32, #tpu.memory_space<hbm>> -> memref<128x256xf32, #tpu.memory_space<hbm>>
      tpu.wait_dma2 semaphore(%run_scoped3A : memref<!tpu.dma_semaphore, #tpu.memory_space<semaphore_mem>>) src(%arg14 : memref<128x256xf32, #tpu.memory_space<vmem>>) dst(%dma_wait3A_50 : memref<128x256xf32, #tpu.memory_space<hbm>>)
      tpu.yield
    }) : () -> ()
    %mul3A_21 = arith.constant 256 : i32
    %mul3A_22 = arith.muli %add3A, %mul3A_21 : i32
    %add3A_23 = arith.constant 128 : i32
    %add3A_24 = arith.addi %mul3A_22, %add3A_23 : i32
    "tpu.region"() ({
      %run_scoped3A = tpu.sem_alloc : memref<!tpu.dma_semaphore, #tpu.memory_space<semaphore_mem>>
      %dma_start3A_43 = tpu.memref_slice %arg2[%add3A_24] : memref<8192xi32, #tpu.memory_space<hbm>> -> memref<128xi32, #tpu.memory_space<hbm>>
      %dma_start3A_44 = tpu.memref_slice %arg2[%add3A_24] : memref<8192xi32, #tpu.memory_space<hbm>> -> memref<128xi32, #tpu.memory_space<hbm>>
      tpu.enqueue_dma source(%dma_start3A_44 : memref<128xi32, #tpu.memory_space<hbm>>) target(%arg9 : memref<128xi32, #tpu.memory_space<vmem>>) target_semaphore(%run_scoped3A : memref<!tpu.dma_semaphore, #tpu.memory_space<semaphore_mem>>)
      %dma_wait3A_45 = tpu.memref_slice %arg2[%add3A_24] : memref<8192xi32, #tpu.memory_space<hbm>> -> memref<128xi32, #tpu.memory_space<hbm>>
      %dma_wait3A_46 = tpu.memref_slice %arg2[%add3A_24] : memref<8192xi32, #tpu.memory_space<hbm>> -> memref<128xi32, #tpu.memory_space<hbm>>
      tpu.wait_dma2 semaphore(%run_scoped3A : memref<!tpu.dma_semaphore, #tpu.memory_space<semaphore_mem>>) src(%dma_wait3A_46 : memref<128xi32, #tpu.memory_space<hbm>>) dst(%arg9 : memref<128xi32, #tpu.memory_space<vmem>>)
      tpu.yield
    }) : () -> ()
    "tpu.region"() ({
      %run_scoped3A = tpu.sem_alloc : memref<!tpu.dma_semaphore, #tpu.memory_space<semaphore_mem>>
      %dma_start3A_43 = tpu.memref_slice %arg3[%add3A_24] : memref<8192xi32, #tpu.memory_space<hbm>> -> memref<128xi32, #tpu.memory_space<hbm>>
      %dma_start3A_44 = tpu.memref_slice %arg3[%add3A_24] : memref<8192xi32, #tpu.memory_space<hbm>> -> memref<128xi32, #tpu.memory_space<hbm>>
      tpu.enqueue_dma source(%dma_start3A_44 : memref<128xi32, #tpu.memory_space<hbm>>) target(%arg10 : memref<128xi32, #tpu.memory_space<vmem>>) target_semaphore(%run_scoped3A : memref<!tpu.dma_semaphore, #tpu.memory_space<semaphore_mem>>)
      %dma_wait3A_45 = tpu.memref_slice %arg3[%add3A_24] : memref<8192xi32, #tpu.memory_space<hbm>> -> memref<128xi32, #tpu.memory_space<hbm>>
      %dma_wait3A_46 = tpu.memref_slice %arg3[%add3A_24] : memref<8192xi32, #tpu.memory_space<hbm>> -> memref<128xi32, #tpu.memory_space<hbm>>
      tpu.wait_dma2 semaphore(%run_scoped3A : memref<!tpu.dma_semaphore, #tpu.memory_space<semaphore_mem>>) src(%dma_wait3A_46 : memref<128xi32, #tpu.memory_space<hbm>>) dst(%arg10 : memref<128xi32, #tpu.memory_space<vmem>>)
      tpu.yield
    }) : () -> ()
    "tpu.region"() ({
      %run_scoped3A = tpu.sem_alloc : memref<!tpu.dma_semaphore, #tpu.memory_space<semaphore_mem>>
      %dma_start3A_43 = tpu.memref_slice %arg4[%add3A_24] : memref<8192xi32, #tpu.memory_space<hbm>> -> memref<128xi32, #tpu.memory_space<hbm>>
      %dma_start3A_44 = tpu.memref_slice %arg4[%add3A_24] : memref<8192xi32, #tpu.memory_space<hbm>> -> memref<128xi32, #tpu.memory_space<hbm>>
      tpu.enqueue_dma source(%dma_start3A_44 : memref<128xi32, #tpu.memory_space<hbm>>) target(%arg11 : memref<128xi32, #tpu.memory_space<vmem>>) target_semaphore(%run_scoped3A : memref<!tpu.dma_semaphore, #tpu.memory_space<semaphore_mem>>)
      %dma_wait3A_45 = tpu.memref_slice %arg4[%add3A_24] : memref<8192xi32, #tpu.memory_space<hbm>> -> memref<128xi32, #tpu.memory_space<hbm>>
      %dma_wait3A_46 = tpu.memref_slice %arg4[%add3A_24] : memref<8192xi32, #tpu.memory_space<hbm>> -> memref<128xi32, #tpu.memory_space<hbm>>
      tpu.wait_dma2 semaphore(%run_scoped3A : memref<!tpu.dma_semaphore, #tpu.memory_space<semaphore_mem>>) src(%dma_wait3A_46 : memref<128xi32, #tpu.memory_space<hbm>>) dst(%arg11 : memref<128xi32, #tpu.memory_space<vmem>>)
      tpu.yield
    }) : () -> ()
    %dma_start3A_25 = arith.constant 0 : i32
    %dma_start3A_26 = arith.constant 0 : i32
    %dma_start3A_27 = tpu.memref_slice %arg5[%dma_start3A_25, %dma_start3A_26] : memref<2048x256xf32, #tpu.memory_space<hbm>> -> memref<2048x256xf32, #tpu.memory_space<hbm>>
    tpu.enqueue_indirect_dma source(%dma_start3A_27 : memref<2048x256xf32, #tpu.memory_space<hbm>>) target(%arg12 : memref<128x256xf32, #tpu.memory_space<vmem>>) offsets(%arg9 : memref<128xi32, #tpu.memory_space<vmem>>) semaphore(%arg15 : memref<!tpu.dma_semaphore, #tpu.memory_space<semaphore_mem>>)
    %dma_start3A_28 = arith.constant 0 : i32
    %dma_start3A_29 = arith.constant 0 : i32
    %dma_start3A_30 = tpu.memref_slice %arg5[%dma_start3A_28, %dma_start3A_29] : memref<2048x256xf32, #tpu.memory_space<hbm>> -> memref<2048x256xf32, #tpu.memory_space<hbm>>
    tpu.enqueue_indirect_dma source(%dma_start3A_30 : memref<2048x256xf32, #tpu.memory_space<hbm>>) target(%arg13 : memref<128x256xf32, #tpu.memory_space<vmem>>) offsets(%arg10 : memref<128xi32, #tpu.memory_space<vmem>>) semaphore(%arg15 : memref<!tpu.dma_semaphore, #tpu.memory_space<semaphore_mem>>)
    %dma_start3A_31 = arith.constant 0 : i32
    %dma_start3A_32 = arith.constant 0 : i32
    %dma_start3A_33 = tpu.memref_slice %arg5[%dma_start3A_31, %dma_start3A_32] : memref<2048x256xf32, #tpu.memory_space<hbm>> -> memref<2048x256xf32, #tpu.memory_space<hbm>>
    tpu.enqueue_indirect_dma source(%dma_start3A_33 : memref<2048x256xf32, #tpu.memory_space<hbm>>) target(%arg14 : memref<128x256xf32, #tpu.memory_space<vmem>>) offsets(%arg11 : memref<128xi32, #tpu.memory_space<vmem>>) semaphore(%arg15 : memref<!tpu.dma_semaphore, #tpu.memory_space<semaphore_mem>>)
    %dma_wait3A_34 = arith.constant 0 : i32
    %dma_wait3A_35 = arith.constant 0 : i32
    %dma_wait3A_36 = tpu.memref_slice %arg5[%dma_wait3A_34, %dma_wait3A_35] : memref<2048x256xf32, #tpu.memory_space<hbm>> -> memref<2048x256xf32, #tpu.memory_space<hbm>>
    tpu.wait_indirect_dma semaphore(%arg15 : memref<!tpu.dma_semaphore, #tpu.memory_space<semaphore_mem>>) src(%dma_wait3A_36 : memref<2048x256xf32, #tpu.memory_space<hbm>>) dst(%arg12 : memref<128x256xf32, #tpu.memory_space<vmem>>)
    %dma_wait3A_37 = arith.constant 0 : i32
    %dma_wait3A_38 = arith.constant 0 : i32
    %dma_wait3A_39 = tpu.memref_slice %arg5[%dma_wait3A_37, %dma_wait3A_38] : memref<2048x256xf32, #tpu.memory_space<hbm>> -> memref<2048x256xf32, #tpu.memory_space<hbm>>
    tpu.wait_indirect_dma semaphore(%arg15 : memref<!tpu.dma_semaphore, #tpu.memory_space<semaphore_mem>>) src(%dma_wait3A_39 : memref<2048x256xf32, #tpu.memory_space<hbm>>) dst(%arg13 : memref<128x256xf32, #tpu.memory_space<vmem>>)
    %dma_wait3A_40 = arith.constant 0 : i32
    %dma_wait3A_41 = arith.constant 0 : i32
    %dma_wait3A_42 = tpu.memref_slice %arg5[%dma_wait3A_40, %dma_wait3A_41] : memref<2048x256xf32, #tpu.memory_space<hbm>> -> memref<2048x256xf32, #tpu.memory_space<hbm>>
    tpu.wait_indirect_dma semaphore(%arg15 : memref<!tpu.dma_semaphore, #tpu.memory_space<semaphore_mem>>) src(%dma_wait3A_42 : memref<2048x256xf32, #tpu.memory_space<hbm>>) dst(%arg14 : memref<128x256xf32, #tpu.memory_space<vmem>>)
    "tpu.region"() ({
      %run_scoped3A = tpu.sem_alloc : memref<!tpu.dma_semaphore, #tpu.memory_space<semaphore_mem>>
      %dma_start3A_43 = arith.constant 0 : i32
      %dma_start3A_44 = tpu.memref_slice %arg6[%add3A_24, %dma_start3A_43] : memref<8192x256xf32, #tpu.memory_space<hbm>> -> memref<128x256xf32, #tpu.memory_space<hbm>>
      %dma_start3A_45 = arith.constant 0 : i32
      %dma_start3A_46 = tpu.memref_slice %arg6[%add3A_24, %dma_start3A_45] : memref<8192x256xf32, #tpu.memory_space<hbm>> -> memref<128x256xf32, #tpu.memory_space<hbm>>
      tpu.enqueue_dma source(%arg12 : memref<128x256xf32, #tpu.memory_space<vmem>>) target(%dma_start3A_46 : memref<128x256xf32, #tpu.memory_space<hbm>>) target_semaphore(%run_scoped3A : memref<!tpu.dma_semaphore, #tpu.memory_space<semaphore_mem>>)
      %dma_wait3A_47 = arith.constant 0 : i32
      %dma_wait3A_48 = tpu.memref_slice %arg6[%add3A_24, %dma_wait3A_47] : memref<8192x256xf32, #tpu.memory_space<hbm>> -> memref<128x256xf32, #tpu.memory_space<hbm>>
      %dma_wait3A_49 = arith.constant 0 : i32
      %dma_wait3A_50 = tpu.memref_slice %arg6[%add3A_24, %dma_wait3A_49] : memref<8192x256xf32, #tpu.memory_space<hbm>> -> memref<128x256xf32, #tpu.memory_space<hbm>>
      tpu.wait_dma2 semaphore(%run_scoped3A : memref<!tpu.dma_semaphore, #tpu.memory_space<semaphore_mem>>) src(%arg12 : memref<128x256xf32, #tpu.memory_space<vmem>>) dst(%dma_wait3A_50 : memref<128x256xf32, #tpu.memory_space<hbm>>)
      tpu.yield
    }) : () -> ()
    "tpu.region"() ({
      %run_scoped3A = tpu.sem_alloc : memref<!tpu.dma_semaphore, #tpu.memory_space<semaphore_mem>>
      %dma_start3A_43 = arith.constant 0 : i32
      %dma_start3A_44 = tpu.memref_slice %arg7[%add3A_24, %dma_start3A_43] : memref<8192x256xf32, #tpu.memory_space<hbm>> -> memref<128x256xf32, #tpu.memory_space<hbm>>
      %dma_start3A_45 = arith.constant 0 : i32
      %dma_start3A_46 = tpu.memref_slice %arg7[%add3A_24, %dma_start3A_45] : memref<8192x256xf32, #tpu.memory_space<hbm>> -> memref<128x256xf32, #tpu.memory_space<hbm>>
      tpu.enqueue_dma source(%arg13 : memref<128x256xf32, #tpu.memory_space<vmem>>) target(%dma_start3A_46 : memref<128x256xf32, #tpu.memory_space<hbm>>) target_semaphore(%run_scoped3A : memref<!tpu.dma_semaphore, #tpu.memory_space<semaphore_mem>>)
      %dma_wait3A_47 = arith.constant 0 : i32
      %dma_wait3A_48 = tpu.memref_slice %arg7[%add3A_24, %dma_wait3A_47] : memref<8192x256xf32, #tpu.memory_space<hbm>> -> memref<128x256xf32, #tpu.memory_space<hbm>>
      %dma_wait3A_49 = arith.constant 0 : i32
      %dma_wait3A_50 = tpu.memref_slice %arg7[%add3A_24, %dma_wait3A_49] : memref<8192x256xf32, #tpu.memory_space<hbm>> -> memref<128x256xf32, #tpu.memory_space<hbm>>
      tpu.wait_dma2 semaphore(%run_scoped3A : memref<!tpu.dma_semaphore, #tpu.memory_space<semaphore_mem>>) src(%arg13 : memref<128x256xf32, #tpu.memory_space<vmem>>) dst(%dma_wait3A_50 : memref<128x256xf32, #tpu.memory_space<hbm>>)
      tpu.yield
    }) : () -> ()
    "tpu.region"() ({
      %run_scoped3A = tpu.sem_alloc : memref<!tpu.dma_semaphore, #tpu.memory_space<semaphore_mem>>
      %dma_start3A_43 = arith.constant 0 : i32
      %dma_start3A_44 = tpu.memref_slice %arg8[%add3A_24, %dma_start3A_43] : memref<8192x256xf32, #tpu.memory_space<hbm>> -> memref<128x256xf32, #tpu.memory_space<hbm>>
      %dma_start3A_45 = arith.constant 0 : i32
      %dma_start3A_46 = tpu.memref_slice %arg8[%add3A_24, %dma_start3A_45] : memref<8192x256xf32, #tpu.memory_space<hbm>> -> memref<128x256xf32, #tpu.memory_space<hbm>>
      tpu.enqueue_dma source(%arg14 : memref<128x256xf32, #tpu.memory_space<vmem>>) target(%dma_start3A_46 : memref<128x256xf32, #tpu.memory_space<hbm>>) target_semaphore(%run_scoped3A : memref<!tpu.dma_semaphore, #tpu.memory_space<semaphore_mem>>)
      %dma_wait3A_47 = arith.constant 0 : i32
      %dma_wait3A_48 = tpu.memref_slice %arg8[%add3A_24, %dma_wait3A_47] : memref<8192x256xf32, #tpu.memory_space<hbm>> -> memref<128x256xf32, #tpu.memory_space<hbm>>
      %dma_wait3A_49 = arith.constant 0 : i32
      %dma_wait3A_50 = tpu.memref_slice %arg8[%add3A_24, %dma_wait3A_49] : memref<8192x256xf32, #tpu.memory_space<hbm>> -> memref<128x256xf32, #tpu.memory_space<hbm>>
      tpu.wait_dma2 semaphore(%run_scoped3A : memref<!tpu.dma_semaphore, #tpu.memory_space<semaphore_mem>>) src(%arg14 : memref<128x256xf32, #tpu.memory_space<vmem>>) dst(%dma_wait3A_50 : memref<128x256xf32, #tpu.memory_space<hbm>>)
      tpu.yield
    }) : () -> ()
    return
  }
}

module attributes {stable_mosaic.version = 14 : i64} {
  func.func @_select_kernel(%arg0: i32, %arg1: i32, %arg2: memref<1x2048x3xf32, #tpu.memory_space<vmem>>, %arg3: memref<1x3x512xf32, #tpu.memory_space<vmem>>, %arg4: memref<1x2048x256xf32, #tpu.memory_space<vmem>>, %arg5: memref<256x256xf32, #tpu.memory_space<vmem>>, %arg6: memref<1x256xf32, #tpu.memory_space<vmem>>, %arg7: memref<1x1x1x512xi32, #tpu.memory_space<vmem>>, %arg8: memref<1x1x1x512xi32, #tpu.memory_space<vmem>>, %arg9: memref<1x1x1x512xi32, #tpu.memory_space<vmem>>, %arg10: memref<1x1x1x512xf32, #tpu.memory_space<vmem>>, %arg11: memref<1x1x1x512xf32, #tpu.memory_space<vmem>>, %arg12: memref<1x1x1x512xf32, #tpu.memory_space<vmem>>, %arg13: memref<1x2048x256xf32, #tpu.memory_space<vmem>>) attributes {dimension_semantics = [#tpu.dimension_semantics<arbitrary>, #tpu.dimension_semantics<arbitrary>], iteration_bounds = array<i64: 1, 16>, scalar_prefetch = 0 : i64, scratch_operands = 0 : i64, tpu.core_type = #tpu.core_type<tc>, window_params = [{transform_indices = @transform_0, window_bounds = array<i64: 1, 2048, 3>}, {transform_indices = @transform_1, window_bounds = array<i64: 1, 3, 512>}, {transform_indices = @transform_2, window_bounds = array<i64: 1, 2048, 256>}, {pipeline_mode = #tpu.pipeline_mode<synchronous>, transform_indices = @transform_3, window_bounds = array<i64: 256, 256>}, {pipeline_mode = #tpu.pipeline_mode<synchronous>, transform_indices = @transform_4, window_bounds = array<i64: 1, 256>}, {transform_indices = @transform_5, window_bounds = array<i64: 1, 1, 1, 512>}, {transform_indices = @transform_6, window_bounds = array<i64: 1, 1, 1, 512>}, {transform_indices = @transform_7, window_bounds = array<i64: 1, 1, 1, 512>}, {transform_indices = @transform_8, window_bounds = array<i64: 1, 1, 1, 512>}, {transform_indices = @transform_9, window_bounds = array<i64: 1, 1, 1, 512>}, {transform_indices = @transform_10, window_bounds = array<i64: 1, 1, 1, 512>}, {transform_indices = @transform_11, window_bounds = array<i64: 1, 2048, 256>}]} {
    %eq3A = arith.constant 0 : i32
    %eq3A_0 = arith.cmpi eq, %arg1, %eq3A : i32
    %convert_element_type3A = arith.extui %eq3A_0 : i1 to i32
    %cond3A = arith.constant 0 : i32
    %cond3A_1 = arith.cmpi ne, %convert_element_type3A, %cond3A : i32
    scf.if %cond3A_1 {
      %get3A_163 = arith.constant 0 : index
      %get3A_164 = arith.constant 0 : index
      %get3A_165 = arith.constant 0 : index
      %get3A_166 = vector.load %arg4[%get3A_163, %get3A_164, %get3A_165] : memref<1x2048x256xf32, #tpu.memory_space<vmem>>, vector<1x2048x256xf32>
      %get3A_167 = vector.shape_cast %get3A_166 : vector<1x2048x256xf32> to vector<2048x256xf32>
      %get3A_168 = arith.constant 0 : index
      %get3A_169 = arith.constant 0 : index
      %get3A_170 = vector.load %arg5[%get3A_168, %get3A_169] : memref<256x256xf32, #tpu.memory_space<vmem>>, vector<256x256xf32>
      %dot_general3A = arith.constant dense<0.000000e+00> : vector<2048x256xf32>
      %dot_general3A_171 = tpu.matmul %get3A_167, %get3A_170, %dot_general3A {dimension_numbers = #tpu.dot_dimension_numbers<[1], [0], [0], [1], [0, 0, 1, 1], [], []>, transpose_lhs_hint = false} : vector<2048x256xf32>, vector<256x256xf32>, vector<2048x256xf32> -> vector<2048x256xf32>
      %get3A_172 = arith.constant 0 : index
      %get3A_173 = arith.constant 0 : index
      %get3A_174 = vector.load %arg6[%get3A_172, %get3A_173] : memref<1x256xf32, #tpu.memory_space<vmem>>, vector<1x256xf32>
      %add3A_175 = vector.broadcast %get3A_174 : vector<1x256xf32> to vector<2048x256xf32>
      %add3A_176 = arith.addf %dot_general3A_171, %add3A_175 : vector<2048x256xf32>
      %swap3A_177 = arith.constant 0 : index
      %swap3A_178 = arith.constant 0 : index
      %swap3A_179 = arith.constant 0 : index
      %swap3A_180 = vector.load %arg13[%swap3A_177, %swap3A_178, %swap3A_179] : memref<1x2048x256xf32, #tpu.memory_space<vmem>>, vector<1x2048x256xf32>
      %swap3A_181 = vector.shape_cast %swap3A_180 : vector<1x2048x256xf32> to vector<2048x256xf32>
      %swap3A_182 = vector.shape_cast %add3A_176 : vector<2048x256xf32> to vector<1x2048x256xf32>
      tpu.vector_store %arg13[%swap3A_177, %swap3A_178, %swap3A_179], %swap3A_182 {strides = array<i32>} : memref<1x2048x256xf32, #tpu.memory_space<vmem>>, vector<1x2048x256xf32>,
    } else {
    }
    %get3A = arith.constant 0 : index
    %get3A_2 = arith.constant 0 : index
    %get3A_3 = arith.constant 0 : index
    %get3A_4 = vector.load %arg2[%get3A, %get3A_2, %get3A_3] : memref<1x2048x3xf32, #tpu.memory_space<vmem>>, vector<1x2048x3xf32>
    %get3A_5 = vector.shape_cast %get3A_4 : vector<1x2048x3xf32> to vector<2048x3xf32>
    %get3A_6 = arith.constant 0 : index
    %get3A_7 = arith.constant 0 : index
    %get3A_8 = arith.constant 0 : index
    %get3A_9 = vector.load %arg3[%get3A_6, %get3A_7, %get3A_8] : memref<1x3x512xf32, #tpu.memory_space<vmem>>, vector<1x3x512xf32>
    %get3A_10 = vector.shape_cast %get3A_9 : vector<1x3x512xf32> to vector<3x512xf32>
    %slice3A = vector.extract_strided_slice %get3A_5 {offsets = [0, 0], sizes = [2048, 1], strides = [1, 1]} : vector<2048x3xf32> to vector<2048x1xf32>
    %squeeze3A = vector.shape_cast %slice3A : vector<2048x1xf32> to vector<2048xf32>
    %broadcast_in_dim3A = vector.shape_cast %squeeze3A : vector<2048xf32> to vector<2048x1xf32>
    %slice3A_11 = vector.extract_strided_slice %get3A_10 {offsets = [0, 0], sizes = [1, 512], strides = [1, 1]} : vector<3x512xf32> to vector<1x512xf32>
    %squeeze3A_12 = vector.shape_cast %slice3A_11 : vector<1x512xf32> to vector<512xf32>
    %broadcast_in_dim3A_13 = vector.shape_cast %squeeze3A_12 : vector<512xf32> to vector<1x512xf32>
    %sub3A = vector.broadcast %broadcast_in_dim3A : vector<2048x1xf32> to vector<2048x512xf32>
    %sub3A_14 = vector.broadcast %broadcast_in_dim3A_13 : vector<1x512xf32> to vector<2048x512xf32>
    %sub3A_15 = arith.subf %sub3A, %sub3A_14 : vector<2048x512xf32>
    %slice3A_16 = vector.extract_strided_slice %get3A_5 {offsets = [0, 1], sizes = [2048, 1], strides = [1, 1]} : vector<2048x3xf32> to vector<2048x1xf32>
    %squeeze3A_17 = vector.shape_cast %slice3A_16 : vector<2048x1xf32> to vector<2048xf32>
    %broadcast_in_dim3A_18 = vector.shape_cast %squeeze3A_17 : vector<2048xf32> to vector<2048x1xf32>
    %slice3A_19 = vector.extract_strided_slice %get3A_10 {offsets = [1, 0], sizes = [1, 512], strides = [1, 1]} : vector<3x512xf32> to vector<1x512xf32>
    %squeeze3A_20 = vector.shape_cast %slice3A_19 : vector<1x512xf32> to vector<512xf32>
    %broadcast_in_dim3A_21 = vector.shape_cast %squeeze3A_20 : vector<512xf32> to vector<1x512xf32>
    %sub3A_22 = vector.broadcast %broadcast_in_dim3A_18 : vector<2048x1xf32> to vector<2048x512xf32>
    %sub3A_23 = vector.broadcast %broadcast_in_dim3A_21 : vector<1x512xf32> to vector<2048x512xf32>
    %sub3A_24 = arith.subf %sub3A_22, %sub3A_23 : vector<2048x512xf32>
    %slice3A_25 = vector.extract_strided_slice %get3A_5 {offsets = [0, 2], sizes = [2048, 1], strides = [1, 1]} : vector<2048x3xf32> to vector<2048x1xf32>
    %squeeze3A_26 = vector.shape_cast %slice3A_25 : vector<2048x1xf32> to vector<2048xf32>
    %broadcast_in_dim3A_27 = vector.shape_cast %squeeze3A_26 : vector<2048xf32> to vector<2048x1xf32>
    %slice3A_28 = vector.extract_strided_slice %get3A_10 {offsets = [2, 0], sizes = [1, 512], strides = [1, 1]} : vector<3x512xf32> to vector<1x512xf32>
    %squeeze3A_29 = vector.shape_cast %slice3A_28 : vector<1x512xf32> to vector<512xf32>
    %broadcast_in_dim3A_30 = vector.shape_cast %squeeze3A_29 : vector<512xf32> to vector<1x512xf32>
    %sub3A_31 = vector.broadcast %broadcast_in_dim3A_27 : vector<2048x1xf32> to vector<2048x512xf32>
    %sub3A_32 = vector.broadcast %broadcast_in_dim3A_30 : vector<1x512xf32> to vector<2048x512xf32>
    %sub3A_33 = arith.subf %sub3A_31, %sub3A_32 : vector<2048x512xf32>
    %mul3A = arith.mulf %sub3A_15, %sub3A_15 : vector<2048x512xf32>
    %mul3A_34 = arith.mulf %sub3A_24, %sub3A_24 : vector<2048x512xf32>
    %add3A = arith.addf %mul3A, %mul3A_34 : vector<2048x512xf32>
    %mul3A_35 = arith.mulf %sub3A_33, %sub3A_33 : vector<2048x512xf32>
    %add3A_36 = arith.addf %add3A, %mul3A_35 : vector<2048x512xf32>
    %reduce_min3A = arith.constant dense<0x7F800000> : vector<512xf32>
    %reduce_min3A_37 = vector.multi_reduction <minimumf>, %add3A_36, %reduce_min3A [0] : vector<2048x512xf32> to vector<512xf32>
    %broadcast_in_dim3A_38 = vector.shape_cast %reduce_min3A_37 : vector<512xf32> to vector<1x512xf32>
    %eq3A_39 = vector.broadcast %broadcast_in_dim3A_38 : vector<1x512xf32> to vector<2048x512xf32>
    %eq3A_40 = arith.cmpf oeq, %add3A_36, %eq3A_39 : vector<2048x512xf32>
    %jit3A = arith.constant 0x7F800000 : f32
    %broadcast_in_dim3A_41 = vector.broadcast %jit3A : f32 to vector<2048x512xf32>
    %select_n3A = arith.select %eq3A_40, %broadcast_in_dim3A_41, %add3A_36 : vector<2048x512xi1>, vector<2048x512xf32>
    %reduce_min3A_42 = arith.constant dense<0x7F800000> : vector<512xf32>
    %reduce_min3A_43 = vector.multi_reduction <minimumf>, %select_n3A, %reduce_min3A_42 [0] : vector<2048x512xf32> to vector<512xf32>
    %broadcast_in_dim3A_44 = vector.shape_cast %reduce_min3A_43 : vector<512xf32> to vector<1x512xf32>
    %eq3A_45 = vector.broadcast %broadcast_in_dim3A_44 : vector<1x512xf32> to vector<2048x512xf32>
    %eq3A_46 = arith.cmpf oeq, %select_n3A, %eq3A_45 : vector<2048x512xf32>
    %jit3A_47 = arith.constant 0x7F800000 : f32
    %broadcast_in_dim3A_48 = vector.broadcast %jit3A_47 : f32 to vector<2048x512xf32>
    %select_n3A_49 = arith.select %eq3A_46, %broadcast_in_dim3A_48, %select_n3A : vector<2048x512xi1>, vector<2048x512xf32>
    %reduce_min3A_50 = arith.constant dense<0x7F800000> : vector<512xf32>
    %reduce_min3A_51 = vector.multi_reduction <minimumf>, %select_n3A_49, %reduce_min3A_50 [0] : vector<2048x512xf32> to vector<512xf32>
    %broadcast_in_dim3A_52 = vector.shape_cast %reduce_min3A_51 : vector<512xf32> to vector<1x512xf32>
    %add3A_53 = arith.constant 1.000000e-01 : f32
    %add3A_54 = vector.broadcast %add3A_53 : f32 to vector<1x512xf32>
    %add3A_55 = arith.addf %broadcast_in_dim3A_38, %add3A_54 : vector<1x512xf32>
    %div3A = arith.constant 1.000000e+00 : f32
    %div3A_56 = vector.broadcast %div3A : f32 to vector<1x512xf32>
    %div3A_57 = arith.divf %div3A_56, %add3A_55 : vector<1x512xf32>
    %add3A_58 = arith.constant 1.000000e-01 : f32
    %add3A_59 = vector.broadcast %add3A_58 : f32 to vector<1x512xf32>
    %add3A_60 = arith.addf %broadcast_in_dim3A_44, %add3A_59 : vector<1x512xf32>
    %div3A_61 = arith.constant 1.000000e+00 : f32
    %div3A_62 = vector.broadcast %div3A_61 : f32 to vector<1x512xf32>
    %div3A_63 = arith.divf %div3A_62, %add3A_60 : vector<1x512xf32>
    %add3A_64 = arith.constant 1.000000e-01 : f32
    %add3A_65 = vector.broadcast %add3A_64 : f32 to vector<1x512xf32>
    %add3A_66 = arith.addf %broadcast_in_dim3A_52, %add3A_65 : vector<1x512xf32>
    %div3A_67 = arith.constant 1.000000e+00 : f32
    %div3A_68 = vector.broadcast %div3A_67 : f32 to vector<1x512xf32>
    %div3A_69 = arith.divf %div3A_68, %add3A_66 : vector<1x512xf32>
    %add3A_70 = arith.addf %div3A_57, %div3A_63 : vector<1x512xf32>
    %add3A_71 = arith.addf %add3A_70, %div3A_69 : vector<1x512xf32>
    %div3A_72 = arith.divf %div3A_57, %add3A_71 : vector<1x512xf32>
    %swap3A = arith.constant 0 : index
    %swap3A_73 = arith.constant 0 : index
    %swap3A_74 = arith.constant 0 : index
    %swap3A_75 = arith.constant 0 : index
    %swap3A_76 = vector.load %arg10[%swap3A, %swap3A_73, %swap3A_74, %swap3A_75] : memref<1x1x1x512xf32, #tpu.memory_space<vmem>>, vector<1x1x1x512xf32>
    %swap3A_77 = vector.shape_cast %swap3A_76 : vector<1x1x1x512xf32> to vector<1x512xf32>
    %swap3A_78 = vector.shape_cast %div3A_72 : vector<1x512xf32> to vector<1x1x1x512xf32>
    tpu.vector_store %arg10[%swap3A, %swap3A_73, %swap3A_74, %swap3A_75], %swap3A_78 {strides = array<i32>} : memref<1x1x1x512xf32, #tpu.memory_space<vmem>>, vector<1x1x1x512xf32>,
    %div3A_79 = arith.divf %div3A_63, %add3A_71 : vector<1x512xf32>
    %swap3A_80 = arith.constant 0 : index
    %swap3A_81 = arith.constant 0 : index
    %swap3A_82 = arith.constant 0 : index
    %swap3A_83 = arith.constant 0 : index
    %swap3A_84 = vector.load %arg11[%swap3A_80, %swap3A_81, %swap3A_82, %swap3A_83] : memref<1x1x1x512xf32, #tpu.memory_space<vmem>>, vector<1x1x1x512xf32>
    %swap3A_85 = vector.shape_cast %swap3A_84 : vector<1x1x1x512xf32> to vector<1x512xf32>
    %swap3A_86 = vector.shape_cast %div3A_79 : vector<1x512xf32> to vector<1x1x1x512xf32>
    tpu.vector_store %arg11[%swap3A_80, %swap3A_81, %swap3A_82, %swap3A_83], %swap3A_86 {strides = array<i32>} : memref<1x1x1x512xf32, #tpu.memory_space<vmem>>, vector<1x1x1x512xf32>,
    %div3A_87 = arith.divf %div3A_69, %add3A_71 : vector<1x512xf32>
    %swap3A_88 = arith.constant 0 : index
    %swap3A_89 = arith.constant 0 : index
    %swap3A_90 = arith.constant 0 : index
    %swap3A_91 = arith.constant 0 : index
    %swap3A_92 = vector.load %arg12[%swap3A_88, %swap3A_89, %swap3A_90, %swap3A_91] : memref<1x1x1x512xf32, #tpu.memory_space<vmem>>, vector<1x1x1x512xf32>
    %swap3A_93 = vector.shape_cast %swap3A_92 : vector<1x1x1x512xf32> to vector<1x512xf32>
    %swap3A_94 = vector.shape_cast %div3A_87 : vector<1x512xf32> to vector<1x1x1x512xf32>
    tpu.vector_store %arg12[%swap3A_88, %swap3A_89, %swap3A_90, %swap3A_91], %swap3A_94 {strides = array<i32>} : memref<1x1x1x512xf32, #tpu.memory_space<vmem>>, vector<1x1x1x512xf32>,
    %iota3A = tpu.iota {dimensions = array<i32: 0>} : vector<2048x512xi32>
    %mul3A_95 = arith.constant 2048 : i32
    %mul3A_96 = arith.muli %arg0, %mul3A_95 : i32
    %eq3A_97 = vector.broadcast %broadcast_in_dim3A_38 : vector<1x512xf32> to vector<2048x512xf32>
    %eq3A_98 = arith.cmpf oeq, %add3A_36, %eq3A_97 : vector<2048x512xf32>
    %jit3A_99 = arith.constant -1 : i32
    %broadcast_in_dim3A_100 = vector.broadcast %jit3A_99 : i32 to vector<2048x512xi32>
    %select_n3A_101 = arith.select %eq3A_98, %iota3A, %broadcast_in_dim3A_100 : vector<2048x512xi1>, vector<2048x512xi32>
    %reduce_max3A = arith.constant dense<-2147483648> : vector<512xi32>
    %reduce_max3A_102 = vector.multi_reduction <maxsi>, %select_n3A_101, %reduce_max3A [0] : vector<2048x512xi32> to vector<512xi32>
    %broadcast_in_dim3A_103 = vector.shape_cast %reduce_max3A_102 : vector<512xi32> to vector<1x512xi32>
    %jit3A_104 = arith.constant 0 : i32
    %jit3A_105 = arith.constant 2047 : i32
    %max3A = vector.broadcast %jit3A_104 : i32 to vector<1x512xi32>
    %max3A_106 = arith.maxsi %max3A, %broadcast_in_dim3A_103 : vector<1x512xi32>
    %min3A = vector.broadcast %jit3A_105 : i32 to vector<1x512xi32>
    %min3A_107 = arith.minsi %min3A, %max3A_106 : vector<1x512xi32>
    %add3A_108 = vector.broadcast %mul3A_96 : i32 to vector<1x512xi32>
    %add3A_109 = arith.addi %min3A_107, %add3A_108 : vector<1x512xi32>
    %swap3A_110 = arith.constant 0 : index
    %swap3A_111 = arith.constant 0 : index
    %swap3A_112 = arith.constant 0 : index
    %swap3A_113 = arith.constant 0 : index
    %swap3A_114 = vector.load %arg7[%swap3A_110, %swap3A_111, %swap3A_112, %swap3A_113] : memref<1x1x1x512xi32, #tpu.memory_space<vmem>>, vector<1x1x1x512xi32>
    %swap3A_115 = vector.shape_cast %swap3A_114 : vector<1x1x1x512xi32> to vector<1x512xi32>
    %swap3A_116 = vector.shape_cast %add3A_109 : vector<1x512xi32> to vector<1x1x1x512xi32>
    tpu.vector_store %arg7[%swap3A_110, %swap3A_111, %swap3A_112, %swap3A_113], %swap3A_116 {strides = array<i32>} : memref<1x1x1x512xi32, #tpu.memory_space<vmem>>, vector<1x1x1x512xi32>,
    %eq3A_117 = vector.broadcast %broadcast_in_dim3A_44 : vector<1x512xf32> to vector<2048x512xf32>
    %eq3A_118 = arith.cmpf oeq, %add3A_36, %eq3A_117 : vector<2048x512xf32>
    %jit3A_119 = arith.constant -1 : i32
    %broadcast_in_dim3A_120 = vector.broadcast %jit3A_119 : i32 to vector<2048x512xi32>
    %select_n3A_121 = arith.select %eq3A_118, %iota3A, %broadcast_in_dim3A_120 : vector<2048x512xi1>, vector<2048x512xi32>
    %reduce_max3A_122 = arith.constant dense<-2147483648> : vector<512xi32>
    %reduce_max3A_123 = vector.multi_reduction <maxsi>, %select_n3A_121, %reduce_max3A_122 [0] : vector<2048x512xi32> to vector<512xi32>
    %broadcast_in_dim3A_124 = vector.shape_cast %reduce_max3A_123 : vector<512xi32> to vector<1x512xi32>
    %jit3A_125 = arith.constant 0 : i32
    %jit3A_126 = arith.constant 2047 : i32
    %max3A_127 = vector.broadcast %jit3A_125 : i32 to vector<1x512xi32>
    %max3A_128 = arith.maxsi %max3A_127, %broadcast_in_dim3A_124 : vector<1x512xi32>
    %min3A_129 = vector.broadcast %jit3A_126 : i32 to vector<1x512xi32>
    %min3A_130 = arith.minsi %min3A_129, %max3A_128 : vector<1x512xi32>
    %add3A_131 = vector.broadcast %mul3A_96 : i32 to vector<1x512xi32>
    %add3A_132 = arith.addi %min3A_130, %add3A_131 : vector<1x512xi32>
    %swap3A_133 = arith.constant 0 : index
    %swap3A_134 = arith.constant 0 : index
    %swap3A_135 = arith.constant 0 : index
    %swap3A_136 = arith.constant 0 : index
    %swap3A_137 = vector.load %arg8[%swap3A_133, %swap3A_134, %swap3A_135, %swap3A_136] : memref<1x1x1x512xi32, #tpu.memory_space<vmem>>, vector<1x1x1x512xi32>
    %swap3A_138 = vector.shape_cast %swap3A_137 : vector<1x1x1x512xi32> to vector<1x512xi32>
    %swap3A_139 = vector.shape_cast %add3A_132 : vector<1x512xi32> to vector<1x1x1x512xi32>
    tpu.vector_store %arg8[%swap3A_133, %swap3A_134, %swap3A_135, %swap3A_136], %swap3A_139 {strides = array<i32>} : memref<1x1x1x512xi32, #tpu.memory_space<vmem>>, vector<1x1x1x512xi32>,
    %eq3A_140 = vector.broadcast %broadcast_in_dim3A_52 : vector<1x512xf32> to vector<2048x512xf32>
    %eq3A_141 = arith.cmpf oeq, %add3A_36, %eq3A_140 : vector<2048x512xf32>
    %jit3A_142 = arith.constant -1 : i32
    %broadcast_in_dim3A_143 = vector.broadcast %jit3A_142 : i32 to vector<2048x512xi32>
    %select_n3A_144 = arith.select %eq3A_141, %iota3A, %broadcast_in_dim3A_143 : vector<2048x512xi1>, vector<2048x512xi32>
    %reduce_max3A_145 = arith.constant dense<-2147483648> : vector<512xi32>
    %reduce_max3A_146 = vector.multi_reduction <maxsi>, %select_n3A_144, %reduce_max3A_145 [0] : vector<2048x512xi32> to vector<512xi32>
    %broadcast_in_dim3A_147 = vector.shape_cast %reduce_max3A_146 : vector<512xi32> to vector<1x512xi32>
    %jit3A_148 = arith.constant 0 : i32
    %jit3A_149 = arith.constant 2047 : i32
    %max3A_150 = vector.broadcast %jit3A_148 : i32 to vector<1x512xi32>
    %max3A_151 = arith.maxsi %max3A_150, %broadcast_in_dim3A_147 : vector<1x512xi32>
    %min3A_152 = vector.broadcast %jit3A_149 : i32 to vector<1x512xi32>
    %min3A_153 = arith.minsi %min3A_152, %max3A_151 : vector<1x512xi32>
    %add3A_154 = vector.broadcast %mul3A_96 : i32 to vector<1x512xi32>
    %add3A_155 = arith.addi %min3A_153, %add3A_154 : vector<1x512xi32>
    %swap3A_156 = arith.constant 0 : index
    %swap3A_157 = arith.constant 0 : index
    %swap3A_158 = arith.constant 0 : index
    %swap3A_159 = arith.constant 0 : index
    %swap3A_160 = vector.load %arg9[%swap3A_156, %swap3A_157, %swap3A_158, %swap3A_159] : memref<1x1x1x512xi32, #tpu.memory_space<vmem>>, vector<1x1x1x512xi32>
    %swap3A_161 = vector.shape_cast %swap3A_160 : vector<1x1x1x512xi32> to vector<1x512xi32>
    %swap3A_162 = vector.shape_cast %add3A_155 : vector<1x512xi32> to vector<1x1x1x512xi32>
    tpu.vector_store %arg9[%swap3A_156, %swap3A_157, %swap3A_158, %swap3A_159], %swap3A_162 {strides = array<i32>} : memref<1x1x1x512xi32, #tpu.memory_space<vmem>>, vector<1x1x1x512xi32>,
    return
  }
  func.func @transform_0(%arg0: i32, %arg1: i32) -> (i32, i32, i32) {
    %add3A = arith.constant 0 : i32
    %add3A_0 = arith.addi %add3A, %arg0 : i32
    %c0_i32 = arith.constant 0 : i32
    %c0_i32_1 = arith.constant 0 : i32
    %c0_i32_2 = arith.constant 0 : i32
    return %add3A_0, %c0_i32, %c0_i32_1 : i32, i32, i32
  }
  func.func @transform_1(%arg0: i32, %arg1: i32) -> (i32, i32, i32) {
    %add3A = arith.constant 0 : i32
    %add3A_0 = arith.addi %add3A, %arg0 : i32
    %c0_i32 = arith.constant 0 : i32
    %c0_i32_1 = arith.constant 0 : i32
    return %add3A_0, %c0_i32, %arg1 : i32, i32, i32
  }
  func.func @transform_2(%arg0: i32, %arg1: i32) -> (i32, i32, i32) {
    %add3A = arith.constant 0 : i32
    %add3A_0 = arith.addi %add3A, %arg0 : i32
    %c0_i32 = arith.constant 0 : i32
    %c0_i32_1 = arith.constant 0 : i32
    %c0_i32_2 = arith.constant 0 : i32
    return %add3A_0, %c0_i32, %c0_i32_1 : i32, i32, i32
  }
  func.func @transform_3(%arg0: i32, %arg1: i32) -> (i32, i32) {
    %c0_i32 = arith.constant 0 : i32
    %c0_i32_0 = arith.constant 0 : i32
    %c0_i32_1 = arith.constant 0 : i32
    return %c0_i32, %c0_i32_0 : i32, i32
  }
  func.func @transform_4(%arg0: i32, %arg1: i32) -> (i32, i32) {
    %c0_i32 = arith.constant 0 : i32
    %c0_i32_0 = arith.constant 0 : i32
    %c0_i32_1 = arith.constant 0 : i32
    return %c0_i32, %c0_i32_0 : i32, i32
  }
  func.func @transform_5(%arg0: i32, %arg1: i32) -> (i32, i32, i32, i32) {
    %c0_i32 = arith.constant 0 : i32
    %c0_i32_0 = arith.constant 0 : i32
    %c0_i32_1 = arith.constant 0 : i32
    return %arg0, %arg1, %c0_i32, %c0_i32_0 : i32, i32, i32, i32
  }
  func.func @transform_6(%arg0: i32, %arg1: i32) -> (i32, i32, i32, i32) {
    %c0_i32 = arith.constant 0 : i32
    %c0_i32_0 = arith.constant 0 : i32
    %c0_i32_1 = arith.constant 0 : i32
    return %arg0, %arg1, %c0_i32, %c0_i32_0 : i32, i32, i32, i32
  }
  func.func @transform_7(%arg0: i32, %arg1: i32) -> (i32, i32, i32, i32) {
    %c0_i32 = arith.constant 0 : i32
    %c0_i32_0 = arith.constant 0 : i32
    %c0_i32_1 = arith.constant 0 : i32
    return %arg0, %arg1, %c0_i32, %c0_i32_0 : i32, i32, i32, i32
  }
  func.func @transform_8(%arg0: i32, %arg1: i32) -> (i32, i32, i32, i32) {
    %c0_i32 = arith.constant 0 : i32
    %c0_i32_0 = arith.constant 0 : i32
    %c0_i32_1 = arith.constant 0 : i32
    return %arg0, %arg1, %c0_i32, %c0_i32_0 : i32, i32, i32, i32
  }
  func.func @transform_9(%arg0: i32, %arg1: i32) -> (i32, i32, i32, i32) {
    %c0_i32 = arith.constant 0 : i32
    %c0_i32_0 = arith.constant 0 : i32
    %c0_i32_1 = arith.constant 0 : i32
    return %arg0, %arg1, %c0_i32, %c0_i32_0 : i32, i32, i32, i32
  }
  func.func @transform_10(%arg0: i32, %arg1: i32) -> (i32, i32, i32, i32) {
    %c0_i32 = arith.constant 0 : i32
    %c0_i32_0 = arith.constant 0 : i32
    %c0_i32_1 = arith.constant 0 : i32
    return %arg0, %arg1, %c0_i32, %c0_i32_0 : i32, i32, i32, i32
  }
  func.func @transform_11(%arg0: i32, %arg1: i32) -> (i32, i32, i32) {
    %c0_i32 = arith.constant 0 : i32
    %c0_i32_0 = arith.constant 0 : i32
    %c0_i32_1 = arith.constant 0 : i32
    return %arg0, %c0_i32, %c0_i32_0 : i32, i32, i32
  }
}

module attributes {stable_mosaic.version = 14 : i64} {
  func.func @_select_kernel(%arg0: i32, %arg1: i32, %arg2: memref<1x2048x3xf32, #tpu.memory_space<vmem>>, %arg3: memref<1x3x512xf32, #tpu.memory_space<vmem>>, %arg4: memref<1x2048x256xf32, #tpu.memory_space<vmem>>, %arg5: memref<256x256xf32, #tpu.memory_space<vmem>>, %arg6: memref<1x256xf32, #tpu.memory_space<vmem>>, %arg7: memref<1x1x1x512xi32, #tpu.memory_space<vmem>>, %arg8: memref<1x1x1x512xi32, #tpu.memory_space<vmem>>, %arg9: memref<1x1x1x512xi32, #tpu.memory_space<vmem>>, %arg10: memref<1x1x1x512xf32, #tpu.memory_space<vmem>>, %arg11: memref<1x1x1x512xf32, #tpu.memory_space<vmem>>, %arg12: memref<1x1x1x512xf32, #tpu.memory_space<vmem>>, %arg13: memref<1x2048x256xf32, #tpu.memory_space<vmem>>) attributes {dimension_semantics = [#tpu.dimension_semantics<arbitrary>, #tpu.dimension_semantics<arbitrary>], iteration_bounds = array<i64: 1, 16>, scalar_prefetch = 0 : i64, scratch_operands = 0 : i64, tpu.core_type = #tpu.core_type<tc>, window_params = [{transform_indices = @transform_0, window_bounds = array<i64: 1, 2048, 3>}, {transform_indices = @transform_1, window_bounds = array<i64: 1, 3, 512>}, {transform_indices = @transform_2, window_bounds = array<i64: 1, 2048, 256>}, {pipeline_mode = #tpu.pipeline_mode<synchronous>, transform_indices = @transform_3, window_bounds = array<i64: 256, 256>}, {pipeline_mode = #tpu.pipeline_mode<synchronous>, transform_indices = @transform_4, window_bounds = array<i64: 1, 256>}, {transform_indices = @transform_5, window_bounds = array<i64: 1, 1, 1, 512>}, {transform_indices = @transform_6, window_bounds = array<i64: 1, 1, 1, 512>}, {transform_indices = @transform_7, window_bounds = array<i64: 1, 1, 1, 512>}, {transform_indices = @transform_8, window_bounds = array<i64: 1, 1, 1, 512>}, {transform_indices = @transform_9, window_bounds = array<i64: 1, 1, 1, 512>}, {transform_indices = @transform_10, window_bounds = array<i64: 1, 1, 1, 512>}, {transform_indices = @transform_11, window_bounds = array<i64: 1, 2048, 256>}]} {
    %eq3A = arith.constant 0 : i32
    %eq3A_0 = arith.cmpi eq, %arg1, %eq3A : i32
    %convert_element_type3A = arith.extui %eq3A_0 : i1 to i32
    %cond3A = arith.constant 0 : i32
    %cond3A_1 = arith.cmpi ne, %convert_element_type3A, %cond3A : i32
    scf.if %cond3A_1 {
      %get3A_163 = arith.constant 0 : index
      %get3A_164 = arith.constant 0 : index
      %get3A_165 = arith.constant 0 : index
      %get3A_166 = vector.load %arg4[%get3A_163, %get3A_164, %get3A_165] : memref<1x2048x256xf32, #tpu.memory_space<vmem>>, vector<1x2048x256xf32>
      %get3A_167 = vector.shape_cast %get3A_166 : vector<1x2048x256xf32> to vector<2048x256xf32>
      %get3A_168 = arith.constant 0 : index
      %get3A_169 = arith.constant 0 : index
      %get3A_170 = vector.load %arg5[%get3A_168, %get3A_169] : memref<256x256xf32, #tpu.memory_space<vmem>>, vector<256x256xf32>
      %dot_general3A = arith.constant dense<0.000000e+00> : vector<2048x256xf32>
      %dot_general3A_171 = tpu.matmul %get3A_167, %get3A_170, %dot_general3A {dimension_numbers = #tpu.dot_dimension_numbers<[1], [0], [0], [1], [0, 0, 1, 1], [], []>, transpose_lhs_hint = false} : vector<2048x256xf32>, vector<256x256xf32>, vector<2048x256xf32> -> vector<2048x256xf32>
      %get3A_172 = arith.constant 0 : index
      %get3A_173 = arith.constant 0 : index
      %get3A_174 = vector.load %arg6[%get3A_172, %get3A_173] : memref<1x256xf32, #tpu.memory_space<vmem>>, vector<1x256xf32>
      %add3A_175 = vector.broadcast %get3A_174 : vector<1x256xf32> to vector<2048x256xf32>
      %add3A_176 = arith.addf %dot_general3A_171, %add3A_175 : vector<2048x256xf32>
      %swap3A_177 = arith.constant 0 : index
      %swap3A_178 = arith.constant 0 : index
      %swap3A_179 = arith.constant 0 : index
      %swap3A_180 = vector.load %arg13[%swap3A_177, %swap3A_178, %swap3A_179] : memref<1x2048x256xf32, #tpu.memory_space<vmem>>, vector<1x2048x256xf32>
      %swap3A_181 = vector.shape_cast %swap3A_180 : vector<1x2048x256xf32> to vector<2048x256xf32>
      %swap3A_182 = vector.shape_cast %add3A_176 : vector<2048x256xf32> to vector<1x2048x256xf32>
      tpu.vector_store %arg13[%swap3A_177, %swap3A_178, %swap3A_179], %swap3A_182 {strides = array<i32>} : memref<1x2048x256xf32, #tpu.memory_space<vmem>>, vector<1x2048x256xf32>,
    } else {
    }
    %get3A = arith.constant 0 : index
    %get3A_2 = arith.constant 0 : index
    %get3A_3 = arith.constant 0 : index
    %get3A_4 = vector.load %arg2[%get3A, %get3A_2, %get3A_3] : memref<1x2048x3xf32, #tpu.memory_space<vmem>>, vector<1x2048x3xf32>
    %get3A_5 = vector.shape_cast %get3A_4 : vector<1x2048x3xf32> to vector<2048x3xf32>
    %get3A_6 = arith.constant 0 : index
    %get3A_7 = arith.constant 0 : index
    %get3A_8 = arith.constant 0 : index
    %get3A_9 = vector.load %arg3[%get3A_6, %get3A_7, %get3A_8] : memref<1x3x512xf32, #tpu.memory_space<vmem>>, vector<1x3x512xf32>
    %get3A_10 = vector.shape_cast %get3A_9 : vector<1x3x512xf32> to vector<3x512xf32>
    %slice3A = vector.extract_strided_slice %get3A_5 {offsets = [0, 0], sizes = [2048, 1], strides = [1, 1]} : vector<2048x3xf32> to vector<2048x1xf32>
    %squeeze3A = vector.shape_cast %slice3A : vector<2048x1xf32> to vector<2048xf32>
    %broadcast_in_dim3A = vector.shape_cast %squeeze3A : vector<2048xf32> to vector<2048x1xf32>
    %slice3A_11 = vector.extract_strided_slice %get3A_10 {offsets = [0, 0], sizes = [1, 512], strides = [1, 1]} : vector<3x512xf32> to vector<1x512xf32>
    %squeeze3A_12 = vector.shape_cast %slice3A_11 : vector<1x512xf32> to vector<512xf32>
    %broadcast_in_dim3A_13 = vector.shape_cast %squeeze3A_12 : vector<512xf32> to vector<1x512xf32>
    %sub3A = vector.broadcast %broadcast_in_dim3A : vector<2048x1xf32> to vector<2048x512xf32>
    %sub3A_14 = vector.broadcast %broadcast_in_dim3A_13 : vector<1x512xf32> to vector<2048x512xf32>
    %sub3A_15 = arith.subf %sub3A, %sub3A_14 : vector<2048x512xf32>
    %slice3A_16 = vector.extract_strided_slice %get3A_5 {offsets = [0, 1], sizes = [2048, 1], strides = [1, 1]} : vector<2048x3xf32> to vector<2048x1xf32>
    %squeeze3A_17 = vector.shape_cast %slice3A_16 : vector<2048x1xf32> to vector<2048xf32>
    %broadcast_in_dim3A_18 = vector.shape_cast %squeeze3A_17 : vector<2048xf32> to vector<2048x1xf32>
    %slice3A_19 = vector.extract_strided_slice %get3A_10 {offsets = [1, 0], sizes = [1, 512], strides = [1, 1]} : vector<3x512xf32> to vector<1x512xf32>
    %squeeze3A_20 = vector.shape_cast %slice3A_19 : vector<1x512xf32> to vector<512xf32>
    %broadcast_in_dim3A_21 = vector.shape_cast %squeeze3A_20 : vector<512xf32> to vector<1x512xf32>
    %sub3A_22 = vector.broadcast %broadcast_in_dim3A_18 : vector<2048x1xf32> to vector<2048x512xf32>
    %sub3A_23 = vector.broadcast %broadcast_in_dim3A_21 : vector<1x512xf32> to vector<2048x512xf32>
    %sub3A_24 = arith.subf %sub3A_22, %sub3A_23 : vector<2048x512xf32>
    %slice3A_25 = vector.extract_strided_slice %get3A_5 {offsets = [0, 2], sizes = [2048, 1], strides = [1, 1]} : vector<2048x3xf32> to vector<2048x1xf32>
    %squeeze3A_26 = vector.shape_cast %slice3A_25 : vector<2048x1xf32> to vector<2048xf32>
    %broadcast_in_dim3A_27 = vector.shape_cast %squeeze3A_26 : vector<2048xf32> to vector<2048x1xf32>
    %slice3A_28 = vector.extract_strided_slice %get3A_10 {offsets = [2, 0], sizes = [1, 512], strides = [1, 1]} : vector<3x512xf32> to vector<1x512xf32>
    %squeeze3A_29 = vector.shape_cast %slice3A_28 : vector<1x512xf32> to vector<512xf32>
    %broadcast_in_dim3A_30 = vector.shape_cast %squeeze3A_29 : vector<512xf32> to vector<1x512xf32>
    %sub3A_31 = vector.broadcast %broadcast_in_dim3A_27 : vector<2048x1xf32> to vector<2048x512xf32>
    %sub3A_32 = vector.broadcast %broadcast_in_dim3A_30 : vector<1x512xf32> to vector<2048x512xf32>
    %sub3A_33 = arith.subf %sub3A_31, %sub3A_32 : vector<2048x512xf32>
    %mul3A = arith.mulf %sub3A_15, %sub3A_15 : vector<2048x512xf32>
    %mul3A_34 = arith.mulf %sub3A_24, %sub3A_24 : vector<2048x512xf32>
    %add3A = arith.addf %mul3A, %mul3A_34 : vector<2048x512xf32>
    %mul3A_35 = arith.mulf %sub3A_33, %sub3A_33 : vector<2048x512xf32>
    %add3A_36 = arith.addf %add3A, %mul3A_35 : vector<2048x512xf32>
    %reduce_min3A = arith.constant dense<0x7F800000> : vector<512xf32>
    %reduce_min3A_37 = vector.multi_reduction <minimumf>, %add3A_36, %reduce_min3A [0] : vector<2048x512xf32> to vector<512xf32>
    %broadcast_in_dim3A_38 = vector.shape_cast %reduce_min3A_37 : vector<512xf32> to vector<1x512xf32>
    %eq3A_39 = vector.broadcast %broadcast_in_dim3A_38 : vector<1x512xf32> to vector<2048x512xf32>
    %eq3A_40 = arith.cmpf oeq, %add3A_36, %eq3A_39 : vector<2048x512xf32>
    %jit3A = arith.constant 0x7F800000 : f32
    %broadcast_in_dim3A_41 = vector.broadcast %jit3A : f32 to vector<2048x512xf32>
    %select_n3A = arith.select %eq3A_40, %broadcast_in_dim3A_41, %add3A_36 : vector<2048x512xi1>, vector<2048x512xf32>
    %reduce_min3A_42 = arith.constant dense<0x7F800000> : vector<512xf32>
    %reduce_min3A_43 = vector.multi_reduction <minimumf>, %select_n3A, %reduce_min3A_42 [0] : vector<2048x512xf32> to vector<512xf32>
    %broadcast_in_dim3A_44 = vector.shape_cast %reduce_min3A_43 : vector<512xf32> to vector<1x512xf32>
    %eq3A_45 = vector.broadcast %broadcast_in_dim3A_44 : vector<1x512xf32> to vector<2048x512xf32>
    %eq3A_46 = arith.cmpf oeq, %select_n3A, %eq3A_45 : vector<2048x512xf32>
    %jit3A_47 = arith.constant 0x7F800000 : f32
    %broadcast_in_dim3A_48 = vector.broadcast %jit3A_47 : f32 to vector<2048x512xf32>
    %select_n3A_49 = arith.select %eq3A_46, %broadcast_in_dim3A_48, %select_n3A : vector<2048x512xi1>, vector<2048x512xf32>
    %reduce_min3A_50 = arith.constant dense<0x7F800000> : vector<512xf32>
    %reduce_min3A_51 = vector.multi_reduction <minimumf>, %select_n3A_49, %reduce_min3A_50 [0] : vector<2048x512xf32> to vector<512xf32>
    %broadcast_in_dim3A_52 = vector.shape_cast %reduce_min3A_51 : vector<512xf32> to vector<1x512xf32>
    %add3A_53 = arith.constant 1.000000e-01 : f32
    %add3A_54 = vector.broadcast %add3A_53 : f32 to vector<1x512xf32>
    %add3A_55 = arith.addf %broadcast_in_dim3A_38, %add3A_54 : vector<1x512xf32>
    %div3A = arith.constant 1.000000e+00 : f32
    %div3A_56 = vector.broadcast %div3A : f32 to vector<1x512xf32>
    %div3A_57 = arith.divf %div3A_56, %add3A_55 : vector<1x512xf32>
    %add3A_58 = arith.constant 1.000000e-01 : f32
    %add3A_59 = vector.broadcast %add3A_58 : f32 to vector<1x512xf32>
    %add3A_60 = arith.addf %broadcast_in_dim3A_44, %add3A_59 : vector<1x512xf32>
    %div3A_61 = arith.constant 1.000000e+00 : f32
    %div3A_62 = vector.broadcast %div3A_61 : f32 to vector<1x512xf32>
    %div3A_63 = arith.divf %div3A_62, %add3A_60 : vector<1x512xf32>
    %add3A_64 = arith.constant 1.000000e-01 : f32
    %add3A_65 = vector.broadcast %add3A_64 : f32 to vector<1x512xf32>
    %add3A_66 = arith.addf %broadcast_in_dim3A_52, %add3A_65 : vector<1x512xf32>
    %div3A_67 = arith.constant 1.000000e+00 : f32
    %div3A_68 = vector.broadcast %div3A_67 : f32 to vector<1x512xf32>
    %div3A_69 = arith.divf %div3A_68, %add3A_66 : vector<1x512xf32>
    %add3A_70 = arith.addf %div3A_57, %div3A_63 : vector<1x512xf32>
    %add3A_71 = arith.addf %add3A_70, %div3A_69 : vector<1x512xf32>
    %div3A_72 = arith.divf %div3A_57, %add3A_71 : vector<1x512xf32>
    %swap3A = arith.constant 0 : index
    %swap3A_73 = arith.constant 0 : index
    %swap3A_74 = arith.constant 0 : index
    %swap3A_75 = arith.constant 0 : index
    %swap3A_76 = vector.load %arg10[%swap3A, %swap3A_73, %swap3A_74, %swap3A_75] : memref<1x1x1x512xf32, #tpu.memory_space<vmem>>, vector<1x1x1x512xf32>
    %swap3A_77 = vector.shape_cast %swap3A_76 : vector<1x1x1x512xf32> to vector<1x512xf32>
    %swap3A_78 = vector.shape_cast %div3A_72 : vector<1x512xf32> to vector<1x1x1x512xf32>
    tpu.vector_store %arg10[%swap3A, %swap3A_73, %swap3A_74, %swap3A_75], %swap3A_78 {strides = array<i32>} : memref<1x1x1x512xf32, #tpu.memory_space<vmem>>, vector<1x1x1x512xf32>,
    %div3A_79 = arith.divf %div3A_63, %add3A_71 : vector<1x512xf32>
    %swap3A_80 = arith.constant 0 : index
    %swap3A_81 = arith.constant 0 : index
    %swap3A_82 = arith.constant 0 : index
    %swap3A_83 = arith.constant 0 : index
    %swap3A_84 = vector.load %arg11[%swap3A_80, %swap3A_81, %swap3A_82, %swap3A_83] : memref<1x1x1x512xf32, #tpu.memory_space<vmem>>, vector<1x1x1x512xf32>
    %swap3A_85 = vector.shape_cast %swap3A_84 : vector<1x1x1x512xf32> to vector<1x512xf32>
    %swap3A_86 = vector.shape_cast %div3A_79 : vector<1x512xf32> to vector<1x1x1x512xf32>
    tpu.vector_store %arg11[%swap3A_80, %swap3A_81, %swap3A_82, %swap3A_83], %swap3A_86 {strides = array<i32>} : memref<1x1x1x512xf32, #tpu.memory_space<vmem>>, vector<1x1x1x512xf32>,
    %div3A_87 = arith.divf %div3A_69, %add3A_71 : vector<1x512xf32>
    %swap3A_88 = arith.constant 0 : index
    %swap3A_89 = arith.constant 0 : index
    %swap3A_90 = arith.constant 0 : index
    %swap3A_91 = arith.constant 0 : index
    %swap3A_92 = vector.load %arg12[%swap3A_88, %swap3A_89, %swap3A_90, %swap3A_91] : memref<1x1x1x512xf32, #tpu.memory_space<vmem>>, vector<1x1x1x512xf32>
    %swap3A_93 = vector.shape_cast %swap3A_92 : vector<1x1x1x512xf32> to vector<1x512xf32>
    %swap3A_94 = vector.shape_cast %div3A_87 : vector<1x512xf32> to vector<1x1x1x512xf32>
    tpu.vector_store %arg12[%swap3A_88, %swap3A_89, %swap3A_90, %swap3A_91], %swap3A_94 {strides = array<i32>} : memref<1x1x1x512xf32, #tpu.memory_space<vmem>>, vector<1x1x1x512xf32>,
    %iota3A = tpu.iota {dimensions = array<i32: 0>} : vector<2048x512xi32>
    %mul3A_95 = arith.constant 2048 : i32
    %mul3A_96 = arith.muli %arg0, %mul3A_95 : i32
    %eq3A_97 = vector.broadcast %broadcast_in_dim3A_38 : vector<1x512xf32> to vector<2048x512xf32>
    %eq3A_98 = arith.cmpf oeq, %add3A_36, %eq3A_97 : vector<2048x512xf32>
    %jit3A_99 = arith.constant -1 : i32
    %broadcast_in_dim3A_100 = vector.broadcast %jit3A_99 : i32 to vector<2048x512xi32>
    %select_n3A_101 = arith.select %eq3A_98, %iota3A, %broadcast_in_dim3A_100 : vector<2048x512xi1>, vector<2048x512xi32>
    %reduce_max3A = arith.constant dense<-2147483648> : vector<512xi32>
    %reduce_max3A_102 = vector.multi_reduction <maxsi>, %select_n3A_101, %reduce_max3A [0] : vector<2048x512xi32> to vector<512xi32>
    %broadcast_in_dim3A_103 = vector.shape_cast %reduce_max3A_102 : vector<512xi32> to vector<1x512xi32>
    %jit3A_104 = arith.constant 0 : i32
    %jit3A_105 = arith.constant 2047 : i32
    %max3A = vector.broadcast %jit3A_104 : i32 to vector<1x512xi32>
    %max3A_106 = arith.maxsi %max3A, %broadcast_in_dim3A_103 : vector<1x512xi32>
    %min3A = vector.broadcast %jit3A_105 : i32 to vector<1x512xi32>
    %min3A_107 = arith.minsi %min3A, %max3A_106 : vector<1x512xi32>
    %add3A_108 = vector.broadcast %mul3A_96 : i32 to vector<1x512xi32>
    %add3A_109 = arith.addi %min3A_107, %add3A_108 : vector<1x512xi32>
    %swap3A_110 = arith.constant 0 : index
    %swap3A_111 = arith.constant 0 : index
    %swap3A_112 = arith.constant 0 : index
    %swap3A_113 = arith.constant 0 : index
    %swap3A_114 = vector.load %arg7[%swap3A_110, %swap3A_111, %swap3A_112, %swap3A_113] : memref<1x1x1x512xi32, #tpu.memory_space<vmem>>, vector<1x1x1x512xi32>
    %swap3A_115 = vector.shape_cast %swap3A_114 : vector<1x1x1x512xi32> to vector<1x512xi32>
    %swap3A_116 = vector.shape_cast %add3A_109 : vector<1x512xi32> to vector<1x1x1x512xi32>
    tpu.vector_store %arg7[%swap3A_110, %swap3A_111, %swap3A_112, %swap3A_113], %swap3A_116 {strides = array<i32>} : memref<1x1x1x512xi32, #tpu.memory_space<vmem>>, vector<1x1x1x512xi32>,
    %eq3A_117 = vector.broadcast %broadcast_in_dim3A_44 : vector<1x512xf32> to vector<2048x512xf32>
    %eq3A_118 = arith.cmpf oeq, %add3A_36, %eq3A_117 : vector<2048x512xf32>
    %jit3A_119 = arith.constant -1 : i32
    %broadcast_in_dim3A_120 = vector.broadcast %jit3A_119 : i32 to vector<2048x512xi32>
    %select_n3A_121 = arith.select %eq3A_118, %iota3A, %broadcast_in_dim3A_120 : vector<2048x512xi1>, vector<2048x512xi32>
    %reduce_max3A_122 = arith.constant dense<-2147483648> : vector<512xi32>
    %reduce_max3A_123 = vector.multi_reduction <maxsi>, %select_n3A_121, %reduce_max3A_122 [0] : vector<2048x512xi32> to vector<512xi32>
    %broadcast_in_dim3A_124 = vector.shape_cast %reduce_max3A_123 : vector<512xi32> to vector<1x512xi32>
    %jit3A_125 = arith.constant 0 : i32
    %jit3A_126 = arith.constant 2047 : i32
    %max3A_127 = vector.broadcast %jit3A_125 : i32 to vector<1x512xi32>
    %max3A_128 = arith.maxsi %max3A_127, %broadcast_in_dim3A_124 : vector<1x512xi32>
    %min3A_129 = vector.broadcast %jit3A_126 : i32 to vector<1x512xi32>
    %min3A_130 = arith.minsi %min3A_129, %max3A_128 : vector<1x512xi32>
    %add3A_131 = vector.broadcast %mul3A_96 : i32 to vector<1x512xi32>
    %add3A_132 = arith.addi %min3A_130, %add3A_131 : vector<1x512xi32>
    %swap3A_133 = arith.constant 0 : index
    %swap3A_134 = arith.constant 0 : index
    %swap3A_135 = arith.constant 0 : index
    %swap3A_136 = arith.constant 0 : index
    %swap3A_137 = vector.load %arg8[%swap3A_133, %swap3A_134, %swap3A_135, %swap3A_136] : memref<1x1x1x512xi32, #tpu.memory_space<vmem>>, vector<1x1x1x512xi32>
    %swap3A_138 = vector.shape_cast %swap3A_137 : vector<1x1x1x512xi32> to vector<1x512xi32>
    %swap3A_139 = vector.shape_cast %add3A_132 : vector<1x512xi32> to vector<1x1x1x512xi32>
    tpu.vector_store %arg8[%swap3A_133, %swap3A_134, %swap3A_135, %swap3A_136], %swap3A_139 {strides = array<i32>} : memref<1x1x1x512xi32, #tpu.memory_space<vmem>>, vector<1x1x1x512xi32>,
    %eq3A_140 = vector.broadcast %broadcast_in_dim3A_52 : vector<1x512xf32> to vector<2048x512xf32>
    %eq3A_141 = arith.cmpf oeq, %add3A_36, %eq3A_140 : vector<2048x512xf32>
    %jit3A_142 = arith.constant -1 : i32
    %broadcast_in_dim3A_143 = vector.broadcast %jit3A_142 : i32 to vector<2048x512xi32>
    %select_n3A_144 = arith.select %eq3A_141, %iota3A, %broadcast_in_dim3A_143 : vector<2048x512xi1>, vector<2048x512xi32>
    %reduce_max3A_145 = arith.constant dense<-2147483648> : vector<512xi32>
    %reduce_max3A_146 = vector.multi_reduction <maxsi>, %select_n3A_144, %reduce_max3A_145 [0] : vector<2048x512xi32> to vector<512xi32>
    %broadcast_in_dim3A_147 = vector.shape_cast %reduce_max3A_146 : vector<512xi32> to vector<1x512xi32>
    %jit3A_148 = arith.constant 0 : i32
    %jit3A_149 = arith.constant 2047 : i32
    %max3A_150 = vector.broadcast %jit3A_148 : i32 to vector<1x512xi32>
    %max3A_151 = arith.maxsi %max3A_150, %broadcast_in_dim3A_147 : vector<1x512xi32>
    %min3A_152 = vector.broadcast %jit3A_149 : i32 to vector<1x512xi32>
    %min3A_153 = arith.minsi %min3A_152, %max3A_151 : vector<1x512xi32>
    %add3A_154 = vector.broadcast %mul3A_96 : i32 to vector<1x512xi32>
    %add3A_155 = arith.addi %min3A_153, %add3A_154 : vector<1x512xi32>
    %swap3A_156 = arith.constant 0 : index
    %swap3A_157 = arith.constant 0 : index
    %swap3A_158 = arith.constant 0 : index
    %swap3A_159 = arith.constant 0 : index
    %swap3A_160 = vector.load %arg9[%swap3A_156, %swap3A_157, %swap3A_158, %swap3A_159] : memref<1x1x1x512xi32, #tpu.memory_space<vmem>>, vector<1x1x1x512xi32>
    %swap3A_161 = vector.shape_cast %swap3A_160 : vector<1x1x1x512xi32> to vector<1x512xi32>
    %swap3A_162 = vector.shape_cast %add3A_155 : vector<1x512xi32> to vector<1x1x1x512xi32>
    tpu.vector_store %arg9[%swap3A_156, %swap3A_157, %swap3A_158, %swap3A_159], %swap3A_162 {strides = array<i32>} : memref<1x1x1x512xi32, #tpu.memory_space<vmem>>, vector<1x1x1x512xi32>,
    return
  }
  func.func @transform_0(%arg0: i32, %arg1: i32) -> (i32, i32, i32) {
    %add3A = arith.constant 1 : i32
    %add3A_0 = arith.addi %add3A, %arg0 : i32
    %c0_i32 = arith.constant 0 : i32
    %c0_i32_1 = arith.constant 0 : i32
    %c0_i32_2 = arith.constant 0 : i32
    return %add3A_0, %c0_i32, %c0_i32_1 : i32, i32, i32
  }
  func.func @transform_1(%arg0: i32, %arg1: i32) -> (i32, i32, i32) {
    %add3A = arith.constant 1 : i32
    %add3A_0 = arith.addi %add3A, %arg0 : i32
    %c0_i32 = arith.constant 0 : i32
    %c0_i32_1 = arith.constant 0 : i32
    return %add3A_0, %c0_i32, %arg1 : i32, i32, i32
  }
  func.func @transform_2(%arg0: i32, %arg1: i32) -> (i32, i32, i32) {
    %add3A = arith.constant 1 : i32
    %add3A_0 = arith.addi %add3A, %arg0 : i32
    %c0_i32 = arith.constant 0 : i32
    %c0_i32_1 = arith.constant 0 : i32
    %c0_i32_2 = arith.constant 0 : i32
    return %add3A_0, %c0_i32, %c0_i32_1 : i32, i32, i32
  }
  func.func @transform_3(%arg0: i32, %arg1: i32) -> (i32, i32) {
    %c0_i32 = arith.constant 0 : i32
    %c0_i32_0 = arith.constant 0 : i32
    %c0_i32_1 = arith.constant 0 : i32
    return %c0_i32, %c0_i32_0 : i32, i32
  }
  func.func @transform_4(%arg0: i32, %arg1: i32) -> (i32, i32) {
    %c0_i32 = arith.constant 0 : i32
    %c0_i32_0 = arith.constant 0 : i32
    %c0_i32_1 = arith.constant 0 : i32
    return %c0_i32, %c0_i32_0 : i32, i32
  }
  func.func @transform_5(%arg0: i32, %arg1: i32) -> (i32, i32, i32, i32) {
    %c0_i32 = arith.constant 0 : i32
    %c0_i32_0 = arith.constant 0 : i32
    %c0_i32_1 = arith.constant 0 : i32
    return %arg0, %arg1, %c0_i32, %c0_i32_0 : i32, i32, i32, i32
  }
  func.func @transform_6(%arg0: i32, %arg1: i32) -> (i32, i32, i32, i32) {
    %c0_i32 = arith.constant 0 : i32
    %c0_i32_0 = arith.constant 0 : i32
    %c0_i32_1 = arith.constant 0 : i32
    return %arg0, %arg1, %c0_i32, %c0_i32_0 : i32, i32, i32, i32
  }
  func.func @transform_7(%arg0: i32, %arg1: i32) -> (i32, i32, i32, i32) {
    %c0_i32 = arith.constant 0 : i32
    %c0_i32_0 = arith.constant 0 : i32
    %c0_i32_1 = arith.constant 0 : i32
    return %arg0, %arg1, %c0_i32, %c0_i32_0 : i32, i32, i32, i32
  }
  func.func @transform_8(%arg0: i32, %arg1: i32) -> (i32, i32, i32, i32) {
    %c0_i32 = arith.constant 0 : i32
    %c0_i32_0 = arith.constant 0 : i32
    %c0_i32_1 = arith.constant 0 : i32
    return %arg0, %arg1, %c0_i32, %c0_i32_0 : i32, i32, i32, i32
  }
  func.func @transform_9(%arg0: i32, %arg1: i32) -> (i32, i32, i32, i32) {
    %c0_i32 = arith.constant 0 : i32
    %c0_i32_0 = arith.constant 0 : i32
    %c0_i32_1 = arith.constant 0 : i32
    return %arg0, %arg1, %c0_i32, %c0_i32_0 : i32, i32, i32, i32
  }
  func.func @transform_10(%arg0: i32, %arg1: i32) -> (i32, i32, i32, i32) {
    %c0_i32 = arith.constant 0 : i32
    %c0_i32_0 = arith.constant 0 : i32
    %c0_i32_1 = arith.constant 0 : i32
    return %arg0, %arg1, %c0_i32, %c0_i32_0 : i32, i32, i32, i32
  }
  func.func @transform_11(%arg0: i32, %arg1: i32) -> (i32, i32, i32) {
    %c0_i32 = arith.constant 0 : i32
    %c0_i32_0 = arith.constant 0 : i32
    %c0_i32_1 = arith.constant 0 : i32
    return %arg0, %c0_i32, %c0_i32_0 : i32, i32, i32
  }
}

module attributes {stable_mosaic.version = 14 : i64} {
  func.func @_select_kernel(%arg0: i32, %arg1: i32, %arg2: memref<1x2048x3xf32, #tpu.memory_space<vmem>>, %arg3: memref<1x3x512xf32, #tpu.memory_space<vmem>>, %arg4: memref<1x2048x256xf32, #tpu.memory_space<vmem>>, %arg5: memref<256x256xf32, #tpu.memory_space<vmem>>, %arg6: memref<1x256xf32, #tpu.memory_space<vmem>>, %arg7: memref<1x1x1x512xi32, #tpu.memory_space<vmem>>, %arg8: memref<1x1x1x512xi32, #tpu.memory_space<vmem>>, %arg9: memref<1x1x1x512xi32, #tpu.memory_space<vmem>>, %arg10: memref<1x1x1x512xf32, #tpu.memory_space<vmem>>, %arg11: memref<1x1x1x512xf32, #tpu.memory_space<vmem>>, %arg12: memref<1x1x1x512xf32, #tpu.memory_space<vmem>>, %arg13: memref<1x2048x256xf32, #tpu.memory_space<vmem>>) attributes {dimension_semantics = [#tpu.dimension_semantics<arbitrary>, #tpu.dimension_semantics<arbitrary>], iteration_bounds = array<i64: 1, 16>, scalar_prefetch = 0 : i64, scratch_operands = 0 : i64, tpu.core_type = #tpu.core_type<tc>, window_params = [{transform_indices = @transform_0, window_bounds = array<i64: 1, 2048, 3>}, {transform_indices = @transform_1, window_bounds = array<i64: 1, 3, 512>}, {transform_indices = @transform_2, window_bounds = array<i64: 1, 2048, 256>}, {pipeline_mode = #tpu.pipeline_mode<synchronous>, transform_indices = @transform_3, window_bounds = array<i64: 256, 256>}, {pipeline_mode = #tpu.pipeline_mode<synchronous>, transform_indices = @transform_4, window_bounds = array<i64: 1, 256>}, {transform_indices = @transform_5, window_bounds = array<i64: 1, 1, 1, 512>}, {transform_indices = @transform_6, window_bounds = array<i64: 1, 1, 1, 512>}, {transform_indices = @transform_7, window_bounds = array<i64: 1, 1, 1, 512>}, {transform_indices = @transform_8, window_bounds = array<i64: 1, 1, 1, 512>}, {transform_indices = @transform_9, window_bounds = array<i64: 1, 1, 1, 512>}, {transform_indices = @transform_10, window_bounds = array<i64: 1, 1, 1, 512>}, {transform_indices = @transform_11, window_bounds = array<i64: 1, 2048, 256>}]} {
    %eq3A = arith.constant 0 : i32
    %eq3A_0 = arith.cmpi eq, %arg1, %eq3A : i32
    %convert_element_type3A = arith.extui %eq3A_0 : i1 to i32
    %cond3A = arith.constant 0 : i32
    %cond3A_1 = arith.cmpi ne, %convert_element_type3A, %cond3A : i32
    scf.if %cond3A_1 {
      %get3A_163 = arith.constant 0 : index
      %get3A_164 = arith.constant 0 : index
      %get3A_165 = arith.constant 0 : index
      %get3A_166 = vector.load %arg4[%get3A_163, %get3A_164, %get3A_165] : memref<1x2048x256xf32, #tpu.memory_space<vmem>>, vector<1x2048x256xf32>
      %get3A_167 = vector.shape_cast %get3A_166 : vector<1x2048x256xf32> to vector<2048x256xf32>
      %get3A_168 = arith.constant 0 : index
      %get3A_169 = arith.constant 0 : index
      %get3A_170 = vector.load %arg5[%get3A_168, %get3A_169] : memref<256x256xf32, #tpu.memory_space<vmem>>, vector<256x256xf32>
      %dot_general3A = arith.constant dense<0.000000e+00> : vector<2048x256xf32>
      %dot_general3A_171 = tpu.matmul %get3A_167, %get3A_170, %dot_general3A {dimension_numbers = #tpu.dot_dimension_numbers<[1], [0], [0], [1], [0, 0, 1, 1], [], []>, transpose_lhs_hint = false} : vector<2048x256xf32>, vector<256x256xf32>, vector<2048x256xf32> -> vector<2048x256xf32>
      %get3A_172 = arith.constant 0 : index
      %get3A_173 = arith.constant 0 : index
      %get3A_174 = vector.load %arg6[%get3A_172, %get3A_173] : memref<1x256xf32, #tpu.memory_space<vmem>>, vector<1x256xf32>
      %add3A_175 = vector.broadcast %get3A_174 : vector<1x256xf32> to vector<2048x256xf32>
      %add3A_176 = arith.addf %dot_general3A_171, %add3A_175 : vector<2048x256xf32>
      %swap3A_177 = arith.constant 0 : index
      %swap3A_178 = arith.constant 0 : index
      %swap3A_179 = arith.constant 0 : index
      %swap3A_180 = vector.load %arg13[%swap3A_177, %swap3A_178, %swap3A_179] : memref<1x2048x256xf32, #tpu.memory_space<vmem>>, vector<1x2048x256xf32>
      %swap3A_181 = vector.shape_cast %swap3A_180 : vector<1x2048x256xf32> to vector<2048x256xf32>
      %swap3A_182 = vector.shape_cast %add3A_176 : vector<2048x256xf32> to vector<1x2048x256xf32>
      tpu.vector_store %arg13[%swap3A_177, %swap3A_178, %swap3A_179], %swap3A_182 {strides = array<i32>} : memref<1x2048x256xf32, #tpu.memory_space<vmem>>, vector<1x2048x256xf32>,
    } else {
    }
    %get3A = arith.constant 0 : index
    %get3A_2 = arith.constant 0 : index
    %get3A_3 = arith.constant 0 : index
    %get3A_4 = vector.load %arg2[%get3A, %get3A_2, %get3A_3] : memref<1x2048x3xf32, #tpu.memory_space<vmem>>, vector<1x2048x3xf32>
    %get3A_5 = vector.shape_cast %get3A_4 : vector<1x2048x3xf32> to vector<2048x3xf32>
    %get3A_6 = arith.constant 0 : index
    %get3A_7 = arith.constant 0 : index
    %get3A_8 = arith.constant 0 : index
    %get3A_9 = vector.load %arg3[%get3A_6, %get3A_7, %get3A_8] : memref<1x3x512xf32, #tpu.memory_space<vmem>>, vector<1x3x512xf32>
    %get3A_10 = vector.shape_cast %get3A_9 : vector<1x3x512xf32> to vector<3x512xf32>
    %slice3A = vector.extract_strided_slice %get3A_5 {offsets = [0, 0], sizes = [2048, 1], strides = [1, 1]} : vector<2048x3xf32> to vector<2048x1xf32>
    %squeeze3A = vector.shape_cast %slice3A : vector<2048x1xf32> to vector<2048xf32>
    %broadcast_in_dim3A = vector.shape_cast %squeeze3A : vector<2048xf32> to vector<2048x1xf32>
    %slice3A_11 = vector.extract_strided_slice %get3A_10 {offsets = [0, 0], sizes = [1, 512], strides = [1, 1]} : vector<3x512xf32> to vector<1x512xf32>
    %squeeze3A_12 = vector.shape_cast %slice3A_11 : vector<1x512xf32> to vector<512xf32>
    %broadcast_in_dim3A_13 = vector.shape_cast %squeeze3A_12 : vector<512xf32> to vector<1x512xf32>
    %sub3A = vector.broadcast %broadcast_in_dim3A : vector<2048x1xf32> to vector<2048x512xf32>
    %sub3A_14 = vector.broadcast %broadcast_in_dim3A_13 : vector<1x512xf32> to vector<2048x512xf32>
    %sub3A_15 = arith.subf %sub3A, %sub3A_14 : vector<2048x512xf32>
    %slice3A_16 = vector.extract_strided_slice %get3A_5 {offsets = [0, 1], sizes = [2048, 1], strides = [1, 1]} : vector<2048x3xf32> to vector<2048x1xf32>
    %squeeze3A_17 = vector.shape_cast %slice3A_16 : vector<2048x1xf32> to vector<2048xf32>
    %broadcast_in_dim3A_18 = vector.shape_cast %squeeze3A_17 : vector<2048xf32> to vector<2048x1xf32>
    %slice3A_19 = vector.extract_strided_slice %get3A_10 {offsets = [1, 0], sizes = [1, 512], strides = [1, 1]} : vector<3x512xf32> to vector<1x512xf32>
    %squeeze3A_20 = vector.shape_cast %slice3A_19 : vector<1x512xf32> to vector<512xf32>
    %broadcast_in_dim3A_21 = vector.shape_cast %squeeze3A_20 : vector<512xf32> to vector<1x512xf32>
    %sub3A_22 = vector.broadcast %broadcast_in_dim3A_18 : vector<2048x1xf32> to vector<2048x512xf32>
    %sub3A_23 = vector.broadcast %broadcast_in_dim3A_21 : vector<1x512xf32> to vector<2048x512xf32>
    %sub3A_24 = arith.subf %sub3A_22, %sub3A_23 : vector<2048x512xf32>
    %slice3A_25 = vector.extract_strided_slice %get3A_5 {offsets = [0, 2], sizes = [2048, 1], strides = [1, 1]} : vector<2048x3xf32> to vector<2048x1xf32>
    %squeeze3A_26 = vector.shape_cast %slice3A_25 : vector<2048x1xf32> to vector<2048xf32>
    %broadcast_in_dim3A_27 = vector.shape_cast %squeeze3A_26 : vector<2048xf32> to vector<2048x1xf32>
    %slice3A_28 = vector.extract_strided_slice %get3A_10 {offsets = [2, 0], sizes = [1, 512], strides = [1, 1]} : vector<3x512xf32> to vector<1x512xf32>
    %squeeze3A_29 = vector.shape_cast %slice3A_28 : vector<1x512xf32> to vector<512xf32>
    %broadcast_in_dim3A_30 = vector.shape_cast %squeeze3A_29 : vector<512xf32> to vector<1x512xf32>
    %sub3A_31 = vector.broadcast %broadcast_in_dim3A_27 : vector<2048x1xf32> to vector<2048x512xf32>
    %sub3A_32 = vector.broadcast %broadcast_in_dim3A_30 : vector<1x512xf32> to vector<2048x512xf32>
    %sub3A_33 = arith.subf %sub3A_31, %sub3A_32 : vector<2048x512xf32>
    %mul3A = arith.mulf %sub3A_15, %sub3A_15 : vector<2048x512xf32>
    %mul3A_34 = arith.mulf %sub3A_24, %sub3A_24 : vector<2048x512xf32>
    %add3A = arith.addf %mul3A, %mul3A_34 : vector<2048x512xf32>
    %mul3A_35 = arith.mulf %sub3A_33, %sub3A_33 : vector<2048x512xf32>
    %add3A_36 = arith.addf %add3A, %mul3A_35 : vector<2048x512xf32>
    %reduce_min3A = arith.constant dense<0x7F800000> : vector<512xf32>
    %reduce_min3A_37 = vector.multi_reduction <minimumf>, %add3A_36, %reduce_min3A [0] : vector<2048x512xf32> to vector<512xf32>
    %broadcast_in_dim3A_38 = vector.shape_cast %reduce_min3A_37 : vector<512xf32> to vector<1x512xf32>
    %eq3A_39 = vector.broadcast %broadcast_in_dim3A_38 : vector<1x512xf32> to vector<2048x512xf32>
    %eq3A_40 = arith.cmpf oeq, %add3A_36, %eq3A_39 : vector<2048x512xf32>
    %jit3A = arith.constant 0x7F800000 : f32
    %broadcast_in_dim3A_41 = vector.broadcast %jit3A : f32 to vector<2048x512xf32>
    %select_n3A = arith.select %eq3A_40, %broadcast_in_dim3A_41, %add3A_36 : vector<2048x512xi1>, vector<2048x512xf32>
    %reduce_min3A_42 = arith.constant dense<0x7F800000> : vector<512xf32>
    %reduce_min3A_43 = vector.multi_reduction <minimumf>, %select_n3A, %reduce_min3A_42 [0] : vector<2048x512xf32> to vector<512xf32>
    %broadcast_in_dim3A_44 = vector.shape_cast %reduce_min3A_43 : vector<512xf32> to vector<1x512xf32>
    %eq3A_45 = vector.broadcast %broadcast_in_dim3A_44 : vector<1x512xf32> to vector<2048x512xf32>
    %eq3A_46 = arith.cmpf oeq, %select_n3A, %eq3A_45 : vector<2048x512xf32>
    %jit3A_47 = arith.constant 0x7F800000 : f32
    %broadcast_in_dim3A_48 = vector.broadcast %jit3A_47 : f32 to vector<2048x512xf32>
    %select_n3A_49 = arith.select %eq3A_46, %broadcast_in_dim3A_48, %select_n3A : vector<2048x512xi1>, vector<2048x512xf32>
    %reduce_min3A_50 = arith.constant dense<0x7F800000> : vector<512xf32>
    %reduce_min3A_51 = vector.multi_reduction <minimumf>, %select_n3A_49, %reduce_min3A_50 [0] : vector<2048x512xf32> to vector<512xf32>
    %broadcast_in_dim3A_52 = vector.shape_cast %reduce_min3A_51 : vector<512xf32> to vector<1x512xf32>
    %add3A_53 = arith.constant 1.000000e-01 : f32
    %add3A_54 = vector.broadcast %add3A_53 : f32 to vector<1x512xf32>
    %add3A_55 = arith.addf %broadcast_in_dim3A_38, %add3A_54 : vector<1x512xf32>
    %div3A = arith.constant 1.000000e+00 : f32
    %div3A_56 = vector.broadcast %div3A : f32 to vector<1x512xf32>
    %div3A_57 = arith.divf %div3A_56, %add3A_55 : vector<1x512xf32>
    %add3A_58 = arith.constant 1.000000e-01 : f32
    %add3A_59 = vector.broadcast %add3A_58 : f32 to vector<1x512xf32>
    %add3A_60 = arith.addf %broadcast_in_dim3A_44, %add3A_59 : vector<1x512xf32>
    %div3A_61 = arith.constant 1.000000e+00 : f32
    %div3A_62 = vector.broadcast %div3A_61 : f32 to vector<1x512xf32>
    %div3A_63 = arith.divf %div3A_62, %add3A_60 : vector<1x512xf32>
    %add3A_64 = arith.constant 1.000000e-01 : f32
    %add3A_65 = vector.broadcast %add3A_64 : f32 to vector<1x512xf32>
    %add3A_66 = arith.addf %broadcast_in_dim3A_52, %add3A_65 : vector<1x512xf32>
    %div3A_67 = arith.constant 1.000000e+00 : f32
    %div3A_68 = vector.broadcast %div3A_67 : f32 to vector<1x512xf32>
    %div3A_69 = arith.divf %div3A_68, %add3A_66 : vector<1x512xf32>
    %add3A_70 = arith.addf %div3A_57, %div3A_63 : vector<1x512xf32>
    %add3A_71 = arith.addf %add3A_70, %div3A_69 : vector<1x512xf32>
    %div3A_72 = arith.divf %div3A_57, %add3A_71 : vector<1x512xf32>
    %swap3A = arith.constant 0 : index
    %swap3A_73 = arith.constant 0 : index
    %swap3A_74 = arith.constant 0 : index
    %swap3A_75 = arith.constant 0 : index
    %swap3A_76 = vector.load %arg10[%swap3A, %swap3A_73, %swap3A_74, %swap3A_75] : memref<1x1x1x512xf32, #tpu.memory_space<vmem>>, vector<1x1x1x512xf32>
    %swap3A_77 = vector.shape_cast %swap3A_76 : vector<1x1x1x512xf32> to vector<1x512xf32>
    %swap3A_78 = vector.shape_cast %div3A_72 : vector<1x512xf32> to vector<1x1x1x512xf32>
    tpu.vector_store %arg10[%swap3A, %swap3A_73, %swap3A_74, %swap3A_75], %swap3A_78 {strides = array<i32>} : memref<1x1x1x512xf32, #tpu.memory_space<vmem>>, vector<1x1x1x512xf32>,
    %div3A_79 = arith.divf %div3A_63, %add3A_71 : vector<1x512xf32>
    %swap3A_80 = arith.constant 0 : index
    %swap3A_81 = arith.constant 0 : index
    %swap3A_82 = arith.constant 0 : index
    %swap3A_83 = arith.constant 0 : index
    %swap3A_84 = vector.load %arg11[%swap3A_80, %swap3A_81, %swap3A_82, %swap3A_83] : memref<1x1x1x512xf32, #tpu.memory_space<vmem>>, vector<1x1x1x512xf32>
    %swap3A_85 = vector.shape_cast %swap3A_84 : vector<1x1x1x512xf32> to vector<1x512xf32>
    %swap3A_86 = vector.shape_cast %div3A_79 : vector<1x512xf32> to vector<1x1x1x512xf32>
    tpu.vector_store %arg11[%swap3A_80, %swap3A_81, %swap3A_82, %swap3A_83], %swap3A_86 {strides = array<i32>} : memref<1x1x1x512xf32, #tpu.memory_space<vmem>>, vector<1x1x1x512xf32>,
    %div3A_87 = arith.divf %div3A_69, %add3A_71 : vector<1x512xf32>
    %swap3A_88 = arith.constant 0 : index
    %swap3A_89 = arith.constant 0 : index
    %swap3A_90 = arith.constant 0 : index
    %swap3A_91 = arith.constant 0 : index
    %swap3A_92 = vector.load %arg12[%swap3A_88, %swap3A_89, %swap3A_90, %swap3A_91] : memref<1x1x1x512xf32, #tpu.memory_space<vmem>>, vector<1x1x1x512xf32>
    %swap3A_93 = vector.shape_cast %swap3A_92 : vector<1x1x1x512xf32> to vector<1x512xf32>
    %swap3A_94 = vector.shape_cast %div3A_87 : vector<1x512xf32> to vector<1x1x1x512xf32>
    tpu.vector_store %arg12[%swap3A_88, %swap3A_89, %swap3A_90, %swap3A_91], %swap3A_94 {strides = array<i32>} : memref<1x1x1x512xf32, #tpu.memory_space<vmem>>, vector<1x1x1x512xf32>,
    %iota3A = tpu.iota {dimensions = array<i32: 0>} : vector<2048x512xi32>
    %mul3A_95 = arith.constant 2048 : i32
    %mul3A_96 = arith.muli %arg0, %mul3A_95 : i32
    %eq3A_97 = vector.broadcast %broadcast_in_dim3A_38 : vector<1x512xf32> to vector<2048x512xf32>
    %eq3A_98 = arith.cmpf oeq, %add3A_36, %eq3A_97 : vector<2048x512xf32>
    %jit3A_99 = arith.constant -1 : i32
    %broadcast_in_dim3A_100 = vector.broadcast %jit3A_99 : i32 to vector<2048x512xi32>
    %select_n3A_101 = arith.select %eq3A_98, %iota3A, %broadcast_in_dim3A_100 : vector<2048x512xi1>, vector<2048x512xi32>
    %reduce_max3A = arith.constant dense<-2147483648> : vector<512xi32>
    %reduce_max3A_102 = vector.multi_reduction <maxsi>, %select_n3A_101, %reduce_max3A [0] : vector<2048x512xi32> to vector<512xi32>
    %broadcast_in_dim3A_103 = vector.shape_cast %reduce_max3A_102 : vector<512xi32> to vector<1x512xi32>
    %jit3A_104 = arith.constant 0 : i32
    %jit3A_105 = arith.constant 2047 : i32
    %max3A = vector.broadcast %jit3A_104 : i32 to vector<1x512xi32>
    %max3A_106 = arith.maxsi %max3A, %broadcast_in_dim3A_103 : vector<1x512xi32>
    %min3A = vector.broadcast %jit3A_105 : i32 to vector<1x512xi32>
    %min3A_107 = arith.minsi %min3A, %max3A_106 : vector<1x512xi32>
    %add3A_108 = vector.broadcast %mul3A_96 : i32 to vector<1x512xi32>
    %add3A_109 = arith.addi %min3A_107, %add3A_108 : vector<1x512xi32>
    %swap3A_110 = arith.constant 0 : index
    %swap3A_111 = arith.constant 0 : index
    %swap3A_112 = arith.constant 0 : index
    %swap3A_113 = arith.constant 0 : index
    %swap3A_114 = vector.load %arg7[%swap3A_110, %swap3A_111, %swap3A_112, %swap3A_113] : memref<1x1x1x512xi32, #tpu.memory_space<vmem>>, vector<1x1x1x512xi32>
    %swap3A_115 = vector.shape_cast %swap3A_114 : vector<1x1x1x512xi32> to vector<1x512xi32>
    %swap3A_116 = vector.shape_cast %add3A_109 : vector<1x512xi32> to vector<1x1x1x512xi32>
    tpu.vector_store %arg7[%swap3A_110, %swap3A_111, %swap3A_112, %swap3A_113], %swap3A_116 {strides = array<i32>} : memref<1x1x1x512xi32, #tpu.memory_space<vmem>>, vector<1x1x1x512xi32>,
    %eq3A_117 = vector.broadcast %broadcast_in_dim3A_44 : vector<1x512xf32> to vector<2048x512xf32>
    %eq3A_118 = arith.cmpf oeq, %add3A_36, %eq3A_117 : vector<2048x512xf32>
    %jit3A_119 = arith.constant -1 : i32
    %broadcast_in_dim3A_120 = vector.broadcast %jit3A_119 : i32 to vector<2048x512xi32>
    %select_n3A_121 = arith.select %eq3A_118, %iota3A, %broadcast_in_dim3A_120 : vector<2048x512xi1>, vector<2048x512xi32>
    %reduce_max3A_122 = arith.constant dense<-2147483648> : vector<512xi32>
    %reduce_max3A_123 = vector.multi_reduction <maxsi>, %select_n3A_121, %reduce_max3A_122 [0] : vector<2048x512xi32> to vector<512xi32>
    %broadcast_in_dim3A_124 = vector.shape_cast %reduce_max3A_123 : vector<512xi32> to vector<1x512xi32>
    %jit3A_125 = arith.constant 0 : i32
    %jit3A_126 = arith.constant 2047 : i32
    %max3A_127 = vector.broadcast %jit3A_125 : i32 to vector<1x512xi32>
    %max3A_128 = arith.maxsi %max3A_127, %broadcast_in_dim3A_124 : vector<1x512xi32>
    %min3A_129 = vector.broadcast %jit3A_126 : i32 to vector<1x512xi32>
    %min3A_130 = arith.minsi %min3A_129, %max3A_128 : vector<1x512xi32>
    %add3A_131 = vector.broadcast %mul3A_96 : i32 to vector<1x512xi32>
    %add3A_132 = arith.addi %min3A_130, %add3A_131 : vector<1x512xi32>
    %swap3A_133 = arith.constant 0 : index
    %swap3A_134 = arith.constant 0 : index
    %swap3A_135 = arith.constant 0 : index
    %swap3A_136 = arith.constant 0 : index
    %swap3A_137 = vector.load %arg8[%swap3A_133, %swap3A_134, %swap3A_135, %swap3A_136] : memref<1x1x1x512xi32, #tpu.memory_space<vmem>>, vector<1x1x1x512xi32>
    %swap3A_138 = vector.shape_cast %swap3A_137 : vector<1x1x1x512xi32> to vector<1x512xi32>
    %swap3A_139 = vector.shape_cast %add3A_132 : vector<1x512xi32> to vector<1x1x1x512xi32>
    tpu.vector_store %arg8[%swap3A_133, %swap3A_134, %swap3A_135, %swap3A_136], %swap3A_139 {strides = array<i32>} : memref<1x1x1x512xi32, #tpu.memory_space<vmem>>, vector<1x1x1x512xi32>,
    %eq3A_140 = vector.broadcast %broadcast_in_dim3A_52 : vector<1x512xf32> to vector<2048x512xf32>
    %eq3A_141 = arith.cmpf oeq, %add3A_36, %eq3A_140 : vector<2048x512xf32>
    %jit3A_142 = arith.constant -1 : i32
    %broadcast_in_dim3A_143 = vector.broadcast %jit3A_142 : i32 to vector<2048x512xi32>
    %select_n3A_144 = arith.select %eq3A_141, %iota3A, %broadcast_in_dim3A_143 : vector<2048x512xi1>, vector<2048x512xi32>
    %reduce_max3A_145 = arith.constant dense<-2147483648> : vector<512xi32>
    %reduce_max3A_146 = vector.multi_reduction <maxsi>, %select_n3A_144, %reduce_max3A_145 [0] : vector<2048x512xi32> to vector<512xi32>
    %broadcast_in_dim3A_147 = vector.shape_cast %reduce_max3A_146 : vector<512xi32> to vector<1x512xi32>
    %jit3A_148 = arith.constant 0 : i32
    %jit3A_149 = arith.constant 2047 : i32
    %max3A_150 = vector.broadcast %jit3A_148 : i32 to vector<1x512xi32>
    %max3A_151 = arith.maxsi %max3A_150, %broadcast_in_dim3A_147 : vector<1x512xi32>
    %min3A_152 = vector.broadcast %jit3A_149 : i32 to vector<1x512xi32>
    %min3A_153 = arith.minsi %min3A_152, %max3A_151 : vector<1x512xi32>
    %add3A_154 = vector.broadcast %mul3A_96 : i32 to vector<1x512xi32>
    %add3A_155 = arith.addi %min3A_153, %add3A_154 : vector<1x512xi32>
    %swap3A_156 = arith.constant 0 : index
    %swap3A_157 = arith.constant 0 : index
    %swap3A_158 = arith.constant 0 : index
    %swap3A_159 = arith.constant 0 : index
    %swap3A_160 = vector.load %arg9[%swap3A_156, %swap3A_157, %swap3A_158, %swap3A_159] : memref<1x1x1x512xi32, #tpu.memory_space<vmem>>, vector<1x1x1x512xi32>
    %swap3A_161 = vector.shape_cast %swap3A_160 : vector<1x1x1x512xi32> to vector<1x512xi32>
    %swap3A_162 = vector.shape_cast %add3A_155 : vector<1x512xi32> to vector<1x1x1x512xi32>
    tpu.vector_store %arg9[%swap3A_156, %swap3A_157, %swap3A_158, %swap3A_159], %swap3A_162 {strides = array<i32>} : memref<1x1x1x512xi32, #tpu.memory_space<vmem>>, vector<1x1x1x512xi32>,
    return
  }
  func.func @transform_0(%arg0: i32, %arg1: i32) -> (i32, i32, i32) {
    %add3A = arith.constant 2 : i32
    %add3A_0 = arith.addi %add3A, %arg0 : i32
    %c0_i32 = arith.constant 0 : i32
    %c0_i32_1 = arith.constant 0 : i32
    %c0_i32_2 = arith.constant 0 : i32
    return %add3A_0, %c0_i32, %c0_i32_1 : i32, i32, i32
  }
  func.func @transform_1(%arg0: i32, %arg1: i32) -> (i32, i32, i32) {
    %add3A = arith.constant 2 : i32
    %add3A_0 = arith.addi %add3A, %arg0 : i32
    %c0_i32 = arith.constant 0 : i32
    %c0_i32_1 = arith.constant 0 : i32
    return %add3A_0, %c0_i32, %arg1 : i32, i32, i32
  }
  func.func @transform_2(%arg0: i32, %arg1: i32) -> (i32, i32, i32) {
    %add3A = arith.constant 2 : i32
    %add3A_0 = arith.addi %add3A, %arg0 : i32
    %c0_i32 = arith.constant 0 : i32
    %c0_i32_1 = arith.constant 0 : i32
    %c0_i32_2 = arith.constant 0 : i32
    return %add3A_0, %c0_i32, %c0_i32_1 : i32, i32, i32
  }
  func.func @transform_3(%arg0: i32, %arg1: i32) -> (i32, i32) {
    %c0_i32 = arith.constant 0 : i32
    %c0_i32_0 = arith.constant 0 : i32
    %c0_i32_1 = arith.constant 0 : i32
    return %c0_i32, %c0_i32_0 : i32, i32
  }
  func.func @transform_4(%arg0: i32, %arg1: i32) -> (i32, i32) {
    %c0_i32 = arith.constant 0 : i32
    %c0_i32_0 = arith.constant 0 : i32
    %c0_i32_1 = arith.constant 0 : i32
    return %c0_i32, %c0_i32_0 : i32, i32
  }
  func.func @transform_5(%arg0: i32, %arg1: i32) -> (i32, i32, i32, i32) {
    %c0_i32 = arith.constant 0 : i32
    %c0_i32_0 = arith.constant 0 : i32
    %c0_i32_1 = arith.constant 0 : i32
    return %arg0, %arg1, %c0_i32, %c0_i32_0 : i32, i32, i32, i32
  }
  func.func @transform_6(%arg0: i32, %arg1: i32) -> (i32, i32, i32, i32) {
    %c0_i32 = arith.constant 0 : i32
    %c0_i32_0 = arith.constant 0 : i32
    %c0_i32_1 = arith.constant 0 : i32
    return %arg0, %arg1, %c0_i32, %c0_i32_0 : i32, i32, i32, i32
  }
  func.func @transform_7(%arg0: i32, %arg1: i32) -> (i32, i32, i32, i32) {
    %c0_i32 = arith.constant 0 : i32
    %c0_i32_0 = arith.constant 0 : i32
    %c0_i32_1 = arith.constant 0 : i32
    return %arg0, %arg1, %c0_i32, %c0_i32_0 : i32, i32, i32, i32
  }
  func.func @transform_8(%arg0: i32, %arg1: i32) -> (i32, i32, i32, i32) {
    %c0_i32 = arith.constant 0 : i32
    %c0_i32_0 = arith.constant 0 : i32
    %c0_i32_1 = arith.constant 0 : i32
    return %arg0, %arg1, %c0_i32, %c0_i32_0 : i32, i32, i32, i32
  }
  func.func @transform_9(%arg0: i32, %arg1: i32) -> (i32, i32, i32, i32) {
    %c0_i32 = arith.constant 0 : i32
    %c0_i32_0 = arith.constant 0 : i32
    %c0_i32_1 = arith.constant 0 : i32
    return %arg0, %arg1, %c0_i32, %c0_i32_0 : i32, i32, i32, i32
  }
  func.func @transform_10(%arg0: i32, %arg1: i32) -> (i32, i32, i32, i32) {
    %c0_i32 = arith.constant 0 : i32
    %c0_i32_0 = arith.constant 0 : i32
    %c0_i32_1 = arith.constant 0 : i32
    return %arg0, %arg1, %c0_i32, %c0_i32_0 : i32, i32, i32, i32
  }
  func.func @transform_11(%arg0: i32, %arg1: i32) -> (i32, i32, i32) {
    %c0_i32 = arith.constant 0 : i32
    %c0_i32_0 = arith.constant 0 : i32
    %c0_i32_1 = arith.constant 0 : i32
    return %arg0, %c0_i32, %c0_i32_0 : i32, i32, i32
  }
}

module attributes {stable_mosaic.version = 14 : i64} {
  func.func @_select_kernel(%arg0: i32, %arg1: i32, %arg2: memref<1x2048x3xf32, #tpu.memory_space<vmem>>, %arg3: memref<1x3x512xf32, #tpu.memory_space<vmem>>, %arg4: memref<1x2048x256xf32, #tpu.memory_space<vmem>>, %arg5: memref<256x256xf32, #tpu.memory_space<vmem>>, %arg6: memref<1x256xf32, #tpu.memory_space<vmem>>, %arg7: memref<1x1x1x512xi32, #tpu.memory_space<vmem>>, %arg8: memref<1x1x1x512xi32, #tpu.memory_space<vmem>>, %arg9: memref<1x1x1x512xi32, #tpu.memory_space<vmem>>, %arg10: memref<1x1x1x512xf32, #tpu.memory_space<vmem>>, %arg11: memref<1x1x1x512xf32, #tpu.memory_space<vmem>>, %arg12: memref<1x1x1x512xf32, #tpu.memory_space<vmem>>, %arg13: memref<1x2048x256xf32, #tpu.memory_space<vmem>>) attributes {dimension_semantics = [#tpu.dimension_semantics<arbitrary>, #tpu.dimension_semantics<arbitrary>], iteration_bounds = array<i64: 1, 16>, scalar_prefetch = 0 : i64, scratch_operands = 0 : i64, tpu.core_type = #tpu.core_type<tc>, window_params = [{transform_indices = @transform_0, window_bounds = array<i64: 1, 2048, 3>}, {transform_indices = @transform_1, window_bounds = array<i64: 1, 3, 512>}, {transform_indices = @transform_2, window_bounds = array<i64: 1, 2048, 256>}, {pipeline_mode = #tpu.pipeline_mode<synchronous>, transform_indices = @transform_3, window_bounds = array<i64: 256, 256>}, {pipeline_mode = #tpu.pipeline_mode<synchronous>, transform_indices = @transform_4, window_bounds = array<i64: 1, 256>}, {transform_indices = @transform_5, window_bounds = array<i64: 1, 1, 1, 512>}, {transform_indices = @transform_6, window_bounds = array<i64: 1, 1, 1, 512>}, {transform_indices = @transform_7, window_bounds = array<i64: 1, 1, 1, 512>}, {transform_indices = @transform_8, window_bounds = array<i64: 1, 1, 1, 512>}, {transform_indices = @transform_9, window_bounds = array<i64: 1, 1, 1, 512>}, {transform_indices = @transform_10, window_bounds = array<i64: 1, 1, 1, 512>}, {transform_indices = @transform_11, window_bounds = array<i64: 1, 2048, 256>}]} {
    %eq3A = arith.constant 0 : i32
    %eq3A_0 = arith.cmpi eq, %arg1, %eq3A : i32
    %convert_element_type3A = arith.extui %eq3A_0 : i1 to i32
    %cond3A = arith.constant 0 : i32
    %cond3A_1 = arith.cmpi ne, %convert_element_type3A, %cond3A : i32
    scf.if %cond3A_1 {
      %get3A_163 = arith.constant 0 : index
      %get3A_164 = arith.constant 0 : index
      %get3A_165 = arith.constant 0 : index
      %get3A_166 = vector.load %arg4[%get3A_163, %get3A_164, %get3A_165] : memref<1x2048x256xf32, #tpu.memory_space<vmem>>, vector<1x2048x256xf32>
      %get3A_167 = vector.shape_cast %get3A_166 : vector<1x2048x256xf32> to vector<2048x256xf32>
      %get3A_168 = arith.constant 0 : index
      %get3A_169 = arith.constant 0 : index
      %get3A_170 = vector.load %arg5[%get3A_168, %get3A_169] : memref<256x256xf32, #tpu.memory_space<vmem>>, vector<256x256xf32>
      %dot_general3A = arith.constant dense<0.000000e+00> : vector<2048x256xf32>
      %dot_general3A_171 = tpu.matmul %get3A_167, %get3A_170, %dot_general3A {dimension_numbers = #tpu.dot_dimension_numbers<[1], [0], [0], [1], [0, 0, 1, 1], [], []>, transpose_lhs_hint = false} : vector<2048x256xf32>, vector<256x256xf32>, vector<2048x256xf32> -> vector<2048x256xf32>
      %get3A_172 = arith.constant 0 : index
      %get3A_173 = arith.constant 0 : index
      %get3A_174 = vector.load %arg6[%get3A_172, %get3A_173] : memref<1x256xf32, #tpu.memory_space<vmem>>, vector<1x256xf32>
      %add3A_175 = vector.broadcast %get3A_174 : vector<1x256xf32> to vector<2048x256xf32>
      %add3A_176 = arith.addf %dot_general3A_171, %add3A_175 : vector<2048x256xf32>
      %swap3A_177 = arith.constant 0 : index
      %swap3A_178 = arith.constant 0 : index
      %swap3A_179 = arith.constant 0 : index
      %swap3A_180 = vector.load %arg13[%swap3A_177, %swap3A_178, %swap3A_179] : memref<1x2048x256xf32, #tpu.memory_space<vmem>>, vector<1x2048x256xf32>
      %swap3A_181 = vector.shape_cast %swap3A_180 : vector<1x2048x256xf32> to vector<2048x256xf32>
      %swap3A_182 = vector.shape_cast %add3A_176 : vector<2048x256xf32> to vector<1x2048x256xf32>
      tpu.vector_store %arg13[%swap3A_177, %swap3A_178, %swap3A_179], %swap3A_182 {strides = array<i32>} : memref<1x2048x256xf32, #tpu.memory_space<vmem>>, vector<1x2048x256xf32>,
    } else {
    }
    %get3A = arith.constant 0 : index
    %get3A_2 = arith.constant 0 : index
    %get3A_3 = arith.constant 0 : index
    %get3A_4 = vector.load %arg2[%get3A, %get3A_2, %get3A_3] : memref<1x2048x3xf32, #tpu.memory_space<vmem>>, vector<1x2048x3xf32>
    %get3A_5 = vector.shape_cast %get3A_4 : vector<1x2048x3xf32> to vector<2048x3xf32>
    %get3A_6 = arith.constant 0 : index
    %get3A_7 = arith.constant 0 : index
    %get3A_8 = arith.constant 0 : index
    %get3A_9 = vector.load %arg3[%get3A_6, %get3A_7, %get3A_8] : memref<1x3x512xf32, #tpu.memory_space<vmem>>, vector<1x3x512xf32>
    %get3A_10 = vector.shape_cast %get3A_9 : vector<1x3x512xf32> to vector<3x512xf32>
    %slice3A = vector.extract_strided_slice %get3A_5 {offsets = [0, 0], sizes = [2048, 1], strides = [1, 1]} : vector<2048x3xf32> to vector<2048x1xf32>
    %squeeze3A = vector.shape_cast %slice3A : vector<2048x1xf32> to vector<2048xf32>
    %broadcast_in_dim3A = vector.shape_cast %squeeze3A : vector<2048xf32> to vector<2048x1xf32>
    %slice3A_11 = vector.extract_strided_slice %get3A_10 {offsets = [0, 0], sizes = [1, 512], strides = [1, 1]} : vector<3x512xf32> to vector<1x512xf32>
    %squeeze3A_12 = vector.shape_cast %slice3A_11 : vector<1x512xf32> to vector<512xf32>
    %broadcast_in_dim3A_13 = vector.shape_cast %squeeze3A_12 : vector<512xf32> to vector<1x512xf32>
    %sub3A = vector.broadcast %broadcast_in_dim3A : vector<2048x1xf32> to vector<2048x512xf32>
    %sub3A_14 = vector.broadcast %broadcast_in_dim3A_13 : vector<1x512xf32> to vector<2048x512xf32>
    %sub3A_15 = arith.subf %sub3A, %sub3A_14 : vector<2048x512xf32>
    %slice3A_16 = vector.extract_strided_slice %get3A_5 {offsets = [0, 1], sizes = [2048, 1], strides = [1, 1]} : vector<2048x3xf32> to vector<2048x1xf32>
    %squeeze3A_17 = vector.shape_cast %slice3A_16 : vector<2048x1xf32> to vector<2048xf32>
    %broadcast_in_dim3A_18 = vector.shape_cast %squeeze3A_17 : vector<2048xf32> to vector<2048x1xf32>
    %slice3A_19 = vector.extract_strided_slice %get3A_10 {offsets = [1, 0], sizes = [1, 512], strides = [1, 1]} : vector<3x512xf32> to vector<1x512xf32>
    %squeeze3A_20 = vector.shape_cast %slice3A_19 : vector<1x512xf32> to vector<512xf32>
    %broadcast_in_dim3A_21 = vector.shape_cast %squeeze3A_20 : vector<512xf32> to vector<1x512xf32>
    %sub3A_22 = vector.broadcast %broadcast_in_dim3A_18 : vector<2048x1xf32> to vector<2048x512xf32>
    %sub3A_23 = vector.broadcast %broadcast_in_dim3A_21 : vector<1x512xf32> to vector<2048x512xf32>
    %sub3A_24 = arith.subf %sub3A_22, %sub3A_23 : vector<2048x512xf32>
    %slice3A_25 = vector.extract_strided_slice %get3A_5 {offsets = [0, 2], sizes = [2048, 1], strides = [1, 1]} : vector<2048x3xf32> to vector<2048x1xf32>
    %squeeze3A_26 = vector.shape_cast %slice3A_25 : vector<2048x1xf32> to vector<2048xf32>
    %broadcast_in_dim3A_27 = vector.shape_cast %squeeze3A_26 : vector<2048xf32> to vector<2048x1xf32>
    %slice3A_28 = vector.extract_strided_slice %get3A_10 {offsets = [2, 0], sizes = [1, 512], strides = [1, 1]} : vector<3x512xf32> to vector<1x512xf32>
    %squeeze3A_29 = vector.shape_cast %slice3A_28 : vector<1x512xf32> to vector<512xf32>
    %broadcast_in_dim3A_30 = vector.shape_cast %squeeze3A_29 : vector<512xf32> to vector<1x512xf32>
    %sub3A_31 = vector.broadcast %broadcast_in_dim3A_27 : vector<2048x1xf32> to vector<2048x512xf32>
    %sub3A_32 = vector.broadcast %broadcast_in_dim3A_30 : vector<1x512xf32> to vector<2048x512xf32>
    %sub3A_33 = arith.subf %sub3A_31, %sub3A_32 : vector<2048x512xf32>
    %mul3A = arith.mulf %sub3A_15, %sub3A_15 : vector<2048x512xf32>
    %mul3A_34 = arith.mulf %sub3A_24, %sub3A_24 : vector<2048x512xf32>
    %add3A = arith.addf %mul3A, %mul3A_34 : vector<2048x512xf32>
    %mul3A_35 = arith.mulf %sub3A_33, %sub3A_33 : vector<2048x512xf32>
    %add3A_36 = arith.addf %add3A, %mul3A_35 : vector<2048x512xf32>
    %reduce_min3A = arith.constant dense<0x7F800000> : vector<512xf32>
    %reduce_min3A_37 = vector.multi_reduction <minimumf>, %add3A_36, %reduce_min3A [0] : vector<2048x512xf32> to vector<512xf32>
    %broadcast_in_dim3A_38 = vector.shape_cast %reduce_min3A_37 : vector<512xf32> to vector<1x512xf32>
    %eq3A_39 = vector.broadcast %broadcast_in_dim3A_38 : vector<1x512xf32> to vector<2048x512xf32>
    %eq3A_40 = arith.cmpf oeq, %add3A_36, %eq3A_39 : vector<2048x512xf32>
    %jit3A = arith.constant 0x7F800000 : f32
    %broadcast_in_dim3A_41 = vector.broadcast %jit3A : f32 to vector<2048x512xf32>
    %select_n3A = arith.select %eq3A_40, %broadcast_in_dim3A_41, %add3A_36 : vector<2048x512xi1>, vector<2048x512xf32>
    %reduce_min3A_42 = arith.constant dense<0x7F800000> : vector<512xf32>
    %reduce_min3A_43 = vector.multi_reduction <minimumf>, %select_n3A, %reduce_min3A_42 [0] : vector<2048x512xf32> to vector<512xf32>
    %broadcast_in_dim3A_44 = vector.shape_cast %reduce_min3A_43 : vector<512xf32> to vector<1x512xf32>
    %eq3A_45 = vector.broadcast %broadcast_in_dim3A_44 : vector<1x512xf32> to vector<2048x512xf32>
    %eq3A_46 = arith.cmpf oeq, %select_n3A, %eq3A_45 : vector<2048x512xf32>
    %jit3A_47 = arith.constant 0x7F800000 : f32
    %broadcast_in_dim3A_48 = vector.broadcast %jit3A_47 : f32 to vector<2048x512xf32>
    %select_n3A_49 = arith.select %eq3A_46, %broadcast_in_dim3A_48, %select_n3A : vector<2048x512xi1>, vector<2048x512xf32>
    %reduce_min3A_50 = arith.constant dense<0x7F800000> : vector<512xf32>
    %reduce_min3A_51 = vector.multi_reduction <minimumf>, %select_n3A_49, %reduce_min3A_50 [0] : vector<2048x512xf32> to vector<512xf32>
    %broadcast_in_dim3A_52 = vector.shape_cast %reduce_min3A_51 : vector<512xf32> to vector<1x512xf32>
    %add3A_53 = arith.constant 1.000000e-01 : f32
    %add3A_54 = vector.broadcast %add3A_53 : f32 to vector<1x512xf32>
    %add3A_55 = arith.addf %broadcast_in_dim3A_38, %add3A_54 : vector<1x512xf32>
    %div3A = arith.constant 1.000000e+00 : f32
    %div3A_56 = vector.broadcast %div3A : f32 to vector<1x512xf32>
    %div3A_57 = arith.divf %div3A_56, %add3A_55 : vector<1x512xf32>
    %add3A_58 = arith.constant 1.000000e-01 : f32
    %add3A_59 = vector.broadcast %add3A_58 : f32 to vector<1x512xf32>
    %add3A_60 = arith.addf %broadcast_in_dim3A_44, %add3A_59 : vector<1x512xf32>
    %div3A_61 = arith.constant 1.000000e+00 : f32
    %div3A_62 = vector.broadcast %div3A_61 : f32 to vector<1x512xf32>
    %div3A_63 = arith.divf %div3A_62, %add3A_60 : vector<1x512xf32>
    %add3A_64 = arith.constant 1.000000e-01 : f32
    %add3A_65 = vector.broadcast %add3A_64 : f32 to vector<1x512xf32>
    %add3A_66 = arith.addf %broadcast_in_dim3A_52, %add3A_65 : vector<1x512xf32>
    %div3A_67 = arith.constant 1.000000e+00 : f32
    %div3A_68 = vector.broadcast %div3A_67 : f32 to vector<1x512xf32>
    %div3A_69 = arith.divf %div3A_68, %add3A_66 : vector<1x512xf32>
    %add3A_70 = arith.addf %div3A_57, %div3A_63 : vector<1x512xf32>
    %add3A_71 = arith.addf %add3A_70, %div3A_69 : vector<1x512xf32>
    %div3A_72 = arith.divf %div3A_57, %add3A_71 : vector<1x512xf32>
    %swap3A = arith.constant 0 : index
    %swap3A_73 = arith.constant 0 : index
    %swap3A_74 = arith.constant 0 : index
    %swap3A_75 = arith.constant 0 : index
    %swap3A_76 = vector.load %arg10[%swap3A, %swap3A_73, %swap3A_74, %swap3A_75] : memref<1x1x1x512xf32, #tpu.memory_space<vmem>>, vector<1x1x1x512xf32>
    %swap3A_77 = vector.shape_cast %swap3A_76 : vector<1x1x1x512xf32> to vector<1x512xf32>
    %swap3A_78 = vector.shape_cast %div3A_72 : vector<1x512xf32> to vector<1x1x1x512xf32>
    tpu.vector_store %arg10[%swap3A, %swap3A_73, %swap3A_74, %swap3A_75], %swap3A_78 {strides = array<i32>} : memref<1x1x1x512xf32, #tpu.memory_space<vmem>>, vector<1x1x1x512xf32>,
    %div3A_79 = arith.divf %div3A_63, %add3A_71 : vector<1x512xf32>
    %swap3A_80 = arith.constant 0 : index
    %swap3A_81 = arith.constant 0 : index
    %swap3A_82 = arith.constant 0 : index
    %swap3A_83 = arith.constant 0 : index
    %swap3A_84 = vector.load %arg11[%swap3A_80, %swap3A_81, %swap3A_82, %swap3A_83] : memref<1x1x1x512xf32, #tpu.memory_space<vmem>>, vector<1x1x1x512xf32>
    %swap3A_85 = vector.shape_cast %swap3A_84 : vector<1x1x1x512xf32> to vector<1x512xf32>
    %swap3A_86 = vector.shape_cast %div3A_79 : vector<1x512xf32> to vector<1x1x1x512xf32>
    tpu.vector_store %arg11[%swap3A_80, %swap3A_81, %swap3A_82, %swap3A_83], %swap3A_86 {strides = array<i32>} : memref<1x1x1x512xf32, #tpu.memory_space<vmem>>, vector<1x1x1x512xf32>,
    %div3A_87 = arith.divf %div3A_69, %add3A_71 : vector<1x512xf32>
    %swap3A_88 = arith.constant 0 : index
    %swap3A_89 = arith.constant 0 : index
    %swap3A_90 = arith.constant 0 : index
    %swap3A_91 = arith.constant 0 : index
    %swap3A_92 = vector.load %arg12[%swap3A_88, %swap3A_89, %swap3A_90, %swap3A_91] : memref<1x1x1x512xf32, #tpu.memory_space<vmem>>, vector<1x1x1x512xf32>
    %swap3A_93 = vector.shape_cast %swap3A_92 : vector<1x1x1x512xf32> to vector<1x512xf32>
    %swap3A_94 = vector.shape_cast %div3A_87 : vector<1x512xf32> to vector<1x1x1x512xf32>
    tpu.vector_store %arg12[%swap3A_88, %swap3A_89, %swap3A_90, %swap3A_91], %swap3A_94 {strides = array<i32>} : memref<1x1x1x512xf32, #tpu.memory_space<vmem>>, vector<1x1x1x512xf32>,
    %iota3A = tpu.iota {dimensions = array<i32: 0>} : vector<2048x512xi32>
    %mul3A_95 = arith.constant 2048 : i32
    %mul3A_96 = arith.muli %arg0, %mul3A_95 : i32
    %eq3A_97 = vector.broadcast %broadcast_in_dim3A_38 : vector<1x512xf32> to vector<2048x512xf32>
    %eq3A_98 = arith.cmpf oeq, %add3A_36, %eq3A_97 : vector<2048x512xf32>
    %jit3A_99 = arith.constant -1 : i32
    %broadcast_in_dim3A_100 = vector.broadcast %jit3A_99 : i32 to vector<2048x512xi32>
    %select_n3A_101 = arith.select %eq3A_98, %iota3A, %broadcast_in_dim3A_100 : vector<2048x512xi1>, vector<2048x512xi32>
    %reduce_max3A = arith.constant dense<-2147483648> : vector<512xi32>
    %reduce_max3A_102 = vector.multi_reduction <maxsi>, %select_n3A_101, %reduce_max3A [0] : vector<2048x512xi32> to vector<512xi32>
    %broadcast_in_dim3A_103 = vector.shape_cast %reduce_max3A_102 : vector<512xi32> to vector<1x512xi32>
    %jit3A_104 = arith.constant 0 : i32
    %jit3A_105 = arith.constant 2047 : i32
    %max3A = vector.broadcast %jit3A_104 : i32 to vector<1x512xi32>
    %max3A_106 = arith.maxsi %max3A, %broadcast_in_dim3A_103 : vector<1x512xi32>
    %min3A = vector.broadcast %jit3A_105 : i32 to vector<1x512xi32>
    %min3A_107 = arith.minsi %min3A, %max3A_106 : vector<1x512xi32>
    %add3A_108 = vector.broadcast %mul3A_96 : i32 to vector<1x512xi32>
    %add3A_109 = arith.addi %min3A_107, %add3A_108 : vector<1x512xi32>
    %swap3A_110 = arith.constant 0 : index
    %swap3A_111 = arith.constant 0 : index
    %swap3A_112 = arith.constant 0 : index
    %swap3A_113 = arith.constant 0 : index
    %swap3A_114 = vector.load %arg7[%swap3A_110, %swap3A_111, %swap3A_112, %swap3A_113] : memref<1x1x1x512xi32, #tpu.memory_space<vmem>>, vector<1x1x1x512xi32>
    %swap3A_115 = vector.shape_cast %swap3A_114 : vector<1x1x1x512xi32> to vector<1x512xi32>
    %swap3A_116 = vector.shape_cast %add3A_109 : vector<1x512xi32> to vector<1x1x1x512xi32>
    tpu.vector_store %arg7[%swap3A_110, %swap3A_111, %swap3A_112, %swap3A_113], %swap3A_116 {strides = array<i32>} : memref<1x1x1x512xi32, #tpu.memory_space<vmem>>, vector<1x1x1x512xi32>,
    %eq3A_117 = vector.broadcast %broadcast_in_dim3A_44 : vector<1x512xf32> to vector<2048x512xf32>
    %eq3A_118 = arith.cmpf oeq, %add3A_36, %eq3A_117 : vector<2048x512xf32>
    %jit3A_119 = arith.constant -1 : i32
    %broadcast_in_dim3A_120 = vector.broadcast %jit3A_119 : i32 to vector<2048x512xi32>
    %select_n3A_121 = arith.select %eq3A_118, %iota3A, %broadcast_in_dim3A_120 : vector<2048x512xi1>, vector<2048x512xi32>
    %reduce_max3A_122 = arith.constant dense<-2147483648> : vector<512xi32>
    %reduce_max3A_123 = vector.multi_reduction <maxsi>, %select_n3A_121, %reduce_max3A_122 [0] : vector<2048x512xi32> to vector<512xi32>
    %broadcast_in_dim3A_124 = vector.shape_cast %reduce_max3A_123 : vector<512xi32> to vector<1x512xi32>
    %jit3A_125 = arith.constant 0 : i32
    %jit3A_126 = arith.constant 2047 : i32
    %max3A_127 = vector.broadcast %jit3A_125 : i32 to vector<1x512xi32>
    %max3A_128 = arith.maxsi %max3A_127, %broadcast_in_dim3A_124 : vector<1x512xi32>
    %min3A_129 = vector.broadcast %jit3A_126 : i32 to vector<1x512xi32>
    %min3A_130 = arith.minsi %min3A_129, %max3A_128 : vector<1x512xi32>
    %add3A_131 = vector.broadcast %mul3A_96 : i32 to vector<1x512xi32>
    %add3A_132 = arith.addi %min3A_130, %add3A_131 : vector<1x512xi32>
    %swap3A_133 = arith.constant 0 : index
    %swap3A_134 = arith.constant 0 : index
    %swap3A_135 = arith.constant 0 : index
    %swap3A_136 = arith.constant 0 : index
    %swap3A_137 = vector.load %arg8[%swap3A_133, %swap3A_134, %swap3A_135, %swap3A_136] : memref<1x1x1x512xi32, #tpu.memory_space<vmem>>, vector<1x1x1x512xi32>
    %swap3A_138 = vector.shape_cast %swap3A_137 : vector<1x1x1x512xi32> to vector<1x512xi32>
    %swap3A_139 = vector.shape_cast %add3A_132 : vector<1x512xi32> to vector<1x1x1x512xi32>
    tpu.vector_store %arg8[%swap3A_133, %swap3A_134, %swap3A_135, %swap3A_136], %swap3A_139 {strides = array<i32>} : memref<1x1x1x512xi32, #tpu.memory_space<vmem>>, vector<1x1x1x512xi32>,
    %eq3A_140 = vector.broadcast %broadcast_in_dim3A_52 : vector<1x512xf32> to vector<2048x512xf32>
    %eq3A_141 = arith.cmpf oeq, %add3A_36, %eq3A_140 : vector<2048x512xf32>
    %jit3A_142 = arith.constant -1 : i32
    %broadcast_in_dim3A_143 = vector.broadcast %jit3A_142 : i32 to vector<2048x512xi32>
    %select_n3A_144 = arith.select %eq3A_141, %iota3A, %broadcast_in_dim3A_143 : vector<2048x512xi1>, vector<2048x512xi32>
    %reduce_max3A_145 = arith.constant dense<-2147483648> : vector<512xi32>
    %reduce_max3A_146 = vector.multi_reduction <maxsi>, %select_n3A_144, %reduce_max3A_145 [0] : vector<2048x512xi32> to vector<512xi32>
    %broadcast_in_dim3A_147 = vector.shape_cast %reduce_max3A_146 : vector<512xi32> to vector<1x512xi32>
    %jit3A_148 = arith.constant 0 : i32
    %jit3A_149 = arith.constant 2047 : i32
    %max3A_150 = vector.broadcast %jit3A_148 : i32 to vector<1x512xi32>
    %max3A_151 = arith.maxsi %max3A_150, %broadcast_in_dim3A_147 : vector<1x512xi32>
    %min3A_152 = vector.broadcast %jit3A_149 : i32 to vector<1x512xi32>
    %min3A_153 = arith.minsi %min3A_152, %max3A_151 : vector<1x512xi32>
    %add3A_154 = vector.broadcast %mul3A_96 : i32 to vector<1x512xi32>
    %add3A_155 = arith.addi %min3A_153, %add3A_154 : vector<1x512xi32>
    %swap3A_156 = arith.constant 0 : index
    %swap3A_157 = arith.constant 0 : index
    %swap3A_158 = arith.constant 0 : index
    %swap3A_159 = arith.constant 0 : index
    %swap3A_160 = vector.load %arg9[%swap3A_156, %swap3A_157, %swap3A_158, %swap3A_159] : memref<1x1x1x512xi32, #tpu.memory_space<vmem>>, vector<1x1x1x512xi32>
    %swap3A_161 = vector.shape_cast %swap3A_160 : vector<1x1x1x512xi32> to vector<1x512xi32>
    %swap3A_162 = vector.shape_cast %add3A_155 : vector<1x512xi32> to vector<1x1x1x512xi32>
    tpu.vector_store %arg9[%swap3A_156, %swap3A_157, %swap3A_158, %swap3A_159], %swap3A_162 {strides = array<i32>} : memref<1x1x1x512xi32, #tpu.memory_space<vmem>>, vector<1x1x1x512xi32>,
    return
  }
  func.func @transform_0(%arg0: i32, %arg1: i32) -> (i32, i32, i32) {
    %add3A = arith.constant 3 : i32
    %add3A_0 = arith.addi %add3A, %arg0 : i32
    %c0_i32 = arith.constant 0 : i32
    %c0_i32_1 = arith.constant 0 : i32
    %c0_i32_2 = arith.constant 0 : i32
    return %add3A_0, %c0_i32, %c0_i32_1 : i32, i32, i32
  }
  func.func @transform_1(%arg0: i32, %arg1: i32) -> (i32, i32, i32) {
    %add3A = arith.constant 3 : i32
    %add3A_0 = arith.addi %add3A, %arg0 : i32
    %c0_i32 = arith.constant 0 : i32
    %c0_i32_1 = arith.constant 0 : i32
    return %add3A_0, %c0_i32, %arg1 : i32, i32, i32
  }
  func.func @transform_2(%arg0: i32, %arg1: i32) -> (i32, i32, i32) {
    %add3A = arith.constant 3 : i32
    %add3A_0 = arith.addi %add3A, %arg0 : i32
    %c0_i32 = arith.constant 0 : i32
    %c0_i32_1 = arith.constant 0 : i32
    %c0_i32_2 = arith.constant 0 : i32
    return %add3A_0, %c0_i32, %c0_i32_1 : i32, i32, i32
  }
  func.func @transform_3(%arg0: i32, %arg1: i32) -> (i32, i32) {
    %c0_i32 = arith.constant 0 : i32
    %c0_i32_0 = arith.constant 0 : i32
    %c0_i32_1 = arith.constant 0 : i32
    return %c0_i32, %c0_i32_0 : i32, i32
  }
  func.func @transform_4(%arg0: i32, %arg1: i32) -> (i32, i32) {
    %c0_i32 = arith.constant 0 : i32
    %c0_i32_0 = arith.constant 0 : i32
    %c0_i32_1 = arith.constant 0 : i32
    return %c0_i32, %c0_i32_0 : i32, i32
  }
  func.func @transform_5(%arg0: i32, %arg1: i32) -> (i32, i32, i32, i32) {
    %c0_i32 = arith.constant 0 : i32
    %c0_i32_0 = arith.constant 0 : i32
    %c0_i32_1 = arith.constant 0 : i32
    return %arg0, %arg1, %c0_i32, %c0_i32_0 : i32, i32, i32, i32
  }
  func.func @transform_6(%arg0: i32, %arg1: i32) -> (i32, i32, i32, i32) {
    %c0_i32 = arith.constant 0 : i32
    %c0_i32_0 = arith.constant 0 : i32
    %c0_i32_1 = arith.constant 0 : i32
    return %arg0, %arg1, %c0_i32, %c0_i32_0 : i32, i32, i32, i32
  }
  func.func @transform_7(%arg0: i32, %arg1: i32) -> (i32, i32, i32, i32) {
    %c0_i32 = arith.constant 0 : i32
    %c0_i32_0 = arith.constant 0 : i32
    %c0_i32_1 = arith.constant 0 : i32
    return %arg0, %arg1, %c0_i32, %c0_i32_0 : i32, i32, i32, i32
  }
  func.func @transform_8(%arg0: i32, %arg1: i32) -> (i32, i32, i32, i32) {
    %c0_i32 = arith.constant 0 : i32
    %c0_i32_0 = arith.constant 0 : i32
    %c0_i32_1 = arith.constant 0 : i32
    return %arg0, %arg1, %c0_i32, %c0_i32_0 : i32, i32, i32, i32
  }
  func.func @transform_9(%arg0: i32, %arg1: i32) -> (i32, i32, i32, i32) {
    %c0_i32 = arith.constant 0 : i32
    %c0_i32_0 = arith.constant 0 : i32
    %c0_i32_1 = arith.constant 0 : i32
    return %arg0, %arg1, %c0_i32, %c0_i32_0 : i32, i32, i32, i32
  }
  func.func @transform_10(%arg0: i32, %arg1: i32) -> (i32, i32, i32, i32) {
    %c0_i32 = arith.constant 0 : i32
    %c0_i32_0 = arith.constant 0 : i32
    %c0_i32_1 = arith.constant 0 : i32
    return %arg0, %arg1, %c0_i32, %c0_i32_0 : i32, i32, i32, i32
  }
  func.func @transform_11(%arg0: i32, %arg1: i32) -> (i32, i32, i32) {
    %c0_i32 = arith.constant 0 : i32
    %c0_i32_0 = arith.constant 0 : i32
    %c0_i32_1 = arith.constant 0 : i32
    return %arg0, %c0_i32, %c0_i32_0 : i32, i32, i32
  }
}

module attributes {stable_mosaic.version = 14 : i64} {
  func.func @_combine_kernel(%arg0: i32, %arg1: i32, %arg2: memref<1x1x1024x256xf32, #tpu.memory_space<vmem>>, %arg3: memref<1x1x1024x256xf32, #tpu.memory_space<vmem>>, %arg4: memref<1x1x1024x256xf32, #tpu.memory_space<vmem>>, %arg5: memref<1x1x1x1024xf32, #tpu.memory_space<vmem>>, %arg6: memref<1x1x1x1024xf32, #tpu.memory_space<vmem>>, %arg7: memref<1x1x1x1024xf32, #tpu.memory_space<vmem>>, %arg8: memref<1x256x1024xf32, #tpu.memory_space<vmem>>, %arg9: memref<256x256xf32, #tpu.memory_space<vmem>>, %arg10: memref<256x1xf32, #tpu.memory_space<vmem>>, %arg11: memref<1x256x1024xf32, #tpu.memory_space<vmem>>) attributes {dimension_semantics = [#tpu.dimension_semantics<arbitrary>, #tpu.dimension_semantics<arbitrary>], iteration_bounds = array<i64: 1, 8>, scalar_prefetch = 0 : i64, scratch_operands = 0 : i64, tpu.core_type = #tpu.core_type<tc>, window_params = [{transform_indices = @transform_0, window_bounds = array<i64: 1, 1, 1024, 256>}, {transform_indices = @transform_1, window_bounds = array<i64: 1, 1, 1024, 256>}, {transform_indices = @transform_2, window_bounds = array<i64: 1, 1, 1024, 256>}, {transform_indices = @transform_3, window_bounds = array<i64: 1, 1, 1, 1024>}, {transform_indices = @transform_4, window_bounds = array<i64: 1, 1, 1, 1024>}, {transform_indices = @transform_5, window_bounds = array<i64: 1, 1, 1, 1024>}, {transform_indices = @transform_6, window_bounds = array<i64: 1, 256, 1024>}, {pipeline_mode = #tpu.pipeline_mode<synchronous>, transform_indices = @transform_7, window_bounds = array<i64: 256, 256>}, {pipeline_mode = #tpu.pipeline_mode<synchronous>, transform_indices = @transform_8, window_bounds = array<i64: 256, 1>}, {transform_indices = @transform_9, window_bounds = array<i64: 1, 256, 1024>}]} {
    %get3A = arith.constant 0 : index
    %get3A_0 = arith.constant 0 : index
    %get3A_1 = arith.constant 0 : index
    %get3A_2 = arith.constant 0 : index
    %get3A_3 = vector.load %arg5[%get3A, %get3A_0, %get3A_1, %get3A_2] : memref<1x1x1x1024xf32, #tpu.memory_space<vmem>>, vector<1x1x1x1024xf32>
    %get3A_4 = vector.shape_cast %get3A_3 : vector<1x1x1x1024xf32> to vector<1x1024xf32>
    %transpose3A = tpu.transpose %get3A_4, [1, 0] : vector<1x1024xf32> -> vector<1024x1xf32>
    %get3A_5 = arith.constant 0 : index
    %get3A_6 = arith.constant 0 : index
    %get3A_7 = arith.constant 0 : index
    %get3A_8 = arith.constant 0 : index
    %get3A_9 = vector.load %arg6[%get3A_5, %get3A_6, %get3A_7, %get3A_8] : memref<1x1x1x1024xf32, #tpu.memory_space<vmem>>, vector<1x1x1x1024xf32>
    %get3A_10 = vector.shape_cast %get3A_9 : vector<1x1x1x1024xf32> to vector<1x1024xf32>
    %transpose3A_11 = tpu.transpose %get3A_10, [1, 0] : vector<1x1024xf32> -> vector<1024x1xf32>
    %get3A_12 = arith.constant 0 : index
    %get3A_13 = arith.constant 0 : index
    %get3A_14 = arith.constant 0 : index
    %get3A_15 = arith.constant 0 : index
    %get3A_16 = vector.load %arg7[%get3A_12, %get3A_13, %get3A_14, %get3A_15] : memref<1x1x1x1024xf32, #tpu.memory_space<vmem>>, vector<1x1x1x1024xf32>
    %get3A_17 = vector.shape_cast %get3A_16 : vector<1x1x1x1024xf32> to vector<1x1024xf32>
    %transpose3A_18 = tpu.transpose %get3A_17, [1, 0] : vector<1x1024xf32> -> vector<1024x1xf32>
    %get3A_19 = arith.constant 0 : index
    %get3A_20 = arith.constant 0 : index
    %get3A_21 = arith.constant 0 : index
    %get3A_22 = arith.constant 0 : index
    %get3A_23 = vector.load %arg2[%get3A_19, %get3A_20, %get3A_21, %get3A_22] : memref<1x1x1024x256xf32, #tpu.memory_space<vmem>>, vector<1x1x1024x256xf32>
    %get3A_24 = vector.shape_cast %get3A_23 : vector<1x1x1024x256xf32> to vector<1024x256xf32>
    %mul3A = vector.broadcast %transpose3A : vector<1024x1xf32> to vector<1024x256xf32>
    %mul3A_25 = arith.mulf %get3A_24, %mul3A : vector<1024x256xf32>
    %get3A_26 = arith.constant 0 : index
    %get3A_27 = arith.constant 0 : index
    %get3A_28 = arith.constant 0 : index
    %get3A_29 = arith.constant 0 : index
    %get3A_30 = vector.load %arg3[%get3A_26, %get3A_27, %get3A_28, %get3A_29] : memref<1x1x1024x256xf32, #tpu.memory_space<vmem>>, vector<1x1x1024x256xf32>
    %get3A_31 = vector.shape_cast %get3A_30 : vector<1x1x1024x256xf32> to vector<1024x256xf32>
    %mul3A_32 = vector.broadcast %transpose3A_11 : vector<1024x1xf32> to vector<1024x256xf32>
    %mul3A_33 = arith.mulf %get3A_31, %mul3A_32 : vector<1024x256xf32>
    %add3A = arith.addf %mul3A_25, %mul3A_33 : vector<1024x256xf32>
    %get3A_34 = arith.constant 0 : index
    %get3A_35 = arith.constant 0 : index
    %get3A_36 = arith.constant 0 : index
    %get3A_37 = arith.constant 0 : index
    %get3A_38 = vector.load %arg4[%get3A_34, %get3A_35, %get3A_36, %get3A_37] : memref<1x1x1024x256xf32, #tpu.memory_space<vmem>>, vector<1x1x1024x256xf32>
    %get3A_39 = vector.shape_cast %get3A_38 : vector<1x1x1024x256xf32> to vector<1024x256xf32>
    %mul3A_40 = vector.broadcast %transpose3A_18 : vector<1024x1xf32> to vector<1024x256xf32>
    %mul3A_41 = arith.mulf %get3A_39, %mul3A_40 : vector<1024x256xf32>
    %add3A_42 = arith.addf %add3A, %mul3A_41 : vector<1024x256xf32>
    %get3A_43 = arith.constant 0 : index
    %get3A_44 = arith.constant 0 : index
    %get3A_45 = vector.load %arg9[%get3A_43, %get3A_44] : memref<256x256xf32, #tpu.memory_space<vmem>>, vector<256x256xf32>
    %get3A_46 = arith.constant 0 : index
    %get3A_47 = arith.constant 0 : index
    %get3A_48 = arith.constant 0 : index
    %get3A_49 = vector.load %arg8[%get3A_46, %get3A_47, %get3A_48] : memref<1x256x1024xf32, #tpu.memory_space<vmem>>, vector<1x256x1024xf32>
    %get3A_50 = vector.shape_cast %get3A_49 : vector<1x256x1024xf32> to vector<256x1024xf32>
    %dot_general3A = arith.constant dense<0.000000e+00> : vector<256x1024xf32>
    %dot_general3A_51 = tpu.matmul %get3A_45, %get3A_50, %dot_general3A {dimension_numbers = #tpu.dot_dimension_numbers<[1], [0], [0], [1], [0, 0, 1, 1], [], []>, transpose_lhs_hint = false} : vector<256x256xf32>, vector<256x1024xf32>, vector<256x1024xf32> -> vector<256x1024xf32>
    %get3A_52 = arith.constant 0 : index
    %get3A_53 = arith.constant 0 : index
    %get3A_54 = vector.load %arg10[%get3A_52, %get3A_53] : memref<256x1xf32, #tpu.memory_space<vmem>>, vector<256x1xf32>
    %add3A_55 = vector.broadcast %get3A_54 : vector<256x1xf32> to vector<256x1024xf32>
    %add3A_56 = arith.addf %dot_general3A_51, %add3A_55 : vector<256x1024xf32>
    %transpose3A_57 = tpu.transpose %add3A_42, [1, 0] : vector<1024x256xf32> -> vector<256x1024xf32>
    %add3A_58 = arith.addf %transpose3A_57, %add3A_56 : vector<256x1024xf32>
    %swap3A = arith.constant 0 : index
    %swap3A_59 = arith.constant 0 : index
    %swap3A_60 = arith.constant 0 : index
    %swap3A_61 = vector.load %arg11[%swap3A, %swap3A_59, %swap3A_60] : memref<1x256x1024xf32, #tpu.memory_space<vmem>>, vector<1x256x1024xf32>
    %swap3A_62 = vector.shape_cast %swap3A_61 : vector<1x256x1024xf32> to vector<256x1024xf32>
    %swap3A_63 = vector.shape_cast %add3A_58 : vector<256x1024xf32> to vector<1x256x1024xf32>
    tpu.vector_store %arg11[%swap3A, %swap3A_59, %swap3A_60], %swap3A_63 {strides = array<i32>} : memref<1x256x1024xf32, #tpu.memory_space<vmem>>, vector<1x256x1024xf32>,
    return
  }
  func.func @transform_0(%arg0: i32, %arg1: i32) -> (i32, i32, i32, i32) {
    %c0_i32 = arith.constant 0 : i32
    %c0_i32_0 = arith.constant 0 : i32
    %c0_i32_1 = arith.constant 0 : i32
    return %arg0, %arg1, %c0_i32, %c0_i32_0 : i32, i32, i32, i32
  }
  func.func @transform_1(%arg0: i32, %arg1: i32) -> (i32, i32, i32, i32) {
    %c0_i32 = arith.constant 0 : i32
    %c0_i32_0 = arith.constant 0 : i32
    %c0_i32_1 = arith.constant 0 : i32
    return %arg0, %arg1, %c0_i32, %c0_i32_0 : i32, i32, i32, i32
  }
  func.func @transform_2(%arg0: i32, %arg1: i32) -> (i32, i32, i32, i32) {
    %c0_i32 = arith.constant 0 : i32
    %c0_i32_0 = arith.constant 0 : i32
    %c0_i32_1 = arith.constant 0 : i32
    return %arg0, %arg1, %c0_i32, %c0_i32_0 : i32, i32, i32, i32
  }
  func.func @transform_3(%arg0: i32, %arg1: i32) -> (i32, i32, i32, i32) {
    %c0_i32 = arith.constant 0 : i32
    %c0_i32_0 = arith.constant 0 : i32
    %c0_i32_1 = arith.constant 0 : i32
    return %arg0, %arg1, %c0_i32, %c0_i32_0 : i32, i32, i32, i32
  }
  func.func @transform_4(%arg0: i32, %arg1: i32) -> (i32, i32, i32, i32) {
    %c0_i32 = arith.constant 0 : i32
    %c0_i32_0 = arith.constant 0 : i32
    %c0_i32_1 = arith.constant 0 : i32
    return %arg0, %arg1, %c0_i32, %c0_i32_0 : i32, i32, i32, i32
  }
  func.func @transform_5(%arg0: i32, %arg1: i32) -> (i32, i32, i32, i32) {
    %c0_i32 = arith.constant 0 : i32
    %c0_i32_0 = arith.constant 0 : i32
    %c0_i32_1 = arith.constant 0 : i32
    return %arg0, %arg1, %c0_i32, %c0_i32_0 : i32, i32, i32, i32
  }
  func.func @transform_6(%arg0: i32, %arg1: i32) -> (i32, i32, i32) {
    %add3A = arith.constant 0 : i32
    %add3A_0 = arith.addi %add3A, %arg0 : i32
    %c0_i32 = arith.constant 0 : i32
    %c0_i32_1 = arith.constant 0 : i32
    return %add3A_0, %c0_i32, %arg1 : i32, i32, i32
  }
  func.func @transform_7(%arg0: i32, %arg1: i32) -> (i32, i32) {
    %c0_i32 = arith.constant 0 : i32
    %c0_i32_0 = arith.constant 0 : i32
    %c0_i32_1 = arith.constant 0 : i32
    return %c0_i32, %c0_i32_0 : i32, i32
  }
  func.func @transform_8(%arg0: i32, %arg1: i32) -> (i32, i32) {
    %c0_i32 = arith.constant 0 : i32
    %c0_i32_0 = arith.constant 0 : i32
    %c0_i32_1 = arith.constant 0 : i32
    return %c0_i32, %c0_i32_0 : i32, i32
  }
  func.func @transform_9(%arg0: i32, %arg1: i32) -> (i32, i32, i32) {
    %c0_i32 = arith.constant 0 : i32
    %c0_i32_0 = arith.constant 0 : i32
    return %arg0, %c0_i32, %arg1 : i32, i32, i32
  }
}

module attributes {stable_mosaic.version = 14 : i64} {
  func.func @_combine_kernel(%arg0: i32, %arg1: i32, %arg2: memref<1x1x1024x256xf32, #tpu.memory_space<vmem>>, %arg3: memref<1x1x1024x256xf32, #tpu.memory_space<vmem>>, %arg4: memref<1x1x1024x256xf32, #tpu.memory_space<vmem>>, %arg5: memref<1x1x1x1024xf32, #tpu.memory_space<vmem>>, %arg6: memref<1x1x1x1024xf32, #tpu.memory_space<vmem>>, %arg7: memref<1x1x1x1024xf32, #tpu.memory_space<vmem>>, %arg8: memref<1x256x1024xf32, #tpu.memory_space<vmem>>, %arg9: memref<256x256xf32, #tpu.memory_space<vmem>>, %arg10: memref<256x1xf32, #tpu.memory_space<vmem>>, %arg11: memref<1x256x1024xf32, #tpu.memory_space<vmem>>) attributes {dimension_semantics = [#tpu.dimension_semantics<arbitrary>, #tpu.dimension_semantics<arbitrary>], iteration_bounds = array<i64: 1, 8>, scalar_prefetch = 0 : i64, scratch_operands = 0 : i64, tpu.core_type = #tpu.core_type<tc>, window_params = [{transform_indices = @transform_0, window_bounds = array<i64: 1, 1, 1024, 256>}, {transform_indices = @transform_1, window_bounds = array<i64: 1, 1, 1024, 256>}, {transform_indices = @transform_2, window_bounds = array<i64: 1, 1, 1024, 256>}, {transform_indices = @transform_3, window_bounds = array<i64: 1, 1, 1, 1024>}, {transform_indices = @transform_4, window_bounds = array<i64: 1, 1, 1, 1024>}, {transform_indices = @transform_5, window_bounds = array<i64: 1, 1, 1, 1024>}, {transform_indices = @transform_6, window_bounds = array<i64: 1, 256, 1024>}, {pipeline_mode = #tpu.pipeline_mode<synchronous>, transform_indices = @transform_7, window_bounds = array<i64: 256, 256>}, {pipeline_mode = #tpu.pipeline_mode<synchronous>, transform_indices = @transform_8, window_bounds = array<i64: 256, 1>}, {transform_indices = @transform_9, window_bounds = array<i64: 1, 256, 1024>}]} {
    %get3A = arith.constant 0 : index
    %get3A_0 = arith.constant 0 : index
    %get3A_1 = arith.constant 0 : index
    %get3A_2 = arith.constant 0 : index
    %get3A_3 = vector.load %arg5[%get3A, %get3A_0, %get3A_1, %get3A_2] : memref<1x1x1x1024xf32, #tpu.memory_space<vmem>>, vector<1x1x1x1024xf32>
    %get3A_4 = vector.shape_cast %get3A_3 : vector<1x1x1x1024xf32> to vector<1x1024xf32>
    %transpose3A = tpu.transpose %get3A_4, [1, 0] : vector<1x1024xf32> -> vector<1024x1xf32>
    %get3A_5 = arith.constant 0 : index
    %get3A_6 = arith.constant 0 : index
    %get3A_7 = arith.constant 0 : index
    %get3A_8 = arith.constant 0 : index
    %get3A_9 = vector.load %arg6[%get3A_5, %get3A_6, %get3A_7, %get3A_8] : memref<1x1x1x1024xf32, #tpu.memory_space<vmem>>, vector<1x1x1x1024xf32>
    %get3A_10 = vector.shape_cast %get3A_9 : vector<1x1x1x1024xf32> to vector<1x1024xf32>
    %transpose3A_11 = tpu.transpose %get3A_10, [1, 0] : vector<1x1024xf32> -> vector<1024x1xf32>
    %get3A_12 = arith.constant 0 : index
    %get3A_13 = arith.constant 0 : index
    %get3A_14 = arith.constant 0 : index
    %get3A_15 = arith.constant 0 : index
    %get3A_16 = vector.load %arg7[%get3A_12, %get3A_13, %get3A_14, %get3A_15] : memref<1x1x1x1024xf32, #tpu.memory_space<vmem>>, vector<1x1x1x1024xf32>
    %get3A_17 = vector.shape_cast %get3A_16 : vector<1x1x1x1024xf32> to vector<1x1024xf32>
    %transpose3A_18 = tpu.transpose %get3A_17, [1, 0] : vector<1x1024xf32> -> vector<1024x1xf32>
    %get3A_19 = arith.constant 0 : index
    %get3A_20 = arith.constant 0 : index
    %get3A_21 = arith.constant 0 : index
    %get3A_22 = arith.constant 0 : index
    %get3A_23 = vector.load %arg2[%get3A_19, %get3A_20, %get3A_21, %get3A_22] : memref<1x1x1024x256xf32, #tpu.memory_space<vmem>>, vector<1x1x1024x256xf32>
    %get3A_24 = vector.shape_cast %get3A_23 : vector<1x1x1024x256xf32> to vector<1024x256xf32>
    %mul3A = vector.broadcast %transpose3A : vector<1024x1xf32> to vector<1024x256xf32>
    %mul3A_25 = arith.mulf %get3A_24, %mul3A : vector<1024x256xf32>
    %get3A_26 = arith.constant 0 : index
    %get3A_27 = arith.constant 0 : index
    %get3A_28 = arith.constant 0 : index
    %get3A_29 = arith.constant 0 : index
    %get3A_30 = vector.load %arg3[%get3A_26, %get3A_27, %get3A_28, %get3A_29] : memref<1x1x1024x256xf32, #tpu.memory_space<vmem>>, vector<1x1x1024x256xf32>
    %get3A_31 = vector.shape_cast %get3A_30 : vector<1x1x1024x256xf32> to vector<1024x256xf32>
    %mul3A_32 = vector.broadcast %transpose3A_11 : vector<1024x1xf32> to vector<1024x256xf32>
    %mul3A_33 = arith.mulf %get3A_31, %mul3A_32 : vector<1024x256xf32>
    %add3A = arith.addf %mul3A_25, %mul3A_33 : vector<1024x256xf32>
    %get3A_34 = arith.constant 0 : index
    %get3A_35 = arith.constant 0 : index
    %get3A_36 = arith.constant 0 : index
    %get3A_37 = arith.constant 0 : index
    %get3A_38 = vector.load %arg4[%get3A_34, %get3A_35, %get3A_36, %get3A_37] : memref<1x1x1024x256xf32, #tpu.memory_space<vmem>>, vector<1x1x1024x256xf32>
    %get3A_39 = vector.shape_cast %get3A_38 : vector<1x1x1024x256xf32> to vector<1024x256xf32>
    %mul3A_40 = vector.broadcast %transpose3A_18 : vector<1024x1xf32> to vector<1024x256xf32>
    %mul3A_41 = arith.mulf %get3A_39, %mul3A_40 : vector<1024x256xf32>
    %add3A_42 = arith.addf %add3A, %mul3A_41 : vector<1024x256xf32>
    %get3A_43 = arith.constant 0 : index
    %get3A_44 = arith.constant 0 : index
    %get3A_45 = vector.load %arg9[%get3A_43, %get3A_44] : memref<256x256xf32, #tpu.memory_space<vmem>>, vector<256x256xf32>
    %get3A_46 = arith.constant 0 : index
    %get3A_47 = arith.constant 0 : index
    %get3A_48 = arith.constant 0 : index
    %get3A_49 = vector.load %arg8[%get3A_46, %get3A_47, %get3A_48] : memref<1x256x1024xf32, #tpu.memory_space<vmem>>, vector<1x256x1024xf32>
    %get3A_50 = vector.shape_cast %get3A_49 : vector<1x256x1024xf32> to vector<256x1024xf32>
    %dot_general3A = arith.constant dense<0.000000e+00> : vector<256x1024xf32>
    %dot_general3A_51 = tpu.matmul %get3A_45, %get3A_50, %dot_general3A {dimension_numbers = #tpu.dot_dimension_numbers<[1], [0], [0], [1], [0, 0, 1, 1], [], []>, transpose_lhs_hint = false} : vector<256x256xf32>, vector<256x1024xf32>, vector<256x1024xf32> -> vector<256x1024xf32>
    %get3A_52 = arith.constant 0 : index
    %get3A_53 = arith.constant 0 : index
    %get3A_54 = vector.load %arg10[%get3A_52, %get3A_53] : memref<256x1xf32, #tpu.memory_space<vmem>>, vector<256x1xf32>
    %add3A_55 = vector.broadcast %get3A_54 : vector<256x1xf32> to vector<256x1024xf32>
    %add3A_56 = arith.addf %dot_general3A_51, %add3A_55 : vector<256x1024xf32>
    %transpose3A_57 = tpu.transpose %add3A_42, [1, 0] : vector<1024x256xf32> -> vector<256x1024xf32>
    %add3A_58 = arith.addf %transpose3A_57, %add3A_56 : vector<256x1024xf32>
    %swap3A = arith.constant 0 : index
    %swap3A_59 = arith.constant 0 : index
    %swap3A_60 = arith.constant 0 : index
    %swap3A_61 = vector.load %arg11[%swap3A, %swap3A_59, %swap3A_60] : memref<1x256x1024xf32, #tpu.memory_space<vmem>>, vector<1x256x1024xf32>
    %swap3A_62 = vector.shape_cast %swap3A_61 : vector<1x256x1024xf32> to vector<256x1024xf32>
    %swap3A_63 = vector.shape_cast %add3A_58 : vector<256x1024xf32> to vector<1x256x1024xf32>
    tpu.vector_store %arg11[%swap3A, %swap3A_59, %swap3A_60], %swap3A_63 {strides = array<i32>} : memref<1x256x1024xf32, #tpu.memory_space<vmem>>, vector<1x256x1024xf32>,
    return
  }
  func.func @transform_0(%arg0: i32, %arg1: i32) -> (i32, i32, i32, i32) {
    %c0_i32 = arith.constant 0 : i32
    %c0_i32_0 = arith.constant 0 : i32
    %c0_i32_1 = arith.constant 0 : i32
    return %arg0, %arg1, %c0_i32, %c0_i32_0 : i32, i32, i32, i32
  }
  func.func @transform_1(%arg0: i32, %arg1: i32) -> (i32, i32, i32, i32) {
    %c0_i32 = arith.constant 0 : i32
    %c0_i32_0 = arith.constant 0 : i32
    %c0_i32_1 = arith.constant 0 : i32
    return %arg0, %arg1, %c0_i32, %c0_i32_0 : i32, i32, i32, i32
  }
  func.func @transform_2(%arg0: i32, %arg1: i32) -> (i32, i32, i32, i32) {
    %c0_i32 = arith.constant 0 : i32
    %c0_i32_0 = arith.constant 0 : i32
    %c0_i32_1 = arith.constant 0 : i32
    return %arg0, %arg1, %c0_i32, %c0_i32_0 : i32, i32, i32, i32
  }
  func.func @transform_3(%arg0: i32, %arg1: i32) -> (i32, i32, i32, i32) {
    %c0_i32 = arith.constant 0 : i32
    %c0_i32_0 = arith.constant 0 : i32
    %c0_i32_1 = arith.constant 0 : i32
    return %arg0, %arg1, %c0_i32, %c0_i32_0 : i32, i32, i32, i32
  }
  func.func @transform_4(%arg0: i32, %arg1: i32) -> (i32, i32, i32, i32) {
    %c0_i32 = arith.constant 0 : i32
    %c0_i32_0 = arith.constant 0 : i32
    %c0_i32_1 = arith.constant 0 : i32
    return %arg0, %arg1, %c0_i32, %c0_i32_0 : i32, i32, i32, i32
  }
  func.func @transform_5(%arg0: i32, %arg1: i32) -> (i32, i32, i32, i32) {
    %c0_i32 = arith.constant 0 : i32
    %c0_i32_0 = arith.constant 0 : i32
    %c0_i32_1 = arith.constant 0 : i32
    return %arg0, %arg1, %c0_i32, %c0_i32_0 : i32, i32, i32, i32
  }
  func.func @transform_6(%arg0: i32, %arg1: i32) -> (i32, i32, i32) {
    %add3A = arith.constant 1 : i32
    %add3A_0 = arith.addi %add3A, %arg0 : i32
    %c0_i32 = arith.constant 0 : i32
    %c0_i32_1 = arith.constant 0 : i32
    return %add3A_0, %c0_i32, %arg1 : i32, i32, i32
  }
  func.func @transform_7(%arg0: i32, %arg1: i32) -> (i32, i32) {
    %c0_i32 = arith.constant 0 : i32
    %c0_i32_0 = arith.constant 0 : i32
    %c0_i32_1 = arith.constant 0 : i32
    return %c0_i32, %c0_i32_0 : i32, i32
  }
  func.func @transform_8(%arg0: i32, %arg1: i32) -> (i32, i32) {
    %c0_i32 = arith.constant 0 : i32
    %c0_i32_0 = arith.constant 0 : i32
    %c0_i32_1 = arith.constant 0 : i32
    return %c0_i32, %c0_i32_0 : i32, i32
  }
  func.func @transform_9(%arg0: i32, %arg1: i32) -> (i32, i32, i32) {
    %c0_i32 = arith.constant 0 : i32
    %c0_i32_0 = arith.constant 0 : i32
    return %arg0, %c0_i32, %arg1 : i32, i32, i32
  }
}

module attributes {stable_mosaic.version = 14 : i64} {
  func.func @_combine_kernel(%arg0: i32, %arg1: i32, %arg2: memref<1x1x1024x256xf32, #tpu.memory_space<vmem>>, %arg3: memref<1x1x1024x256xf32, #tpu.memory_space<vmem>>, %arg4: memref<1x1x1024x256xf32, #tpu.memory_space<vmem>>, %arg5: memref<1x1x1x1024xf32, #tpu.memory_space<vmem>>, %arg6: memref<1x1x1x1024xf32, #tpu.memory_space<vmem>>, %arg7: memref<1x1x1x1024xf32, #tpu.memory_space<vmem>>, %arg8: memref<1x256x1024xf32, #tpu.memory_space<vmem>>, %arg9: memref<256x256xf32, #tpu.memory_space<vmem>>, %arg10: memref<256x1xf32, #tpu.memory_space<vmem>>, %arg11: memref<1x256x1024xf32, #tpu.memory_space<vmem>>) attributes {dimension_semantics = [#tpu.dimension_semantics<arbitrary>, #tpu.dimension_semantics<arbitrary>], iteration_bounds = array<i64: 1, 8>, scalar_prefetch = 0 : i64, scratch_operands = 0 : i64, tpu.core_type = #tpu.core_type<tc>, window_params = [{transform_indices = @transform_0, window_bounds = array<i64: 1, 1, 1024, 256>}, {transform_indices = @transform_1, window_bounds = array<i64: 1, 1, 1024, 256>}, {transform_indices = @transform_2, window_bounds = array<i64: 1, 1, 1024, 256>}, {transform_indices = @transform_3, window_bounds = array<i64: 1, 1, 1, 1024>}, {transform_indices = @transform_4, window_bounds = array<i64: 1, 1, 1, 1024>}, {transform_indices = @transform_5, window_bounds = array<i64: 1, 1, 1, 1024>}, {transform_indices = @transform_6, window_bounds = array<i64: 1, 256, 1024>}, {pipeline_mode = #tpu.pipeline_mode<synchronous>, transform_indices = @transform_7, window_bounds = array<i64: 256, 256>}, {pipeline_mode = #tpu.pipeline_mode<synchronous>, transform_indices = @transform_8, window_bounds = array<i64: 256, 1>}, {transform_indices = @transform_9, window_bounds = array<i64: 1, 256, 1024>}]} {
    %get3A = arith.constant 0 : index
    %get3A_0 = arith.constant 0 : index
    %get3A_1 = arith.constant 0 : index
    %get3A_2 = arith.constant 0 : index
    %get3A_3 = vector.load %arg5[%get3A, %get3A_0, %get3A_1, %get3A_2] : memref<1x1x1x1024xf32, #tpu.memory_space<vmem>>, vector<1x1x1x1024xf32>
    %get3A_4 = vector.shape_cast %get3A_3 : vector<1x1x1x1024xf32> to vector<1x1024xf32>
    %transpose3A = tpu.transpose %get3A_4, [1, 0] : vector<1x1024xf32> -> vector<1024x1xf32>
    %get3A_5 = arith.constant 0 : index
    %get3A_6 = arith.constant 0 : index
    %get3A_7 = arith.constant 0 : index
    %get3A_8 = arith.constant 0 : index
    %get3A_9 = vector.load %arg6[%get3A_5, %get3A_6, %get3A_7, %get3A_8] : memref<1x1x1x1024xf32, #tpu.memory_space<vmem>>, vector<1x1x1x1024xf32>
    %get3A_10 = vector.shape_cast %get3A_9 : vector<1x1x1x1024xf32> to vector<1x1024xf32>
    %transpose3A_11 = tpu.transpose %get3A_10, [1, 0] : vector<1x1024xf32> -> vector<1024x1xf32>
    %get3A_12 = arith.constant 0 : index
    %get3A_13 = arith.constant 0 : index
    %get3A_14 = arith.constant 0 : index
    %get3A_15 = arith.constant 0 : index
    %get3A_16 = vector.load %arg7[%get3A_12, %get3A_13, %get3A_14, %get3A_15] : memref<1x1x1x1024xf32, #tpu.memory_space<vmem>>, vector<1x1x1x1024xf32>
    %get3A_17 = vector.shape_cast %get3A_16 : vector<1x1x1x1024xf32> to vector<1x1024xf32>
    %transpose3A_18 = tpu.transpose %get3A_17, [1, 0] : vector<1x1024xf32> -> vector<1024x1xf32>
    %get3A_19 = arith.constant 0 : index
    %get3A_20 = arith.constant 0 : index
    %get3A_21 = arith.constant 0 : index
    %get3A_22 = arith.constant 0 : index
    %get3A_23 = vector.load %arg2[%get3A_19, %get3A_20, %get3A_21, %get3A_22] : memref<1x1x1024x256xf32, #tpu.memory_space<vmem>>, vector<1x1x1024x256xf32>
    %get3A_24 = vector.shape_cast %get3A_23 : vector<1x1x1024x256xf32> to vector<1024x256xf32>
    %mul3A = vector.broadcast %transpose3A : vector<1024x1xf32> to vector<1024x256xf32>
    %mul3A_25 = arith.mulf %get3A_24, %mul3A : vector<1024x256xf32>
    %get3A_26 = arith.constant 0 : index
    %get3A_27 = arith.constant 0 : index
    %get3A_28 = arith.constant 0 : index
    %get3A_29 = arith.constant 0 : index
    %get3A_30 = vector.load %arg3[%get3A_26, %get3A_27, %get3A_28, %get3A_29] : memref<1x1x1024x256xf32, #tpu.memory_space<vmem>>, vector<1x1x1024x256xf32>
    %get3A_31 = vector.shape_cast %get3A_30 : vector<1x1x1024x256xf32> to vector<1024x256xf32>
    %mul3A_32 = vector.broadcast %transpose3A_11 : vector<1024x1xf32> to vector<1024x256xf32>
    %mul3A_33 = arith.mulf %get3A_31, %mul3A_32 : vector<1024x256xf32>
    %add3A = arith.addf %mul3A_25, %mul3A_33 : vector<1024x256xf32>
    %get3A_34 = arith.constant 0 : index
    %get3A_35 = arith.constant 0 : index
    %get3A_36 = arith.constant 0 : index
    %get3A_37 = arith.constant 0 : index
    %get3A_38 = vector.load %arg4[%get3A_34, %get3A_35, %get3A_36, %get3A_37] : memref<1x1x1024x256xf32, #tpu.memory_space<vmem>>, vector<1x1x1024x256xf32>
    %get3A_39 = vector.shape_cast %get3A_38 : vector<1x1x1024x256xf32> to vector<1024x256xf32>
    %mul3A_40 = vector.broadcast %transpose3A_18 : vector<1024x1xf32> to vector<1024x256xf32>
    %mul3A_41 = arith.mulf %get3A_39, %mul3A_40 : vector<1024x256xf32>
    %add3A_42 = arith.addf %add3A, %mul3A_41 : vector<1024x256xf32>
    %get3A_43 = arith.constant 0 : index
    %get3A_44 = arith.constant 0 : index
    %get3A_45 = vector.load %arg9[%get3A_43, %get3A_44] : memref<256x256xf32, #tpu.memory_space<vmem>>, vector<256x256xf32>
    %get3A_46 = arith.constant 0 : index
    %get3A_47 = arith.constant 0 : index
    %get3A_48 = arith.constant 0 : index
    %get3A_49 = vector.load %arg8[%get3A_46, %get3A_47, %get3A_48] : memref<1x256x1024xf32, #tpu.memory_space<vmem>>, vector<1x256x1024xf32>
    %get3A_50 = vector.shape_cast %get3A_49 : vector<1x256x1024xf32> to vector<256x1024xf32>
    %dot_general3A = arith.constant dense<0.000000e+00> : vector<256x1024xf32>
    %dot_general3A_51 = tpu.matmul %get3A_45, %get3A_50, %dot_general3A {dimension_numbers = #tpu.dot_dimension_numbers<[1], [0], [0], [1], [0, 0, 1, 1], [], []>, transpose_lhs_hint = false} : vector<256x256xf32>, vector<256x1024xf32>, vector<256x1024xf32> -> vector<256x1024xf32>
    %get3A_52 = arith.constant 0 : index
    %get3A_53 = arith.constant 0 : index
    %get3A_54 = vector.load %arg10[%get3A_52, %get3A_53] : memref<256x1xf32, #tpu.memory_space<vmem>>, vector<256x1xf32>
    %add3A_55 = vector.broadcast %get3A_54 : vector<256x1xf32> to vector<256x1024xf32>
    %add3A_56 = arith.addf %dot_general3A_51, %add3A_55 : vector<256x1024xf32>
    %transpose3A_57 = tpu.transpose %add3A_42, [1, 0] : vector<1024x256xf32> -> vector<256x1024xf32>
    %add3A_58 = arith.addf %transpose3A_57, %add3A_56 : vector<256x1024xf32>
    %swap3A = arith.constant 0 : index
    %swap3A_59 = arith.constant 0 : index
    %swap3A_60 = arith.constant 0 : index
    %swap3A_61 = vector.load %arg11[%swap3A, %swap3A_59, %swap3A_60] : memref<1x256x1024xf32, #tpu.memory_space<vmem>>, vector<1x256x1024xf32>
    %swap3A_62 = vector.shape_cast %swap3A_61 : vector<1x256x1024xf32> to vector<256x1024xf32>
    %swap3A_63 = vector.shape_cast %add3A_58 : vector<256x1024xf32> to vector<1x256x1024xf32>
    tpu.vector_store %arg11[%swap3A, %swap3A_59, %swap3A_60], %swap3A_63 {strides = array<i32>} : memref<1x256x1024xf32, #tpu.memory_space<vmem>>, vector<1x256x1024xf32>,
    return
  }
  func.func @transform_0(%arg0: i32, %arg1: i32) -> (i32, i32, i32, i32) {
    %c0_i32 = arith.constant 0 : i32
    %c0_i32_0 = arith.constant 0 : i32
    %c0_i32_1 = arith.constant 0 : i32
    return %arg0, %arg1, %c0_i32, %c0_i32_0 : i32, i32, i32, i32
  }
  func.func @transform_1(%arg0: i32, %arg1: i32) -> (i32, i32, i32, i32) {
    %c0_i32 = arith.constant 0 : i32
    %c0_i32_0 = arith.constant 0 : i32
    %c0_i32_1 = arith.constant 0 : i32
    return %arg0, %arg1, %c0_i32, %c0_i32_0 : i32, i32, i32, i32
  }
  func.func @transform_2(%arg0: i32, %arg1: i32) -> (i32, i32, i32, i32) {
    %c0_i32 = arith.constant 0 : i32
    %c0_i32_0 = arith.constant 0 : i32
    %c0_i32_1 = arith.constant 0 : i32
    return %arg0, %arg1, %c0_i32, %c0_i32_0 : i32, i32, i32, i32
  }
  func.func @transform_3(%arg0: i32, %arg1: i32) -> (i32, i32, i32, i32) {
    %c0_i32 = arith.constant 0 : i32
    %c0_i32_0 = arith.constant 0 : i32
    %c0_i32_1 = arith.constant 0 : i32
    return %arg0, %arg1, %c0_i32, %c0_i32_0 : i32, i32, i32, i32
  }
  func.func @transform_4(%arg0: i32, %arg1: i32) -> (i32, i32, i32, i32) {
    %c0_i32 = arith.constant 0 : i32
    %c0_i32_0 = arith.constant 0 : i32
    %c0_i32_1 = arith.constant 0 : i32
    return %arg0, %arg1, %c0_i32, %c0_i32_0 : i32, i32, i32, i32
  }
  func.func @transform_5(%arg0: i32, %arg1: i32) -> (i32, i32, i32, i32) {
    %c0_i32 = arith.constant 0 : i32
    %c0_i32_0 = arith.constant 0 : i32
    %c0_i32_1 = arith.constant 0 : i32
    return %arg0, %arg1, %c0_i32, %c0_i32_0 : i32, i32, i32, i32
  }
  func.func @transform_6(%arg0: i32, %arg1: i32) -> (i32, i32, i32) {
    %add3A = arith.constant 2 : i32
    %add3A_0 = arith.addi %add3A, %arg0 : i32
    %c0_i32 = arith.constant 0 : i32
    %c0_i32_1 = arith.constant 0 : i32
    return %add3A_0, %c0_i32, %arg1 : i32, i32, i32
  }
  func.func @transform_7(%arg0: i32, %arg1: i32) -> (i32, i32) {
    %c0_i32 = arith.constant 0 : i32
    %c0_i32_0 = arith.constant 0 : i32
    %c0_i32_1 = arith.constant 0 : i32
    return %c0_i32, %c0_i32_0 : i32, i32
  }
  func.func @transform_8(%arg0: i32, %arg1: i32) -> (i32, i32) {
    %c0_i32 = arith.constant 0 : i32
    %c0_i32_0 = arith.constant 0 : i32
    %c0_i32_1 = arith.constant 0 : i32
    return %c0_i32, %c0_i32_0 : i32, i32
  }
  func.func @transform_9(%arg0: i32, %arg1: i32) -> (i32, i32, i32) {
    %c0_i32 = arith.constant 0 : i32
    %c0_i32_0 = arith.constant 0 : i32
    return %arg0, %c0_i32, %arg1 : i32, i32, i32
  }
}

module attributes {stable_mosaic.version = 14 : i64} {
  func.func @_combine_kernel(%arg0: i32, %arg1: i32, %arg2: memref<1x1x1024x256xf32, #tpu.memory_space<vmem>>, %arg3: memref<1x1x1024x256xf32, #tpu.memory_space<vmem>>, %arg4: memref<1x1x1024x256xf32, #tpu.memory_space<vmem>>, %arg5: memref<1x1x1x1024xf32, #tpu.memory_space<vmem>>, %arg6: memref<1x1x1x1024xf32, #tpu.memory_space<vmem>>, %arg7: memref<1x1x1x1024xf32, #tpu.memory_space<vmem>>, %arg8: memref<1x256x1024xf32, #tpu.memory_space<vmem>>, %arg9: memref<256x256xf32, #tpu.memory_space<vmem>>, %arg10: memref<256x1xf32, #tpu.memory_space<vmem>>, %arg11: memref<1x256x1024xf32, #tpu.memory_space<vmem>>) attributes {dimension_semantics = [#tpu.dimension_semantics<arbitrary>, #tpu.dimension_semantics<arbitrary>], iteration_bounds = array<i64: 1, 8>, scalar_prefetch = 0 : i64, scratch_operands = 0 : i64, tpu.core_type = #tpu.core_type<tc>, window_params = [{transform_indices = @transform_0, window_bounds = array<i64: 1, 1, 1024, 256>}, {transform_indices = @transform_1, window_bounds = array<i64: 1, 1, 1024, 256>}, {transform_indices = @transform_2, window_bounds = array<i64: 1, 1, 1024, 256>}, {transform_indices = @transform_3, window_bounds = array<i64: 1, 1, 1, 1024>}, {transform_indices = @transform_4, window_bounds = array<i64: 1, 1, 1, 1024>}, {transform_indices = @transform_5, window_bounds = array<i64: 1, 1, 1, 1024>}, {transform_indices = @transform_6, window_bounds = array<i64: 1, 256, 1024>}, {pipeline_mode = #tpu.pipeline_mode<synchronous>, transform_indices = @transform_7, window_bounds = array<i64: 256, 256>}, {pipeline_mode = #tpu.pipeline_mode<synchronous>, transform_indices = @transform_8, window_bounds = array<i64: 256, 1>}, {transform_indices = @transform_9, window_bounds = array<i64: 1, 256, 1024>}]} {
    %get3A = arith.constant 0 : index
    %get3A_0 = arith.constant 0 : index
    %get3A_1 = arith.constant 0 : index
    %get3A_2 = arith.constant 0 : index
    %get3A_3 = vector.load %arg5[%get3A, %get3A_0, %get3A_1, %get3A_2] : memref<1x1x1x1024xf32, #tpu.memory_space<vmem>>, vector<1x1x1x1024xf32>
    %get3A_4 = vector.shape_cast %get3A_3 : vector<1x1x1x1024xf32> to vector<1x1024xf32>
    %transpose3A = tpu.transpose %get3A_4, [1, 0] : vector<1x1024xf32> -> vector<1024x1xf32>
    %get3A_5 = arith.constant 0 : index
    %get3A_6 = arith.constant 0 : index
    %get3A_7 = arith.constant 0 : index
    %get3A_8 = arith.constant 0 : index
    %get3A_9 = vector.load %arg6[%get3A_5, %get3A_6, %get3A_7, %get3A_8] : memref<1x1x1x1024xf32, #tpu.memory_space<vmem>>, vector<1x1x1x1024xf32>
    %get3A_10 = vector.shape_cast %get3A_9 : vector<1x1x1x1024xf32> to vector<1x1024xf32>
    %transpose3A_11 = tpu.transpose %get3A_10, [1, 0] : vector<1x1024xf32> -> vector<1024x1xf32>
    %get3A_12 = arith.constant 0 : index
    %get3A_13 = arith.constant 0 : index
    %get3A_14 = arith.constant 0 : index
    %get3A_15 = arith.constant 0 : index
    %get3A_16 = vector.load %arg7[%get3A_12, %get3A_13, %get3A_14, %get3A_15] : memref<1x1x1x1024xf32, #tpu.memory_space<vmem>>, vector<1x1x1x1024xf32>
    %get3A_17 = vector.shape_cast %get3A_16 : vector<1x1x1x1024xf32> to vector<1x1024xf32>
    %transpose3A_18 = tpu.transpose %get3A_17, [1, 0] : vector<1x1024xf32> -> vector<1024x1xf32>
    %get3A_19 = arith.constant 0 : index
    %get3A_20 = arith.constant 0 : index
    %get3A_21 = arith.constant 0 : index
    %get3A_22 = arith.constant 0 : index
    %get3A_23 = vector.load %arg2[%get3A_19, %get3A_20, %get3A_21, %get3A_22] : memref<1x1x1024x256xf32, #tpu.memory_space<vmem>>, vector<1x1x1024x256xf32>
    %get3A_24 = vector.shape_cast %get3A_23 : vector<1x1x1024x256xf32> to vector<1024x256xf32>
    %mul3A = vector.broadcast %transpose3A : vector<1024x1xf32> to vector<1024x256xf32>
    %mul3A_25 = arith.mulf %get3A_24, %mul3A : vector<1024x256xf32>
    %get3A_26 = arith.constant 0 : index
    %get3A_27 = arith.constant 0 : index
    %get3A_28 = arith.constant 0 : index
    %get3A_29 = arith.constant 0 : index
    %get3A_30 = vector.load %arg3[%get3A_26, %get3A_27, %get3A_28, %get3A_29] : memref<1x1x1024x256xf32, #tpu.memory_space<vmem>>, vector<1x1x1024x256xf32>
    %get3A_31 = vector.shape_cast %get3A_30 : vector<1x1x1024x256xf32> to vector<1024x256xf32>
    %mul3A_32 = vector.broadcast %transpose3A_11 : vector<1024x1xf32> to vector<1024x256xf32>
    %mul3A_33 = arith.mulf %get3A_31, %mul3A_32 : vector<1024x256xf32>
    %add3A = arith.addf %mul3A_25, %mul3A_33 : vector<1024x256xf32>
    %get3A_34 = arith.constant 0 : index
    %get3A_35 = arith.constant 0 : index
    %get3A_36 = arith.constant 0 : index
    %get3A_37 = arith.constant 0 : index
    %get3A_38 = vector.load %arg4[%get3A_34, %get3A_35, %get3A_36, %get3A_37] : memref<1x1x1024x256xf32, #tpu.memory_space<vmem>>, vector<1x1x1024x256xf32>
    %get3A_39 = vector.shape_cast %get3A_38 : vector<1x1x1024x256xf32> to vector<1024x256xf32>
    %mul3A_40 = vector.broadcast %transpose3A_18 : vector<1024x1xf32> to vector<1024x256xf32>
    %mul3A_41 = arith.mulf %get3A_39, %mul3A_40 : vector<1024x256xf32>
    %add3A_42 = arith.addf %add3A, %mul3A_41 : vector<1024x256xf32>
    %get3A_43 = arith.constant 0 : index
    %get3A_44 = arith.constant 0 : index
    %get3A_45 = vector.load %arg9[%get3A_43, %get3A_44] : memref<256x256xf32, #tpu.memory_space<vmem>>, vector<256x256xf32>
    %get3A_46 = arith.constant 0 : index
    %get3A_47 = arith.constant 0 : index
    %get3A_48 = arith.constant 0 : index
    %get3A_49 = vector.load %arg8[%get3A_46, %get3A_47, %get3A_48] : memref<1x256x1024xf32, #tpu.memory_space<vmem>>, vector<1x256x1024xf32>
    %get3A_50 = vector.shape_cast %get3A_49 : vector<1x256x1024xf32> to vector<256x1024xf32>
    %dot_general3A = arith.constant dense<0.000000e+00> : vector<256x1024xf32>
    %dot_general3A_51 = tpu.matmul %get3A_45, %get3A_50, %dot_general3A {dimension_numbers = #tpu.dot_dimension_numbers<[1], [0], [0], [1], [0, 0, 1, 1], [], []>, transpose_lhs_hint = false} : vector<256x256xf32>, vector<256x1024xf32>, vector<256x1024xf32> -> vector<256x1024xf32>
    %get3A_52 = arith.constant 0 : index
    %get3A_53 = arith.constant 0 : index
    %get3A_54 = vector.load %arg10[%get3A_52, %get3A_53] : memref<256x1xf32, #tpu.memory_space<vmem>>, vector<256x1xf32>
    %add3A_55 = vector.broadcast %get3A_54 : vector<256x1xf32> to vector<256x1024xf32>
    %add3A_56 = arith.addf %dot_general3A_51, %add3A_55 : vector<256x1024xf32>
    %transpose3A_57 = tpu.transpose %add3A_42, [1, 0] : vector<1024x256xf32> -> vector<256x1024xf32>
    %add3A_58 = arith.addf %transpose3A_57, %add3A_56 : vector<256x1024xf32>
    %swap3A = arith.constant 0 : index
    %swap3A_59 = arith.constant 0 : index
    %swap3A_60 = arith.constant 0 : index
    %swap3A_61 = vector.load %arg11[%swap3A, %swap3A_59, %swap3A_60] : memref<1x256x1024xf32, #tpu.memory_space<vmem>>, vector<1x256x1024xf32>
    %swap3A_62 = vector.shape_cast %swap3A_61 : vector<1x256x1024xf32> to vector<256x1024xf32>
    %swap3A_63 = vector.shape_cast %add3A_58 : vector<256x1024xf32> to vector<1x256x1024xf32>
    tpu.vector_store %arg11[%swap3A, %swap3A_59, %swap3A_60], %swap3A_63 {strides = array<i32>} : memref<1x256x1024xf32, #tpu.memory_space<vmem>>, vector<1x256x1024xf32>,
    return
  }
  func.func @transform_0(%arg0: i32, %arg1: i32) -> (i32, i32, i32, i32) {
    %c0_i32 = arith.constant 0 : i32
    %c0_i32_0 = arith.constant 0 : i32
    %c0_i32_1 = arith.constant 0 : i32
    return %arg0, %arg1, %c0_i32, %c0_i32_0 : i32, i32, i32, i32
  }
  func.func @transform_1(%arg0: i32, %arg1: i32) -> (i32, i32, i32, i32) {
    %c0_i32 = arith.constant 0 : i32
    %c0_i32_0 = arith.constant 0 : i32
    %c0_i32_1 = arith.constant 0 : i32
    return %arg0, %arg1, %c0_i32, %c0_i32_0 : i32, i32, i32, i32
  }
  func.func @transform_2(%arg0: i32, %arg1: i32) -> (i32, i32, i32, i32) {
    %c0_i32 = arith.constant 0 : i32
    %c0_i32_0 = arith.constant 0 : i32
    %c0_i32_1 = arith.constant 0 : i32
    return %arg0, %arg1, %c0_i32, %c0_i32_0 : i32, i32, i32, i32
  }
  func.func @transform_3(%arg0: i32, %arg1: i32) -> (i32, i32, i32, i32) {
    %c0_i32 = arith.constant 0 : i32
    %c0_i32_0 = arith.constant 0 : i32
    %c0_i32_1 = arith.constant 0 : i32
    return %arg0, %arg1, %c0_i32, %c0_i32_0 : i32, i32, i32, i32
  }
  func.func @transform_4(%arg0: i32, %arg1: i32) -> (i32, i32, i32, i32) {
    %c0_i32 = arith.constant 0 : i32
    %c0_i32_0 = arith.constant 0 : i32
    %c0_i32_1 = arith.constant 0 : i32
    return %arg0, %arg1, %c0_i32, %c0_i32_0 : i32, i32, i32, i32
  }
  func.func @transform_5(%arg0: i32, %arg1: i32) -> (i32, i32, i32, i32) {
    %c0_i32 = arith.constant 0 : i32
    %c0_i32_0 = arith.constant 0 : i32
    %c0_i32_1 = arith.constant 0 : i32
    return %arg0, %arg1, %c0_i32, %c0_i32_0 : i32, i32, i32, i32
  }
  func.func @transform_6(%arg0: i32, %arg1: i32) -> (i32, i32, i32) {
    %add3A = arith.constant 3 : i32
    %add3A_0 = arith.addi %add3A, %arg0 : i32
    %c0_i32 = arith.constant 0 : i32
    %c0_i32_1 = arith.constant 0 : i32
    return %add3A_0, %c0_i32, %arg1 : i32, i32, i32
  }
  func.func @transform_7(%arg0: i32, %arg1: i32) -> (i32, i32) {
    %c0_i32 = arith.constant 0 : i32
    %c0_i32_0 = arith.constant 0 : i32
    %c0_i32_1 = arith.constant 0 : i32
    return %c0_i32, %c0_i32_0 : i32, i32
  }
  func.func @transform_8(%arg0: i32, %arg1: i32) -> (i32, i32) {
    %c0_i32 = arith.constant 0 : i32
    %c0_i32_0 = arith.constant 0 : i32
    %c0_i32_1 = arith.constant 0 : i32
    return %c0_i32, %c0_i32_0 : i32, i32
  }
  func.func @transform_9(%arg0: i32, %arg1: i32) -> (i32, i32, i32) {
    %c0_i32 = arith.constant 0 : i32
    %c0_i32_0 = arith.constant 0 : i32
    return %arg0, %c0_i32, %arg1 : i32, i32, i32
  }
}

</mosaic_0001>

<sc_bundles>
// kernel: kernel.14.cloned.1.call-start
scs
__scs_entry_jumppad:
0x0: {  	(pc) =	sbr.rel $0x88, $3  }
0x1: {  	(tag) =	ssettag $0x0;
	lr =	simm.s32 $0x1  }
0x2: {  	[smem:$0x3F99] =	sst lr;
	_ =	strace $0xD0000000  }
0x3: {  	_ = 	snop  }
0x4: {  	_ = 	snop  }
0x5: {  	_ = 	snop  }
0x6: {  	_ = 	snop  }
0x7: {  	_ = 	snop  }
__scs_overlays_trampoline_lowered:
0x8: {  	[smem:$0x3FA8] =	sst s0  }
0x9: {  	[smem:$0x3FA9] =	sst s1  }
0xa: {  	[smem:$0x3FAA] =	sst s2  }
0xb: {  	[smem:$0x3FAB] =	sst s3  }
0xc: {  	[smem:$0x3FAC] =	sst s4  }
0xd: {  	[smem:$0x3FAD] =	sst s5  }
0xe: {  	[smem:$0x3FAE] =	sst s6  }
0xf: {  	[smem:$0x3FAF] =	sst s7  }
0x10: {  	[smem:$0x3FB0] =	sst s8  }
0x11: {  	[smem:$0x3FB1] =	sst s9;
	s0 =	simm.s32 @!p0 $0x0  }
0x12: {  	s1 =	sld [smem:$0x3F97];
	s0 =	simm.s32 @p0 $0x1  }
0x13: {  	[smem:$0x3FB2] =	sst s0;
	s0 =	simm.s32 @!p1 $0x0  }
0x14: {  	s2 =	sld [smem:$0x3F96];
	s0 =	simm.s32 @p1 $0x1  }
0x15: {  	[smem:$0x3FB3] =	sst s0;
	s0 =	simm.s32 @!p2 $0x0  }
0x16: {  	s3 =	sld [smem:$0x3FDB];
	s0 =	simm.s32 @p2 $0x1  }
0x17: {  	s4 =	simm.s32 $0x1BF5;
	[smem:$0x3FB5] =	sst s0  }
0x18: {  	s0 =	sld [smem:$0x3F98];
	_ =	swait.ge [sflag:s4], $0x0  }
0x19: {  	s7 =	sld [smem:$0x3F99]  }
0x1a: {  	s8 =	sadd.s32 $0xFFFFE003, lr  }
0x1b: {  	s9 =	sadd.s32 $0xFFFFFEF7, lr;
	s5 =	simm.s32 $0xFFFFFFFF;
	p2 =	slt.u32 s8, $0xFFFFF086  }
0x1c: {  	p1 =	slt.u32 s9, $0xF7A;
	s5 =	simm.s32 @!p2 $0x0  }
0x1d: {  	s5 =	simm.s32 @p1 $0x1;
	p0 =	seq.s32 s7, s2  }
0x1e: {  	s7 =	smul.u32 @!p0 $0xF7A, s2;
	p2 =	seq.s32 @!p0 s5, $0x0  }
0x1f: {  	s9 =	smul.u32 $0xF7A, s1;
	s8 =	simm.s32 @!p0 $0x1BF5;
	p2 =	por !p2, p0  }
0x20: {  	[sflag:s8] =	ssyncset.s32 @!p0 $0xFFFFF086;
	s6 =	sadd.s32 @!p0 s3, s7;
	s7 =	simm.s32 @!p0 $0x108  }
0x21: {  	s3 =	sadd.s32 s3, s9;
	s6 =	sadd.s32 @!p0 $0x88, s6;
	s7 =	simm.s32 @p2 $0x1082  }
0x22: {  	[simem:s7], [sflag:s8] =	dma.local @!p0 [hbm:s6], $0xF7A  }
0x23: {  	s9 =	sor.u32 $0xD0000000, s2;
	s6 =	simm.s32 $0x108;
	_ =	swait.ge @!p0 [sflag:s8], $0x0  }
0x24: {  	s3 =	sadd.s32 $0x88, s3;
	s6 =	simm.s32 @!p1 $0x1082;
	[sflag:s4] =	ssyncset.s32 $0xFFFFF086  }
0x25: {  	[simem:s6], [sflag:s4] =	dma.local [hbm:s3], $0xF7A  }
0x26: {  	[smem:$0x3F99] =	sst s1;
	(tag) =	ssettag s2;
	_ =	strace s9  }
0x27: {  	s1 =	sld [smem:$0x3FA9]  }
0x28: {  	s2 =	sld [smem:$0x3FAA]  }
0x29: {  	s4 =	sld [smem:$0x3FAC]  }
0x2a: {  	p0 =	seq.s32 s5, $0x0;
	s5 =	sld [smem:$0x3FAD]  }
0x2b: {  	s6 =	sld [smem:$0x3FAE]  }
0x2c: {  	s7 =	sld [smem:$0x3FAF]  }
0x2d: {  	s3 =	simm.s32 $0x108;
	s8 =	sld [smem:$0x3FB0]  }
0x2e: {  	s3 =	simm.s32 @!p0 $0x1082;
	s9 =	sld [smem:$0x3FB1]  }
0x2f: {  	lr =	sadd.s32 s0, s3;
	s0 =	sld [smem:$0x3FA8]  }
0x30: {  	s3 =	sld [smem:$0x3FAB]  }
0x31: {  	[smem:$0x3FB4] =	sst s10  }
0x32: {  	s10 =	sld [smem:$0x3FB2];
	_ =	sdelay $0x3  }
0x33: {  	p0 =	seq.s32 s10, $0x1;
	s10 =	sld [smem:$0x3FB4];
	_ =	sdelay $0x3  }
0x34: {  	[smem:$0x3FB4] =	sst s10  }
0x35: {  	s10 =	sld [smem:$0x3FB3];
	_ =	sdelay $0x3  }
0x36: {  	p1 =	seq.s32 s10, $0x1;
	s10 =	sld [smem:$0x3FB4];
	_ =	sdelay $0x3  }
0x37: {  	[smem:$0x3FB4] =	sst s10  }
0x38: {  	s10 =	sld [smem:$0x3FB5]  }
0x39: {  	_ = 	snop;
	(pc) =	sbr.ind lr, $3  }
0x3a: {  	_ = 	snop  }
0x3b: {  	_ = 	snop  }
0x3c: {  	p2 =	seq.s32 s10, $0x1;
	s10 =	sld [smem:$0x3FB4]  }
0x3d: {  	_ =	shalt  }
0x3e: {  	_ =	shalt  }
0x3f: {  	_ =	shalt  }
0x40: {  	_ =	shalt  }
0x41: {  	_ =	shalt  }
0x42: {  	_ =	shalt  }
0x43: {  	_ =	shalt  }
0x44: {  	_ =	shalt  }
0x45: {  	_ =	shalt  }
0x46: {  	_ =	shalt  }
0x47: {  	_ =	shalt  }
0x48: {  	_ =	shalt  }
0x49: {  	_ =	shalt  }
0x4a: {  	_ =	shalt  }
0x4b: {  	_ =	shalt  }
0x4c: {  	_ =	shalt  }
0x4d: {  	_ =	shalt  }
0x4e: {  	_ =	shalt  }
0x4f: {  	_ =	shalt  }
0x50: {  	_ =	shalt  }
0x51: {  	_ =	shalt  }
0x52: {  	_ =	shalt  }
0x53: {  	_ =	shalt  }
0x54: {  	_ =	shalt  }
0x55: {  	_ =	shalt  }
0x56: {  	_ =	shalt  }
0x57: {  	_ =	shalt  }
0x58: {  	_ =	shalt  }
0x59: {  	_ =	shalt  }
0x5a: {  	_ =	shalt  }
0x5b: {  	_ =	shalt  }
0x5c: {  	_ =	shalt  }
0x5d: {  	_ =	shalt  }
0x5e: {  	_ =	shalt  }
0x5f: {  	_ =	shalt  }
0x60: {  	_ =	shalt  }
0x61: {  	_ =	shalt  }
0x62: {  	_ =	shalt  }
0x63: {  	_ =	shalt  }
0x64: {  	_ =	shalt  }
0x65: {  	_ =	shalt  }
0x66: {  	_ =	shalt  }
0x67: {  	_ =	shalt  }
0x68: {  	_ =	shalt  }
0x69: {  	_ =	shalt  }
0x6a: {  	_ =	shalt  }
0x6b: {  	_ =	shalt  }
0x6c: {  	_ =	shalt  }
0x6d: {  	_ =	shalt  }
0x6e: {  	_ =	shalt  }
0x6f: {  	_ =	shalt  }
0x70: {  	_ =	shalt  }
0x71: {  	_ =	shalt  }
0x72: {  	_ =	shalt  }
0x73: {  	_ =	shalt  }
0x74: {  	_ =	shalt  }
0x75: {  	_ =	shalt  }
0x76: {  	_ =	shalt  }
0x77: {  	_ =	shalt  }
0x78: {  	_ =	shalt  }
0x79: {  	_ =	shalt  }
0x7a: {  	_ =	shalt  }
0x7b: {  	_ =	shalt  }
0x7c: {  	_ =	shalt  }
0x7d: {  	_ =	shalt  }
0x7e: {  	_ =	shalt  }
0x7f: {  	_ =	shalt  }
0x80: {  	_ =	shalt  }
0x81: {  	_ =	shalt  }
0x82: {  	_ =	shalt  }
0x83: {  	_ =	shalt  }
0x84: {  	_ =	shalt  }
0x85: {  	_ =	shalt  }
0x86: {  	_ =	shalt  }
0x87: {  	_ =	shalt  }
.Lfunc_end0:
.L_simem_size_0:
called_computation_lowered:
.L_overlay_start_0:
0x88: {  	s2 =	sld [smem:$0x3FD9]  }
0x89: {  	s3 =	sld [smem:$0x3FFE];
	_ =	sdelay $0x1  }
0x8a: {  	s1 =	srdreg.scid  }
0x8b: {  	s0 =	sand.u32 $0x1, s1  }
0x8c: {  	s16 =	sshll.u32 s0, $0xA;
	s2 =	sadd.s32 s3, s2  }
0x8d: {  	s2 =	sadd.s32 s2, s16  }
0x8e: {  	[smem:$0x3FC0] =	sst s2  }
0x8f: {  	_ = 	snop  }
0x90: {  	(tm) =	ssettm $0x1  }
0x91: {  	s17 =	sld [smem:$0x3FFB];
	_ =	sdelay $0x3  }
0x92: {  	_ =	strace s17  }
0x93: {  	s2 =	sld [smem:$0x3FFC];
	_ =	sdelay $0x3  }
0x94: {  	_ =	strace s2  }
0x95: {  	s2 =	sld [smem:$0x3FFD];
	_ =	sdelay $0x3  }
0x96: {  	_ =	strace s2  }
0x97: {  	_ =	strace $0x8FFFFFFF  }
0x98: {  	s18 =	sld [smem:$0x3FDB];
	_ =	sdelay $0x1  }
0x99: {  	s19 =	simm.s32 $_scs_section_size  }
0x9a: {  	s4 =	simm.s32 $_size__tile_overlayer_lowered;
	s5 =	simm.s32 $_tile_overlayer_lowered  }
0x9b: {  	s22 =	simm.s32 $0x1BFF;
	s21 =	sshll.u32 s5, $0x1;
	s2 =	sadd.s32 s19, s18  }
0x9c: {  	s6 =	simm.s32 $0x0;
	s20 =	sshll.u32 s4, $0x1;
	s4 =	sadd.s32 s21, s2  }
0x9d: {  	[timem:s6], [sflag:s22] =	dma.local [hbm:s4], s20  }
0x9e: {  	_ =	swait.ge [sflag:s22], s20  }
0x9f: {  	s3 =	ssub.s32 $0x0, s20;
	[sflag:s22] =	ssyncset.done $0x0  }
0xa0: {  	[sflag:s22] =	ssyncadd.s32 s3;
	_ =	sdelay $0x1  }
0xa1: {  	s23 =	simm.s32 $0x1B8B  }
0xa2: {  	_ =	swait.ge [sflag:s23], $0x1  }
0xa3: {  	[sflag:s23] =	ssyncset.done $0x0  }
0xa4: {  	s25 =	simm.s32 $0x1B8E;
	s24 =	sld [smem:$0x3FFE];
	[sflag:s23] =	ssyncadd.s32 $0xFFFFFFFF  }
0xa5: {  	s26 =	simm.s32 $execute0_lowered;
	[smem:$0x3FD2] =	sst s25  }
0xa6: {  	s4 =	sshll.u32 s26, $0x1;
	_ =	strace $0x80000046;
	[dreg:$0x1] =	wrdreg $0xFFFFFFFF  }
0xa7: {  	s28 =	simm.s32 $_size_execute0_lowered;
	s2 =	sadd.s32 s2, s4;
	[dreg:$0x0] =	wrdreg $0x0  }
0xa8: {  	s4 =	sshll.u32 s28, $0x1;
	[dreg:$0x2] =	wrdreg s2  }
0xa9: {  	[dreg:$0x3] =	wrdreg s4  }
0xaa: {  	[dreg:$0x4] =	wrdreg $0xC0  }
0xab: {  	_ =	task [dreg:s6], $0x5FFFF  }
0xac: {  	[dreg:$0x1] =	wrdreg $0xFFFFFFFF  }
0xad: {  	[dreg:$0x0] =	wrdreg $0x60  }
0xae: {  	[dreg:$0x2] =	wrdreg s24  }
0xaf: {  	[dreg:$0x3] =	wrdreg $0x9  }
0xb0: {  	_ =	task.clear_ibuf [dreg:s6], $0x4FFFF;
	_ =	strace $0x90000046  }
0xb1: {  	s29 =	simm.s32 $0x9;
	_ =	strace $0x80000048  }
0xb2: {  	_ =	swait.ge [sflag:s29], $0x1  }
0xb3: {  	[sflag:s29] =	ssyncadd.s32 $0xFFFFFFFF  }
0xb4: {  	_ =	strace $0x90000048  }
0xb5: {  	_ =	sfence  }
0xb6: {  	s30 =	sld [smem:$0x0];
	_ =	sdelay $0x2  }
0xb7: {  	s31 =	sshll.u32 s1, $0xD;
	s1 =	sshrl.u32 s1, $0x2  }
0xb8: {  	s3 =	sand.u32 $0x4000, s31;
	s1 =	sadd.s32 s1, s30  }
0xb9: {  	s0 =	sor.u32 s3, s0;
	s1 =	sshll.u32 s1, $0x11  }
0xba: {  	s0 =	sor.u32 s1, s0  }
0xbb: {  	s0 =	sadd.s32 $0x8F2B, s0  }
0xbc: {  	[sflag:s0] =	ssyncadd.remote.s32 $0x1  }
0xbd: {  	_ =	sfence.sel $0xFFFF  }
0xbe: {  	[dreg:$0x0] =	wrdreg $0xFFFFFFFF;
	(pc) =	sbr.abs _section_cstart, $3  }
0xbf: {  	[dreg:$0x1] =	wrdreg $0xFFFFFFFF  }
0xc0: {  	_ =	task.clear_ibuf [dreg:s6], $0x2FFFF;
	_ =	strace $0x9FFFFFFF  }
0xc1: {  	(tm) =	ssettm $0x7FFFFFFF  }
tec
execute0_lowered:
.L_overlay_start_1:
0x0: {  	(tag) =	ssettag $0x1  }
0x1: {  	s0 =	rddreg [dreg:$0x0];
	s1 =	srdreg.scid;
	s2 =	simm.s32 $0x0  }
0x2: {  	s3 =	stileid.u32;
	s28 =	simm.s32 $0x9180;
	s29 =	simm.s32 $0x9980  }
0x3: {  	s30 =	simm.s32 $0xA180;
	s31 =	simm.s32 $0xA980;
	s1 =	sand.u32 $0x1, s1  }
0x4: {  	[smem:$0x7FF] =	sst s2;
	s3 =	sshll.u32 s3, $0x9;
	s13 =	sadd.s32 $0x16000, s0  }
0x5: {  	s5 =	sadd.s32 $0x16400, s0;
	s7 =	sadd.s32 $0x16800, s0;
	s8 =	sadd.s32 $0x16C00, s0  }
0x6: {  	s10 =	sadd.s32 $0x56C00, s0;
	s11 =	sadd.s32 $0x96C00, s0;
	s4 =	sshll.u32 s1, $0x8  }
0x7: {  	_ =	strace $0x80000047;
	s1 =	ssub.s32 $0x2, s1;
	s3 =	sor.u32 s4, s3  }
0x8: {  	s24 =	sshrl.u32 s1, $0x1;
	s6 =	sshrl.u32 s3, $0x3;
	s15 =	sshll.u32 s3, $0x5  }
0x9: {  	s12 =	sor.u32 $0x80, s3;
	s3 =	sadd.s32 $0x6000, s0;
	s9 =	sadd.s32 s13, s6  }
0xa: {  	s1 =	ssub.s32 s1, s24;
	s14 =	sadd.s32 s5, s6;
	[dreg:$0x2] =	wrdreg s9  }
0xb: {  	s0 =	simm.s32 $0x1;
	s6 =	sadd.s32 s7, s6;
	[dreg:$0x3] =	wrdreg s14  }
0xc: {  	s24 =	simm.s32 $0xB980;
	s16 =	sadd.s32 s8, s15;
	[dreg:$0x4] =	wrdreg s6  }
0xd: {  	s17 =	sadd.s32 s10, s15;
	s18 =	sadd.s32 s11, s15;
	[dreg:$0x5] =	wrdreg s16  }
0xe: {  	s19 =	sshrl.u32 s12, $0x3;
	s22 =	sshll.u32 s12, $0x5;
	[dreg:$0x6] =	wrdreg s17  }
0xf: {  	s12 =	simm.s32 $0x2180;
	s15 =	simm.s32 $0x3180;
	[dreg:$0x7] =	wrdreg s18  }
0x10: {  	s4 =	sadd.s32 s13, s19;
	s20 =	sadd.s32 s5, s19;
	s21 =	sadd.s32 s7, s19  }
0x11: {  	s23 =	sadd.s32 s8, s22;
	s25 =	sadd.s32 s10, s22;
	s26 =	sadd.s32 s11, s22  }
0x12: {  	s7 =	smax.u32 s1, $0x1;
	s5 =	simm.s32 $0x2;
	s9 =	simm.s32 $0x980  }
0x13: {  	s10 =	simm.s32 $0x1180;
	s11 =	simm.s32 $0x1980;
	[dreg:$0x8] =	wrdreg s4  }
0x14: {  	s13 =	simm.s32 $0x2980;
	s16 =	simm.s32 $0x3980;
	[dreg:$0x9] =	wrdreg s20  }
0x15: {  	s17 =	simm.s32 $0x4180;
	s18 =	simm.s32 $0x4980;
	[dreg:$0xa] =	wrdreg s21  }
0x16: {  	s19 =	simm.s32 $0x5180;
	s22 =	simm.s32 $0x6980;
	[dreg:$0xb] =	wrdreg s23  }
0x17: {  	v2 =	vlaneseq.u32;
	s14 =	simm.s32 $0x8180;
	s6 =	simm.s32 $0x10180;
	[dreg:$0xc] =	wrdreg s25  }
0x18: {  	vm0 =	vmmov $0xffff;
	v1 =	vshrl.u32 v2, $0x3;
	[dreg:$0xd] =	wrdreg s26;
	s20 =	simm.s32 $0x5980;
	s21 =	simm.s32 $0x6180  }
0x19: {  	v0 =	vand.u32 $0x7, v2;
	v2 =	vor.u32 $0x8, v2;
	v1 =	vmul.u32 $0x8, v1;
	s23 =	simm.s32 $0x7180;
	s25 =	simm.s32 $0x7980;
	s26 =	simm.s32 $0x8980  }
.LBB2_1:
0x1a: {  	s1 =	rddreg [dreg:$0x2]  }
0x1b: {  	[tilespmem:s2], [sflag:$0x2] =	stream.linear.gather [hbm4b:s1+s2], $0x80, $0x38;
	[tilespmem:$0x18180] =	vst v63  }
0x1c: {  	_ =	swait.ge [sflag:s5], $0x80  }
0x1d: {  	[sflag:s5] =	ssyncset.done $0x0  }
0x1e: {  	s4 =	simm.s32 $0x80;
	s8 =	rddreg [dreg:$0x3];
	[sflag:s5] =	ssyncadd.s32 $0xFFFFFF80  }
0x1f: {  	[tilespmem:s4], [sflag:$0x2] =	stream.linear.gather [hbm4b:s8+s2], $0x80, $0x38;
	[tilespmem:$0x18180] =	vst v63  }
0x20: {  	_ =	swait.ge [sflag:s5], $0x80  }
0x21: {  	[sflag:s5] =	ssyncset.done $0x0  }
0x22: {  	s8 =	simm.s32 $0x100;
	s4 =	rddreg [dreg:$0x4];
	[sflag:s5] =	ssyncadd.s32 $0xFFFFFF80  }
0x23: {  	[tilespmem:s8], [sflag:$0x2] =	stream.linear.gather [hbm4b:s4+s2], $0x80, $0x38;
	[tilespmem:$0x18180] =	vst v63  }
0x24: {  	_ =	swait.ge [sflag:s5], $0x80  }
0x25: {  	[sflag:s5] =	ssyncset.done $0x0  }
0x26: {  	[sflag:s5] =	ssyncadd.s32 $0xFFFFFF80  }
0x27: {  	v3 =	vld [tilespmem:$0x0];
	_ =	sdelay $0x4  }
0x28: {  	v4 =	vshll.u32 v3, $0x1  }
0x29: {  	v3 =	vand.u32 $0x7, v3;
	v4 =	vand.u32 $0xFFFFFFF0, v4  }
0x2a: {  	v3 =	vor.u32 v3, v4  }
0x2b: {  	v4 =	vperm.xlane v3, v0;
	_ =	sdelay $0x1  }
0x2c: {  	v3 =	vperm.xlane v3, v2;
	v4 =	vadd.s32 v1, v4;
	_ =	sdelay $0x1  }
0x2d: {  	v3 =	vadd.s32 v1, v3;
	_ =	sdelay $0x1  }
0x2e: {  	s4 =	simm.s32 $0x180  }
0x2f: {  	[tilespmem:s4], [sflag:$0x1] =	stream.indirect_vreg.gather [hbm4b:s3+s2], $0x80, v4, vm0, $0xb8;
	[tilespmem:$0x18180] =	vst v63  }
0x30: {  	_ = 	snop  }
0x31: {  	[tilespmem:s9], [sflag:$0x1] =	stream.indirect_vreg.gather [hbm4b:s3+s2], $0x80, v3, vm0, $0xb8;
	[tilespmem:$0x18180] =	vst v63  }
0x32: {  	v3 =	vld [tilespmem:$0x10];
	_ =	sdelay $0x4  }
0x33: {  	v17 =	vshll.u32 v3, $0x1  }
0x34: {  	v3 =	vand.u32 $0x7, v3;
	v4 =	vand.u32 $0xFFFFFFF0, v17  }
0x35: {  	v3 =	vor.u32 v3, v4  }
0x36: {  	v4 =	vperm.xlane v3, v0;
	_ =	sdelay $0x1  }
0x37: {  	v3 =	vperm.xlane v3, v2;
	v4 =	vadd.s32 v1, v4;
	_ =	sdelay $0x1  }
0x38: {  	v3 =	vadd.s32 v1, v3;
	_ =	sdelay $0x2  }
0x39: {  	[tilespmem:s10], [sflag:$0x1] =	stream.indirect_vreg.gather [hbm4b:s3+s2], $0x80, v4, vm0, $0xb8;
	[tilespmem:$0x18180] =	vst v63  }
0x3a: {  	_ = 	snop  }
0x3b: {  	[tilespmem:s11], [sflag:$0x1] =	stream.indirect_vreg.gather [hbm4b:s3+s2], $0x80, v3, vm0, $0xb8;
	[tilespmem:$0x18180] =	vst v63  }
0x3c: {  	v3 =	vld [tilespmem:$0x20];
	_ =	sdelay $0x4  }
0x3d: {  	v18 =	vshll.u32 v3, $0x1  }
0x3e: {  	v3 =	vand.u32 $0x7, v3;
	v4 =	vand.u32 $0xFFFFFFF0, v18  }
0x3f: {  	v3 =	vor.u32 v3, v4  }
0x40: {  	v4 =	vperm.xlane v3, v0;
	_ =	sdelay $0x1  }
0x41: {  	v3 =	vperm.xlane v3, v2;
	v4 =	vadd.s32 v1, v4;
	_ =	sdelay $0x1  }
0x42: {  	v3 =	vadd.s32 v1, v3;
	_ =	sdelay $0x2  }
0x43: {  	[tilespmem:s12], [sflag:$0x1] =	stream.indirect_vreg.gather [hbm4b:s3+s2], $0x80, v4, vm0, $0xb8;
	[tilespmem:$0x18180] =	vst v63  }
0x44: {  	_ = 	snop  }
0x45: {  	[tilespmem:s13], [sflag:$0x1] =	stream.indirect_vreg.gather [hbm4b:s3+s2], $0x80, v3, vm0, $0xb8;
	[tilespmem:$0x18180] =	vst v63  }
0x46: {  	v3 =	vld [tilespmem:$0x30];
	_ =	sdelay $0x4  }
0x47: {  	v19 =	vshll.u32 v3, $0x1  }
0x48: {  	v3 =	vand.u32 $0x7, v3;
	v4 =	vand.u32 $0xFFFFFFF0, v19  }
0x49: {  	v3 =	vor.u32 v3, v4  }
0x4a: {  	v4 =	vperm.xlane v3, v0;
	_ =	sdelay $0x1  }
0x4b: {  	v3 =	vperm.xlane v3, v2;
	v4 =	vadd.s32 v1, v4;
	_ =	sdelay $0x1  }
0x4c: {  	v3 =	vadd.s32 v1, v3;
	_ =	sdelay $0x2  }
0x4d: {  	[tilespmem:s15], [sflag:$0x1] =	stream.indirect_vreg.gather [hbm4b:s3+s2], $0x80, v4, vm0, $0xb8;
	[tilespmem:$0x18180] =	vst v63  }
0x4e: {  	_ = 	snop  }
0x4f: {  	[tilespmem:s16], [sflag:$0x1] =	stream.indirect_vreg.gather [hbm4b:s3+s2], $0x80, v3, vm0, $0xb8;
	[tilespmem:$0x18180] =	vst v63  }
0x50: {  	v3 =	vld [tilespmem:$0x40];
	_ =	sdelay $0x4  }
0x51: {  	v20 =	vshll.u32 v3, $0x1  }
0x52: {  	v3 =	vand.u32 $0x7, v3;
	v4 =	vand.u32 $0xFFFFFFF0, v20  }
0x53: {  	v3 =	vor.u32 v3, v4  }
0x54: {  	v4 =	vperm.xlane v3, v0;
	_ =	sdelay $0x1  }
0x55: {  	v3 =	vperm.xlane v3, v2;
	v4 =	vadd.s32 v1, v4;
	_ =	sdelay $0x1  }
0x56: {  	v3 =	vadd.s32 v1, v3;
	_ =	sdelay $0x2  }
0x57: {  	[tilespmem:s17], [sflag:$0x1] =	stream.indirect_vreg.gather [hbm4b:s3+s2], $0x80, v4, vm0, $0xb8;
	[tilespmem:$0x18180] =	vst v63  }
0x58: {  	_ = 	snop  }
0x59: {  	[tilespmem:s18], [sflag:$0x1] =	stream.indirect_vreg.gather [hbm4b:s3+s2], $0x80, v3, vm0, $0xb8;
	[tilespmem:$0x18180] =	vst v63  }
0x5a: {  	v3 =	vld [tilespmem:$0x50];
	_ =	sdelay $0x4  }
0x5b: {  	v21 =	vshll.u32 v3, $0x1  }
0x5c: {  	v3 =	vand.u32 $0x7, v3;
	v4 =	vand.u32 $0xFFFFFFF0, v21  }
0x5d: {  	v3 =	vor.u32 v3, v4  }
0x5e: {  	v4 =	vperm.xlane v3, v0;
	_ =	sdelay $0x1  }
0x5f: {  	v3 =	vperm.xlane v3, v2;
	v4 =	vadd.s32 v1, v4;
	_ =	sdelay $0x1  }
0x60: {  	v3 =	vadd.s32 v1, v3;
	_ =	sdelay $0x2  }
0x61: {  	[tilespmem:s19], [sflag:$0x1] =	stream.indirect_vreg.gather [hbm4b:s3+s2], $0x80, v4, vm0, $0xb8;
	[tilespmem:$0x18180] =	vst v63  }
0x62: {  	_ = 	snop  }
0x63: {  	[tilespmem:s20], [sflag:$0x1] =	stream.indirect_vreg.gather [hbm4b:s3+s2], $0x80, v3, vm0, $0xb8;
	[tilespmem:$0x18180] =	vst v63  }
0x64: {  	v3 =	vld [tilespmem:$0x60];
	_ =	sdelay $0x4  }
0x65: {  	v22 =	vshll.u32 v3, $0x1  }
0x66: {  	v3 =	vand.u32 $0x7, v3;
	v4 =	vand.u32 $0xFFFFFFF0, v22  }
0x67: {  	v3 =	vor.u32 v3, v4  }
0x68: {  	v4 =	vperm.xlane v3, v0;
	_ =	sdelay $0x1  }
0x69: {  	v3 =	vperm.xlane v3, v2;
	v4 =	vadd.s32 v1, v4;
	_ =	sdelay $0x1  }
0x6a: {  	v3 =	vadd.s32 v1, v3;
	_ =	sdelay $0x2  }
0x6b: {  	[tilespmem:s21], [sflag:$0x1] =	stream.indirect_vreg.gather [hbm4b:s3+s2], $0x80, v4, vm0, $0xb8;
	[tilespmem:$0x18180] =	vst v63  }
0x6c: {  	_ = 	snop  }
0x6d: {  	[tilespmem:s22], [sflag:$0x1] =	stream.indirect_vreg.gather [hbm4b:s3+s2], $0x80, v3, vm0, $0xb8;
	[tilespmem:$0x18180] =	vst v63  }
0x6e: {  	v3 =	vld [tilespmem:$0x70];
	_ =	sdelay $0x4  }
0x6f: {  	v23 =	vshll.u32 v3, $0x1  }
0x70: {  	v3 =	vand.u32 $0x7, v3;
	v4 =	vand.u32 $0xFFFFFFF0, v23  }
0x71: {  	v3 =	vor.u32 v3, v4  }
0x72: {  	v4 =	vperm.xlane v3, v0;
	_ =	sdelay $0x1  }
0x73: {  	v3 =	vperm.xlane v3, v2;
	v4 =	vadd.s32 v1, v4;
	_ =	sdelay $0x1  }
0x74: {  	v3 =	vadd.s32 v1, v3;
	_ =	sdelay $0x2  }
0x75: {  	[tilespmem:s23], [sflag:$0x1] =	stream.indirect_vreg.gather [hbm4b:s3+s2], $0x80, v4, vm0, $0xb8;
	[tilespmem:$0x18180] =	vst v63  }
0x76: {  	_ = 	snop  }
0x77: {  	[tilespmem:s25], [sflag:$0x1] =	stream.indirect_vreg.gather [hbm4b:s3+s2], $0x80, v3, vm0, $0xb8;
	[tilespmem:$0x18180] =	vst v63  }
0x78: {  	v3 =	vld [tilespmem:$0x80];
	_ =	sdelay $0x4  }
0x79: {  	v24 =	vshll.u32 v3, $0x1  }
0x7a: {  	v3 =	vand.u32 $0x7, v3;
	v4 =	vand.u32 $0xFFFFFFF0, v24  }
0x7b: {  	v3 =	vor.u32 v3, v4  }
0x7c: {  	v4 =	vperm.xlane v3, v0;
	_ =	sdelay $0x1  }
0x7d: {  	v3 =	vperm.xlane v3, v2;
	v4 =	vadd.s32 v1, v4;
	_ =	sdelay $0x1  }
0x7e: {  	v3 =	vadd.s32 v1, v3;
	_ =	sdelay $0x2  }
0x7f: {  	[tilespmem:s14], [sflag:$0x1] =	stream.indirect_vreg.gather [hbm4b:s3+s2], $0x80, v4, vm0, $0xb8;
	[tilespmem:$0x18180] =	vst v63  }
0x80: {  	_ = 	snop  }
0x81: {  	[tilespmem:s26], [sflag:$0x1] =	stream.indirect_vreg.gather [hbm4b:s3+s2], $0x80, v3, vm0, $0xb8;
	[tilespmem:$0x18180] =	vst v63  }
0x82: {  	v3 =	vld [tilespmem:$0x90];
	_ =	sdelay $0x4  }
0x83: {  	v25 =	vshll.u32 v3, $0x1  }
0x84: {  	v3 =	vand.u32 $0x7, v3;
	v4 =	vand.u32 $0xFFFFFFF0, v25  }
0x85: {  	v3 =	vor.u32 v3, v4  }
0x86: {  	v4 =	vperm.xlane v3, v0;
	_ =	sdelay $0x1  }
0x87: {  	v3 =	vperm.xlane v3, v2;
	v4 =	vadd.s32 v1, v4;
	_ =	sdelay $0x1  }
0x88: {  	v3 =	vadd.s32 v1, v3;
	_ =	sdelay $0x2  }
0x89: {  	[tilespmem:s28], [sflag:$0x1] =	stream.indirect_vreg.gather [hbm4b:s3+s2], $0x80, v4, vm0, $0xb8;
	[tilespmem:$0x18180] =	vst v63  }
0x8a: {  	_ = 	snop  }
0x8b: {  	[tilespmem:s29], [sflag:$0x1] =	stream.indirect_vreg.gather [hbm4b:s3+s2], $0x80, v3, vm0, $0xb8;
	[tilespmem:$0x18180] =	vst v63  }
0x8c: {  	v3 =	vld [tilespmem:$0xA0];
	_ =	sdelay $0x4  }
0x8d: {  	v26 =	vshll.u32 v3, $0x1  }
0x8e: {  	v3 =	vand.u32 $0x7, v3;
	v4 =	vand.u32 $0xFFFFFFF0, v26  }
0x8f: {  	v3 =	vor.u32 v3, v4  }
0x90: {  	v4 =	vperm.xlane v3, v0;
	_ =	sdelay $0x1  }
0x91: {  	v3 =	vperm.xlane v3, v2;
	v4 =	vadd.s32 v1, v4;
	_ =	sdelay $0x1  }
0x92: {  	v3 =	vadd.s32 v1, v3;
	_ =	sdelay $0x2  }
0x93: {  	[tilespmem:s30], [sflag:$0x1] =	stream.indirect_vreg.gather [hbm4b:s3+s2], $0x80, v4, vm0, $0xb8;
	[tilespmem:$0x18180] =	vst v63  }
0x94: {  	_ = 	snop  }
0x95: {  	[tilespmem:s31], [sflag:$0x1] =	stream.indirect_vreg.gather [hbm4b:s3+s2], $0x80, v3, vm0, $0xb8;
	[tilespmem:$0x18180] =	vst v63  }
0x96: {  	v3 =	vld [tilespmem:$0xB0];
	_ =	sdelay $0x4  }
0x97: {  	v27 =	vshll.u32 v3, $0x1  }
0x98: {  	v3 =	vand.u32 $0x7, v3;
	v4 =	vand.u32 $0xFFFFFFF0, v27  }
0x99: {  	v3 =	vor.u32 v3, v4  }
0x9a: {  	v4 =	vperm.xlane v3, v0;
	_ =	sdelay $0x1  }
0x9b: {  	v3 =	vperm.xlane v3, v2;
	v4 =	vadd.s32 v1, v4;
	_ =	sdelay $0x1  }
0x9c: {  	v3 =	vadd.s32 v1, v3;
	_ =	sdelay $0x1  }
0x9d: {  	s8 =	simm.s32 $0xB180  }
0x9e: {  	[tilespmem:s8], [sflag:$0x1] =	stream.indirect_vreg.gather [hbm4b:s3+s2], $0x80, v4, vm0, $0xb8;
	[tilespmem:$0x18180] =	vst v63  }
0x9f: {  	_ = 	snop  }
0xa0: {  	[tilespmem:s24], [sflag:$0x1] =	stream.indirect_vreg.gather [hbm4b:s3+s2], $0x80, v3, vm0, $0xb8;
	[tilespmem:$0x18180] =	vst v63  }
0xa1: {  	v3 =	vld [tilespmem:$0xC0];
	_ =	sdelay $0x4  }
0xa2: {  	v28 =	vshll.u32 v3, $0x1  }
0xa3: {  	v3 =	vand.u32 $0x7, v3;
	v4 =	vand.u32 $0xFFFFFFF0, v28  }
0xa4: {  	v3 =	vor.u32 v3, v4  }
0xa5: {  	v4 =	vperm.xlane v3, v0;
	_ =	sdelay $0x1  }
0xa6: {  	v3 =	vperm.xlane v3, v2;
	v4 =	vadd.s32 v1, v4;
	_ =	sdelay $0x1  }
0xa7: {  	v3 =	vadd.s32 v1, v3;
	_ =	sdelay $0x1  }
0xa8: {  	s4 =	simm.s32 $0xC180  }
0xa9: {  	[tilespmem:s4], [sflag:$0x1] =	stream.indirect_vreg.gather [hbm4b:s3+s2], $0x80, v4, vm0, $0xb8;
	[tilespmem:$0x18180] =	vst v63  }
0xaa: {  	s8 =	simm.s32 $0xC980  }
0xab: {  	[tilespmem:s8], [sflag:$0x1] =	stream.indirect_vreg.gather [hbm4b:s3+s2], $0x80, v3, vm0, $0xb8;
	[tilespmem:$0x18180] =	vst v63  }
0xac: {  	v3 =	vld [tilespmem:$0xD0];
	_ =	sdelay $0x4  }
0xad: {  	v29 =	vshll.u32 v3, $0x1  }
0xae: {  	v3 =	vand.u32 $0x7, v3;
	v4 =	vand.u32 $0xFFFFFFF0, v29  }
0xaf: {  	v3 =	vor.u32 v3, v4  }
0xb0: {  	v4 =	vperm.xlane v3, v0;
	_ =	sdelay $0x1  }
0xb1: {  	v3 =	vperm.xlane v3, v2;
	v4 =	vadd.s32 v1, v4;
	_ =	sdelay $0x1  }
0xb2: {  	v3 =	vadd.s32 v1, v3;
	_ =	sdelay $0x1  }
0xb3: {  	s4 =	simm.s32 $0xD180  }
0xb4: {  	[tilespmem:s4], [sflag:$0x1] =	stream.indirect_vreg.gather [hbm4b:s3+s2], $0x80, v4, vm0, $0xb8;
	[tilespmem:$0x18180] =	vst v63  }
0xb5: {  	s8 =	simm.s32 $0xD980  }
0xb6: {  	[tilespmem:s8], [sflag:$0x1] =	stream.indirect_vreg.gather [hbm4b:s3+s2], $0x80, v3, vm0, $0xb8;
	[tilespmem:$0x18180] =	vst v63  }
0xb7: {  	v3 =	vld [tilespmem:$0xE0];
	_ =	sdelay $0x4  }
0xb8: {  	v30 =	vshll.u32 v3, $0x1  }
0xb9: {  	v3 =	vand.u32 $0x7, v3;
	v4 =	vand.u32 $0xFFFFFFF0, v30  }
0xba: {  	v3 =	vor.u32 v3, v4  }
0xbb: {  	v4 =	vperm.xlane v3, v0;
	_ =	sdelay $0x1  }
0xbc: {  	v3 =	vperm.xlane v3, v2;
	v4 =	vadd.s32 v1, v4;
	_ =	sdelay $0x1  }
0xbd: {  	v3 =	vadd.s32 v1, v3;
	_ =	sdelay $0x1  }
0xbe: {  	s4 =	simm.s32 $0xE180  }
0xbf: {  	[tilespmem:s4], [sflag:$0x1] =	stream.indirect_vreg.gather [hbm4b:s3+s2], $0x80, v4, vm0, $0xb8;
	[tilespmem:$0x18180] =	vst v63  }
0xc0: {  	s8 =	simm.s32 $0xE980  }
0xc1: {  	[tilespmem:s8], [sflag:$0x1] =	stream.indirect_vreg.gather [hbm4b:s3+s2], $0x80, v3, vm0, $0xb8;
	[tilespmem:$0x18180] =	vst v63  }
0xc2: {  	v3 =	vld [tilespmem:$0xF0];
	_ =	sdelay $0x4  }
0xc3: {  	v31 =	vshll.u32 v3, $0x1  }
0xc4: {  	v3 =	vand.u32 $0x7, v3;
	v4 =	vand.u32 $0xFFFFFFF0, v31  }
0xc5: {  	v3 =	vor.u32 v3, v4  }
0xc6: {  	v4 =	vperm.xlane v3, v0;
	_ =	sdelay $0x1  }
0xc7: {  	v3 =	vperm.xlane v3, v2;
	v4 =	vadd.s32 v1, v4;
	_ =	sdelay $0x1  }
0xc8: {  	v3 =	vadd.s32 v1, v3;
	_ =	sdelay $0x1  }
0xc9: {  	s4 =	simm.s32 $0xF180  }
0xca: {  	[tilespmem:s4], [sflag:$0x1] =	stream.indirect_vreg.gather [hbm4b:s3+s2], $0x80, v4, vm0, $0xb8;
	[tilespmem:$0x18180] =	vst v63  }
0xcb: {  	s8 =	simm.s32 $0xF980  }
0xcc: {  	[tilespmem:s8], [sflag:$0x1] =	stream.indirect_vreg.gather [hbm4b:s3+s2], $0x80, v3, vm0, $0xb8;
	[tilespmem:$0x18180] =	vst v63  }
0xcd: {  	v3 =	vld [tilespmem:$0x100];
	_ =	sdelay $0x4  }
0xce: {  	v32 =	vshll.u32 v3, $0x1  }
0xcf: {  	v3 =	vand.u32 $0x7, v3;
	v4 =	vand.u32 $0xFFFFFFF0, v32  }
0xd0: {  	v3 =	vor.u32 v3, v4  }
0xd1: {  	v4 =	vperm.xlane v3, v0;
	_ =	sdelay $0x1  }
0xd2: {  	v3 =	vperm.xlane v3, v2;
	v4 =	vadd.s32 v1, v4;
	_ =	sdelay $0x1  }
0xd3: {  	v3 =	vadd.s32 v1, v3;
	_ =	sdelay $0x2  }
0xd4: {  	[tilespmem:s6], [sflag:$0x1] =	stream.indirect_vreg.gather [hbm4b:s3+s2], $0x80, v4, vm0, $0xb8;
	[tilespmem:$0x18180] =	vst v63  }
0xd5: {  	s4 =	simm.s32 $0x10980  }
0xd6: {  	[tilespmem:s4], [sflag:$0x1] =	stream.indirect_vreg.gather [hbm4b:s3+s2], $0x80, v3, vm0, $0xb8;
	[tilespmem:$0x18180] =	vst v63  }
0xd7: {  	v3 =	vld [tilespmem:$0x110];
	_ =	sdelay $0x4  }
0xd8: {  	v33 =	vshll.u32 v3, $0x1  }
0xd9: {  	v3 =	vand.u32 $0x7, v3;
	v4 =	vand.u32 $0xFFFFFFF0, v33  }
0xda: {  	v3 =	vor.u32 v3, v4  }
0xdb: {  	v4 =	vperm.xlane v3, v0;
	_ =	sdelay $0x1  }
0xdc: {  	v3 =	vperm.xlane v3, v2;
	v4 =	vadd.s32 v1, v4;
	_ =	sdelay $0x1  }
0xdd: {  	v3 =	vadd.s32 v1, v3;
	_ =	sdelay $0x1  }
0xde: {  	s8 =	simm.s32 $0x11180  }
0xdf: {  	[tilespmem:s8], [sflag:$0x1] =	stream.indirect_vreg.gather [hbm4b:s3+s2], $0x80, v4, vm0, $0xb8;
	[tilespmem:$0x18180] =	vst v63  }
0xe0: {  	s4 =	simm.s32 $0x11980  }
0xe1: {  	[tilespmem:s4], [sflag:$0x1] =	stream.indirect_vreg.gather [hbm4b:s3+s2], $0x80, v3, vm0, $0xb8;
	[tilespmem:$0x18180] =	vst v63  }
0xe2: {  	v3 =	vld [tilespmem:$0x120];
	_ =	sdelay $0x4  }
0xe3: {  	v34 =	vshll.u32 v3, $0x1  }
0xe4: {  	v3 =	vand.u32 $0x7, v3;
	v4 =	vand.u32 $0xFFFFFFF0, v34  }
0xe5: {  	v3 =	vor.u32 v3, v4  }
0xe6: {  	v4 =	vperm.xlane v3, v0;
	_ =	sdelay $0x1  }
0xe7: {  	v3 =	vperm.xlane v3, v2;
	v4 =	vadd.s32 v1, v4;
	_ =	sdelay $0x1  }
0xe8: {  	v3 =	vadd.s32 v1, v3;
	_ =	sdelay $0x1  }
0xe9: {  	s8 =	simm.s32 $0x12180  }
0xea: {  	[tilespmem:s8], [sflag:$0x1] =	stream.indirect_vreg.gather [hbm4b:s3+s2], $0x80, v4, vm0, $0xb8;
	[tilespmem:$0x18180] =	vst v63  }
0xeb: {  	s4 =	simm.s32 $0x12980  }
0xec: {  	[tilespmem:s4], [sflag:$0x1] =	stream.indirect_vreg.gather [hbm4b:s3+s2], $0x80, v3, vm0, $0xb8;
	[tilespmem:$0x18180] =	vst v63  }
0xed: {  	v3 =	vld [tilespmem:$0x130];
	_ =	sdelay $0x4  }
0xee: {  	v35 =	vshll.u32 v3, $0x1  }
0xef: {  	v3 =	vand.u32 $0x7, v3;
	v4 =	vand.u32 $0xFFFFFFF0, v35  }
0xf0: {  	v3 =	vor.u32 v3, v4  }
0xf1: {  	v4 =	vperm.xlane v3, v0;
	_ =	sdelay $0x1  }
0xf2: {  	v3 =	vperm.xlane v3, v2;
	v4 =	vadd.s32 v1, v4;
	_ =	sdelay $0x1  }
0xf3: {  	v3 =	vadd.s32 v1, v3;
	_ =	sdelay $0x1  }
0xf4: {  	s8 =	simm.s32 $0x13180  }
0xf5: {  	[tilespmem:s8], [sflag:$0x1] =	stream.indirect_vreg.gather [hbm4b:s3+s2], $0x80, v4, vm0, $0xb8;
	[tilespmem:$0x18180] =	vst v63  }
0xf6: {  	s4 =	simm.s32 $0x13980  }
0xf7: {  	[tilespmem:s4], [sflag:$0x1] =	stream.indirect_vreg.gather [hbm4b:s3+s2], $0x80, v3, vm0, $0xb8;
	[tilespmem:$0x18180] =	vst v63  }
0xf8: {  	v3 =	vld [tilespmem:$0x140];
	_ =	sdelay $0x4  }
0xf9: {  	v36 =	vshll.u32 v3, $0x1  }
0xfa: {  	v3 =	vand.u32 $0x7, v3;
	v4 =	vand.u32 $0xFFFFFFF0, v36  }
0xfb: {  	v3 =	vor.u32 v3, v4  }
0xfc: {  	v4 =	vperm.xlane v3, v0;
	_ =	sdelay $0x1  }
0xfd: {  	v3 =	vperm.xlane v3, v2;
	v4 =	vadd.s32 v1, v4;
	_ =	sdelay $0x1  }
0xfe: {  	v3 =	vadd.s32 v1, v3;
	_ =	sdelay $0x1  }
0xff: {  	s8 =	simm.s32 $0x14180  }
0x100: {  	[tilespmem:s8], [sflag:$0x1] =	stream.indirect_vreg.gather [hbm4b:s3+s2], $0x80, v4, vm0, $0xb8;
	[tilespmem:$0x18180] =	vst v63  }
0x101: {  	s4 =	simm.s32 $0x14980  }
0x102: {  	[tilespmem:s4], [sflag:$0x1] =	stream.indirect_vreg.gather [hbm4b:s3+s2], $0x80, v3, vm0, $0xb8;
	[tilespmem:$0x18180] =	vst v63  }
0x103: {  	v3 =	vld [tilespmem:$0x150];
	_ =	sdelay $0x4  }
0x104: {  	v37 =	vshll.u32 v3, $0x1  }
0x105: {  	v3 =	vand.u32 $0x7, v3;
	v4 =	vand.u32 $0xFFFFFFF0, v37  }
0x106: {  	v3 =	vor.u32 v3, v4  }
0x107: {  	v4 =	vperm.xlane v3, v0;
	_ =	sdelay $0x1  }
0x108: {  	v3 =	vperm.xlane v3, v2;
	v4 =	vadd.s32 v1, v4;
	_ =	sdelay $0x1  }
0x109: {  	v3 =	vadd.s32 v1, v3;
	_ =	sdelay $0x1  }
0x10a: {  	s8 =	simm.s32 $0x15180  }
0x10b: {  	[tilespmem:s8], [sflag:$0x1] =	stream.indirect_vreg.gather [hbm4b:s3+s2], $0x80, v4, vm0, $0xb8;
	[tilespmem:$0x18180] =	vst v63  }
0x10c: {  	s4 =	simm.s32 $0x15980  }
0x10d: {  	[tilespmem:s4], [sflag:$0x1] =	stream.indirect_vreg.gather [hbm4b:s3+s2], $0x80, v3, vm0, $0xb8;
	[tilespmem:$0x18180] =	vst v63  }
0x10e: {  	v3 =	vld [tilespmem:$0x160];
	_ =	sdelay $0x4  }
0x10f: {  	v38 =	vshll.u32 v3, $0x1  }
0x110: {  	v3 =	vand.u32 $0x7, v3;
	v4 =	vand.u32 $0xFFFFFFF0, v38  }
0x111: {  	v3 =	vor.u32 v3, v4  }
0x112: {  	v4 =	vperm.xlane v3, v0;
	_ =	sdelay $0x1  }
0x113: {  	v3 =	vperm.xlane v3, v2;
	v4 =	vadd.s32 v1, v4;
	_ =	sdelay $0x1  }
0x114: {  	v3 =	vadd.s32 v1, v3;
	_ =	sdelay $0x1  }
0x115: {  	s8 =	simm.s32 $0x16180  }
0x116: {  	[tilespmem:s8], [sflag:$0x1] =	stream.indirect_vreg.gather [hbm4b:s3+s2], $0x80, v4, vm0, $0xb8;
	[tilespmem:$0x18180] =	vst v63  }
0x117: {  	s4 =	simm.s32 $0x16980  }
0x118: {  	[tilespmem:s4], [sflag:$0x1] =	stream.indirect_vreg.gather [hbm4b:s3+s2], $0x80, v3, vm0, $0xb8;
	[tilespmem:$0x18180] =	vst v63  }
0x119: {  	v3 =	vld [tilespmem:$0x170];
	_ =	sdelay $0x4  }
0x11a: {  	v39 =	vshll.u32 v3, $0x1  }
0x11b: {  	v3 =	vand.u32 $0x7, v3;
	v4 =	vand.u32 $0xFFFFFFF0, v39  }
0x11c: {  	v3 =	vor.u32 v3, v4  }
0x11d: {  	v4 =	vperm.xlane v3, v0;
	_ =	sdelay $0x1  }
0x11e: {  	v3 =	vperm.xlane v3, v2;
	v4 =	vadd.s32 v1, v4;
	_ =	sdelay $0x1  }
0x11f: {  	v3 =	vadd.s32 v1, v3;
	_ =	sdelay $0x1  }
0x120: {  	s8 =	simm.s32 $0x17180  }
0x121: {  	[tilespmem:s8], [sflag:$0x1] =	stream.indirect_vreg.gather [hbm4b:s3+s2], $0x80, v4, vm0, $0xb8;
	[tilespmem:$0x18180] =	vst v63  }
0x122: {  	s4 =	simm.s32 $0x17980  }
0x123: {  	[tilespmem:s4], [sflag:$0x1] =	stream.indirect_vreg.gather [hbm4b:s3+s2], $0x80, v3, vm0, $0xb8;
	[tilespmem:$0x18180] =	vst v63  }
0x124: {  	_ =	swait.ge [sflag:s0], $0x8000  }
0x125: {  	[sflag:s0] =	ssyncset.done $0x0  }
0x126: {  	[sflag:s0] =	ssyncadd.s32 $0xFFFF8000  }
0x127: {  	_ =	swait.ge [sflag:s0], $0x8000  }
0x128: {  	[sflag:s0] =	ssyncset.done $0x0  }
0x129: {  	[sflag:s0] =	ssyncadd.s32 $0xFFFF8000  }
0x12a: {  	_ =	swait.ge [sflag:s0], $0x8000  }
0x12b: {  	[sflag:s0] =	ssyncset.done $0x0  }
0x12c: {  	s4 =	simm.s32 $0x180;
	s8 =	rddreg [dreg:$0x5];
	[sflag:s0] =	ssyncadd.s32 $0xFFFF8000  }
0x12d: {  	[hbm4b:s8+s2] =	stream.linear.scatter [tilespmem:s4], [sflag:$0x2], $0x8000, $0x38;
	[tilespmem:$0x18180] =	vst v63  }
0x12e: {  	_ =	swait.ge [sflag:s5], $0x8000  }
0x12f: {  	[sflag:s5] =	ssyncset.done $0x0  }
0x130: {  	s8 =	rddreg [dreg:$0x6];
	[sflag:s5] =	ssyncadd.s32 $0xFFFF8000  }
0x131: {  	[hbm4b:s8+s2] =	stream.linear.scatter [tilespmem:s14], [sflag:$0x2], $0x8000, $0x38;
	[tilespmem:$0x18180] =	vst v63  }
0x132: {  	_ =	swait.ge [sflag:s5], $0x8000  }
0x133: {  	[sflag:s5] =	ssyncset.done $0x0  }
0x134: {  	s8 =	rddreg [dreg:$0x7];
	[sflag:s5] =	ssyncadd.s32 $0xFFFF8000  }
0x135: {  	[hbm4b:s8+s2] =	stream.linear.scatter [tilespmem:s6], [sflag:$0x2], $0x8000, $0x38;
	[tilespmem:$0x18180] =	vst v63  }
0x136: {  	_ =	swait.ge [sflag:s5], $0x8000  }
0x137: {  	[sflag:s5] =	ssyncset.done $0x0  }
0x138: {  	s8 =	rddreg [dreg:$0x8];
	[sflag:s5] =	ssyncadd.s32 $0xFFFF8000  }
0x139: {  	[tilespmem:s2], [sflag:$0x2] =	stream.linear.gather [hbm4b:s8+s2], $0x80, $0x38;
	[tilespmem:$0x18180] =	vst v63  }
0x13a: {  	_ =	swait.ge [sflag:s5], $0x80  }
0x13b: {  	[sflag:s5] =	ssyncset.done $0x0  }
0x13c: {  	s8 =	simm.s32 $0x80;
	s1 =	rddreg [dreg:$0x9];
	[sflag:s5] =	ssyncadd.s32 $0xFFFFFF80  }
0x13d: {  	[tilespmem:s8], [sflag:$0x2] =	stream.linear.gather [hbm4b:s1+s2], $0x80, $0x38;
	[tilespmem:$0x18180] =	vst v63  }
0x13e: {  	_ =	swait.ge [sflag:s5], $0x80  }
0x13f: {  	[sflag:s5] =	ssyncset.done $0x0  }
0x140: {  	s8 =	simm.s32 $0x100;
	s1 =	rddreg [dreg:$0xa];
	[sflag:s5] =	ssyncadd.s32 $0xFFFFFF80  }
0x141: {  	[tilespmem:s8], [sflag:$0x2] =	stream.linear.gather [hbm4b:s1+s2], $0x80, $0x38;
	[tilespmem:$0x18180] =	vst v63  }
0x142: {  	_ =	swait.ge [sflag:s5], $0x80  }
0x143: {  	[sflag:s5] =	ssyncset.done $0x0  }
0x144: {  	[sflag:s5] =	ssyncadd.s32 $0xFFFFFF80  }
0x145: {  	v3 =	vld [tilespmem:$0x0];
	_ =	sdelay $0x4  }
0x146: {  	v40 =	vshll.u32 v3, $0x1  }
0x147: {  	v3 =	vand.u32 $0x7, v3;
	v4 =	vand.u32 $0xFFFFFFF0, v40  }
0x148: {  	v3 =	vor.u32 v3, v4  }
0x149: {  	v4 =	vperm.xlane v3, v0;
	_ =	sdelay $0x1  }
0x14a: {  	v3 =	vperm.xlane v3, v2;
	v4 =	vadd.s32 v1, v4;
	_ =	sdelay $0x1  }
0x14b: {  	v3 =	vadd.s32 v1, v3;
	_ =	sdelay $0x2  }
0x14c: {  	[tilespmem:s4], [sflag:$0x1] =	stream.indirect_vreg.gather [hbm4b:s3+s2], $0x80, v4, vm0, $0xb8;
	[tilespmem:$0x18180] =	vst v63  }
0x14d: {  	_ = 	snop  }
0x14e: {  	[tilespmem:s9], [sflag:$0x1] =	stream.indirect_vreg.gather [hbm4b:s3+s2], $0x80, v3, vm0, $0xb8;
	[tilespmem:$0x18180] =	vst v63  }
0x14f: {  	v3 =	vld [tilespmem:$0x10];
	_ =	sdelay $0x4  }
0x150: {  	v41 =	vshll.u32 v3, $0x1  }
0x151: {  	v3 =	vand.u32 $0x7, v3;
	v4 =	vand.u32 $0xFFFFFFF0, v41  }
0x152: {  	v3 =	vor.u32 v3, v4  }
0x153: {  	v4 =	vperm.xlane v3, v0;
	_ =	sdelay $0x1  }
0x154: {  	v3 =	vperm.xlane v3, v2;
	v4 =	vadd.s32 v1, v4;
	_ =	sdelay $0x1  }
0x155: {  	v3 =	vadd.s32 v1, v3;
	_ =	sdelay $0x2  }
0x156: {  	[tilespmem:s10], [sflag:$0x1] =	stream.indirect_vreg.gather [hbm4b:s3+s2], $0x80, v4, vm0, $0xb8;
	[tilespmem:$0x18180] =	vst v63  }
0x157: {  	_ = 	snop  }
0x158: {  	[tilespmem:s11], [sflag:$0x1] =	stream.indirect_vreg.gather [hbm4b:s3+s2], $0x80, v3, vm0, $0xb8;
	[tilespmem:$0x18180] =	vst v63  }
0x159: {  	v3 =	vld [tilespmem:$0x20];
	_ =	sdelay $0x4  }
0x15a: {  	v42 =	vshll.u32 v3, $0x1  }
0x15b: {  	v3 =	vand.u32 $0x7, v3;
	v4 =	vand.u32 $0xFFFFFFF0, v42  }
0x15c: {  	v3 =	vor.u32 v3, v4  }
0x15d: {  	v4 =	vperm.xlane v3, v0;
	_ =	sdelay $0x1  }
0x15e: {  	v3 =	vperm.xlane v3, v2;
	v4 =	vadd.s32 v1, v4;
	_ =	sdelay $0x1  }
0x15f: {  	v3 =	vadd.s32 v1, v3;
	_ =	sdelay $0x2  }
0x160: {  	[tilespmem:s12], [sflag:$0x1] =	stream.indirect_vreg.gather [hbm4b:s3+s2], $0x80, v4, vm0, $0xb8;
	[tilespmem:$0x18180] =	vst v63  }
0x161: {  	_ = 	snop  }
0x162: {  	[tilespmem:s13], [sflag:$0x1] =	stream.indirect_vreg.gather [hbm4b:s3+s2], $0x80, v3, vm0, $0xb8;
	[tilespmem:$0x18180] =	vst v63  }
0x163: {  	v3 =	vld [tilespmem:$0x30];
	_ =	sdelay $0x4  }
0x164: {  	v43 =	vshll.u32 v3, $0x1  }
0x165: {  	v3 =	vand.u32 $0x7, v3;
	v4 =	vand.u32 $0xFFFFFFF0, v43  }
0x166: {  	v3 =	vor.u32 v3, v4  }
0x167: {  	v4 =	vperm.xlane v3, v0;
	_ =	sdelay $0x1  }
0x168: {  	v3 =	vperm.xlane v3, v2;
	v4 =	vadd.s32 v1, v4;
	_ =	sdelay $0x1  }
0x169: {  	v3 =	vadd.s32 v1, v3;
	_ =	sdelay $0x2  }
0x16a: {  	[tilespmem:s15], [sflag:$0x1] =	stream.indirect_vreg.gather [hbm4b:s3+s2], $0x80, v4, vm0, $0xb8;
	[tilespmem:$0x18180] =	vst v63  }
0x16b: {  	_ = 	snop  }
0x16c: {  	[tilespmem:s16], [sflag:$0x1] =	stream.indirect_vreg.gather [hbm4b:s3+s2], $0x80, v3, vm0, $0xb8;
	[tilespmem:$0x18180] =	vst v63  }
0x16d: {  	v3 =	vld [tilespmem:$0x40];
	_ =	sdelay $0x4  }
0x16e: {  	v44 =	vshll.u32 v3, $0x1  }
0x16f: {  	v3 =	vand.u32 $0x7, v3;
	v4 =	vand.u32 $0xFFFFFFF0, v44  }
0x170: {  	v3 =	vor.u32 v3, v4  }
0x171: {  	v4 =	vperm.xlane v3, v0;
	_ =	sdelay $0x1  }
0x172: {  	v3 =	vperm.xlane v3, v2;
	v4 =	vadd.s32 v1, v4;
	_ =	sdelay $0x1  }
0x173: {  	v3 =	vadd.s32 v1, v3;
	_ =	sdelay $0x2  }
0x174: {  	[tilespmem:s17], [sflag:$0x1] =	stream.indirect_vreg.gather [hbm4b:s3+s2], $0x80, v4, vm0, $0xb8;
	[tilespmem:$0x18180] =	vst v63  }
0x175: {  	_ = 	snop  }
0x176: {  	[tilespmem:s18], [sflag:$0x1] =	stream.indirect_vreg.gather [hbm4b:s3+s2], $0x80, v3, vm0, $0xb8;
	[tilespmem:$0x18180] =	vst v63  }
0x177: {  	v3 =	vld [tilespmem:$0x50];
	_ =	sdelay $0x4  }
0x178: {  	v45 =	vshll.u32 v3, $0x1  }
0x179: {  	v3 =	vand.u32 $0x7, v3;
	v4 =	vand.u32 $0xFFFFFFF0, v45  }
0x17a: {  	v3 =	vor.u32 v3, v4  }
0x17b: {  	v4 =	vperm.xlane v3, v0;
	_ =	sdelay $0x1  }
0x17c: {  	v3 =	vperm.xlane v3, v2;
	v4 =	vadd.s32 v1, v4;
	_ =	sdelay $0x1  }
0x17d: {  	v3 =	vadd.s32 v1, v3;
	_ =	sdelay $0x2  }
0x17e: {  	[tilespmem:s19], [sflag:$0x1] =	stream.indirect_vreg.gather [hbm4b:s3+s2], $0x80, v4, vm0, $0xb8;
	[tilespmem:$0x18180] =	vst v63  }
0x17f: {  	_ = 	snop  }
0x180: {  	[tilespmem:s20], [sflag:$0x1] =	stream.indirect_vreg.gather [hbm4b:s3+s2], $0x80, v3, vm0, $0xb8;
	[tilespmem:$0x18180] =	vst v63  }
0x181: {  	v3 =	vld [tilespmem:$0x60];
	_ =	sdelay $0x4  }
0x182: {  	v46 =	vshll.u32 v3, $0x1  }
0x183: {  	v3 =	vand.u32 $0x7, v3;
	v4 =	vand.u32 $0xFFFFFFF0, v46  }
0x184: {  	v3 =	vor.u32 v3, v4  }
0x185: {  	v4 =	vperm.xlane v3, v0;
	_ =	sdelay $0x1  }
0x186: {  	v3 =	vperm.xlane v3, v2;
	v4 =	vadd.s32 v1, v4;
	_ =	sdelay $0x1  }
0x187: {  	v3 =	vadd.s32 v1, v3;
	_ =	sdelay $0x2  }
0x188: {  	[tilespmem:s21], [sflag:$0x1] =	stream.indirect_vreg.gather [hbm4b:s3+s2], $0x80, v4, vm0, $0xb8;
	[tilespmem:$0x18180] =	vst v63  }
0x189: {  	_ = 	snop  }
0x18a: {  	[tilespmem:s22], [sflag:$0x1] =	stream.indirect_vreg.gather [hbm4b:s3+s2], $0x80, v3, vm0, $0xb8;
	[tilespmem:$0x18180] =	vst v63  }
0x18b: {  	v3 =	vld [tilespmem:$0x70];
	_ =	sdelay $0x4  }
0x18c: {  	v47 =	vshll.u32 v3, $0x1  }
0x18d: {  	v3 =	vand.u32 $0x7, v3;
	v4 =	vand.u32 $0xFFFFFFF0, v47  }
0x18e: {  	v3 =	vor.u32 v3, v4  }
0x18f: {  	v4 =	vperm.xlane v3, v0;
	_ =	sdelay $0x1  }
0x190: {  	v3 =	vperm.xlane v3, v2;
	v4 =	vadd.s32 v1, v4;
	_ =	sdelay $0x1  }
0x191: {  	v3 =	vadd.s32 v1, v3;
	_ =	sdelay $0x2  }
0x192: {  	[tilespmem:s23], [sflag:$0x1] =	stream.indirect_vreg.gather [hbm4b:s3+s2], $0x80, v4, vm0, $0xb8;
	[tilespmem:$0x18180] =	vst v63  }
0x193: {  	_ = 	snop  }
0x194: {  	[tilespmem:s25], [sflag:$0x1] =	stream.indirect_vreg.gather [hbm4b:s3+s2], $0x80, v3, vm0, $0xb8;
	[tilespmem:$0x18180] =	vst v63  }
0x195: {  	v3 =	vld [tilespmem:$0x80];
	_ =	sdelay $0x4  }
0x196: {  	v48 =	vshll.u32 v3, $0x1  }
0x197: {  	v3 =	vand.u32 $0x7, v3;
	v4 =	vand.u32 $0xFFFFFFF0, v48  }
0x198: {  	v3 =	vor.u32 v3, v4  }
0x199: {  	v4 =	vperm.xlane v3, v0;
	_ =	sdelay $0x1  }
0x19a: {  	v3 =	vperm.xlane v3, v2;
	v4 =	vadd.s32 v1, v4;
	_ =	sdelay $0x1  }
0x19b: {  	v3 =	vadd.s32 v1, v3;
	_ =	sdelay $0x2  }
0x19c: {  	[tilespmem:s14], [sflag:$0x1] =	stream.indirect_vreg.gather [hbm4b:s3+s2], $0x80, v4, vm0, $0xb8;
	[tilespmem:$0x18180] =	vst v63  }
0x19d: {  	_ = 	snop  }
0x19e: {  	[tilespmem:s26], [sflag:$0x1] =	stream.indirect_vreg.gather [hbm4b:s3+s2], $0x80, v3, vm0, $0xb8;
	[tilespmem:$0x18180] =	vst v63  }
0x19f: {  	v3 =	vld [tilespmem:$0x90];
	_ =	sdelay $0x4  }
0x1a0: {  	v49 =	vshll.u32 v3, $0x1  }
0x1a1: {  	v3 =	vand.u32 $0x7, v3;
	v4 =	vand.u32 $0xFFFFFFF0, v49  }
0x1a2: {  	v3 =	vor.u32 v3, v4  }
0x1a3: {  	v4 =	vperm.xlane v3, v0;
	_ =	sdelay $0x1  }
0x1a4: {  	v3 =	vperm.xlane v3, v2;
	v4 =	vadd.s32 v1, v4;
	_ =	sdelay $0x1  }
0x1a5: {  	v3 =	vadd.s32 v1, v3;
	_ =	sdelay $0x2  }
0x1a6: {  	[tilespmem:s28], [sflag:$0x1] =	stream.indirect_vreg.gather [hbm4b:s3+s2], $0x80, v4, vm0, $0xb8;
	[tilespmem:$0x18180] =	vst v63  }
0x1a7: {  	_ = 	snop  }
0x1a8: {  	[tilespmem:s29], [sflag:$0x1] =	stream.indirect_vreg.gather [hbm4b:s3+s2], $0x80, v3, vm0, $0xb8;
	[tilespmem:$0x18180] =	vst v63  }
0x1a9: {  	v3 =	vld [tilespmem:$0xA0];
	_ =	sdelay $0x4  }
0x1aa: {  	v50 =	vshll.u32 v3, $0x1  }
0x1ab: {  	v3 =	vand.u32 $0x7, v3;
	v4 =	vand.u32 $0xFFFFFFF0, v50  }
0x1ac: {  	v3 =	vor.u32 v3, v4  }
0x1ad: {  	v4 =	vperm.xlane v3, v0;
	_ =	sdelay $0x1  }
0x1ae: {  	v3 =	vperm.xlane v3, v2;
	v4 =	vadd.s32 v1, v4;
	_ =	sdelay $0x1  }
0x1af: {  	v3 =	vadd.s32 v1, v3;
	_ =	sdelay $0x2  }
0x1b0: {  	[tilespmem:s30], [sflag:$0x1] =	stream.indirect_vreg.gather [hbm4b:s3+s2], $0x80, v4, vm0, $0xb8;
	[tilespmem:$0x18180] =	vst v63  }
0x1b1: {  	_ = 	snop  }
0x1b2: {  	[tilespmem:s31], [sflag:$0x1] =	stream.indirect_vreg.gather [hbm4b:s3+s2], $0x80, v3, vm0, $0xb8;
	[tilespmem:$0x18180] =	vst v63  }
0x1b3: {  	v3 =	vld [tilespmem:$0xB0];
	_ =	sdelay $0x4  }
0x1b4: {  	v51 =	vshll.u32 v3, $0x1  }
0x1b5: {  	v3 =	vand.u32 $0x7, v3;
	v4 =	vand.u32 $0xFFFFFFF0, v51  }
0x1b6: {  	v3 =	vor.u32 v3, v4  }
0x1b7: {  	v4 =	vperm.xlane v3, v0;
	_ =	sdelay $0x1  }
0x1b8: {  	v3 =	vperm.xlane v3, v2;
	v4 =	vadd.s32 v1, v4;
	_ =	sdelay $0x1  }
0x1b9: {  	v3 =	vadd.s32 v1, v3;
	_ =	sdelay $0x1  }
0x1ba: {  	s8 =	simm.s32 $0xB180  }
0x1bb: {  	[tilespmem:s8], [sflag:$0x1] =	stream.indirect_vreg.gather [hbm4b:s3+s2], $0x80, v4, vm0, $0xb8;
	[tilespmem:$0x18180] =	vst v63  }
0x1bc: {  	_ = 	snop  }
0x1bd: {  	[tilespmem:s24], [sflag:$0x1] =	stream.indirect_vreg.gather [hbm4b:s3+s2], $0x80, v3, vm0, $0xb8;
	[tilespmem:$0x18180] =	vst v63  }
0x1be: {  	v3 =	vld [tilespmem:$0xC0];
	_ =	sdelay $0x4  }
0x1bf: {  	v52 =	vshll.u32 v3, $0x1  }
0x1c0: {  	v3 =	vand.u32 $0x7, v3;
	v4 =	vand.u32 $0xFFFFFFF0, v52  }
0x1c1: {  	v3 =	vor.u32 v3, v4  }
0x1c2: {  	v4 =	vperm.xlane v3, v0;
	_ =	sdelay $0x1  }
0x1c3: {  	v3 =	vperm.xlane v3, v2;
	v4 =	vadd.s32 v1, v4;
	_ =	sdelay $0x1  }
0x1c4: {  	v3 =	vadd.s32 v1, v3;
	_ =	sdelay $0x1  }
0x1c5: {  	s8 =	simm.s32 $0xC180  }
0x1c6: {  	[tilespmem:s8], [sflag:$0x1] =	stream.indirect_vreg.gather [hbm4b:s3+s2], $0x80, v4, vm0, $0xb8;
	[tilespmem:$0x18180] =	vst v63  }
0x1c7: {  	s8 =	simm.s32 $0xC980  }
0x1c8: {  	[tilespmem:s8], [sflag:$0x1] =	stream.indirect_vreg.gather [hbm4b:s3+s2], $0x80, v3, vm0, $0xb8;
	[tilespmem:$0x18180] =	vst v63  }
0x1c9: {  	v3 =	vld [tilespmem:$0xD0];
	_ =	sdelay $0x4  }
0x1ca: {  	v53 =	vshll.u32 v3, $0x1  }
0x1cb: {  	v3 =	vand.u32 $0x7, v3;
	v4 =	vand.u32 $0xFFFFFFF0, v53  }
0x1cc: {  	v3 =	vor.u32 v3, v4  }
0x1cd: {  	v4 =	vperm.xlane v3, v0;
	_ =	sdelay $0x1  }
0x1ce: {  	v3 =	vperm.xlane v3, v2;
	v4 =	vadd.s32 v1, v4;
	_ =	sdelay $0x1  }
0x1cf: {  	v3 =	vadd.s32 v1, v3;
	_ =	sdelay $0x1  }
0x1d0: {  	s8 =	simm.s32 $0xD180  }
0x1d1: {  	[tilespmem:s8], [sflag:$0x1] =	stream.indirect_vreg.gather [hbm4b:s3+s2], $0x80, v4, vm0, $0xb8;
	[tilespmem:$0x18180] =	vst v63  }
0x1d2: {  	s8 =	simm.s32 $0xD980  }
0x1d3: {  	[tilespmem:s8], [sflag:$0x1] =	stream.indirect_vreg.gather [hbm4b:s3+s2], $0x80, v3, vm0, $0xb8;
	[tilespmem:$0x18180] =	vst v63  }
0x1d4: {  	v3 =	vld [tilespmem:$0xE0];
	_ =	sdelay $0x4  }
0x1d5: {  	v54 =	vshll.u32 v3, $0x1  }
0x1d6: {  	v3 =	vand.u32 $0x7, v3;
	v4 =	vand.u32 $0xFFFFFFF0, v54  }
0x1d7: {  	v3 =	vor.u32 v3, v4  }
0x1d8: {  	v4 =	vperm.xlane v3, v0;
	_ =	sdelay $0x1  }
0x1d9: {  	v3 =	vperm.xlane v3, v2;
	v4 =	vadd.s32 v1, v4;
	_ =	sdelay $0x1  }
0x1da: {  	v3 =	vadd.s32 v1, v3;
	_ =	sdelay $0x1  }
0x1db: {  	s8 =	simm.s32 $0xE180  }
0x1dc: {  	[tilespmem:s8], [sflag:$0x1] =	stream.indirect_vreg.gather [hbm4b:s3+s2], $0x80, v4, vm0, $0xb8;
	[tilespmem:$0x18180] =	vst v63  }
0x1dd: {  	s8 =	simm.s32 $0xE980  }
0x1de: {  	[tilespmem:s8], [sflag:$0x1] =	stream.indirect_vreg.gather [hbm4b:s3+s2], $0x80, v3, vm0, $0xb8;
	[tilespmem:$0x18180] =	vst v63  }
0x1df: {  	v3 =	vld [tilespmem:$0xF0];
	_ =	sdelay $0x4  }
0x1e0: {  	v55 =	vshll.u32 v3, $0x1  }
0x1e1: {  	v3 =	vand.u32 $0x7, v3;
	v4 =	vand.u32 $0xFFFFFFF0, v55  }
0x1e2: {  	v3 =	vor.u32 v3, v4  }
0x1e3: {  	v4 =	vperm.xlane v3, v0;
	_ =	sdelay $0x1  }
0x1e4: {  	v3 =	vperm.xlane v3, v2;
	v4 =	vadd.s32 v1, v4;
	_ =	sdelay $0x1  }
0x1e5: {  	v3 =	vadd.s32 v1, v3;
	_ =	sdelay $0x1  }
0x1e6: {  	s8 =	simm.s32 $0xF180  }
0x1e7: {  	[tilespmem:s8], [sflag:$0x1] =	stream.indirect_vreg.gather [hbm4b:s3+s2], $0x80, v4, vm0, $0xb8;
	[tilespmem:$0x18180] =	vst v63  }
0x1e8: {  	s8 =	simm.s32 $0xF980  }
0x1e9: {  	[tilespmem:s8], [sflag:$0x1] =	stream.indirect_vreg.gather [hbm4b:s3+s2], $0x80, v3, vm0, $0xb8;
	[tilespmem:$0x18180] =	vst v63  }
0x1ea: {  	v3 =	vld [tilespmem:$0x100];
	_ =	sdelay $0x4  }
0x1eb: {  	v56 =	vshll.u32 v3, $0x1  }
0x1ec: {  	v3 =	vand.u32 $0x7, v3;
	v4 =	vand.u32 $0xFFFFFFF0, v56  }
0x1ed: {  	v3 =	vor.u32 v3, v4  }
0x1ee: {  	v4 =	vperm.xlane v3, v0;
	_ =	sdelay $0x1  }
0x1ef: {  	v3 =	vperm.xlane v3, v2;
	v4 =	vadd.s32 v1, v4;
	_ =	sdelay $0x1  }
0x1f0: {  	v3 =	vadd.s32 v1, v3;
	_ =	sdelay $0x2  }
0x1f1: {  	[tilespmem:s6], [sflag:$0x1] =	stream.indirect_vreg.gather [hbm4b:s3+s2], $0x80, v4, vm0, $0xb8;
	[tilespmem:$0x18180] =	vst v63  }
0x1f2: {  	s8 =	simm.s32 $0x10980  }
0x1f3: {  	[tilespmem:s8], [sflag:$0x1] =	stream.indirect_vreg.gather [hbm4b:s3+s2], $0x80, v3, vm0, $0xb8;
	[tilespmem:$0x18180] =	vst v63  }
0x1f4: {  	v3 =	vld [tilespmem:$0x110];
	_ =	sdelay $0x4  }
0x1f5: {  	v57 =	vshll.u32 v3, $0x1  }
0x1f6: {  	v3 =	vand.u32 $0x7, v3;
	v4 =	vand.u32 $0xFFFFFFF0, v57  }
0x1f7: {  	v3 =	vor.u32 v3, v4  }
0x1f8: {  	v4 =	vperm.xlane v3, v0;
	_ =	sdelay $0x1  }
0x1f9: {  	v3 =	vperm.xlane v3, v2;
	v4 =	vadd.s32 v1, v4;
	_ =	sdelay $0x1  }
0x1fa: {  	v3 =	vadd.s32 v1, v3;
	_ =	sdelay $0x1  }
0x1fb: {  	s8 =	simm.s32 $0x11180  }
0x1fc: {  	[tilespmem:s8], [sflag:$0x1] =	stream.indirect_vreg.gather [hbm4b:s3+s2], $0x80, v4, vm0, $0xb8;
	[tilespmem:$0x18180] =	vst v63  }
0x1fd: {  	s8 =	simm.s32 $0x11980  }
0x1fe: {  	[tilespmem:s8], [sflag:$0x1] =	stream.indirect_vreg.gather [hbm4b:s3+s2], $0x80, v3, vm0, $0xb8;
	[tilespmem:$0x18180] =	vst v63  }
0x1ff: {  	v3 =	vld [tilespmem:$0x120];
	_ =	sdelay $0x4  }
0x200: {  	v58 =	vshll.u32 v3, $0x1  }
0x201: {  	v3 =	vand.u32 $0x7, v3;
	v4 =	vand.u32 $0xFFFFFFF0, v58  }
0x202: {  	v3 =	vor.u32 v3, v4  }
0x203: {  	v4 =	vperm.xlane v3, v0;
	_ =	sdelay $0x1  }
0x204: {  	v3 =	vperm.xlane v3, v2;
	v4 =	vadd.s32 v1, v4;
	_ =	sdelay $0x1  }
0x205: {  	v3 =	vadd.s32 v1, v3;
	_ =	sdelay $0x1  }
0x206: {  	s8 =	simm.s32 $0x12180  }
0x207: {  	[tilespmem:s8], [sflag:$0x1] =	stream.indirect_vreg.gather [hbm4b:s3+s2], $0x80, v4, vm0, $0xb8;
	[tilespmem:$0x18180] =	vst v63  }
0x208: {  	s8 =	simm.s32 $0x12980  }
0x209: {  	[tilespmem:s8], [sflag:$0x1] =	stream.indirect_vreg.gather [hbm4b:s3+s2], $0x80, v3, vm0, $0xb8;
	[tilespmem:$0x18180] =	vst v63  }
0x20a: {  	v3 =	vld [tilespmem:$0x130];
	_ =	sdelay $0x4  }
0x20b: {  	v59 =	vshll.u32 v3, $0x1  }
0x20c: {  	v3 =	vand.u32 $0x7, v3;
	v4 =	vand.u32 $0xFFFFFFF0, v59  }
0x20d: {  	v3 =	vor.u32 v3, v4  }
0x20e: {  	v4 =	vperm.xlane v3, v0;
	_ =	sdelay $0x1  }
0x20f: {  	v3 =	vperm.xlane v3, v2;
	v4 =	vadd.s32 v1, v4;
	_ =	sdelay $0x1  }
0x210: {  	v3 =	vadd.s32 v1, v3;
	_ =	sdelay $0x1  }
0x211: {  	s8 =	simm.s32 $0x13180  }
0x212: {  	[tilespmem:s8], [sflag:$0x1] =	stream.indirect_vreg.gather [hbm4b:s3+s2], $0x80, v4, vm0, $0xb8;
	[tilespmem:$0x18180] =	vst v63  }
0x213: {  	s8 =	simm.s32 $0x13980  }
0x214: {  	[tilespmem:s8], [sflag:$0x1] =	stream.indirect_vreg.gather [hbm4b:s3+s2], $0x80, v3, vm0, $0xb8;
	[tilespmem:$0x18180] =	vst v63  }
0x215: {  	v3 =	vld [tilespmem:$0x140];
	_ =	sdelay $0x4  }
0x216: {  	v60 =	vshll.u32 v3, $0x1  }
0x217: {  	v3 =	vand.u32 $0x7, v3;
	v4 =	vand.u32 $0xFFFFFFF0, v60  }
0x218: {  	v3 =	vor.u32 v3, v4  }
0x219: {  	v4 =	vperm.xlane v3, v0;
	_ =	sdelay $0x1  }
0x21a: {  	v3 =	vperm.xlane v3, v2;
	v4 =	vadd.s32 v1, v4;
	_ =	sdelay $0x1  }
0x21b: {  	v3 =	vadd.s32 v1, v3;
	_ =	sdelay $0x1  }
0x21c: {  	s8 =	simm.s32 $0x14180  }
0x21d: {  	[tilespmem:s8], [sflag:$0x1] =	stream.indirect_vreg.gather [hbm4b:s3+s2], $0x80, v4, vm0, $0xb8;
	[tilespmem:$0x18180] =	vst v63  }
0x21e: {  	s8 =	simm.s32 $0x14980  }
0x21f: {  	[tilespmem:s8], [sflag:$0x1] =	stream.indirect_vreg.gather [hbm4b:s3+s2], $0x80, v3, vm0, $0xb8;
	[tilespmem:$0x18180] =	vst v63  }
0x220: {  	v3 =	vld [tilespmem:$0x150];
	_ =	sdelay $0x4  }
0x221: {  	v61 =	vshll.u32 v3, $0x1  }
0x222: {  	v3 =	vand.u32 $0x7, v3;
	v4 =	vand.u32 $0xFFFFFFF0, v61  }
0x223: {  	v3 =	vor.u32 v3, v4  }
0x224: {  	v4 =	vperm.xlane v3, v0;
	_ =	sdelay $0x1  }
0x225: {  	v3 =	vperm.xlane v3, v2;
	v4 =	vadd.s32 v1, v4;
	_ =	sdelay $0x1  }
0x226: {  	v3 =	vadd.s32 v1, v3;
	_ =	sdelay $0x1  }
0x227: {  	s8 =	simm.s32 $0x15180  }
0x228: {  	[tilespmem:s8], [sflag:$0x1] =	stream.indirect_vreg.gather [hbm4b:s3+s2], $0x80, v4, vm0, $0xb8;
	[tilespmem:$0x18180] =	vst v63  }
0x229: {  	s8 =	simm.s32 $0x15980  }
0x22a: {  	[tilespmem:s8], [sflag:$0x1] =	stream.indirect_vreg.gather [hbm4b:s3+s2], $0x80, v3, vm0, $0xb8;
	[tilespmem:$0x18180] =	vst v63  }
0x22b: {  	v3 =	vld [tilespmem:$0x160];
	_ =	sdelay $0x4  }
0x22c: {  	v62 =	vshll.u32 v3, $0x1  }
0x22d: {  	v3 =	vand.u32 $0x7, v3;
	v4 =	vand.u32 $0xFFFFFFF0, v62  }
0x22e: {  	v3 =	vor.u32 v3, v4  }
0x22f: {  	v4 =	vperm.xlane v3, v0;
	_ =	sdelay $0x1  }
0x230: {  	v3 =	vperm.xlane v3, v2;
	v4 =	vadd.s32 v1, v4;
	_ =	sdelay $0x1  }
0x231: {  	v3 =	vadd.s32 v1, v3;
	_ =	sdelay $0x1  }
0x232: {  	s8 =	simm.s32 $0x16180  }
0x233: {  	[tilespmem:s8], [sflag:$0x1] =	stream.indirect_vreg.gather [hbm4b:s3+s2], $0x80, v4, vm0, $0xb8;
	[tilespmem:$0x18180] =	vst v63  }
0x234: {  	s8 =	simm.s32 $0x16980  }
0x235: {  	[tilespmem:s8], [sflag:$0x1] =	stream.indirect_vreg.gather [hbm4b:s3+s2], $0x80, v3, vm0, $0xb8;
	[tilespmem:$0x18180] =	vst v63  }
0x236: {  	v3 =	vld [tilespmem:$0x170];
	_ =	sdelay $0x4  }
0x237: {  	v63 =	vshll.u32 v3, $0x1  }
0x238: {  	v3 =	vand.u32 $0x7, v3;
	v4 =	vand.u32 $0xFFFFFFF0, v63  }
0x239: {  	v3 =	vor.u32 v3, v4  }
0x23a: {  	v4 =	vperm.xlane v3, v0;
	_ =	sdelay $0x1  }
0x23b: {  	v3 =	vperm.xlane v3, v2;
	v4 =	vadd.s32 v1, v4;
	_ =	sdelay $0x1  }
0x23c: {  	v3 =	vadd.s32 v1, v3;
	_ =	sdelay $0x1  }
0x23d: {  	s8 =	simm.s32 $0x17180  }
0x23e: {  	[tilespmem:s8], [sflag:$0x1] =	stream.indirect_vreg.gather [hbm4b:s3+s2], $0x80, v4, vm0, $0xb8;
	[tilespmem:$0x18180] =	vst v63  }
0x23f: {  	s8 =	simm.s32 $0x17980  }
0x240: {  	[tilespmem:s8], [sflag:$0x1] =	stream.indirect_vreg.gather [hbm4b:s3+s2], $0x80, v3, vm0, $0xb8;
	[tilespmem:$0x18180] =	vst v63  }
0x241: {  	_ =	swait.ge [sflag:s0], $0x8000  }
0x242: {  	[sflag:s0] =	ssyncset.done $0x0  }
0x243: {  	[sflag:s0] =	ssyncadd.s32 $0xFFFF8000  }
0x244: {  	_ =	swait.ge [sflag:s0], $0x8000  }
0x245: {  	[sflag:s0] =	ssyncset.done $0x0  }
0x246: {  	[sflag:s0] =	ssyncadd.s32 $0xFFFF8000  }
0x247: {  	_ =	swait.ge [sflag:s0], $0x8000  }
0x248: {  	[sflag:s0] =	ssyncset.done $0x0  }
0x249: {  	s4 =	simm.s32 $0x180;
	s8 =	rddreg [dreg:$0xb];
	[sflag:s0] =	ssyncadd.s32 $0xFFFF8000  }
0x24a: {  	[hbm4b:s8+s2] =	stream.linear.scatter [tilespmem:s4], [sflag:$0x2], $0x8000, $0x38;
	[tilespmem:$0x18180] =	vst v63  }
0x24b: {  	_ =	swait.ge [sflag:s5], $0x8000  }
0x24c: {  	[sflag:s5] =	ssyncset.done $0x0  }
0x24d: {  	s4 =	rddreg [dreg:$0xc];
	[sflag:s5] =	ssyncadd.s32 $0xFFFF8000  }
0x24e: {  	[hbm4b:s4+s2] =	stream.linear.scatter [tilespmem:s14], [sflag:$0x2], $0x8000, $0x38;
	[tilespmem:$0x18180] =	vst v63  }
0x24f: {  	_ =	swait.ge [sflag:s5], $0x8000  }
0x250: {  	p0 =	sne.s32 s7, $0x1;
	[sflag:s5] =	ssyncset.done $0x0  }
.Ltmp0:
0x251: {  	s8 =	rddreg [dreg:$0xd];
	[sflag:s5] =	ssyncadd.s32 $0xFFFF8000;
	(pc) =	sbr.rel @p0 .LBB2_1-.Ltmp0, $4  }
0x252: {  	[hbm4b:s8+s2] =	stream.linear.scatter [tilespmem:s6], [sflag:$0x2], $0x8000, $0x38;
	[tilespmem:$0x18180] =	vst v63  }
0x253: {  	_ =	swait.ge [sflag:s5], $0x8000  }
0x254: {  	[sflag:s5] =	ssyncset.done $0x0  }
0x255: {  	s7 =	sadd.s32 $0xFFFFFFFF, s7;
	[sflag:s5] =	ssyncadd.s32 $0xFFFF8000  }
0x256: {  	_ =	sfence.sel $0x180000  }
0x257: {  	[bflag:$0x0] =	sbarrier.arrive $0xFFFF  }
0x258: {  	_ =	strace $0x90000047  }
0x259: {  	s0 =	stileid.u32;
	[bflag:$0x2] =	sbarrier.arrive $0xFFFF  }
0x25a: {  	p0 =	sne.s32 s0, $0x0;
	s0 =	rddreg [dreg:$0x1]  }
0x25b: {  	s0 =	sadd.s32 @!p0 $0x100000, s0  }
0x25c: {  	[sflag:s0] =	ssyncadd.tile.s32 @!p0 $0x1;
	_ =	shalt  }
.Lfunc_end2:
_tile_overlayer_lowered:
.L_overlay_start_2:
0x25d: {  	(tag) =	ssettag $0x2  }
0x25e: {  	s0 =	rddreg [dreg:$0x0];
	s2 =	stileid.u32  }
0x25f: {  	s1 =	rddreg [dreg:$0x1];
	p0 =	sne.s32 s2, $0x0  }
0x260: {  	s3 =	rddreg [dreg:$0x2];
	[bflag:$0x3] =	sbarrier.arrive $0xFFFF;
	s2 =	simm.s32 @!p0 $0x1C02  }
0x261: {  	[timem:s3], [sflag:s2] =	dma.local @!p0 [hbm:s0], s1  }
0x262: {  	s0 =	simm.s32 @!p0 $0x2  }
0x263: {  	_ =	swait.ge @!p0 [sflag:s0], s1  }
0x264: {  	s1 =	ssub.s32 @!p0 $0x0, s1;
	[sflag:s0] =	ssyncset.done @!p0 $0x0  }
0x265: {  	[sflag:s0] =	ssyncadd.s32 @!p0 s1  }
0x266: {  	[bflag:$0x3] =	sbarrier.arrive $0xFFFF  }
0x267: {  	_ =	shalt  }

// kernel: kernel.17.cloned.1.call-start
scs
__scs_entry_jumppad:
0x0: {  	(pc) =	sbr.rel $0x88, $3  }
0x1: {  	(tag) =	ssettag $0x0;
	lr =	simm.s32 $0x1  }
0x2: {  	[smem:$0x3F99] =	sst lr;
	_ =	strace $0xD0000000  }
0x3: {  	_ = 	snop  }
0x4: {  	_ = 	snop  }
0x5: {  	_ = 	snop  }
0x6: {  	_ = 	snop  }
0x7: {  	_ = 	snop  }
__scs_overlays_trampoline_lowered:
0x8: {  	[smem:$0x3FA8] =	sst s0  }
0x9: {  	[smem:$0x3FA9] =	sst s1  }
0xa: {  	[smem:$0x3FAA] =	sst s2  }
0xb: {  	[smem:$0x3FAB] =	sst s3  }
0xc: {  	[smem:$0x3FAC] =	sst s4  }
0xd: {  	[smem:$0x3FAD] =	sst s5  }
0xe: {  	[smem:$0x3FAE] =	sst s6  }
0xf: {  	[smem:$0x3FAF] =	sst s7  }
0x10: {  	[smem:$0x3FB0] =	sst s8  }
0x11: {  	[smem:$0x3FB1] =	sst s9;
	s0 =	simm.s32 @!p0 $0x0  }
0x12: {  	s1 =	sld [smem:$0x3F97];
	s0 =	simm.s32 @p0 $0x1  }
0x13: {  	[smem:$0x3FB2] =	sst s0;
	s0 =	simm.s32 @!p1 $0x0  }
0x14: {  	s2 =	sld [smem:$0x3F96];
	s0 =	simm.s32 @p1 $0x1  }
0x15: {  	[smem:$0x3FB3] =	sst s0;
	s0 =	simm.s32 @!p2 $0x0  }
0x16: {  	s3 =	sld [smem:$0x3FDB];
	s0 =	simm.s32 @p2 $0x1  }
0x17: {  	s4 =	simm.s32 $0x1BF5;
	[smem:$0x3FB5] =	sst s0  }
0x18: {  	s0 =	sld [smem:$0x3F98];
	_ =	swait.ge [sflag:s4], $0x0  }
0x19: {  	s7 =	sld [smem:$0x3F99]  }
0x1a: {  	s8 =	sadd.s32 $0xFFFFE003, lr  }
0x1b: {  	s9 =	sadd.s32 $0xFFFFFEF7, lr;
	s5 =	simm.s32 $0xFFFFFFFF;
	p2 =	slt.u32 s8, $0xFFFFF086  }
0x1c: {  	p1 =	slt.u32 s9, $0xF7A;
	s5 =	simm.s32 @!p2 $0x0  }
0x1d: {  	s5 =	simm.s32 @p1 $0x1;
	p0 =	seq.s32 s7, s2  }
0x1e: {  	s7 =	smul.u32 @!p0 $0xF7A, s2;
	p2 =	seq.s32 @!p0 s5, $0x0  }
0x1f: {  	s9 =	smul.u32 $0xF7A, s1;
	s8 =	simm.s32 @!p0 $0x1BF5;
	p2 =	por !p2, p0  }
0x20: {  	[sflag:s8] =	ssyncset.s32 @!p0 $0xFFFFF086;
	s6 =	sadd.s32 @!p0 s3, s7;
	s7 =	simm.s32 @!p0 $0x108  }
0x21: {  	s3 =	sadd.s32 s3, s9;
	s6 =	sadd.s32 @!p0 $0x88, s6;
	s7 =	simm.s32 @p2 $0x1082  }
0x22: {  	[simem:s7], [sflag:s8] =	dma.local @!p0 [hbm:s6], $0xF7A  }
0x23: {  	s9 =	sor.u32 $0xD0000000, s2;
	s6 =	simm.s32 $0x108;
	_ =	swait.ge @!p0 [sflag:s8], $0x0  }
0x24: {  	s3 =	sadd.s32 $0x88, s3;
	s6 =	simm.s32 @!p1 $0x1082;
	[sflag:s4] =	ssyncset.s32 $0xFFFFF086  }
0x25: {  	[simem:s6], [sflag:s4] =	dma.local [hbm:s3], $0xF7A  }
0x26: {  	[smem:$0x3F99] =	sst s1;
	(tag) =	ssettag s2;
	_ =	strace s9  }
0x27: {  	s1 =	sld [smem:$0x3FA9]  }
0x28: {  	s2 =	sld [smem:$0x3FAA]  }
0x29: {  	s4 =	sld [smem:$0x3FAC]  }
0x2a: {  	p0 =	seq.s32 s5, $0x0;
	s5 =	sld [smem:$0x3FAD]  }
0x2b: {  	s6 =	sld [smem:$0x3FAE]  }
0x2c: {  	s7 =	sld [smem:$0x3FAF]  }
0x2d: {  	s3 =	simm.s32 $0x108;
	s8 =	sld [smem:$0x3FB0]  }
0x2e: {  	s3 =	simm.s32 @!p0 $0x1082;
	s9 =	sld [smem:$0x3FB1]  }
0x2f: {  	lr =	sadd.s32 s0, s3;
	s0 =	sld [smem:$0x3FA8]  }
0x30: {  	s3 =	sld [smem:$0x3FAB]  }
0x31: {  	[smem:$0x3FB4] =	sst s10  }
0x32: {  	s10 =	sld [smem:$0x3FB2];
	_ =	sdelay $0x3  }
0x33: {  	p0 =	seq.s32 s10, $0x1;
	s10 =	sld [smem:$0x3FB4];
	_ =	sdelay $0x3  }
0x34: {  	[smem:$0x3FB4] =	sst s10  }
0x35: {  	s10 =	sld [smem:$0x3FB3];
	_ =	sdelay $0x3  }
0x36: {  	p1 =	seq.s32 s10, $0x1;
	s10 =	sld [smem:$0x3FB4];
	_ =	sdelay $0x3  }
0x37: {  	[smem:$0x3FB4] =	sst s10  }
0x38: {  	s10 =	sld [smem:$0x3FB5]  }
0x39: {  	_ = 	snop;
	(pc) =	sbr.ind lr, $3  }
0x3a: {  	_ = 	snop  }
0x3b: {  	_ = 	snop  }
0x3c: {  	p2 =	seq.s32 s10, $0x1;
	s10 =	sld [smem:$0x3FB4]  }
0x3d: {  	_ =	shalt  }
0x3e: {  	_ =	shalt  }
0x3f: {  	_ =	shalt  }
0x40: {  	_ =	shalt  }
0x41: {  	_ =	shalt  }
0x42: {  	_ =	shalt  }
0x43: {  	_ =	shalt  }
0x44: {  	_ =	shalt  }
0x45: {  	_ =	shalt  }
0x46: {  	_ =	shalt  }
0x47: {  	_ =	shalt  }
0x48: {  	_ =	shalt  }
0x49: {  	_ =	shalt  }
0x4a: {  	_ =	shalt  }
0x4b: {  	_ =	shalt  }
0x4c: {  	_ =	shalt  }
0x4d: {  	_ =	shalt  }
0x4e: {  	_ =	shalt  }
0x4f: {  	_ =	shalt  }
0x50: {  	_ =	shalt  }
0x51: {  	_ =	shalt  }
0x52: {  	_ =	shalt  }
0x53: {  	_ =	shalt  }
0x54: {  	_ =	shalt  }
0x55: {  	_ =	shalt  }
0x56: {  	_ =	shalt  }
0x57: {  	_ =	shalt  }
0x58: {  	_ =	shalt  }
0x59: {  	_ =	shalt  }
0x5a: {  	_ =	shalt  }
0x5b: {  	_ =	shalt  }
0x5c: {  	_ =	shalt  }
0x5d: {  	_ =	shalt  }
0x5e: {  	_ =	shalt  }
0x5f: {  	_ =	shalt  }
0x60: {  	_ =	shalt  }
0x61: {  	_ =	shalt  }
0x62: {  	_ =	shalt  }
0x63: {  	_ =	shalt  }
0x64: {  	_ =	shalt  }
0x65: {  	_ =	shalt  }
0x66: {  	_ =	shalt  }
0x67: {  	_ =	shalt  }
0x68: {  	_ =	shalt  }
0x69: {  	_ =	shalt  }
0x6a: {  	_ =	shalt  }
0x6b: {  	_ =	shalt  }
0x6c: {  	_ =	shalt  }
0x6d: {  	_ =	shalt  }
0x6e: {  	_ =	shalt  }
0x6f: {  	_ =	shalt  }
0x70: {  	_ =	shalt  }
0x71: {  	_ =	shalt  }
0x72: {  	_ =	shalt  }
0x73: {  	_ =	shalt  }
0x74: {  	_ =	shalt  }
0x75: {  	_ =	shalt  }
0x76: {  	_ =	shalt  }
0x77: {  	_ =	shalt  }
0x78: {  	_ =	shalt  }
0x79: {  	_ =	shalt  }
0x7a: {  	_ =	shalt  }
0x7b: {  	_ =	shalt  }
0x7c: {  	_ =	shalt  }
0x7d: {  	_ =	shalt  }
0x7e: {  	_ =	shalt  }
0x7f: {  	_ =	shalt  }
0x80: {  	_ =	shalt  }
0x81: {  	_ =	shalt  }
0x82: {  	_ =	shalt  }
0x83: {  	_ =	shalt  }
0x84: {  	_ =	shalt  }
0x85: {  	_ =	shalt  }
0x86: {  	_ =	shalt  }
0x87: {  	_ =	shalt  }
.Lfunc_end0:
.L_simem_size_0:
called_computation.1_lowered:
.L_overlay_start_0:
0x88: {  	s2 =	sld [smem:$0x3FD9]  }
0x89: {  	s3 =	sld [smem:$0x3FFE];
	_ =	sdelay $0x1  }
0x8a: {  	s1 =	srdreg.scid  }
0x8b: {  	s0 =	sand.u32 $0x1, s1  }
0x8c: {  	s17 =	sshll.u32 s0, $0xA;
	s2 =	sadd.s32 s3, s2  }
0x8d: {  	s2 =	sadd.s32 s2, s17  }
0x8e: {  	[smem:$0x3FC0] =	sst s2  }
0x8f: {  	_ = 	snop  }
0x90: {  	(tm) =	ssettm $0x1  }
0x91: {  	s18 =	sld [smem:$0x3FFB];
	_ =	sdelay $0x3  }
0x92: {  	_ =	strace s18  }
0x93: {  	s2 =	sld [smem:$0x3FFC];
	_ =	sdelay $0x3  }
0x94: {  	_ =	strace s2  }
0x95: {  	s2 =	sld [smem:$0x3FFD];
	_ =	sdelay $0x3  }
0x96: {  	_ =	strace s2  }
0x97: {  	_ =	strace $0x8FFFFFFF  }
0x98: {  	s19 =	sld [smem:$0x3FDB];
	_ =	sdelay $0x1  }
0x99: {  	s20 =	simm.s32 $_scs_section_size  }
0x9a: {  	s4 =	simm.s32 $_size__tile_overlayer_lowered;
	s5 =	simm.s32 $_tile_overlayer_lowered  }
0x9b: {  	s6 =	simm.s32 $0x1BFF;
	s21 =	sshll.u32 s5, $0x1;
	s3 =	sadd.s32 s20, s19  }
0x9c: {  	s22 =	simm.s32 $0x0;
	s4 =	sshll.u32 s4, $0x1;
	s5 =	sadd.s32 s21, s3  }
0x9d: {  	[timem:s22], [sflag:s6] =	dma.local [hbm:s5], s4  }
0x9e: {  	_ =	swait.ge [sflag:s6], s4  }
0x9f: {  	s4 =	ssub.s32 $0x0, s4;
	[sflag:s6] =	ssyncset.done $0x0  }
0xa0: {  	[sflag:s6] =	ssyncadd.s32 s4;
	_ =	sdelay $0x1  }
0xa1: {  	s23 =	simm.s32 $0x1B8B  }
0xa2: {  	_ =	swait.ge [sflag:s23], $0x1  }
0xa3: {  	[sflag:s23] =	ssyncset.done $0x0  }
0xa4: {  	[sflag:s23] =	ssyncadd.s32 $0xFFFFFFFF  }
0xa5: {  	s4 =	sld [smem:$0x0]  }
0xa6: {  	s5 =	sand.u32 $0xFFFFFFFE, s1  }
0xa7: {  	p0 =	sne.s32 s1, s5  }
0xa8: {  	s5 =	sshll.u32 @p0 s5, $0xE  }
0xa9: {  	s5 =	sadd.s32 @p0 $0x11B8D, s5;
	s6 =	sshll.u32 @p0 s4, $0x11  }
0xaa: {  	s5 =	sor.u32 @p0 s6, s5  }
0xab: {  	[sflag:s5] =	ssyncadd.remote.s32 @p0 $0x1;
	_ =	sdelay $0x1  }
0xac: {  	s5 =	simm.s32 @p0 $0x1B8D  }
0xad: {  	_ =	swait.eq @p0 [sflag:s5], $0x1  }
0xae: {  	[sflag:s5] =	ssyncadd.s32 @p0 $0xFFFFFFFF  }
0xaf: {  	s6 =	sshll.u32 @!p0 s1, $0xE  }
0xb0: {  	s6 =	sor.u32 @!p0 $0x4000, s6;
	s5 =	simm.s32 @!p0 $0x1B8D  }
0xb1: {  	s4 =	sshll.u32 @!p0 s4, $0x11;
	s6 =	sadd.s32 @!p0 $0x11B8D, s6;
	_ =	swait.eq @!p0 [sflag:s5], $0x1  }
0xb2: {  	s4 =	sor.u32 @!p0 s4, s6;
	[sflag:s5] =	ssyncadd.s32 @!p0 $0xFFFFFFFF  }
0xb3: {  	s25 =	simm.s32 $0x1B8E;
	s24 =	sld [smem:$0x3FFE];
	[sflag:s4] =	ssyncadd.remote.s32 @!p0 $0x1  }
0xb4: {  	s26 =	simm.s32 $execute0_lowered;
	[smem:$0x3FD2] =	sst s25  }
0xb5: {  	s5 =	sshll.u32 s26, $0x1;
	_ =	strace $0x80000049;
	[dreg:$0x1] =	wrdreg $0xFFFFFFFF  }
0xb6: {  	s28 =	simm.s32 $_size_execute0_lowered;
	s3 =	sadd.s32 s3, s5;
	[dreg:$0x0] =	wrdreg $0x0  }
0xb7: {  	s5 =	sshll.u32 s28, $0x1;
	[dreg:$0x2] =	wrdreg s3  }
0xb8: {  	[dreg:$0x3] =	wrdreg s5  }
0xb9: {  	[dreg:$0x4] =	wrdreg $0xC0  }
0xba: {  	_ =	task [dreg:s22], $0x5FFFF  }
0xbb: {  	[dreg:$0x1] =	wrdreg $0xFFFFFFFF  }
0xbc: {  	[dreg:$0x0] =	wrdreg $0x60  }
0xbd: {  	[dreg:$0x2] =	wrdreg s24  }
0xbe: {  	[dreg:$0x3] =	wrdreg $0xA  }
0xbf: {  	_ =	task.clear_ibuf [dreg:s22], $0x4FFFF;
	_ =	strace $0x90000049  }
0xc0: {  	s29 =	simm.s32 $0xA;
	_ =	strace $0x8000004B  }
0xc1: {  	_ =	swait.ge [sflag:s29], $0x1  }
0xc2: {  	[sflag:s29] =	ssyncadd.s32 $0xFFFFFFFF  }
0xc3: {  	_ =	strace $0x9000004B  }
0xc4: {  	_ =	sfence  }
0xc5: {  	s30 =	sld [smem:$0x0];
	_ =	sdelay $0x2  }
0xc6: {  	s31 =	sshll.u32 s1, $0xD;
	s1 =	sshrl.u32 s1, $0x2  }
0xc7: {  	s4 =	sand.u32 $0x4000, s31;
	s1 =	sadd.s32 s1, s30  }
0xc8: {  	s0 =	sor.u32 s4, s0;
	s1 =	sshll.u32 s1, $0x11  }
0xc9: {  	s0 =	sor.u32 s1, s0  }
0xca: {  	s0 =	sadd.s32 $0x8F2B, s0  }
0xcb: {  	[sflag:s0] =	ssyncadd.remote.s32 $0x1  }
0xcc: {  	_ =	sfence.sel $0xFFFF  }
0xcd: {  	[dreg:$0x0] =	wrdreg $0xFFFFFFFF;
	(pc) =	sbr.abs _section_cstart, $3  }
0xce: {  	[dreg:$0x1] =	wrdreg $0xFFFFFFFF  }
0xcf: {  	_ =	task.clear_ibuf [dreg:s22], $0x2FFFF;
	_ =	strace $0x9FFFFFFF  }
0xd0: {  	(tm) =	ssettm $0x7FFFFFFF  }
0xd1: {  	_ =	shalt  }
tec
execute0_lowered:
.L_overlay_start_1:
0x0: {  	(tag) =	ssettag $0x1  }
0x1: {  	s0 =	rddreg [dreg:$0x0];
	s1 =	srdreg.scid;
	s2 =	simm.s32 $0x0  }
0x2: {  	s3 =	stileid.u32;
	s28 =	simm.s32 $0x9180;
	s29 =	simm.s32 $0x9980  }
0x3: {  	s30 =	simm.s32 $0xA180;
	s31 =	simm.s32 $0xA980;
	s1 =	sand.u32 $0x1, s1  }
0x4: {  	[smem:$0x7FF] =	sst s2;
	s3 =	sshll.u32 s3, $0x9;
	s13 =	sadd.s32 $0xE6C00, s0  }
0x5: {  	s5 =	sadd.s32 $0xE7000, s0;
	s7 =	sadd.s32 $0xE7400, s0;
	s8 =	sadd.s32 $0xE7800, s0  }
0x6: {  	s10 =	sadd.s32 $0x127800, s0;
	s11 =	sadd.s32 $0x167800, s0;
	s4 =	sshll.u32 s1, $0x8  }
0x7: {  	_ =	strace $0x8000004A;
	s1 =	ssub.s32 $0x2, s1;
	s3 =	sor.u32 s4, s3  }
0x8: {  	s24 =	sshrl.u32 s1, $0x1;
	s6 =	sshrl.u32 s3, $0x3;
	s15 =	sshll.u32 s3, $0x5  }
0x9: {  	s12 =	sor.u32 $0x80, s3;
	s3 =	sadd.s32 $0xD6C00, s0;
	s9 =	sadd.s32 s13, s6  }
0xa: {  	s1 =	ssub.s32 s1, s24;
	s14 =	sadd.s32 s5, s6;
	[dreg:$0x2] =	wrdreg s9  }
0xb: {  	s0 =	simm.s32 $0x1;
	s6 =	sadd.s32 s7, s6;
	[dreg:$0x3] =	wrdreg s14  }
0xc: {  	s24 =	simm.s32 $0xB980;
	s16 =	sadd.s32 s8, s15;
	[dreg:$0x4] =	wrdreg s6  }
0xd: {  	s17 =	sadd.s32 s10, s15;
	s18 =	sadd.s32 s11, s15;
	[dreg:$0x5] =	wrdreg s16  }
0xe: {  	s19 =	sshrl.u32 s12, $0x3;
	s22 =	sshll.u32 s12, $0x5;
	[dreg:$0x6] =	wrdreg s17  }
0xf: {  	s12 =	simm.s32 $0x2180;
	s15 =	simm.s32 $0x3180;
	[dreg:$0x7] =	wrdreg s18  }
0x10: {  	s4 =	sadd.s32 s13, s19;
	s20 =	sadd.s32 s5, s19;
	s21 =	sadd.s32 s7, s19  }
0x11: {  	s23 =	sadd.s32 s8, s22;
	s25 =	sadd.s32 s10, s22;
	s26 =	sadd.s32 s11, s22  }
0x12: {  	s7 =	smax.u32 s1, $0x1;
	s5 =	simm.s32 $0x2;
	s9 =	simm.s32 $0x980  }
0x13: {  	s10 =	simm.s32 $0x1180;
	s11 =	simm.s32 $0x1980;
	[dreg:$0x8] =	wrdreg s4  }
0x14: {  	s13 =	simm.s32 $0x2980;
	s16 =	simm.s32 $0x3980;
	[dreg:$0x9] =	wrdreg s20  }
0x15: {  	s17 =	simm.s32 $0x4180;
	s18 =	simm.s32 $0x4980;
	[dreg:$0xa] =	wrdreg s21  }
0x16: {  	s19 =	simm.s32 $0x5180;
	s22 =	simm.s32 $0x6980;
	[dreg:$0xb] =	wrdreg s23  }
0x17: {  	v2 =	vlaneseq.u32;
	s14 =	simm.s32 $0x8180;
	s6 =	simm.s32 $0x10180;
	[dreg:$0xc] =	wrdreg s25  }
0x18: {  	vm0 =	vmmov $0xffff;
	v1 =	vshrl.u32 v2, $0x3;
	[dreg:$0xd] =	wrdreg s26;
	s20 =	simm.s32 $0x5980;
	s21 =	simm.s32 $0x6180  }
0x19: {  	v0 =	vand.u32 $0x7, v2;
	v2 =	vor.u32 $0x8, v2;
	v1 =	vmul.u32 $0x8, v1;
	s23 =	simm.s32 $0x7180;
	s25 =	simm.s32 $0x7980;
	s26 =	simm.s32 $0x8980  }
.LBB2_1:
0x1a: {  	s1 =	rddreg [dreg:$0x2]  }
0x1b: {  	[tilespmem:s2], [sflag:$0x2] =	stream.linear.gather [hbm4b:s1+s2], $0x80, $0x38;
	[tilespmem:$0x18180] =	vst v63  }
0x1c: {  	_ =	swait.ge [sflag:s5], $0x80  }
0x1d: {  	[sflag:s5] =	ssyncset.done $0x0  }
0x1e: {  	s4 =	simm.s32 $0x80;
	s8 =	rddreg [dreg:$0x3];
	[sflag:s5] =	ssyncadd.s32 $0xFFFFFF80  }
0x1f: {  	[tilespmem:s4], [sflag:$0x2] =	stream.linear.gather [hbm4b:s8+s2], $0x80, $0x38;
	[tilespmem:$0x18180] =	vst v63  }
0x20: {  	_ =	swait.ge [sflag:s5], $0x80  }
0x21: {  	[sflag:s5] =	ssyncset.done $0x0  }
0x22: {  	s8 =	simm.s32 $0x100;
	s4 =	rddreg [dreg:$0x4];
	[sflag:s5] =	ssyncadd.s32 $0xFFFFFF80  }
0x23: {  	[tilespmem:s8], [sflag:$0x2] =	stream.linear.gather [hbm4b:s4+s2], $0x80, $0x38;
	[tilespmem:$0x18180] =	vst v63  }
0x24: {  	_ =	swait.ge [sflag:s5], $0x80  }
0x25: {  	[sflag:s5] =	ssyncset.done $0x0  }
0x26: {  	[sflag:s5] =	ssyncadd.s32 $0xFFFFFF80  }
0x27: {  	v3 =	vld [tilespmem:$0x0];
	_ =	sdelay $0x4  }
0x28: {  	v4 =	vshll.u32 v3, $0x1  }
0x29: {  	v3 =	vand.u32 $0x7, v3;
	v4 =	vand.u32 $0xFFFFFFF0, v4  }
0x2a: {  	v3 =	vor.u32 v3, v4  }
0x2b: {  	v4 =	vperm.xlane v3, v0;
	_ =	sdelay $0x1  }
0x2c: {  	v3 =	vperm.xlane v3, v2;
	v4 =	vadd.s32 v1, v4;
	_ =	sdelay $0x1  }
0x2d: {  	v3 =	vadd.s32 v1, v3;
	_ =	sdelay $0x1  }
0x2e: {  	s4 =	simm.s32 $0x180  }
0x2f: {  	[tilespmem:s4], [sflag:$0x1] =	stream.indirect_vreg.gather [hbm4b:s3+s2], $0x80, v4, vm0, $0xb8;
	[tilespmem:$0x18180] =	vst v63  }
0x30: {  	_ = 	snop  }
0x31: {  	[tilespmem:s9], [sflag:$0x1] =	stream.indirect_vreg.gather [hbm4b:s3+s2], $0x80, v3, vm0, $0xb8;
	[tilespmem:$0x18180] =	vst v63  }
0x32: {  	v3 =	vld [tilespmem:$0x10];
	_ =	sdelay $0x4  }
0x33: {  	v17 =	vshll.u32 v3, $0x1  }
0x34: {  	v3 =	vand.u32 $0x7, v3;
	v4 =	vand.u32 $0xFFFFFFF0, v17  }
0x35: {  	v3 =	vor.u32 v3, v4  }
0x36: {  	v4 =	vperm.xlane v3, v0;
	_ =	sdelay $0x1  }
0x37: {  	v3 =	vperm.xlane v3, v2;
	v4 =	vadd.s32 v1, v4;
	_ =	sdelay $0x1  }
0x38: {  	v3 =	vadd.s32 v1, v3;
	_ =	sdelay $0x2  }
0x39: {  	[tilespmem:s10], [sflag:$0x1] =	stream.indirect_vreg.gather [hbm4b:s3+s2], $0x80, v4, vm0, $0xb8;
	[tilespmem:$0x18180] =	vst v63  }
0x3a: {  	_ = 	snop  }
0x3b: {  	[tilespmem:s11], [sflag:$0x1] =	stream.indirect_vreg.gather [hbm4b:s3+s2], $0x80, v3, vm0, $0xb8;
	[tilespmem:$0x18180] =	vst v63  }
0x3c: {  	v3 =	vld [tilespmem:$0x20];
	_ =	sdelay $0x4  }
0x3d: {  	v18 =	vshll.u32 v3, $0x1  }
0x3e: {  	v3 =	vand.u32 $0x7, v3;
	v4 =	vand.u32 $0xFFFFFFF0, v18  }
0x3f: {  	v3 =	vor.u32 v3, v4  }
0x40: {  	v4 =	vperm.xlane v3, v0;
	_ =	sdelay $0x1  }
0x41: {  	v3 =	vperm.xlane v3, v2;
	v4 =	vadd.s32 v1, v4;
	_ =	sdelay $0x1  }
0x42: {  	v3 =	vadd.s32 v1, v3;
	_ =	sdelay $0x2  }
0x43: {  	[tilespmem:s12], [sflag:$0x1] =	stream.indirect_vreg.gather [hbm4b:s3+s2], $0x80, v4, vm0, $0xb8;
	[tilespmem:$0x18180] =	vst v63  }
0x44: {  	_ = 	snop  }
0x45: {  	[tilespmem:s13], [sflag:$0x1] =	stream.indirect_vreg.gather [hbm4b:s3+s2], $0x80, v3, vm0, $0xb8;
	[tilespmem:$0x18180] =	vst v63  }
0x46: {  	v3 =	vld [tilespmem:$0x30];
	_ =	sdelay $0x4  }
0x47: {  	v19 =	vshll.u32 v3, $0x1  }
0x48: {  	v3 =	vand.u32 $0x7, v3;
	v4 =	vand.u32 $0xFFFFFFF0, v19  }
0x49: {  	v3 =	vor.u32 v3, v4  }
0x4a: {  	v4 =	vperm.xlane v3, v0;
	_ =	sdelay $0x1  }
0x4b: {  	v3 =	vperm.xlane v3, v2;
	v4 =	vadd.s32 v1, v4;
	_ =	sdelay $0x1  }
0x4c: {  	v3 =	vadd.s32 v1, v3;
	_ =	sdelay $0x2  }
0x4d: {  	[tilespmem:s15], [sflag:$0x1] =	stream.indirect_vreg.gather [hbm4b:s3+s2], $0x80, v4, vm0, $0xb8;
	[tilespmem:$0x18180] =	vst v63  }
0x4e: {  	_ = 	snop  }
0x4f: {  	[tilespmem:s16], [sflag:$0x1] =	stream.indirect_vreg.gather [hbm4b:s3+s2], $0x80, v3, vm0, $0xb8;
	[tilespmem:$0x18180] =	vst v63  }
0x50: {  	v3 =	vld [tilespmem:$0x40];
	_ =	sdelay $0x4  }
0x51: {  	v20 =	vshll.u32 v3, $0x1  }
0x52: {  	v3 =	vand.u32 $0x7, v3;
	v4 =	vand.u32 $0xFFFFFFF0, v20  }
0x53: {  	v3 =	vor.u32 v3, v4  }
0x54: {  	v4 =	vperm.xlane v3, v0;
	_ =	sdelay $0x1  }
0x55: {  	v3 =	vperm.xlane v3, v2;
	v4 =	vadd.s32 v1, v4;
	_ =	sdelay $0x1  }
0x56: {  	v3 =	vadd.s32 v1, v3;
	_ =	sdelay $0x2  }
0x57: {  	[tilespmem:s17], [sflag:$0x1] =	stream.indirect_vreg.gather [hbm4b:s3+s2], $0x80, v4, vm0, $0xb8;
	[tilespmem:$0x18180] =	vst v63  }
0x58: {  	_ = 	snop  }
0x59: {  	[tilespmem:s18], [sflag:$0x1] =	stream.indirect_vreg.gather [hbm4b:s3+s2], $0x80, v3, vm0, $0xb8;
	[tilespmem:$0x18180] =	vst v63  }
0x5a: {  	v3 =	vld [tilespmem:$0x50];
	_ =	sdelay $0x4  }
0x5b: {  	v21 =	vshll.u32 v3, $0x1  }
0x5c: {  	v3 =	vand.u32 $0x7, v3;
	v4 =	vand.u32 $0xFFFFFFF0, v21  }
0x5d: {  	v3 =	vor.u32 v3, v4  }
0x5e: {  	v4 =	vperm.xlane v3, v0;
	_ =	sdelay $0x1  }
0x5f: {  	v3 =	vperm.xlane v3, v2;
	v4 =	vadd.s32 v1, v4;
	_ =	sdelay $0x1  }
0x60: {  	v3 =	vadd.s32 v1, v3;
	_ =	sdelay $0x2  }
0x61: {  	[tilespmem:s19], [sflag:$0x1] =	stream.indirect_vreg.gather [hbm4b:s3+s2], $0x80, v4, vm0, $0xb8;
	[tilespmem:$0x18180] =	vst v63  }
0x62: {  	_ = 	snop  }
0x63: {  	[tilespmem:s20], [sflag:$0x1] =	stream.indirect_vreg.gather [hbm4b:s3+s2], $0x80, v3, vm0, $0xb8;
	[tilespmem:$0x18180] =	vst v63  }
0x64: {  	v3 =	vld [tilespmem:$0x60];
	_ =	sdelay $0x4  }
0x65: {  	v22 =	vshll.u32 v3, $0x1  }
0x66: {  	v3 =	vand.u32 $0x7, v3;
	v4 =	vand.u32 $0xFFFFFFF0, v22  }
0x67: {  	v3 =	vor.u32 v3, v4  }
0x68: {  	v4 =	vperm.xlane v3, v0;
	_ =	sdelay $0x1  }
0x69: {  	v3 =	vperm.xlane v3, v2;
	v4 =	vadd.s32 v1, v4;
	_ =	sdelay $0x1  }
0x6a: {  	v3 =	vadd.s32 v1, v3;
	_ =	sdelay $0x2  }
0x6b: {  	[tilespmem:s21], [sflag:$0x1] =	stream.indirect_vreg.gather [hbm4b:s3+s2], $0x80, v4, vm0, $0xb8;
	[tilespmem:$0x18180] =	vst v63  }
0x6c: {  	_ = 	snop  }
0x6d: {  	[tilespmem:s22], [sflag:$0x1] =	stream.indirect_vreg.gather [hbm4b:s3+s2], $0x80, v3, vm0, $0xb8;
	[tilespmem:$0x18180] =	vst v63  }
0x6e: {  	v3 =	vld [tilespmem:$0x70];
	_ =	sdelay $0x4  }
0x6f: {  	v23 =	vshll.u32 v3, $0x1  }
0x70: {  	v3 =	vand.u32 $0x7, v3;
	v4 =	vand.u32 $0xFFFFFFF0, v23  }
0x71: {  	v3 =	vor.u32 v3, v4  }
0x72: {  	v4 =	vperm.xlane v3, v0;
	_ =	sdelay $0x1  }
0x73: {  	v3 =	vperm.xlane v3, v2;
	v4 =	vadd.s32 v1, v4;
	_ =	sdelay $0x1  }
0x74: {  	v3 =	vadd.s32 v1, v3;
	_ =	sdelay $0x2  }
0x75: {  	[tilespmem:s23], [sflag:$0x1] =	stream.indirect_vreg.gather [hbm4b:s3+s2], $0x80, v4, vm0, $0xb8;
	[tilespmem:$0x18180] =	vst v63  }
0x76: {  	_ = 	snop  }
0x77: {  	[tilespmem:s25], [sflag:$0x1] =	stream.indirect_vreg.gather [hbm4b:s3+s2], $0x80, v3, vm0, $0xb8;
	[tilespmem:$0x18180] =	vst v63  }
0x78: {  	v3 =	vld [tilespmem:$0x80];
	_ =	sdelay $0x4  }
0x79: {  	v24 =	vshll.u32 v3, $0x1  }
0x7a: {  	v3 =	vand.u32 $0x7, v3;
	v4 =	vand.u32 $0xFFFFFFF0, v24  }
0x7b: {  	v3 =	vor.u32 v3, v4  }
0x7c: {  	v4 =	vperm.xlane v3, v0;
	_ =	sdelay $0x1  }
0x7d: {  	v3 =	vperm.xlane v3, v2;
	v4 =	vadd.s32 v1, v4;
	_ =	sdelay $0x1  }
0x7e: {  	v3 =	vadd.s32 v1, v3;
	_ =	sdelay $0x2  }
0x7f: {  	[tilespmem:s14], [sflag:$0x1] =	stream.indirect_vreg.gather [hbm4b:s3+s2], $0x80, v4, vm0, $0xb8;
	[tilespmem:$0x18180] =	vst v63  }
0x80: {  	_ = 	snop  }
0x81: {  	[tilespmem:s26], [sflag:$0x1] =	stream.indirect_vreg.gather [hbm4b:s3+s2], $0x80, v3, vm0, $0xb8;
	[tilespmem:$0x18180] =	vst v63  }
0x82: {  	v3 =	vld [tilespmem:$0x90];
	_ =	sdelay $0x4  }
0x83: {  	v25 =	vshll.u32 v3, $0x1  }
0x84: {  	v3 =	vand.u32 $0x7, v3;
	v4 =	vand.u32 $0xFFFFFFF0, v25  }
0x85: {  	v3 =	vor.u32 v3, v4  }
0x86: {  	v4 =	vperm.xlane v3, v0;
	_ =	sdelay $0x1  }
0x87: {  	v3 =	vperm.xlane v3, v2;
	v4 =	vadd.s32 v1, v4;
	_ =	sdelay $0x1  }
0x88: {  	v3 =	vadd.s32 v1, v3;
	_ =	sdelay $0x2  }
0x89: {  	[tilespmem:s28], [sflag:$0x1] =	stream.indirect_vreg.gather [hbm4b:s3+s2], $0x80, v4, vm0, $0xb8;
	[tilespmem:$0x18180] =	vst v63  }
0x8a: {  	_ = 	snop  }
0x8b: {  	[tilespmem:s29], [sflag:$0x1] =	stream.indirect_vreg.gather [hbm4b:s3+s2], $0x80, v3, vm0, $0xb8;
	[tilespmem:$0x18180] =	vst v63  }
0x8c: {  	v3 =	vld [tilespmem:$0xA0];
	_ =	sdelay $0x4  }
0x8d: {  	v26 =	vshll.u32 v3, $0x1  }
0x8e: {  	v3 =	vand.u32 $0x7, v3;
	v4 =	vand.u32 $0xFFFFFFF0, v26  }
0x8f: {  	v3 =	vor.u32 v3, v4  }
0x90: {  	v4 =	vperm.xlane v3, v0;
	_ =	sdelay $0x1  }
0x91: {  	v3 =	vperm.xlane v3, v2;
	v4 =	vadd.s32 v1, v4;
	_ =	sdelay $0x1  }
0x92: {  	v3 =	vadd.s32 v1, v3;
	_ =	sdelay $0x2  }
0x93: {  	[tilespmem:s30], [sflag:$0x1] =	stream.indirect_vreg.gather [hbm4b:s3+s2], $0x80, v4, vm0, $0xb8;
	[tilespmem:$0x18180] =	vst v63  }
0x94: {  	_ = 	snop  }
0x95: {  	[tilespmem:s31], [sflag:$0x1] =	stream.indirect_vreg.gather [hbm4b:s3+s2], $0x80, v3, vm0, $0xb8;
	[tilespmem:$0x18180] =	vst v63  }
0x96: {  	v3 =	vld [tilespmem:$0xB0];
	_ =	sdelay $0x4  }
0x97: {  	v27 =	vshll.u32 v3, $0x1  }
0x98: {  	v3 =	vand.u32 $0x7, v3;
	v4 =	vand.u32 $0xFFFFFFF0, v27  }
0x99: {  	v3 =	vor.u32 v3, v4  }
0x9a: {  	v4 =	vperm.xlane v3, v0;
	_ =	sdelay $0x1  }
0x9b: {  	v3 =	vperm.xlane v3, v2;
	v4 =	vadd.s32 v1, v4;
	_ =	sdelay $0x1  }
0x9c: {  	v3 =	vadd.s32 v1, v3;
	_ =	sdelay $0x1  }
0x9d: {  	s8 =	simm.s32 $0xB180  }
0x9e: {  	[tilespmem:s8], [sflag:$0x1] =	stream.indirect_vreg.gather [hbm4b:s3+s2], $0x80, v4, vm0, $0xb8;
	[tilespmem:$0x18180] =	vst v63  }
0x9f: {  	_ = 	snop  }
0xa0: {  	[tilespmem:s24], [sflag:$0x1] =	stream.indirect_vreg.gather [hbm4b:s3+s2], $0x80, v3, vm0, $0xb8;
	[tilespmem:$0x18180] =	vst v63  }
0xa1: {  	v3 =	vld [tilespmem:$0xC0];
	_ =	sdelay $0x4  }
0xa2: {  	v28 =	vshll.u32 v3, $0x1  }
0xa3: {  	v3 =	vand.u32 $0x7, v3;
	v4 =	vand.u32 $0xFFFFFFF0, v28  }
0xa4: {  	v3 =	vor.u32 v3, v4  }
0xa5: {  	v4 =	vperm.xlane v3, v0;
	_ =	sdelay $0x1  }
0xa6: {  	v3 =	vperm.xlane v3, v2;
	v4 =	vadd.s32 v1, v4;
	_ =	sdelay $0x1  }
0xa7: {  	v3 =	vadd.s32 v1, v3;
	_ =	sdelay $0x1  }
0xa8: {  	s4 =	simm.s32 $0xC180  }
0xa9: {  	[tilespmem:s4], [sflag:$0x1] =	stream.indirect_vreg.gather [hbm4b:s3+s2], $0x80, v4, vm0, $0xb8;
	[tilespmem:$0x18180] =	vst v63  }
0xaa: {  	s8 =	simm.s32 $0xC980  }
0xab: {  	[tilespmem:s8], [sflag:$0x1] =	stream.indirect_vreg.gather [hbm4b:s3+s2], $0x80, v3, vm0, $0xb8;
	[tilespmem:$0x18180] =	vst v63  }
0xac: {  	v3 =	vld [tilespmem:$0xD0];
	_ =	sdelay $0x4  }
0xad: {  	v29 =	vshll.u32 v3, $0x1  }
0xae: {  	v3 =	vand.u32 $0x7, v3;
	v4 =	vand.u32 $0xFFFFFFF0, v29  }
0xaf: {  	v3 =	vor.u32 v3, v4  }
0xb0: {  	v4 =	vperm.xlane v3, v0;
	_ =	sdelay $0x1  }
0xb1: {  	v3 =	vperm.xlane v3, v2;
	v4 =	vadd.s32 v1, v4;
	_ =	sdelay $0x1  }
0xb2: {  	v3 =	vadd.s32 v1, v3;
	_ =	sdelay $0x1  }
0xb3: {  	s4 =	simm.s32 $0xD180  }
0xb4: {  	[tilespmem:s4], [sflag:$0x1] =	stream.indirect_vreg.gather [hbm4b:s3+s2], $0x80, v4, vm0, $0xb8;
	[tilespmem:$0x18180] =	vst v63  }
0xb5: {  	s8 =	simm.s32 $0xD980  }
0xb6: {  	[tilespmem:s8], [sflag:$0x1] =	stream.indirect_vreg.gather [hbm4b:s3+s2], $0x80, v3, vm0, $0xb8;
	[tilespmem:$0x18180] =	vst v63  }
0xb7: {  	v3 =	vld [tilespmem:$0xE0];
	_ =	sdelay $0x4  }
0xb8: {  	v30 =	vshll.u32 v3, $0x1  }
0xb9: {  	v3 =	vand.u32 $0x7, v3;
	v4 =	vand.u32 $0xFFFFFFF0, v30  }
0xba: {  	v3 =	vor.u32 v3, v4  }
0xbb: {  	v4 =	vperm.xlane v3, v0;
	_ =	sdelay $0x1  }
0xbc: {  	v3 =	vperm.xlane v3, v2;
	v4 =	vadd.s32 v1, v4;
	_ =	sdelay $0x1  }
0xbd: {  	v3 =	vadd.s32 v1, v3;
	_ =	sdelay $0x1  }
0xbe: {  	s4 =	simm.s32 $0xE180  }
0xbf: {  	[tilespmem:s4], [sflag:$0x1] =	stream.indirect_vreg.gather [hbm4b:s3+s2], $0x80, v4, vm0, $0xb8;
	[tilespmem:$0x18180] =	vst v63  }
0xc0: {  	s8 =	simm.s32 $0xE980  }
0xc1: {  	[tilespmem:s8], [sflag:$0x1] =	stream.indirect_vreg.gather [hbm4b:s3+s2], $0x80, v3, vm0, $0xb8;
	[tilespmem:$0x18180] =	vst v63  }
0xc2: {  	v3 =	vld [tilespmem:$0xF0];
	_ =	sdelay $0x4  }
0xc3: {  	v31 =	vshll.u32 v3, $0x1  }
0xc4: {  	v3 =	vand.u32 $0x7, v3;
	v4 =	vand.u32 $0xFFFFFFF0, v31  }
0xc5: {  	v3 =	vor.u32 v3, v4  }
0xc6: {  	v4 =	vperm.xlane v3, v0;
	_ =	sdelay $0x1  }
0xc7: {  	v3 =	vperm.xlane v3, v2;
	v4 =	vadd.s32 v1, v4;
	_ =	sdelay $0x1  }
0xc8: {  	v3 =	vadd.s32 v1, v3;
	_ =	sdelay $0x1  }
0xc9: {  	s4 =	simm.s32 $0xF180  }
0xca: {  	[tilespmem:s4], [sflag:$0x1] =	stream.indirect_vreg.gather [hbm4b:s3+s2], $0x80, v4, vm0, $0xb8;
	[tilespmem:$0x18180] =	vst v63  }
0xcb: {  	s8 =	simm.s32 $0xF980  }
0xcc: {  	[tilespmem:s8], [sflag:$0x1] =	stream.indirect_vreg.gather [hbm4b:s3+s2], $0x80, v3, vm0, $0xb8;
	[tilespmem:$0x18180] =	vst v63  }
0xcd: {  	v3 =	vld [tilespmem:$0x100];
	_ =	sdelay $0x4  }
0xce: {  	v32 =	vshll.u32 v3, $0x1  }
0xcf: {  	v3 =	vand.u32 $0x7, v3;
	v4 =	vand.u32 $0xFFFFFFF0, v32  }
0xd0: {  	v3 =	vor.u32 v3, v4  }
0xd1: {  	v4 =	vperm.xlane v3, v0;
	_ =	sdelay $0x1  }
0xd2: {  	v3 =	vperm.xlane v3, v2;
	v4 =	vadd.s32 v1, v4;
	_ =	sdelay $0x1  }
0xd3: {  	v3 =	vadd.s32 v1, v3;
	_ =	sdelay $0x2  }
0xd4: {  	[tilespmem:s6], [sflag:$0x1] =	stream.indirect_vreg.gather [hbm4b:s3+s2], $0x80, v4, vm0, $0xb8;
	[tilespmem:$0x18180] =	vst v63  }
0xd5: {  	s4 =	simm.s32 $0x10980  }
0xd6: {  	[tilespmem:s4], [sflag:$0x1] =	stream.indirect_vreg.gather [hbm4b:s3+s2], $0x80, v3, vm0, $0xb8;
	[tilespmem:$0x18180] =	vst v63  }
0xd7: {  	v3 =	vld [tilespmem:$0x110];
	_ =	sdelay $0x4  }
0xd8: {  	v33 =	vshll.u32 v3, $0x1  }
0xd9: {  	v3 =	vand.u32 $0x7, v3;
	v4 =	vand.u32 $0xFFFFFFF0, v33  }
0xda: {  	v3 =	vor.u32 v3, v4  }
0xdb: {  	v4 =	vperm.xlane v3, v0;
	_ =	sdelay $0x1  }
0xdc: {  	v3 =	vperm.xlane v3, v2;
	v4 =	vadd.s32 v1, v4;
	_ =	sdelay $0x1  }
0xdd: {  	v3 =	vadd.s32 v1, v3;
	_ =	sdelay $0x1  }
0xde: {  	s8 =	simm.s32 $0x11180  }
0xdf: {  	[tilespmem:s8], [sflag:$0x1] =	stream.indirect_vreg.gather [hbm4b:s3+s2], $0x80, v4, vm0, $0xb8;
	[tilespmem:$0x18180] =	vst v63  }
0xe0: {  	s4 =	simm.s32 $0x11980  }
0xe1: {  	[tilespmem:s4], [sflag:$0x1] =	stream.indirect_vreg.gather [hbm4b:s3+s2], $0x80, v3, vm0, $0xb8;
	[tilespmem:$0x18180] =	vst v63  }
0xe2: {  	v3 =	vld [tilespmem:$0x120];
	_ =	sdelay $0x4  }
0xe3: {  	v34 =	vshll.u32 v3, $0x1  }
0xe4: {  	v3 =	vand.u32 $0x7, v3;
	v4 =	vand.u32 $0xFFFFFFF0, v34  }
0xe5: {  	v3 =	vor.u32 v3, v4  }
0xe6: {  	v4 =	vperm.xlane v3, v0;
	_ =	sdelay $0x1  }
0xe7: {  	v3 =	vperm.xlane v3, v2;
	v4 =	vadd.s32 v1, v4;
	_ =	sdelay $0x1  }
0xe8: {  	v3 =	vadd.s32 v1, v3;
	_ =	sdelay $0x1  }
0xe9: {  	s8 =	simm.s32 $0x12180  }
0xea: {  	[tilespmem:s8], [sflag:$0x1] =	stream.indirect_vreg.gather [hbm4b:s3+s2], $0x80, v4, vm0, $0xb8;
	[tilespmem:$0x18180] =	vst v63  }
0xeb: {  	s4 =	simm.s32 $0x12980  }
0xec: {  	[tilespmem:s4], [sflag:$0x1] =	stream.indirect_vreg.gather [hbm4b:s3+s2], $0x80, v3, vm0, $0xb8;
	[tilespmem:$0x18180] =	vst v63  }
0xed: {  	v3 =	vld [tilespmem:$0x130];
	_ =	sdelay $0x4  }
0xee: {  	v35 =	vshll.u32 v3, $0x1  }
0xef: {  	v3 =	vand.u32 $0x7, v3;
	v4 =	vand.u32 $0xFFFFFFF0, v35  }
0xf0: {  	v3 =	vor.u32 v3, v4  }
0xf1: {  	v4 =	vperm.xlane v3, v0;
	_ =	sdelay $0x1  }
0xf2: {  	v3 =	vperm.xlane v3, v2;
	v4 =	vadd.s32 v1, v4;
	_ =	sdelay $0x1  }
0xf3: {  	v3 =	vadd.s32 v1, v3;
	_ =	sdelay $0x1  }
0xf4: {  	s8 =	simm.s32 $0x13180  }
0xf5: {  	[tilespmem:s8], [sflag:$0x1] =	stream.indirect_vreg.gather [hbm4b:s3+s2], $0x80, v4, vm0, $0xb8;
	[tilespmem:$0x18180] =	vst v63  }
0xf6: {  	s4 =	simm.s32 $0x13980  }
0xf7: {  	[tilespmem:s4], [sflag:$0x1] =	stream.indirect_vreg.gather [hbm4b:s3+s2], $0x80, v3, vm0, $0xb8;
	[tilespmem:$0x18180] =	vst v63  }
0xf8: {  	v3 =	vld [tilespmem:$0x140];
	_ =	sdelay $0x4  }
0xf9: {  	v36 =	vshll.u32 v3, $0x1  }
0xfa: {  	v3 =	vand.u32 $0x7, v3;
	v4 =	vand.u32 $0xFFFFFFF0, v36  }
0xfb: {  	v3 =	vor.u32 v3, v4  }
0xfc: {  	v4 =	vperm.xlane v3, v0;
	_ =	sdelay $0x1  }
0xfd: {  	v3 =	vperm.xlane v3, v2;
	v4 =	vadd.s32 v1, v4;
	_ =	sdelay $0x1  }
0xfe: {  	v3 =	vadd.s32 v1, v3;
	_ =	sdelay $0x1  }
0xff: {  	s8 =	simm.s32 $0x14180  }
0x100: {  	[tilespmem:s8], [sflag:$0x1] =	stream.indirect_vreg.gather [hbm4b:s3+s2], $0x80, v4, vm0, $0xb8;
	[tilespmem:$0x18180] =	vst v63  }
0x101: {  	s4 =	simm.s32 $0x14980  }
0x102: {  	[tilespmem:s4], [sflag:$0x1] =	stream.indirect_vreg.gather [hbm4b:s3+s2], $0x80, v3, vm0, $0xb8;
	[tilespmem:$0x18180] =	vst v63  }
0x103: {  	v3 =	vld [tilespmem:$0x150];
	_ =	sdelay $0x4  }
0x104: {  	v37 =	vshll.u32 v3, $0x1  }
0x105: {  	v3 =	vand.u32 $0x7, v3;
	v4 =	vand.u32 $0xFFFFFFF0, v37  }
0x106: {  	v3 =	vor.u32 v3, v4  }
0x107: {  	v4 =	vperm.xlane v3, v0;
	_ =	sdelay $0x1  }
0x108: {  	v3 =	vperm.xlane v3, v2;
	v4 =	vadd.s32 v1, v4;
	_ =	sdelay $0x1  }
0x109: {  	v3 =	vadd.s32 v1, v3;
	_ =	sdelay $0x1  }
0x10a: {  	s8 =	simm.s32 $0x15180  }
0x10b: {  	[tilespmem:s8], [sflag:$0x1] =	stream.indirect_vreg.gather [hbm4b:s3+s2], $0x80, v4, vm0, $0xb8;
	[tilespmem:$0x18180] =	vst v63  }
0x10c: {  	s4 =	simm.s32 $0x15980  }
0x10d: {  	[tilespmem:s4], [sflag:$0x1] =	stream.indirect_vreg.gather [hbm4b:s3+s2], $0x80, v3, vm0, $0xb8;
	[tilespmem:$0x18180] =	vst v63  }
0x10e: {  	v3 =	vld [tilespmem:$0x160];
	_ =	sdelay $0x4  }
0x10f: {  	v38 =	vshll.u32 v3, $0x1  }
0x110: {  	v3 =	vand.u32 $0x7, v3;
	v4 =	vand.u32 $0xFFFFFFF0, v38  }
0x111: {  	v3 =	vor.u32 v3, v4  }
0x112: {  	v4 =	vperm.xlane v3, v0;
	_ =	sdelay $0x1  }
0x113: {  	v3 =	vperm.xlane v3, v2;
	v4 =	vadd.s32 v1, v4;
	_ =	sdelay $0x1  }
0x114: {  	v3 =	vadd.s32 v1, v3;
	_ =	sdelay $0x1  }
0x115: {  	s8 =	simm.s32 $0x16180  }
0x116: {  	[tilespmem:s8], [sflag:$0x1] =	stream.indirect_vreg.gather [hbm4b:s3+s2], $0x80, v4, vm0, $0xb8;
	[tilespmem:$0x18180] =	vst v63  }
0x117: {  	s4 =	simm.s32 $0x16980  }
0x118: {  	[tilespmem:s4], [sflag:$0x1] =	stream.indirect_vreg.gather [hbm4b:s3+s2], $0x80, v3, vm0, $0xb8;
	[tilespmem:$0x18180] =	vst v63  }
0x119: {  	v3 =	vld [tilespmem:$0x170];
	_ =	sdelay $0x4  }
0x11a: {  	v39 =	vshll.u32 v3, $0x1  }
0x11b: {  	v3 =	vand.u32 $0x7, v3;
	v4 =	vand.u32 $0xFFFFFFF0, v39  }
0x11c: {  	v3 =	vor.u32 v3, v4  }
0x11d: {  	v4 =	vperm.xlane v3, v0;
	_ =	sdelay $0x1  }
0x11e: {  	v3 =	vperm.xlane v3, v2;
	v4 =	vadd.s32 v1, v4;
	_ =	sdelay $0x1  }
0x11f: {  	v3 =	vadd.s32 v1, v3;
	_ =	sdelay $0x1  }
0x120: {  	s8 =	simm.s32 $0x17180  }
0x121: {  	[tilespmem:s8], [sflag:$0x1] =	stream.indirect_vreg.gather [hbm4b:s3+s2], $0x80, v4, vm0, $0xb8;
	[tilespmem:$0x18180] =	vst v63  }
0x122: {  	s4 =	simm.s32 $0x17980  }
0x123: {  	[tilespmem:s4], [sflag:$0x1] =	stream.indirect_vreg.gather [hbm4b:s3+s2], $0x80, v3, vm0, $0xb8;
	[tilespmem:$0x18180] =	vst v63  }
0x124: {  	_ =	swait.ge [sflag:s0], $0x8000  }
0x125: {  	[sflag:s0] =	ssyncset.done $0x0  }
0x126: {  	[sflag:s0] =	ssyncadd.s32 $0xFFFF8000  }
0x127: {  	_ =	swait.ge [sflag:s0], $0x8000  }
0x128: {  	[sflag:s0] =	ssyncset.done $0x0  }
0x129: {  	[sflag:s0] =	ssyncadd.s32 $0xFFFF8000  }
0x12a: {  	_ =	swait.ge [sflag:s0], $0x8000  }
0x12b: {  	[sflag:s0] =	ssyncset.done $0x0  }
0x12c: {  	s4 =	simm.s32 $0x180;
	s8 =	rddreg [dreg:$0x5];
	[sflag:s0] =	ssyncadd.s32 $0xFFFF8000  }
0x12d: {  	[hbm4b:s8+s2] =	stream.linear.scatter [tilespmem:s4], [sflag:$0x2], $0x8000, $0x38;
	[tilespmem:$0x18180] =	vst v63  }
0x12e: {  	_ =	swait.ge [sflag:s5], $0x8000  }
0x12f: {  	[sflag:s5] =	ssyncset.done $0x0  }
0x130: {  	s8 =	rddreg [dreg:$0x6];
	[sflag:s5] =	ssyncadd.s32 $0xFFFF8000  }
0x131: {  	[hbm4b:s8+s2] =	stream.linear.scatter [tilespmem:s14], [sflag:$0x2], $0x8000, $0x38;
	[tilespmem:$0x18180] =	vst v63  }
0x132: {  	_ =	swait.ge [sflag:s5], $0x8000  }
0x133: {  	[sflag:s5] =	ssyncset.done $0x0  }
0x134: {  	s8 =	rddreg [dreg:$0x7];
	[sflag:s5] =	ssyncadd.s32 $0xFFFF8000  }
0x135: {  	[hbm4b:s8+s2] =	stream.linear.scatter [tilespmem:s6], [sflag:$0x2], $0x8000, $0x38;
	[tilespmem:$0x18180] =	vst v63  }
0x136: {  	_ =	swait.ge [sflag:s5], $0x8000  }
0x137: {  	[sflag:s5] =	ssyncset.done $0x0  }
0x138: {  	s8 =	rddreg [dreg:$0x8];
	[sflag:s5] =	ssyncadd.s32 $0xFFFF8000  }
0x139: {  	[tilespmem:s2], [sflag:$0x2] =	stream.linear.gather [hbm4b:s8+s2], $0x80, $0x38;
	[tilespmem:$0x18180] =	vst v63  }
0x13a: {  	_ =	swait.ge [sflag:s5], $0x80  }
0x13b: {  	[sflag:s5] =	ssyncset.done $0x0  }
0x13c: {  	s8 =	simm.s32 $0x80;
	s1 =	rddreg [dreg:$0x9];
	[sflag:s5] =	ssyncadd.s32 $0xFFFFFF80  }
0x13d: {  	[tilespmem:s8], [sflag:$0x2] =	stream.linear.gather [hbm4b:s1+s2], $0x80, $0x38;
	[tilespmem:$0x18180] =	vst v63  }
0x13e: {  	_ =	swait.ge [sflag:s5], $0x80  }
0x13f: {  	[sflag:s5] =	ssyncset.done $0x0  }
0x140: {  	s8 =	simm.s32 $0x100;
	s1 =	rddreg [dreg:$0xa];
	[sflag:s5] =	ssyncadd.s32 $0xFFFFFF80  }
0x141: {  	[tilespmem:s8], [sflag:$0x2] =	stream.linear.gather [hbm4b:s1+s2], $0x80, $0x38;
	[tilespmem:$0x18180] =	vst v63  }
0x142: {  	_ =	swait.ge [sflag:s5], $0x80  }
0x143: {  	[sflag:s5] =	ssyncset.done $0x0  }
0x144: {  	[sflag:s5] =	ssyncadd.s32 $0xFFFFFF80  }
0x145: {  	v3 =	vld [tilespmem:$0x0];
	_ =	sdelay $0x4  }
0x146: {  	v40 =	vshll.u32 v3, $0x1  }
0x147: {  	v3 =	vand.u32 $0x7, v3;
	v4 =	vand.u32 $0xFFFFFFF0, v40  }
0x148: {  	v3 =	vor.u32 v3, v4  }
0x149: {  	v4 =	vperm.xlane v3, v0;
	_ =	sdelay $0x1  }
0x14a: {  	v3 =	vperm.xlane v3, v2;
	v4 =	vadd.s32 v1, v4;
	_ =	sdelay $0x1  }
0x14b: {  	v3 =	vadd.s32 v1, v3;
	_ =	sdelay $0x2  }
0x14c: {  	[tilespmem:s4], [sflag:$0x1] =	stream.indirect_vreg.gather [hbm4b:s3+s2], $0x80, v4, vm0, $0xb8;
	[tilespmem:$0x18180] =	vst v63  }
0x14d: {  	_ = 	snop  }
0x14e: {  	[tilespmem:s9], [sflag:$0x1] =	stream.indirect_vreg.gather [hbm4b:s3+s2], $0x80, v3, vm0, $0xb8;
	[tilespmem:$0x18180] =	vst v63  }
0x14f: {  	v3 =	vld [tilespmem:$0x10];
	_ =	sdelay $0x4  }
0x150: {  	v41 =	vshll.u32 v3, $0x1  }
0x151: {  	v3 =	vand.u32 $0x7, v3;
	v4 =	vand.u32 $0xFFFFFFF0, v41  }
0x152: {  	v3 =	vor.u32 v3, v4  }
0x153: {  	v4 =	vperm.xlane v3, v0;
	_ =	sdelay $0x1  }
0x154: {  	v3 =	vperm.xlane v3, v2;
	v4 =	vadd.s32 v1, v4;
	_ =	sdelay $0x1  }
0x155: {  	v3 =	vadd.s32 v1, v3;
	_ =	sdelay $0x2  }
0x156: {  	[tilespmem:s10], [sflag:$0x1] =	stream.indirect_vreg.gather [hbm4b:s3+s2], $0x80, v4, vm0, $0xb8;
	[tilespmem:$0x18180] =	vst v63  }
0x157: {  	_ = 	snop  }
0x158: {  	[tilespmem:s11], [sflag:$0x1] =	stream.indirect_vreg.gather [hbm4b:s3+s2], $0x80, v3, vm0, $0xb8;
	[tilespmem:$0x18180] =	vst v63  }
0x159: {  	v3 =	vld [tilespmem:$0x20];
	_ =	sdelay $0x4  }
0x15a: {  	v42 =	vshll.u32 v3, $0x1  }
0x15b: {  	v3 =	vand.u32 $0x7, v3;
	v4 =	vand.u32 $0xFFFFFFF0, v42  }
0x15c: {  	v3 =	vor.u32 v3, v4  }
0x15d: {  	v4 =	vperm.xlane v3, v0;
	_ =	sdelay $0x1  }
0x15e: {  	v3 =	vperm.xlane v3, v2;
	v4 =	vadd.s32 v1, v4;
	_ =	sdelay $0x1  }
0x15f: {  	v3 =	vadd.s32 v1, v3;
	_ =	sdelay $0x2  }
0x160: {  	[tilespmem:s12], [sflag:$0x1] =	stream.indirect_vreg.gather [hbm4b:s3+s2], $0x80, v4, vm0, $0xb8;
	[tilespmem:$0x18180] =	vst v63  }
0x161: {  	_ = 	snop  }
0x162: {  	[tilespmem:s13], [sflag:$0x1] =	stream.indirect_vreg.gather [hbm4b:s3+s2], $0x80, v3, vm0, $0xb8;
	[tilespmem:$0x18180] =	vst v63  }
0x163: {  	v3 =	vld [tilespmem:$0x30];
	_ =	sdelay $0x4  }
0x164: {  	v43 =	vshll.u32 v3, $0x1  }
0x165: {  	v3 =	vand.u32 $0x7, v3;
	v4 =	vand.u32 $0xFFFFFFF0, v43  }
0x166: {  	v3 =	vor.u32 v3, v4  }
0x167: {  	v4 =	vperm.xlane v3, v0;
	_ =	sdelay $0x1  }
0x168: {  	v3 =	vperm.xlane v3, v2;
	v4 =	vadd.s32 v1, v4;
	_ =	sdelay $0x1  }
0x169: {  	v3 =	vadd.s32 v1, v3;
	_ =	sdelay $0x2  }
0x16a: {  	[tilespmem:s15], [sflag:$0x1] =	stream.indirect_vreg.gather [hbm4b:s3+s2], $0x80, v4, vm0, $0xb8;
	[tilespmem:$0x18180] =	vst v63  }
0x16b: {  	_ = 	snop  }
0x16c: {  	[tilespmem:s16], [sflag:$0x1] =	stream.indirect_vreg.gather [hbm4b:s3+s2], $0x80, v3, vm0, $0xb8;
	[tilespmem:$0x18180] =	vst v63  }
0x16d: {  	v3 =	vld [tilespmem:$0x40];
	_ =	sdelay $0x4  }
0x16e: {  	v44 =	vshll.u32 v3, $0x1  }
0x16f: {  	v3 =	vand.u32 $0x7, v3;
	v4 =	vand.u32 $0xFFFFFFF0, v44  }
0x170: {  	v3 =	vor.u32 v3, v4  }
0x171: {  	v4 =	vperm.xlane v3, v0;
	_ =	sdelay $0x1  }
0x172: {  	v3 =	vperm.xlane v3, v2;
	v4 =	vadd.s32 v1, v4;
	_ =	sdelay $0x1  }
0x173: {  	v3 =	vadd.s32 v1, v3;
	_ =	sdelay $0x2  }
0x174: {  	[tilespmem:s17], [sflag:$0x1] =	stream.indirect_vreg.gather [hbm4b:s3+s2], $0x80, v4, vm0, $0xb8;
	[tilespmem:$0x18180] =	vst v63  }
0x175: {  	_ = 	snop  }
0x176: {  	[tilespmem:s18], [sflag:$0x1] =	stream.indirect_vreg.gather [hbm4b:s3+s2], $0x80, v3, vm0, $0xb8;
	[tilespmem:$0x18180] =	vst v63  }
0x177: {  	v3 =	vld [tilespmem:$0x50];
	_ =	sdelay $0x4  }
0x178: {  	v45 =	vshll.u32 v3, $0x1  }
0x179: {  	v3 =	vand.u32 $0x7, v3;
	v4 =	vand.u32 $0xFFFFFFF0, v45  }
0x17a: {  	v3 =	vor.u32 v3, v4  }
0x17b: {  	v4 =	vperm.xlane v3, v0;
	_ =	sdelay $0x1  }
0x17c: {  	v3 =	vperm.xlane v3, v2;
	v4 =	vadd.s32 v1, v4;
	_ =	sdelay $0x1  }
0x17d: {  	v3 =	vadd.s32 v1, v3;
	_ =	sdelay $0x2  }
0x17e: {  	[tilespmem:s19], [sflag:$0x1] =	stream.indirect_vreg.gather [hbm4b:s3+s2], $0x80, v4, vm0, $0xb8;
	[tilespmem:$0x18180] =	vst v63  }
0x17f: {  	_ = 	snop  }
0x180: {  	[tilespmem:s20], [sflag:$0x1] =	stream.indirect_vreg.gather [hbm4b:s3+s2], $0x80, v3, vm0, $0xb8;
	[tilespmem:$0x18180] =	vst v63  }
0x181: {  	v3 =	vld [tilespmem:$0x60];
	_ =	sdelay $0x4  }
0x182: {  	v46 =	vshll.u32 v3, $0x1  }
0x183: {  	v3 =	vand.u32 $0x7, v3;
	v4 =	vand.u32 $0xFFFFFFF0, v46  }
0x184: {  	v3 =	vor.u32 v3, v4  }
0x185: {  	v4 =	vperm.xlane v3, v0;
	_ =	sdelay $0x1  }
0x186: {  	v3 =	vperm.xlane v3, v2;
	v4 =	vadd.s32 v1, v4;
	_ =	sdelay $0x1  }
0x187: {  	v3 =	vadd.s32 v1, v3;
	_ =	sdelay $0x2  }
0x188: {  	[tilespmem:s21], [sflag:$0x1] =	stream.indirect_vreg.gather [hbm4b:s3+s2], $0x80, v4, vm0, $0xb8;
	[tilespmem:$0x18180] =	vst v63  }
0x189: {  	_ = 	snop  }
0x18a: {  	[tilespmem:s22], [sflag:$0x1] =	stream.indirect_vreg.gather [hbm4b:s3+s2], $0x80, v3, vm0, $0xb8;
	[tilespmem:$0x18180] =	vst v63  }
0x18b: {  	v3 =	vld [tilespmem:$0x70];
	_ =	sdelay $0x4  }
0x18c: {  	v47 =	vshll.u32 v3, $0x1  }
0x18d: {  	v3 =	vand.u32 $0x7, v3;
	v4 =	vand.u32 $0xFFFFFFF0, v47  }
0x18e: {  	v3 =	vor.u32 v3, v4  }
0x18f: {  	v4 =	vperm.xlane v3, v0;
	_ =	sdelay $0x1  }
0x190: {  	v3 =	vperm.xlane v3, v2;
	v4 =	vadd.s32 v1, v4;
	_ =	sdelay $0x1  }
0x191: {  	v3 =	vadd.s32 v1, v3;
	_ =	sdelay $0x2  }
0x192: {  	[tilespmem:s23], [sflag:$0x1] =	stream.indirect_vreg.gather [hbm4b:s3+s2], $0x80, v4, vm0, $0xb8;
	[tilespmem:$0x18180] =	vst v63  }
0x193: {  	_ = 	snop  }
0x194: {  	[tilespmem:s25], [sflag:$0x1] =	stream.indirect_vreg.gather [hbm4b:s3+s2], $0x80, v3, vm0, $0xb8;
	[tilespmem:$0x18180] =	vst v63  }
0x195: {  	v3 =	vld [tilespmem:$0x80];
	_ =	sdelay $0x4  }
0x196: {  	v48 =	vshll.u32 v3, $0x1  }
0x197: {  	v3 =	vand.u32 $0x7, v3;
	v4 =	vand.u32 $0xFFFFFFF0, v48  }
0x198: {  	v3 =	vor.u32 v3, v4  }
0x199: {  	v4 =	vperm.xlane v3, v0;
	_ =	sdelay $0x1  }
0x19a: {  	v3 =	vperm.xlane v3, v2;
	v4 =	vadd.s32 v1, v4;
	_ =	sdelay $0x1  }
0x19b: {  	v3 =	vadd.s32 v1, v3;
	_ =	sdelay $0x2  }
0x19c: {  	[tilespmem:s14], [sflag:$0x1] =	stream.indirect_vreg.gather [hbm4b:s3+s2], $0x80, v4, vm0, $0xb8;
	[tilespmem:$0x18180] =	vst v63  }
0x19d: {  	_ = 	snop  }
0x19e: {  	[tilespmem:s26], [sflag:$0x1] =	stream.indirect_vreg.gather [hbm4b:s3+s2], $0x80, v3, vm0, $0xb8;
	[tilespmem:$0x18180] =	vst v63  }
0x19f: {  	v3 =	vld [tilespmem:$0x90];
	_ =	sdelay $0x4  }
0x1a0: {  	v49 =	vshll.u32 v3, $0x1  }
0x1a1: {  	v3 =	vand.u32 $0x7, v3;
	v4 =	vand.u32 $0xFFFFFFF0, v49  }
0x1a2: {  	v3 =	vor.u32 v3, v4  }
0x1a3: {  	v4 =	vperm.xlane v3, v0;
	_ =	sdelay $0x1  }
0x1a4: {  	v3 =	vperm.xlane v3, v2;
	v4 =	vadd.s32 v1, v4;
	_ =	sdelay $0x1  }
0x1a5: {  	v3 =	vadd.s32 v1, v3;
	_ =	sdelay $0x2  }
0x1a6: {  	[tilespmem:s28], [sflag:$0x1] =	stream.indirect_vreg.gather [hbm4b:s3+s2], $0x80, v4, vm0, $0xb8;
	[tilespmem:$0x18180] =	vst v63  }
0x1a7: {  	_ = 	snop  }
0x1a8: {  	[tilespmem:s29], [sflag:$0x1] =	stream.indirect_vreg.gather [hbm4b:s3+s2], $0x80, v3, vm0, $0xb8;
	[tilespmem:$0x18180] =	vst v63  }
0x1a9: {  	v3 =	vld [tilespmem:$0xA0];
	_ =	sdelay $0x4  }
0x1aa: {  	v50 =	vshll.u32 v3, $0x1  }
0x1ab: {  	v3 =	vand.u32 $0x7, v3;
	v4 =	vand.u32 $0xFFFFFFF0, v50  }
0x1ac: {  	v3 =	vor.u32 v3, v4  }
0x1ad: {  	v4 =	vperm.xlane v3, v0;
	_ =	sdelay $0x1  }
0x1ae: {  	v3 =	vperm.xlane v3, v2;
	v4 =	vadd.s32 v1, v4;
	_ =	sdelay $0x1  }
0x1af: {  	v3 =	vadd.s32 v1, v3;
	_ =	sdelay $0x2  }
0x1b0: {  	[tilespmem:s30], [sflag:$0x1] =	stream.indirect_vreg.gather [hbm4b:s3+s2], $0x80, v4, vm0, $0xb8;
	[tilespmem:$0x18180] =	vst v63  }
0x1b1: {  	_ = 	snop  }
0x1b2: {  	[tilespmem:s31], [sflag:$0x1] =	stream.indirect_vreg.gather [hbm4b:s3+s2], $0x80, v3, vm0, $0xb8;
	[tilespmem:$0x18180] =	vst v63  }
0x1b3: {  	v3 =	vld [tilespmem:$0xB0];
	_ =	sdelay $0x4  }
0x1b4: {  	v51 =	vshll.u32 v3, $0x1  }
0x1b5: {  	v3 =	vand.u32 $0x7, v3;
	v4 =	vand.u32 $0xFFFFFFF0, v51  }
0x1b6: {  	v3 =	vor.u32 v3, v4  }
0x1b7: {  	v4 =	vperm.xlane v3, v0;
	_ =	sdelay $0x1  }
0x1b8: {  	v3 =	vperm.xlane v3, v2;
	v4 =	vadd.s32 v1, v4;
	_ =	sdelay $0x1  }
0x1b9: {  	v3 =	vadd.s32 v1, v3;
	_ =	sdelay $0x1  }
0x1ba: {  	s8 =	simm.s32 $0xB180  }
0x1bb: {  	[tilespmem:s8], [sflag:$0x1] =	stream.indirect_vreg.gather [hbm4b:s3+s2], $0x80, v4, vm0, $0xb8;
	[tilespmem:$0x18180] =	vst v63  }
0x1bc: {  	_ = 	snop  }
0x1bd: {  	[tilespmem:s24], [sflag:$0x1] =	stream.indirect_vreg.gather [hbm4b:s3+s2], $0x80, v3, vm0, $0xb8;
	[tilespmem:$0x18180] =	vst v63  }
0x1be: {  	v3 =	vld [tilespmem:$0xC0];
	_ =	sdelay $0x4  }
0x1bf: {  	v52 =	vshll.u32 v3, $0x1  }
0x1c0: {  	v3 =	vand.u32 $0x7, v3;
	v4 =	vand.u32 $0xFFFFFFF0, v52  }
0x1c1: {  	v3 =	vor.u32 v3, v4  }
0x1c2: {  	v4 =	vperm.xlane v3, v0;
	_ =	sdelay $0x1  }
0x1c3: {  	v3 =	vperm.xlane v3, v2;
	v4 =	vadd.s32 v1, v4;
	_ =	sdelay $0x1  }
0x1c4: {  	v3 =	vadd.s32 v1, v3;
	_ =	sdelay $0x1  }
0x1c5: {  	s8 =	simm.s32 $0xC180  }
0x1c6: {  	[tilespmem:s8], [sflag:$0x1] =	stream.indirect_vreg.gather [hbm4b:s3+s2], $0x80, v4, vm0, $0xb8;
	[tilespmem:$0x18180] =	vst v63  }
0x1c7: {  	s8 =	simm.s32 $0xC980  }
0x1c8: {  	[tilespmem:s8], [sflag:$0x1] =	stream.indirect_vreg.gather [hbm4b:s3+s2], $0x80, v3, vm0, $0xb8;
	[tilespmem:$0x18180] =	vst v63  }
0x1c9: {  	v3 =	vld [tilespmem:$0xD0];
	_ =	sdelay $0x4  }
0x1ca: {  	v53 =	vshll.u32 v3, $0x1  }
0x1cb: {  	v3 =	vand.u32 $0x7, v3;
	v4 =	vand.u32 $0xFFFFFFF0, v53  }
0x1cc: {  	v3 =	vor.u32 v3, v4  }
0x1cd: {  	v4 =	vperm.xlane v3, v0;
	_ =	sdelay $0x1  }
0x1ce: {  	v3 =	vperm.xlane v3, v2;
	v4 =	vadd.s32 v1, v4;
	_ =	sdelay $0x1  }
0x1cf: {  	v3 =	vadd.s32 v1, v3;
	_ =	sdelay $0x1  }
0x1d0: {  	s8 =	simm.s32 $0xD180  }
0x1d1: {  	[tilespmem:s8], [sflag:$0x1] =	stream.indirect_vreg.gather [hbm4b:s3+s2], $0x80, v4, vm0, $0xb8;
	[tilespmem:$0x18180] =	vst v63  }
0x1d2: {  	s8 =	simm.s32 $0xD980  }
0x1d3: {  	[tilespmem:s8], [sflag:$0x1] =	stream.indirect_vreg.gather [hbm4b:s3+s2], $0x80, v3, vm0, $0xb8;
	[tilespmem:$0x18180] =	vst v63  }
0x1d4: {  	v3 =	vld [tilespmem:$0xE0];
	_ =	sdelay $0x4  }
0x1d5: {  	v54 =	vshll.u32 v3, $0x1  }
0x1d6: {  	v3 =	vand.u32 $0x7, v3;
	v4 =	vand.u32 $0xFFFFFFF0, v54  }
0x1d7: {  	v3 =	vor.u32 v3, v4  }
0x1d8: {  	v4 =	vperm.xlane v3, v0;
	_ =	sdelay $0x1  }
0x1d9: {  	v3 =	vperm.xlane v3, v2;
	v4 =	vadd.s32 v1, v4;
	_ =	sdelay $0x1  }
0x1da: {  	v3 =	vadd.s32 v1, v3;
	_ =	sdelay $0x1  }
0x1db: {  	s8 =	simm.s32 $0xE180  }
0x1dc: {  	[tilespmem:s8], [sflag:$0x1] =	stream.indirect_vreg.gather [hbm4b:s3+s2], $0x80, v4, vm0, $0xb8;
	[tilespmem:$0x18180] =	vst v63  }
0x1dd: {  	s8 =	simm.s32 $0xE980  }
0x1de: {  	[tilespmem:s8], [sflag:$0x1] =	stream.indirect_vreg.gather [hbm4b:s3+s2], $0x80, v3, vm0, $0xb8;
	[tilespmem:$0x18180] =	vst v63  }
0x1df: {  	v3 =	vld [tilespmem:$0xF0];
	_ =	sdelay $0x4  }
0x1e0: {  	v55 =	vshll.u32 v3, $0x1  }
0x1e1: {  	v3 =	vand.u32 $0x7, v3;
	v4 =	vand.u32 $0xFFFFFFF0, v55  }
0x1e2: {  	v3 =	vor.u32 v3, v4  }
0x1e3: {  	v4 =	vperm.xlane v3, v0;
	_ =	sdelay $0x1  }
0x1e4: {  	v3 =	vperm.xlane v3, v2;
	v4 =	vadd.s32 v1, v4;
	_ =	sdelay $0x1  }
0x1e5: {  	v3 =	vadd.s32 v1, v3;
	_ =	sdelay $0x1  }
0x1e6: {  	s8 =	simm.s32 $0xF180  }
0x1e7: {  	[tilespmem:s8], [sflag:$0x1] =	stream.indirect_vreg.gather [hbm4b:s3+s2], $0x80, v4, vm0, $0xb8;
	[tilespmem:$0x18180] =	vst v63  }
0x1e8: {  	s8 =	simm.s32 $0xF980  }
0x1e9: {  	[tilespmem:s8], [sflag:$0x1] =	stream.indirect_vreg.gather [hbm4b:s3+s2], $0x80, v3, vm0, $0xb8;
	[tilespmem:$0x18180] =	vst v63  }
0x1ea: {  	v3 =	vld [tilespmem:$0x100];
	_ =	sdelay $0x4  }
0x1eb: {  	v56 =	vshll.u32 v3, $0x1  }
0x1ec: {  	v3 =	vand.u32 $0x7, v3;
	v4 =	vand.u32 $0xFFFFFFF0, v56  }
0x1ed: {  	v3 =	vor.u32 v3, v4  }
0x1ee: {  	v4 =	vperm.xlane v3, v0;
	_ =	sdelay $0x1  }
0x1ef: {  	v3 =	vperm.xlane v3, v2;
	v4 =	vadd.s32 v1, v4;
	_ =	sdelay $0x1  }
0x1f0: {  	v3 =	vadd.s32 v1, v3;
	_ =	sdelay $0x2  }
0x1f1: {  	[tilespmem:s6], [sflag:$0x1] =	stream.indirect_vreg.gather [hbm4b:s3+s2], $0x80, v4, vm0, $0xb8;
	[tilespmem:$0x18180] =	vst v63  }
0x1f2: {  	s8 =	simm.s32 $0x10980  }
0x1f3: {  	[tilespmem:s8], [sflag:$0x1] =	stream.indirect_vreg.gather [hbm4b:s3+s2], $0x80, v3, vm0, $0xb8;
	[tilespmem:$0x18180] =	vst v63  }
0x1f4: {  	v3 =	vld [tilespmem:$0x110];
	_ =	sdelay $0x4  }
0x1f5: {  	v57 =	vshll.u32 v3, $0x1  }
0x1f6: {  	v3 =	vand.u32 $0x7, v3;
	v4 =	vand.u32 $0xFFFFFFF0, v57  }
0x1f7: {  	v3 =	vor.u32 v3, v4  }
0x1f8: {  	v4 =	vperm.xlane v3, v0;
	_ =	sdelay $0x1  }
0x1f9: {  	v3 =	vperm.xlane v3, v2;
	v4 =	vadd.s32 v1, v4;
	_ =	sdelay $0x1  }
0x1fa: {  	v3 =	vadd.s32 v1, v3;
	_ =	sdelay $0x1  }
0x1fb: {  	s8 =	simm.s32 $0x11180  }
0x1fc: {  	[tilespmem:s8], [sflag:$0x1] =	stream.indirect_vreg.gather [hbm4b:s3+s2], $0x80, v4, vm0, $0xb8;
	[tilespmem:$0x18180] =	vst v63  }
0x1fd: {  	s8 =	simm.s32 $0x11980  }
0x1fe: {  	[tilespmem:s8], [sflag:$0x1] =	stream.indirect_vreg.gather [hbm4b:s3+s2], $0x80, v3, vm0, $0xb8;
	[tilespmem:$0x18180] =	vst v63  }
0x1ff: {  	v3 =	vld [tilespmem:$0x120];
	_ =	sdelay $0x4  }
0x200: {  	v58 =	vshll.u32 v3, $0x1  }
0x201: {  	v3 =	vand.u32 $0x7, v3;
	v4 =	vand.u32 $0xFFFFFFF0, v58  }
0x202: {  	v3 =	vor.u32 v3, v4  }
0x203: {  	v4 =	vperm.xlane v3, v0;
	_ =	sdelay $0x1  }
0x204: {  	v3 =	vperm.xlane v3, v2;
	v4 =	vadd.s32 v1, v4;
	_ =	sdelay $0x1  }
0x205: {  	v3 =	vadd.s32 v1, v3;
	_ =	sdelay $0x1  }
0x206: {  	s8 =	simm.s32 $0x12180  }
0x207: {  	[tilespmem:s8], [sflag:$0x1] =	stream.indirect_vreg.gather [hbm4b:s3+s2], $0x80, v4, vm0, $0xb8;
	[tilespmem:$0x18180] =	vst v63  }
0x208: {  	s8 =	simm.s32 $0x12980  }
0x209: {  	[tilespmem:s8], [sflag:$0x1] =	stream.indirect_vreg.gather [hbm4b:s3+s2], $0x80, v3, vm0, $0xb8;
	[tilespmem:$0x18180] =	vst v63  }
0x20a: {  	v3 =	vld [tilespmem:$0x130];
	_ =	sdelay $0x4  }
0x20b: {  	v59 =	vshll.u32 v3, $0x1  }
0x20c: {  	v3 =	vand.u32 $0x7, v3;
	v4 =	vand.u32 $0xFFFFFFF0, v59  }
0x20d: {  	v3 =	vor.u32 v3, v4  }
0x20e: {  	v4 =	vperm.xlane v3, v0;
	_ =	sdelay $0x1  }
0x20f: {  	v3 =	vperm.xlane v3, v2;
	v4 =	vadd.s32 v1, v4;
	_ =	sdelay $0x1  }
0x210: {  	v3 =	vadd.s32 v1, v3;
	_ =	sdelay $0x1  }
0x211: {  	s8 =	simm.s32 $0x13180  }
0x212: {  	[tilespmem:s8], [sflag:$0x1] =	stream.indirect_vreg.gather [hbm4b:s3+s2], $0x80, v4, vm0, $0xb8;
	[tilespmem:$0x18180] =	vst v63  }
0x213: {  	s8 =	simm.s32 $0x13980  }
0x214: {  	[tilespmem:s8], [sflag:$0x1] =	stream.indirect_vreg.gather [hbm4b:s3+s2], $0x80, v3, vm0, $0xb8;
	[tilespmem:$0x18180] =	vst v63  }
0x215: {  	v3 =	vld [tilespmem:$0x140];
	_ =	sdelay $0x4  }
0x216: {  	v60 =	vshll.u32 v3, $0x1  }
0x217: {  	v3 =	vand.u32 $0x7, v3;
	v4 =	vand.u32 $0xFFFFFFF0, v60  }
0x218: {  	v3 =	vor.u32 v3, v4  }
0x219: {  	v4 =	vperm.xlane v3, v0;
	_ =	sdelay $0x1  }
0x21a: {  	v3 =	vperm.xlane v3, v2;
	v4 =	vadd.s32 v1, v4;
	_ =	sdelay $0x1  }
0x21b: {  	v3 =	vadd.s32 v1, v3;
	_ =	sdelay $0x1  }
0x21c: {  	s8 =	simm.s32 $0x14180  }
0x21d: {  	[tilespmem:s8], [sflag:$0x1] =	stream.indirect_vreg.gather [hbm4b:s3+s2], $0x80, v4, vm0, $0xb8;
	[tilespmem:$0x18180] =	vst v63  }
0x21e: {  	s8 =	simm.s32 $0x14980  }
0x21f: {  	[tilespmem:s8], [sflag:$0x1] =	stream.indirect_vreg.gather [hbm4b:s3+s2], $0x80, v3, vm0, $0xb8;
	[tilespmem:$0x18180] =	vst v63  }
0x220: {  	v3 =	vld [tilespmem:$0x150];
	_ =	sdelay $0x4  }
0x221: {  	v61 =	vshll.u32 v3, $0x1  }
0x222: {  	v3 =	vand.u32 $0x7, v3;
	v4 =	vand.u32 $0xFFFFFFF0, v61  }
0x223: {  	v3 =	vor.u32 v3, v4  }
0x224: {  	v4 =	vperm.xlane v3, v0;
	_ =	sdelay $0x1  }
0x225: {  	v3 =	vperm.xlane v3, v2;
	v4 =	vadd.s32 v1, v4;
	_ =	sdelay $0x1  }
0x226: {  	v3 =	vadd.s32 v1, v3;
	_ =	sdelay $0x1  }
0x227: {  	s8 =	simm.s32 $0x15180  }
0x228: {  	[tilespmem:s8], [sflag:$0x1] =	stream.indirect_vreg.gather [hbm4b:s3+s2], $0x80, v4, vm0, $0xb8;
	[tilespmem:$0x18180] =	vst v63  }
0x229: {  	s8 =	simm.s32 $0x15980  }
0x22a: {  	[tilespmem:s8], [sflag:$0x1] =	stream.indirect_vreg.gather [hbm4b:s3+s2], $0x80, v3, vm0, $0xb8;
	[tilespmem:$0x18180] =	vst v63  }
0x22b: {  	v3 =	vld [tilespmem:$0x160];
	_ =	sdelay $0x4  }
0x22c: {  	v62 =	vshll.u32 v3, $0x1  }
0x22d: {  	v3 =	vand.u32 $0x7, v3;
	v4 =	vand.u32 $0xFFFFFFF0, v62  }
0x22e: {  	v3 =	vor.u32 v3, v4  }
0x22f: {  	v4 =	vperm.xlane v3, v0;
	_ =	sdelay $0x1  }
0x230: {  	v3 =	vperm.xlane v3, v2;
	v4 =	vadd.s32 v1, v4;
	_ =	sdelay $0x1  }
0x231: {  	v3 =	vadd.s32 v1, v3;
	_ =	sdelay $0x1  }
0x232: {  	s8 =	simm.s32 $0x16180  }
0x233: {  	[tilespmem:s8], [sflag:$0x1] =	stream.indirect_vreg.gather [hbm4b:s3+s2], $0x80, v4, vm0, $0xb8;
	[tilespmem:$0x18180] =	vst v63  }
0x234: {  	s8 =	simm.s32 $0x16980  }
0x235: {  	[tilespmem:s8], [sflag:$0x1] =	stream.indirect_vreg.gather [hbm4b:s3+s2], $0x80, v3, vm0, $0xb8;
	[tilespmem:$0x18180] =	vst v63  }
0x236: {  	v3 =	vld [tilespmem:$0x170];
	_ =	sdelay $0x4  }
0x237: {  	v63 =	vshll.u32 v3, $0x1  }
0x238: {  	v3 =	vand.u32 $0x7, v3;
	v4 =	vand.u32 $0xFFFFFFF0, v63  }
0x239: {  	v3 =	vor.u32 v3, v4  }
0x23a: {  	v4 =	vperm.xlane v3, v0;
	_ =	sdelay $0x1  }
0x23b: {  	v3 =	vperm.xlane v3, v2;
	v4 =	vadd.s32 v1, v4;
	_ =	sdelay $0x1  }
0x23c: {  	v3 =	vadd.s32 v1, v3;
	_ =	sdelay $0x1  }
0x23d: {  	s8 =	simm.s32 $0x17180  }
0x23e: {  	[tilespmem:s8], [sflag:$0x1] =	stream.indirect_vreg.gather [hbm4b:s3+s2], $0x80, v4, vm0, $0xb8;
	[tilespmem:$0x18180] =	vst v63  }
0x23f: {  	s8 =	simm.s32 $0x17980  }
0x240: {  	[tilespmem:s8], [sflag:$0x1] =	stream.indirect_vreg.gather [hbm4b:s3+s2], $0x80, v3, vm0, $0xb8;
	[tilespmem:$0x18180] =	vst v63  }
0x241: {  	_ =	swait.ge [sflag:s0], $0x8000  }
0x242: {  	[sflag:s0] =	ssyncset.done $0x0  }
0x243: {  	[sflag:s0] =	ssyncadd.s32 $0xFFFF8000  }
0x244: {  	_ =	swait.ge [sflag:s0], $0x8000  }
0x245: {  	[sflag:s0] =	ssyncset.done $0x0  }
0x246: {  	[sflag:s0] =	ssyncadd.s32 $0xFFFF8000  }
0x247: {  	_ =	swait.ge [sflag:s0], $0x8000  }
0x248: {  	[sflag:s0] =	ssyncset.done $0x0  }
0x249: {  	s4 =	simm.s32 $0x180;
	s8 =	rddreg [dreg:$0xb];
	[sflag:s0] =	ssyncadd.s32 $0xFFFF8000  }
0x24a: {  	[hbm4b:s8+s2] =	stream.linear.scatter [tilespmem:s4], [sflag:$0x2], $0x8000, $0x38;
	[tilespmem:$0x18180] =	vst v63  }
0x24b: {  	_ =	swait.ge [sflag:s5], $0x8000  }
0x24c: {  	[sflag:s5] =	ssyncset.done $0x0  }
0x24d: {  	s4 =	rddreg [dreg:$0xc];
	[sflag:s5] =	ssyncadd.s32 $0xFFFF8000  }
0x24e: {  	[hbm4b:s4+s2] =	stream.linear.scatter [tilespmem:s14], [sflag:$0x2], $0x8000, $0x38;
	[tilespmem:$0x18180] =	vst v63  }
0x24f: {  	_ =	swait.ge [sflag:s5], $0x8000  }
0x250: {  	p0 =	sne.s32 s7, $0x1;
	[sflag:s5] =	ssyncset.done $0x0  }
.Ltmp0:
0x251: {  	s8 =	rddreg [dreg:$0xd];
	[sflag:s5] =	ssyncadd.s32 $0xFFFF8000;
	(pc) =	sbr.rel @p0 .LBB2_1-.Ltmp0, $4  }
0x252: {  	[hbm4b:s8+s2] =	stream.linear.scatter [tilespmem:s6], [sflag:$0x2], $0x8000, $0x38;
	[tilespmem:$0x18180] =	vst v63  }
0x253: {  	_ =	swait.ge [sflag:s5], $0x8000  }
0x254: {  	[sflag:s5] =	ssyncset.done $0x0  }
0x255: {  	s7 =	sadd.s32 $0xFFFFFFFF, s7;
	[sflag:s5] =	ssyncadd.s32 $0xFFFF8000  }
0x256: {  	_ =	sfence.sel $0x180000  }
0x257: {  	[bflag:$0x0] =	sbarrier.arrive $0xFFFF  }
0x258: {  	_ =	strace $0x9000004A  }
0x259: {  	s0 =	stileid.u32;
	[bflag:$0x2] =	sbarrier.arrive $0xFFFF  }
0x25a: {  	p0 =	sne.s32 s0, $0x0;
	s0 =	rddreg [dreg:$0x1]  }
0x25b: {  	s0 =	sadd.s32 @!p0 $0x100000, s0  }
0x25c: {  	[sflag:s0] =	ssyncadd.tile.s32 @!p0 $0x1;
	_ =	shalt  }
.Lfunc_end2:
_tile_overlayer_lowered:
.L_overlay_start_2:
0x25d: {  	(tag) =	ssettag $0x2  }
0x25e: {  	s0 =	rddreg [dreg:$0x0];
	s2 =	stileid.u32  }
0x25f: {  	s1 =	rddreg [dreg:$0x1];
	p0 =	sne.s32 s2, $0x0  }
0x260: {  	s3 =	rddreg [dreg:$0x2];
	[bflag:$0x3] =	sbarrier.arrive $0xFFFF;
	s2 =	simm.s32 @!p0 $0x1C02  }
0x261: {  	[timem:s3], [sflag:s2] =	dma.local @!p0 [hbm:s0], s1  }
0x262: {  	s0 =	simm.s32 @!p0 $0x2  }
0x263: {  	_ =	swait.ge @!p0 [sflag:s0], s1  }
0x264: {  	s1 =	ssub.s32 @!p0 $0x0, s1;
	[sflag:s0] =	ssyncset.done @!p0 $0x0  }
0x265: {  	[sflag:s0] =	ssyncadd.s32 @!p0 s1  }
0x266: {  	[bflag:$0x3] =	sbarrier.arrive $0xFFFF  }
0x267: {  	_ =	shalt  }

// kernel: kernel.20.cloned.1.call-start
scs
__scs_entry_jumppad:
0x0: {  	(pc) =	sbr.rel $0x88, $3  }
0x1: {  	(tag) =	ssettag $0x0;
	lr =	simm.s32 $0x1  }
0x2: {  	[smem:$0x3F99] =	sst lr;
	_ =	strace $0xD0000000  }
0x3: {  	_ = 	snop  }
0x4: {  	_ = 	snop  }
0x5: {  	_ = 	snop  }
0x6: {  	_ = 	snop  }
0x7: {  	_ = 	snop  }
__scs_overlays_trampoline_lowered:
0x8: {  	[smem:$0x3FA8] =	sst s0  }
0x9: {  	[smem:$0x3FA9] =	sst s1  }
0xa: {  	[smem:$0x3FAA] =	sst s2  }
0xb: {  	[smem:$0x3FAB] =	sst s3  }
0xc: {  	[smem:$0x3FAC] =	sst s4  }
0xd: {  	[smem:$0x3FAD] =	sst s5  }
0xe: {  	[smem:$0x3FAE] =	sst s6  }
0xf: {  	[smem:$0x3FAF] =	sst s7  }
0x10: {  	[smem:$0x3FB0] =	sst s8  }
0x11: {  	[smem:$0x3FB1] =	sst s9;
	s0 =	simm.s32 @!p0 $0x0  }
0x12: {  	s1 =	sld [smem:$0x3F97];
	s0 =	simm.s32 @p0 $0x1  }
0x13: {  	[smem:$0x3FB2] =	sst s0;
	s0 =	simm.s32 @!p1 $0x0  }
0x14: {  	s2 =	sld [smem:$0x3F96];
	s0 =	simm.s32 @p1 $0x1  }
0x15: {  	[smem:$0x3FB3] =	sst s0;
	s0 =	simm.s32 @!p2 $0x0  }
0x16: {  	s3 =	sld [smem:$0x3FDB];
	s0 =	simm.s32 @p2 $0x1  }
0x17: {  	s4 =	simm.s32 $0x1BF5;
	[smem:$0x3FB5] =	sst s0  }
0x18: {  	s0 =	sld [smem:$0x3F98];
	_ =	swait.ge [sflag:s4], $0x0  }
0x19: {  	s7 =	sld [smem:$0x3F99]  }
0x1a: {  	s8 =	sadd.s32 $0xFFFFE003, lr  }
0x1b: {  	s9 =	sadd.s32 $0xFFFFFEF7, lr;
	s5 =	simm.s32 $0xFFFFFFFF;
	p2 =	slt.u32 s8, $0xFFFFF086  }
0x1c: {  	p1 =	slt.u32 s9, $0xF7A;
	s5 =	simm.s32 @!p2 $0x0  }
0x1d: {  	s5 =	simm.s32 @p1 $0x1;
	p0 =	seq.s32 s7, s2  }
0x1e: {  	s7 =	smul.u32 @!p0 $0xF7A, s2;
	p2 =	seq.s32 @!p0 s5, $0x0  }
0x1f: {  	s9 =	smul.u32 $0xF7A, s1;
	s8 =	simm.s32 @!p0 $0x1BF5;
	p2 =	por !p2, p0  }
0x20: {  	[sflag:s8] =	ssyncset.s32 @!p0 $0xFFFFF086;
	s6 =	sadd.s32 @!p0 s3, s7;
	s7 =	simm.s32 @!p0 $0x108  }
0x21: {  	s3 =	sadd.s32 s3, s9;
	s6 =	sadd.s32 @!p0 $0x88, s6;
	s7 =	simm.s32 @p2 $0x1082  }
0x22: {  	[simem:s7], [sflag:s8] =	dma.local @!p0 [hbm:s6], $0xF7A  }
0x23: {  	s9 =	sor.u32 $0xD0000000, s2;
	s6 =	simm.s32 $0x108;
	_ =	swait.ge @!p0 [sflag:s8], $0x0  }
0x24: {  	s3 =	sadd.s32 $0x88, s3;
	s6 =	simm.s32 @!p1 $0x1082;
	[sflag:s4] =	ssyncset.s32 $0xFFFFF086  }
0x25: {  	[simem:s6], [sflag:s4] =	dma.local [hbm:s3], $0xF7A  }
0x26: {  	[smem:$0x3F99] =	sst s1;
	(tag) =	ssettag s2;
	_ =	strace s9  }
0x27: {  	s1 =	sld [smem:$0x3FA9]  }
0x28: {  	s2 =	sld [smem:$0x3FAA]  }
0x29: {  	s4 =	sld [smem:$0x3FAC]  }
0x2a: {  	p0 =	seq.s32 s5, $0x0;
	s5 =	sld [smem:$0x3FAD]  }
0x2b: {  	s6 =	sld [smem:$0x3FAE]  }
0x2c: {  	s7 =	sld [smem:$0x3FAF]  }
0x2d: {  	s3 =	simm.s32 $0x108;
	s8 =	sld [smem:$0x3FB0]  }
0x2e: {  	s3 =	simm.s32 @!p0 $0x1082;
	s9 =	sld [smem:$0x3FB1]  }
0x2f: {  	lr =	sadd.s32 s0, s3;
	s0 =	sld [smem:$0x3FA8]  }
0x30: {  	s3 =	sld [smem:$0x3FAB]  }
0x31: {  	[smem:$0x3FB4] =	sst s10  }
0x32: {  	s10 =	sld [smem:$0x3FB2];
	_ =	sdelay $0x3  }
0x33: {  	p0 =	seq.s32 s10, $0x1;
	s10 =	sld [smem:$0x3FB4];
	_ =	sdelay $0x3  }
0x34: {  	[smem:$0x3FB4] =	sst s10  }
0x35: {  	s10 =	sld [smem:$0x3FB3];
	_ =	sdelay $0x3  }
0x36: {  	p1 =	seq.s32 s10, $0x1;
	s10 =	sld [smem:$0x3FB4];
	_ =	sdelay $0x3  }
0x37: {  	[smem:$0x3FB4] =	sst s10  }
0x38: {  	s10 =	sld [smem:$0x3FB5]  }
0x39: {  	_ = 	snop;
	(pc) =	sbr.ind lr, $3  }
0x3a: {  	_ = 	snop  }
0x3b: {  	_ = 	snop  }
0x3c: {  	p2 =	seq.s32 s10, $0x1;
	s10 =	sld [smem:$0x3FB4]  }
0x3d: {  	_ =	shalt  }
0x3e: {  	_ =	shalt  }
0x3f: {  	_ =	shalt  }
0x40: {  	_ =	shalt  }
0x41: {  	_ =	shalt  }
0x42: {  	_ =	shalt  }
0x43: {  	_ =	shalt  }
0x44: {  	_ =	shalt  }
0x45: {  	_ =	shalt  }
0x46: {  	_ =	shalt  }
0x47: {  	_ =	shalt  }
0x48: {  	_ =	shalt  }
0x49: {  	_ =	shalt  }
0x4a: {  	_ =	shalt  }
0x4b: {  	_ =	shalt  }
0x4c: {  	_ =	shalt  }
0x4d: {  	_ =	shalt  }
0x4e: {  	_ =	shalt  }
0x4f: {  	_ =	shalt  }
0x50: {  	_ =	shalt  }
0x51: {  	_ =	shalt  }
0x52: {  	_ =	shalt  }
0x53: {  	_ =	shalt  }
0x54: {  	_ =	shalt  }
0x55: {  	_ =	shalt  }
0x56: {  	_ =	shalt  }
0x57: {  	_ =	shalt  }
0x58: {  	_ =	shalt  }
0x59: {  	_ =	shalt  }
0x5a: {  	_ =	shalt  }
0x5b: {  	_ =	shalt  }
0x5c: {  	_ =	shalt  }
0x5d: {  	_ =	shalt  }
0x5e: {  	_ =	shalt  }
0x5f: {  	_ =	shalt  }
0x60: {  	_ =	shalt  }
0x61: {  	_ =	shalt  }
0x62: {  	_ =	shalt  }
0x63: {  	_ =	shalt  }
0x64: {  	_ =	shalt  }
0x65: {  	_ =	shalt  }
0x66: {  	_ =	shalt  }
0x67: {  	_ =	shalt  }
0x68: {  	_ =	shalt  }
0x69: {  	_ =	shalt  }
0x6a: {  	_ =	shalt  }
0x6b: {  	_ =	shalt  }
0x6c: {  	_ =	shalt  }
0x6d: {  	_ =	shalt  }
0x6e: {  	_ =	shalt  }
0x6f: {  	_ =	shalt  }
0x70: {  	_ =	shalt  }
0x71: {  	_ =	shalt  }
0x72: {  	_ =	shalt  }
0x73: {  	_ =	shalt  }
0x74: {  	_ =	shalt  }
0x75: {  	_ =	shalt  }
0x76: {  	_ =	shalt  }
0x77: {  	_ =	shalt  }
0x78: {  	_ =	shalt  }
0x79: {  	_ =	shalt  }
0x7a: {  	_ =	shalt  }
0x7b: {  	_ =	shalt  }
0x7c: {  	_ =	shalt  }
0x7d: {  	_ =	shalt  }
0x7e: {  	_ =	shalt  }
0x7f: {  	_ =	shalt  }
0x80: {  	_ =	shalt  }
0x81: {  	_ =	shalt  }
0x82: {  	_ =	shalt  }
0x83: {  	_ =	shalt  }
0x84: {  	_ =	shalt  }
0x85: {  	_ =	shalt  }
0x86: {  	_ =	shalt  }
0x87: {  	_ =	shalt  }
.Lfunc_end0:
.L_simem_size_0:
called_computation.2_lowered:
.L_overlay_start_0:
0x88: {  	s2 =	sld [smem:$0x3FD9]  }
0x89: {  	s3 =	sld [smem:$0x3FFE];
	_ =	sdelay $0x1  }
0x8a: {  	s1 =	srdreg.scid  }
0x8b: {  	s0 =	sand.u32 $0x1, s1  }
0x8c: {  	s17 =	sshll.u32 s0, $0xA;
	s2 =	sadd.s32 s3, s2  }
0x8d: {  	s2 =	sadd.s32 s2, s17  }
0x8e: {  	[smem:$0x3FC0] =	sst s2  }
0x8f: {  	_ = 	snop  }
0x90: {  	(tm) =	ssettm $0x1  }
0x91: {  	s18 =	sld [smem:$0x3FFB];
	_ =	sdelay $0x3  }
0x92: {  	_ =	strace s18  }
0x93: {  	s2 =	sld [smem:$0x3FFC];
	_ =	sdelay $0x3  }
0x94: {  	_ =	strace s2  }
0x95: {  	s2 =	sld [smem:$0x3FFD];
	_ =	sdelay $0x3  }
0x96: {  	_ =	strace s2  }
0x97: {  	_ =	strace $0x8FFFFFFF  }
0x98: {  	s19 =	sld [smem:$0x3FDB];
	_ =	sdelay $0x1  }
0x99: {  	s20 =	simm.s32 $_scs_section_size  }
0x9a: {  	s4 =	simm.s32 $_size__tile_overlayer_lowered;
	s5 =	simm.s32 $_tile_overlayer_lowered  }
0x9b: {  	s6 =	simm.s32 $0x1BFF;
	s21 =	sshll.u32 s5, $0x1;
	s3 =	sadd.s32 s20, s19  }
0x9c: {  	s22 =	simm.s32 $0x0;
	s4 =	sshll.u32 s4, $0x1;
	s5 =	sadd.s32 s21, s3  }
0x9d: {  	[timem:s22], [sflag:s6] =	dma.local [hbm:s5], s4  }
0x9e: {  	_ =	swait.ge [sflag:s6], s4  }
0x9f: {  	s4 =	ssub.s32 $0x0, s4;
	[sflag:s6] =	ssyncset.done $0x0  }
0xa0: {  	[sflag:s6] =	ssyncadd.s32 s4;
	_ =	sdelay $0x1  }
0xa1: {  	s23 =	simm.s32 $0x1B8B  }
0xa2: {  	_ =	swait.ge [sflag:s23], $0x1  }
0xa3: {  	[sflag:s23] =	ssyncset.done $0x0  }
0xa4: {  	[sflag:s23] =	ssyncadd.s32 $0xFFFFFFFF  }
0xa5: {  	s4 =	sld [smem:$0x0]  }
0xa6: {  	s5 =	sand.u32 $0xFFFFFFFE, s1  }
0xa7: {  	p0 =	sne.s32 s1, s5  }
0xa8: {  	s5 =	sshll.u32 @p0 s5, $0xE  }
0xa9: {  	s5 =	sadd.s32 @p0 $0x11B8D, s5;
	s6 =	sshll.u32 @p0 s4, $0x11  }
0xaa: {  	s5 =	sor.u32 @p0 s6, s5  }
0xab: {  	[sflag:s5] =	ssyncadd.remote.s32 @p0 $0x1;
	_ =	sdelay $0x1  }
0xac: {  	s5 =	simm.s32 @p0 $0x1B8D  }
0xad: {  	_ =	swait.eq @p0 [sflag:s5], $0x1  }
0xae: {  	[sflag:s5] =	ssyncadd.s32 @p0 $0xFFFFFFFF  }
0xaf: {  	s6 =	sshll.u32 @!p0 s1, $0xE  }
0xb0: {  	s6 =	sor.u32 @!p0 $0x4000, s6;
	s5 =	simm.s32 @!p0 $0x1B8D  }
0xb1: {  	s4 =	sshll.u32 @!p0 s4, $0x11;
	s6 =	sadd.s32 @!p0 $0x11B8D, s6;
	_ =	swait.eq @!p0 [sflag:s5], $0x1  }
0xb2: {  	s4 =	sor.u32 @!p0 s4, s6;
	[sflag:s5] =	ssyncadd.s32 @!p0 $0xFFFFFFFF  }
0xb3: {  	s25 =	simm.s32 $0x1B8E;
	s24 =	sld [smem:$0x3FFE];
	[sflag:s4] =	ssyncadd.remote.s32 @!p0 $0x1  }
0xb4: {  	s26 =	simm.s32 $execute0_lowered;
	[smem:$0x3FD2] =	sst s25  }
0xb5: {  	s5 =	sshll.u32 s26, $0x1;
	_ =	strace $0x8000004C;
	[dreg:$0x1] =	wrdreg $0xFFFFFFFF  }
0xb6: {  	s28 =	simm.s32 $_size_execute0_lowered;
	s3 =	sadd.s32 s3, s5;
	[dreg:$0x0] =	wrdreg $0x0  }
0xb7: {  	s5 =	sshll.u32 s28, $0x1;
	[dreg:$0x2] =	wrdreg s3  }
0xb8: {  	[dreg:$0x3] =	wrdreg s5  }
0xb9: {  	[dreg:$0x4] =	wrdreg $0xC0  }
0xba: {  	_ =	task [dreg:s22], $0x5FFFF  }
0xbb: {  	[dreg:$0x1] =	wrdreg $0xFFFFFFFF  }
0xbc: {  	[dreg:$0x0] =	wrdreg $0x60  }
0xbd: {  	[dreg:$0x2] =	wrdreg s24  }
0xbe: {  	[dreg:$0x3] =	wrdreg $0xB  }
0xbf: {  	_ =	task.clear_ibuf [dreg:s22], $0x4FFFF;
	_ =	strace $0x9000004C  }
0xc0: {  	s29 =	simm.s32 $0xB;
	_ =	strace $0x8000004E  }
0xc1: {  	_ =	swait.ge [sflag:s29], $0x1  }
0xc2: {  	[sflag:s29] =	ssyncadd.s32 $0xFFFFFFFF  }
0xc3: {  	_ =	strace $0x9000004E  }
0xc4: {  	_ =	sfence  }
0xc5: {  	s30 =	sld [smem:$0x0];
	_ =	sdelay $0x2  }
0xc6: {  	s31 =	sshll.u32 s1, $0xD;
	s1 =	sshrl.u32 s1, $0x2  }
0xc7: {  	s4 =	sand.u32 $0x4000, s31;
	s1 =	sadd.s32 s1, s30  }
0xc8: {  	s0 =	sor.u32 s4, s0;
	s1 =	sshll.u32 s1, $0x11  }
0xc9: {  	s0 =	sor.u32 s1, s0  }
0xca: {  	s0 =	sadd.s32 $0x8F2B, s0  }
0xcb: {  	[sflag:s0] =	ssyncadd.remote.s32 $0x1  }
0xcc: {  	_ =	sfence.sel $0xFFFF  }
0xcd: {  	[dreg:$0x0] =	wrdreg $0xFFFFFFFF;
	(pc) =	sbr.abs _section_cstart, $3  }
0xce: {  	[dreg:$0x1] =	wrdreg $0xFFFFFFFF  }
0xcf: {  	_ =	task.clear_ibuf [dreg:s22], $0x2FFFF;
	_ =	strace $0x9FFFFFFF  }
0xd0: {  	(tm) =	ssettm $0x7FFFFFFF  }
0xd1: {  	_ =	shalt  }
tec
execute0_lowered:
.L_overlay_start_1:
0x0: {  	(tag) =	ssettag $0x1  }
0x1: {  	s0 =	rddreg [dreg:$0x0];
	s1 =	srdreg.scid;
	s2 =	simm.s32 $0x0  }
0x2: {  	s3 =	stileid.u32;
	s28 =	simm.s32 $0x9180;
	s29 =	simm.s32 $0x9980  }
0x3: {  	s30 =	simm.s32 $0xA180;
	s31 =	simm.s32 $0xA980;
	[smem:$0x7FF] =	sst s2  }
0x4: {  	s1 =	sand.u32 $0x1, s1;
	s13 =	sadd.s32 $0x1B7800, s0;
	s5 =	sadd.s32 $0x1B7C00, s0  }
0x5: {  	s3 =	sshll.u32 s3, $0x9;
	s7 =	sadd.s32 $0x1B8000, s0;
	s8 =	sadd.s32 $0x1B8400, s0  }
0x6: {  	s10 =	sadd.s32 $0x1F8400, s0;
	s11 =	sadd.s32 $0x238400, s0;
	s4 =	sshll.u32 s1, $0x8  }
0x7: {  	_ =	strace $0x8000004D;
	s1 =	ssub.s32 $0x2, s1;
	s3 =	sor.u32 s4, s3  }
0x8: {  	s24 =	sshrl.u32 s1, $0x1;
	s6 =	sshrl.u32 s3, $0x3;
	s15 =	sshll.u32 s3, $0x5  }
0x9: {  	s12 =	sor.u32 $0x80, s3;
	s3 =	sadd.s32 $0x1A7800, s0;
	s9 =	sadd.s32 s13, s6  }
0xa: {  	s1 =	ssub.s32 s1, s24;
	s14 =	sadd.s32 s5, s6;
	[dreg:$0x2] =	wrdreg s9  }
0xb: {  	s0 =	simm.s32 $0x1;
	s6 =	sadd.s32 s7, s6;
	[dreg:$0x3] =	wrdreg s14  }
0xc: {  	s24 =	simm.s32 $0xB980;
	s16 =	sadd.s32 s8, s15;
	[dreg:$0x4] =	wrdreg s6  }
0xd: {  	s17 =	sadd.s32 s10, s15;
	s18 =	sadd.s32 s11, s15;
	[dreg:$0x5] =	wrdreg s16  }
0xe: {  	s19 =	sshrl.u32 s12, $0x3;
	s22 =	sshll.u32 s12, $0x5;
	[dreg:$0x6] =	wrdreg s17  }
0xf: {  	s12 =	simm.s32 $0x2180;
	s15 =	simm.s32 $0x3180;
	[dreg:$0x7] =	wrdreg s18  }
0x10: {  	s4 =	sadd.s32 s13, s19;
	s20 =	sadd.s32 s5, s19;
	s21 =	sadd.s32 s7, s19  }
0x11: {  	s23 =	sadd.s32 s8, s22;
	s25 =	sadd.s32 s10, s22;
	s26 =	sadd.s32 s11, s22  }
0x12: {  	s7 =	smax.u32 s1, $0x1;
	s5 =	simm.s32 $0x2;
	s9 =	simm.s32 $0x980  }
0x13: {  	s10 =	simm.s32 $0x1180;
	s11 =	simm.s32 $0x1980;
	[dreg:$0x8] =	wrdreg s4  }
0x14: {  	s13 =	simm.s32 $0x2980;
	s16 =	simm.s32 $0x3980;
	[dreg:$0x9] =	wrdreg s20  }
0x15: {  	s17 =	simm.s32 $0x4180;
	s18 =	simm.s32 $0x4980;
	[dreg:$0xa] =	wrdreg s21  }
0x16: {  	s19 =	simm.s32 $0x5180;
	s22 =	simm.s32 $0x6980;
	[dreg:$0xb] =	wrdreg s23  }
0x17: {  	v2 =	vlaneseq.u32;
	s14 =	simm.s32 $0x8180;
	s6 =	simm.s32 $0x10180;
	[dreg:$0xc] =	wrdreg s25  }
0x18: {  	vm0 =	vmmov $0xffff;
	v1 =	vshrl.u32 v2, $0x3;
	[dreg:$0xd] =	wrdreg s26;
	s20 =	simm.s32 $0x5980;
	s21 =	simm.s32 $0x6180  }
0x19: {  	v0 =	vand.u32 $0x7, v2;
	v2 =	vor.u32 $0x8, v2;
	v1 =	vmul.u32 $0x8, v1;
	s23 =	simm.s32 $0x7180;
	s25 =	simm.s32 $0x7980;
	s26 =	simm.s32 $0x8980  }
.LBB2_1:
0x1a: {  	s1 =	rddreg [dreg:$0x2]  }
0x1b: {  	[tilespmem:s2], [sflag:$0x2] =	stream.linear.gather [hbm4b:s1+s2], $0x80, $0x38;
	[tilespmem:$0x18180] =	vst v63  }
0x1c: {  	_ =	swait.ge [sflag:s5], $0x80  }
0x1d: {  	[sflag:s5] =	ssyncset.done $0x0  }
0x1e: {  	s4 =	simm.s32 $0x80;
	s8 =	rddreg [dreg:$0x3];
	[sflag:s5] =	ssyncadd.s32 $0xFFFFFF80  }
0x1f: {  	[tilespmem:s4], [sflag:$0x2] =	stream.linear.gather [hbm4b:s8+s2], $0x80, $0x38;
	[tilespmem:$0x18180] =	vst v63  }
0x20: {  	_ =	swait.ge [sflag:s5], $0x80  }
0x21: {  	[sflag:s5] =	ssyncset.done $0x0  }
0x22: {  	s8 =	simm.s32 $0x100;
	s4 =	rddreg [dreg:$0x4];
	[sflag:s5] =	ssyncadd.s32 $0xFFFFFF80  }
0x23: {  	[tilespmem:s8], [sflag:$0x2] =	stream.linear.gather [hbm4b:s4+s2], $0x80, $0x38;
	[tilespmem:$0x18180] =	vst v63  }
0x24: {  	_ =	swait.ge [sflag:s5], $0x80  }
0x25: {  	[sflag:s5] =	ssyncset.done $0x0  }
0x26: {  	[sflag:s5] =	ssyncadd.s32 $0xFFFFFF80  }
0x27: {  	v3 =	vld [tilespmem:$0x0];
	_ =	sdelay $0x4  }
0x28: {  	v4 =	vshll.u32 v3, $0x1  }
0x29: {  	v3 =	vand.u32 $0x7, v3;
	v4 =	vand.u32 $0xFFFFFFF0, v4  }
0x2a: {  	v3 =	vor.u32 v3, v4  }
0x2b: {  	v4 =	vperm.xlane v3, v0;
	_ =	sdelay $0x1  }
0x2c: {  	v3 =	vperm.xlane v3, v2;
	v4 =	vadd.s32 v1, v4;
	_ =	sdelay $0x1  }
0x2d: {  	v3 =	vadd.s32 v1, v3;
	_ =	sdelay $0x1  }
0x2e: {  	s4 =	simm.s32 $0x180  }
0x2f: {  	[tilespmem:s4], [sflag:$0x1] =	stream.indirect_vreg.gather [hbm4b:s3+s2], $0x80, v4, vm0, $0xb8;
	[tilespmem:$0x18180] =	vst v63  }
0x30: {  	_ = 	snop  }
0x31: {  	[tilespmem:s9], [sflag:$0x1] =	stream.indirect_vreg.gather [hbm4b:s3+s2], $0x80, v3, vm0, $0xb8;
	[tilespmem:$0x18180] =	vst v63  }
0x32: {  	v3 =	vld [tilespmem:$0x10];
	_ =	sdelay $0x4  }
0x33: {  	v17 =	vshll.u32 v3, $0x1  }
0x34: {  	v3 =	vand.u32 $0x7, v3;
	v4 =	vand.u32 $0xFFFFFFF0, v17  }
0x35: {  	v3 =	vor.u32 v3, v4  }
0x36: {  	v4 =	vperm.xlane v3, v0;
	_ =	sdelay $0x1  }
0x37: {  	v3 =	vperm.xlane v3, v2;
	v4 =	vadd.s32 v1, v4;
	_ =	sdelay $0x1  }
0x38: {  	v3 =	vadd.s32 v1, v3;
	_ =	sdelay $0x2  }
0x39: {  	[tilespmem:s10], [sflag:$0x1] =	stream.indirect_vreg.gather [hbm4b:s3+s2], $0x80, v4, vm0, $0xb8;
	[tilespmem:$0x18180] =	vst v63  }
0x3a: {  	_ = 	snop  }
0x3b: {  	[tilespmem:s11], [sflag:$0x1] =	stream.indirect_vreg.gather [hbm4b:s3+s2], $0x80, v3, vm0, $0xb8;
	[tilespmem:$0x18180] =	vst v63  }
0x3c: {  	v3 =	vld [tilespmem:$0x20];
	_ =	sdelay $0x4  }
0x3d: {  	v18 =	vshll.u32 v3, $0x1  }
0x3e: {  	v3 =	vand.u32 $0x7, v3;
	v4 =	vand.u32 $0xFFFFFFF0, v18  }
0x3f: {  	v3 =	vor.u32 v3, v4  }
0x40: {  	v4 =	vperm.xlane v3, v0;
	_ =	sdelay $0x1  }
0x41: {  	v3 =	vperm.xlane v3, v2;
	v4 =	vadd.s32 v1, v4;
	_ =	sdelay $0x1  }
0x42: {  	v3 =	vadd.s32 v1, v3;
	_ =	sdelay $0x2  }
0x43: {  	[tilespmem:s12], [sflag:$0x1] =	stream.indirect_vreg.gather [hbm4b:s3+s2], $0x80, v4, vm0, $0xb8;
	[tilespmem:$0x18180] =	vst v63  }
0x44: {  	_ = 	snop  }
0x45: {  	[tilespmem:s13], [sflag:$0x1] =	stream.indirect_vreg.gather [hbm4b:s3+s2], $0x80, v3, vm0, $0xb8;
	[tilespmem:$0x18180] =	vst v63  }
0x46: {  	v3 =	vld [tilespmem:$0x30];
	_ =	sdelay $0x4  }
0x47: {  	v19 =	vshll.u32 v3, $0x1  }
0x48: {  	v3 =	vand.u32 $0x7, v3;
	v4 =	vand.u32 $0xFFFFFFF0, v19  }
0x49: {  	v3 =	vor.u32 v3, v4  }
0x4a: {  	v4 =	vperm.xlane v3, v0;
	_ =	sdelay $0x1  }
0x4b: {  	v3 =	vperm.xlane v3, v2;
	v4 =	vadd.s32 v1, v4;
	_ =	sdelay $0x1  }
0x4c: {  	v3 =	vadd.s32 v1, v3;
	_ =	sdelay $0x2  }
0x4d: {  	[tilespmem:s15], [sflag:$0x1] =	stream.indirect_vreg.gather [hbm4b:s3+s2], $0x80, v4, vm0, $0xb8;
	[tilespmem:$0x18180] =	vst v63  }
0x4e: {  	_ = 	snop  }
0x4f: {  	[tilespmem:s16], [sflag:$0x1] =	stream.indirect_vreg.gather [hbm4b:s3+s2], $0x80, v3, vm0, $0xb8;
	[tilespmem:$0x18180] =	vst v63  }
0x50: {  	v3 =	vld [tilespmem:$0x40];
	_ =	sdelay $0x4  }
0x51: {  	v20 =	vshll.u32 v3, $0x1  }
0x52: {  	v3 =	vand.u32 $0x7, v3;
	v4 =	vand.u32 $0xFFFFFFF0, v20  }
0x53: {  	v3 =	vor.u32 v3, v4  }
0x54: {  	v4 =	vperm.xlane v3, v0;
	_ =	sdelay $0x1  }
0x55: {  	v3 =	vperm.xlane v3, v2;
	v4 =	vadd.s32 v1, v4;
	_ =	sdelay $0x1  }
0x56: {  	v3 =	vadd.s32 v1, v3;
	_ =	sdelay $0x2  }
0x57: {  	[tilespmem:s17], [sflag:$0x1] =	stream.indirect_vreg.gather [hbm4b:s3+s2], $0x80, v4, vm0, $0xb8;
	[tilespmem:$0x18180] =	vst v63  }
0x58: {  	_ = 	snop  }
0x59: {  	[tilespmem:s18], [sflag:$0x1] =	stream.indirect_vreg.gather [hbm4b:s3+s2], $0x80, v3, vm0, $0xb8;
	[tilespmem:$0x18180] =	vst v63  }
0x5a: {  	v3 =	vld [tilespmem:$0x50];
	_ =	sdelay $0x4  }
0x5b: {  	v21 =	vshll.u32 v3, $0x1  }
0x5c: {  	v3 =	vand.u32 $0x7, v3;
	v4 =	vand.u32 $0xFFFFFFF0, v21  }
0x5d: {  	v3 =	vor.u32 v3, v4  }
0x5e: {  	v4 =	vperm.xlane v3, v0;
	_ =	sdelay $0x1  }
0x5f: {  	v3 =	vperm.xlane v3, v2;
	v4 =	vadd.s32 v1, v4;
	_ =	sdelay $0x1  }
0x60: {  	v3 =	vadd.s32 v1, v3;
	_ =	sdelay $0x2  }
0x61: {  	[tilespmem:s19], [sflag:$0x1] =	stream.indirect_vreg.gather [hbm4b:s3+s2], $0x80, v4, vm0, $0xb8;
	[tilespmem:$0x18180] =	vst v63  }
0x62: {  	_ = 	snop  }
0x63: {  	[tilespmem:s20], [sflag:$0x1] =	stream.indirect_vreg.gather [hbm4b:s3+s2], $0x80, v3, vm0, $0xb8;
	[tilespmem:$0x18180] =	vst v63  }
0x64: {  	v3 =	vld [tilespmem:$0x60];
	_ =	sdelay $0x4  }
0x65: {  	v22 =	vshll.u32 v3, $0x1  }
0x66: {  	v3 =	vand.u32 $0x7, v3;
	v4 =	vand.u32 $0xFFFFFFF0, v22  }
0x67: {  	v3 =	vor.u32 v3, v4  }
0x68: {  	v4 =	vperm.xlane v3, v0;
	_ =	sdelay $0x1  }
0x69: {  	v3 =	vperm.xlane v3, v2;
	v4 =	vadd.s32 v1, v4;
	_ =	sdelay $0x1  }
0x6a: {  	v3 =	vadd.s32 v1, v3;
	_ =	sdelay $0x2  }
0x6b: {  	[tilespmem:s21], [sflag:$0x1] =	stream.indirect_vreg.gather [hbm4b:s3+s2], $0x80, v4, vm0, $0xb8;
	[tilespmem:$0x18180] =	vst v63  }
0x6c: {  	_ = 	snop  }
0x6d: {  	[tilespmem:s22], [sflag:$0x1] =	stream.indirect_vreg.gather [hbm4b:s3+s2], $0x80, v3, vm0, $0xb8;
	[tilespmem:$0x18180] =	vst v63  }
0x6e: {  	v3 =	vld [tilespmem:$0x70];
	_ =	sdelay $0x4  }
0x6f: {  	v23 =	vshll.u32 v3, $0x1  }
0x70: {  	v3 =	vand.u32 $0x7, v3;
	v4 =	vand.u32 $0xFFFFFFF0, v23  }
0x71: {  	v3 =	vor.u32 v3, v4  }
0x72: {  	v4 =	vperm.xlane v3, v0;
	_ =	sdelay $0x1  }
0x73: {  	v3 =	vperm.xlane v3, v2;
	v4 =	vadd.s32 v1, v4;
	_ =	sdelay $0x1  }
0x74: {  	v3 =	vadd.s32 v1, v3;
	_ =	sdelay $0x2  }
0x75: {  	[tilespmem:s23], [sflag:$0x1] =	stream.indirect_vreg.gather [hbm4b:s3+s2], $0x80, v4, vm0, $0xb8;
	[tilespmem:$0x18180] =	vst v63  }
0x76: {  	_ = 	snop  }
0x77: {  	[tilespmem:s25], [sflag:$0x1] =	stream.indirect_vreg.gather [hbm4b:s3+s2], $0x80, v3, vm0, $0xb8;
	[tilespmem:$0x18180] =	vst v63  }
0x78: {  	v3 =	vld [tilespmem:$0x80];
	_ =	sdelay $0x4  }
0x79: {  	v24 =	vshll.u32 v3, $0x1  }
0x7a: {  	v3 =	vand.u32 $0x7, v3;
	v4 =	vand.u32 $0xFFFFFFF0, v24  }
0x7b: {  	v3 =	vor.u32 v3, v4  }
0x7c: {  	v4 =	vperm.xlane v3, v0;
	_ =	sdelay $0x1  }
0x7d: {  	v3 =	vperm.xlane v3, v2;
	v4 =	vadd.s32 v1, v4;
	_ =	sdelay $0x1  }
0x7e: {  	v3 =	vadd.s32 v1, v3;
	_ =	sdelay $0x2  }
0x7f: {  	[tilespmem:s14], [sflag:$0x1] =	stream.indirect_vreg.gather [hbm4b:s3+s2], $0x80, v4, vm0, $0xb8;
	[tilespmem:$0x18180] =	vst v63  }
0x80: {  	_ = 	snop  }
0x81: {  	[tilespmem:s26], [sflag:$0x1] =	stream.indirect_vreg.gather [hbm4b:s3+s2], $0x80, v3, vm0, $0xb8;
	[tilespmem:$0x18180] =	vst v63  }
0x82: {  	v3 =	vld [tilespmem:$0x90];
	_ =	sdelay $0x4  }
0x83: {  	v25 =	vshll.u32 v3, $0x1  }
0x84: {  	v3 =	vand.u32 $0x7, v3;
	v4 =	vand.u32 $0xFFFFFFF0, v25  }
0x85: {  	v3 =	vor.u32 v3, v4  }
0x86: {  	v4 =	vperm.xlane v3, v0;
	_ =	sdelay $0x1  }
0x87: {  	v3 =	vperm.xlane v3, v2;
	v4 =	vadd.s32 v1, v4;
	_ =	sdelay $0x1  }
0x88: {  	v3 =	vadd.s32 v1, v3;
	_ =	sdelay $0x2  }
0x89: {  	[tilespmem:s28], [sflag:$0x1] =	stream.indirect_vreg.gather [hbm4b:s3+s2], $0x80, v4, vm0, $0xb8;
	[tilespmem:$0x18180] =	vst v63  }
0x8a: {  	_ = 	snop  }
0x8b: {  	[tilespmem:s29], [sflag:$0x1] =	stream.indirect_vreg.gather [hbm4b:s3+s2], $0x80, v3, vm0, $0xb8;
	[tilespmem:$0x18180] =	vst v63  }
0x8c: {  	v3 =	vld [tilespmem:$0xA0];
	_ =	sdelay $0x4  }
0x8d: {  	v26 =	vshll.u32 v3, $0x1  }
0x8e: {  	v3 =	vand.u32 $0x7, v3;
	v4 =	vand.u32 $0xFFFFFFF0, v26  }
0x8f: {  	v3 =	vor.u32 v3, v4  }
0x90: {  	v4 =	vperm.xlane v3, v0;
	_ =	sdelay $0x1  }
0x91: {  	v3 =	vperm.xlane v3, v2;
	v4 =	vadd.s32 v1, v4;
	_ =	sdelay $0x1  }
0x92: {  	v3 =	vadd.s32 v1, v3;
	_ =	sdelay $0x2  }
0x93: {  	[tilespmem:s30], [sflag:$0x1] =	stream.indirect_vreg.gather [hbm4b:s3+s2], $0x80, v4, vm0, $0xb8;
	[tilespmem:$0x18180] =	vst v63  }
0x94: {  	_ = 	snop  }
0x95: {  	[tilespmem:s31], [sflag:$0x1] =	stream.indirect_vreg.gather [hbm4b:s3+s2], $0x80, v3, vm0, $0xb8;
	[tilespmem:$0x18180] =	vst v63  }
0x96: {  	v3 =	vld [tilespmem:$0xB0];
	_ =	sdelay $0x4  }
0x97: {  	v27 =	vshll.u32 v3, $0x1  }
0x98: {  	v3 =	vand.u32 $0x7, v3;
	v4 =	vand.u32 $0xFFFFFFF0, v27  }
0x99: {  	v3 =	vor.u32 v3, v4  }
0x9a: {  	v4 =	vperm.xlane v3, v0;
	_ =	sdelay $0x1  }
0x9b: {  	v3 =	vperm.xlane v3, v2;
	v4 =	vadd.s32 v1, v4;
	_ =	sdelay $0x1  }
0x9c: {  	v3 =	vadd.s32 v1, v3;
	_ =	sdelay $0x1  }
0x9d: {  	s8 =	simm.s32 $0xB180  }
0x9e: {  	[tilespmem:s8], [sflag:$0x1] =	stream.indirect_vreg.gather [hbm4b:s3+s2], $0x80, v4, vm0, $0xb8;
	[tilespmem:$0x18180] =	vst v63  }
0x9f: {  	_ = 	snop  }
0xa0: {  	[tilespmem:s24], [sflag:$0x1] =	stream.indirect_vreg.gather [hbm4b:s3+s2], $0x80, v3, vm0, $0xb8;
	[tilespmem:$0x18180] =	vst v63  }
0xa1: {  	v3 =	vld [tilespmem:$0xC0];
	_ =	sdelay $0x4  }
0xa2: {  	v28 =	vshll.u32 v3, $0x1  }
0xa3: {  	v3 =	vand.u32 $0x7, v3;
	v4 =	vand.u32 $0xFFFFFFF0, v28  }
0xa4: {  	v3 =	vor.u32 v3, v4  }
0xa5: {  	v4 =	vperm.xlane v3, v0;
	_ =	sdelay $0x1  }
0xa6: {  	v3 =	vperm.xlane v3, v2;
	v4 =	vadd.s32 v1, v4;
	_ =	sdelay $0x1  }
0xa7: {  	v3 =	vadd.s32 v1, v3;
	_ =	sdelay $0x1  }
0xa8: {  	s4 =	simm.s32 $0xC180  }
0xa9: {  	[tilespmem:s4], [sflag:$0x1] =	stream.indirect_vreg.gather [hbm4b:s3+s2], $0x80, v4, vm0, $0xb8;
	[tilespmem:$0x18180] =	vst v63  }
0xaa: {  	s8 =	simm.s32 $0xC980  }
0xab: {  	[tilespmem:s8], [sflag:$0x1] =	stream.indirect_vreg.gather [hbm4b:s3+s2], $0x80, v3, vm0, $0xb8;
	[tilespmem:$0x18180] =	vst v63  }
0xac: {  	v3 =	vld [tilespmem:$0xD0];
	_ =	sdelay $0x4  }
0xad: {  	v29 =	vshll.u32 v3, $0x1  }
0xae: {  	v3 =	vand.u32 $0x7, v3;
	v4 =	vand.u32 $0xFFFFFFF0, v29  }
0xaf: {  	v3 =	vor.u32 v3, v4  }
0xb0: {  	v4 =	vperm.xlane v3, v0;
	_ =	sdelay $0x1  }
0xb1: {  	v3 =	vperm.xlane v3, v2;
	v4 =	vadd.s32 v1, v4;
	_ =	sdelay $0x1  }
0xb2: {  	v3 =	vadd.s32 v1, v3;
	_ =	sdelay $0x1  }
0xb3: {  	s4 =	simm.s32 $0xD180  }
0xb4: {  	[tilespmem:s4], [sflag:$0x1] =	stream.indirect_vreg.gather [hbm4b:s3+s2], $0x80, v4, vm0, $0xb8;
	[tilespmem:$0x18180] =	vst v63  }
0xb5: {  	s8 =	simm.s32 $0xD980  }
0xb6: {  	[tilespmem:s8], [sflag:$0x1] =	stream.indirect_vreg.gather [hbm4b:s3+s2], $0x80, v3, vm0, $0xb8;
	[tilespmem:$0x18180] =	vst v63  }
0xb7: {  	v3 =	vld [tilespmem:$0xE0];
	_ =	sdelay $0x4  }
0xb8: {  	v30 =	vshll.u32 v3, $0x1  }
0xb9: {  	v3 =	vand.u32 $0x7, v3;
	v4 =	vand.u32 $0xFFFFFFF0, v30  }
0xba: {  	v3 =	vor.u32 v3, v4  }
0xbb: {  	v4 =	vperm.xlane v3, v0;
	_ =	sdelay $0x1  }
0xbc: {  	v3 =	vperm.xlane v3, v2;
	v4 =	vadd.s32 v1, v4;
	_ =	sdelay $0x1  }
0xbd: {  	v3 =	vadd.s32 v1, v3;
	_ =	sdelay $0x1  }
0xbe: {  	s4 =	simm.s32 $0xE180  }
0xbf: {  	[tilespmem:s4], [sflag:$0x1] =	stream.indirect_vreg.gather [hbm4b:s3+s2], $0x80, v4, vm0, $0xb8;
	[tilespmem:$0x18180] =	vst v63  }
0xc0: {  	s8 =	simm.s32 $0xE980  }
0xc1: {  	[tilespmem:s8], [sflag:$0x1] =	stream.indirect_vreg.gather [hbm4b:s3+s2], $0x80, v3, vm0, $0xb8;
	[tilespmem:$0x18180] =	vst v63  }
0xc2: {  	v3 =	vld [tilespmem:$0xF0];
	_ =	sdelay $0x4  }
0xc3: {  	v31 =	vshll.u32 v3, $0x1  }
0xc4: {  	v3 =	vand.u32 $0x7, v3;
	v4 =	vand.u32 $0xFFFFFFF0, v31  }
0xc5: {  	v3 =	vor.u32 v3, v4  }
0xc6: {  	v4 =	vperm.xlane v3, v0;
	_ =	sdelay $0x1  }
0xc7: {  	v3 =	vperm.xlane v3, v2;
	v4 =	vadd.s32 v1, v4;
	_ =	sdelay $0x1  }
0xc8: {  	v3 =	vadd.s32 v1, v3;
	_ =	sdelay $0x1  }
0xc9: {  	s4 =	simm.s32 $0xF180  }
0xca: {  	[tilespmem:s4], [sflag:$0x1] =	stream.indirect_vreg.gather [hbm4b:s3+s2], $0x80, v4, vm0, $0xb8;
	[tilespmem:$0x18180] =	vst v63  }
0xcb: {  	s8 =	simm.s32 $0xF980  }
0xcc: {  	[tilespmem:s8], [sflag:$0x1] =	stream.indirect_vreg.gather [hbm4b:s3+s2], $0x80, v3, vm0, $0xb8;
	[tilespmem:$0x18180] =	vst v63  }
0xcd: {  	v3 =	vld [tilespmem:$0x100];
	_ =	sdelay $0x4  }
0xce: {  	v32 =	vshll.u32 v3, $0x1  }
0xcf: {  	v3 =	vand.u32 $0x7, v3;
	v4 =	vand.u32 $0xFFFFFFF0, v32  }
0xd0: {  	v3 =	vor.u32 v3, v4  }
0xd1: {  	v4 =	vperm.xlane v3, v0;
	_ =	sdelay $0x1  }
0xd2: {  	v3 =	vperm.xlane v3, v2;
	v4 =	vadd.s32 v1, v4;
	_ =	sdelay $0x1  }
0xd3: {  	v3 =	vadd.s32 v1, v3;
	_ =	sdelay $0x2  }
0xd4: {  	[tilespmem:s6], [sflag:$0x1] =	stream.indirect_vreg.gather [hbm4b:s3+s2], $0x80, v4, vm0, $0xb8;
	[tilespmem:$0x18180] =	vst v63  }
0xd5: {  	s4 =	simm.s32 $0x10980  }
0xd6: {  	[tilespmem:s4], [sflag:$0x1] =	stream.indirect_vreg.gather [hbm4b:s3+s2], $0x80, v3, vm0, $0xb8;
	[tilespmem:$0x18180] =	vst v63  }
0xd7: {  	v3 =	vld [tilespmem:$0x110];
	_ =	sdelay $0x4  }
0xd8: {  	v33 =	vshll.u32 v3, $0x1  }
0xd9: {  	v3 =	vand.u32 $0x7, v3;
	v4 =	vand.u32 $0xFFFFFFF0, v33  }
0xda: {  	v3 =	vor.u32 v3, v4  }
0xdb: {  	v4 =	vperm.xlane v3, v0;
	_ =	sdelay $0x1  }
0xdc: {  	v3 =	vperm.xlane v3, v2;
	v4 =	vadd.s32 v1, v4;
	_ =	sdelay $0x1  }
0xdd: {  	v3 =	vadd.s32 v1, v3;
	_ =	sdelay $0x1  }
0xde: {  	s8 =	simm.s32 $0x11180  }
0xdf: {  	[tilespmem:s8], [sflag:$0x1] =	stream.indirect_vreg.gather [hbm4b:s3+s2], $0x80, v4, vm0, $0xb8;
	[tilespmem:$0x18180] =	vst v63  }
0xe0: {  	s4 =	simm.s32 $0x11980  }
0xe1: {  	[tilespmem:s4], [sflag:$0x1] =	stream.indirect_vreg.gather [hbm4b:s3+s2], $0x80, v3, vm0, $0xb8;
	[tilespmem:$0x18180] =	vst v63  }
0xe2: {  	v3 =	vld [tilespmem:$0x120];
	_ =	sdelay $0x4  }
0xe3: {  	v34 =	vshll.u32 v3, $0x1  }
0xe4: {  	v3 =	vand.u32 $0x7, v3;
	v4 =	vand.u32 $0xFFFFFFF0, v34  }
0xe5: {  	v3 =	vor.u32 v3, v4  }
0xe6: {  	v4 =	vperm.xlane v3, v0;
	_ =	sdelay $0x1  }
0xe7: {  	v3 =	vperm.xlane v3, v2;
	v4 =	vadd.s32 v1, v4;
	_ =	sdelay $0x1  }
0xe8: {  	v3 =	vadd.s32 v1, v3;
	_ =	sdelay $0x1  }
0xe9: {  	s8 =	simm.s32 $0x12180  }
0xea: {  	[tilespmem:s8], [sflag:$0x1] =	stream.indirect_vreg.gather [hbm4b:s3+s2], $0x80, v4, vm0, $0xb8;
	[tilespmem:$0x18180] =	vst v63  }
0xeb: {  	s4 =	simm.s32 $0x12980  }
0xec: {  	[tilespmem:s4], [sflag:$0x1] =	stream.indirect_vreg.gather [hbm4b:s3+s2], $0x80, v3, vm0, $0xb8;
	[tilespmem:$0x18180] =	vst v63  }
0xed: {  	v3 =	vld [tilespmem:$0x130];
	_ =	sdelay $0x4  }
0xee: {  	v35 =	vshll.u32 v3, $0x1  }
0xef: {  	v3 =	vand.u32 $0x7, v3;
	v4 =	vand.u32 $0xFFFFFFF0, v35  }
0xf0: {  	v3 =	vor.u32 v3, v4  }
0xf1: {  	v4 =	vperm.xlane v3, v0;
	_ =	sdelay $0x1  }
0xf2: {  	v3 =	vperm.xlane v3, v2;
	v4 =	vadd.s32 v1, v4;
	_ =	sdelay $0x1  }
0xf3: {  	v3 =	vadd.s32 v1, v3;
	_ =	sdelay $0x1  }
0xf4: {  	s8 =	simm.s32 $0x13180  }
0xf5: {  	[tilespmem:s8], [sflag:$0x1] =	stream.indirect_vreg.gather [hbm4b:s3+s2], $0x80, v4, vm0, $0xb8;
	[tilespmem:$0x18180] =	vst v63  }
0xf6: {  	s4 =	simm.s32 $0x13980  }
0xf7: {  	[tilespmem:s4], [sflag:$0x1] =	stream.indirect_vreg.gather [hbm4b:s3+s2], $0x80, v3, vm0, $0xb8;
	[tilespmem:$0x18180] =	vst v63  }
0xf8: {  	v3 =	vld [tilespmem:$0x140];
	_ =	sdelay $0x4  }
0xf9: {  	v36 =	vshll.u32 v3, $0x1  }
0xfa: {  	v3 =	vand.u32 $0x7, v3;
	v4 =	vand.u32 $0xFFFFFFF0, v36  }
0xfb: {  	v3 =	vor.u32 v3, v4  }
0xfc: {  	v4 =	vperm.xlane v3, v0;
	_ =	sdelay $0x1  }
0xfd: {  	v3 =	vperm.xlane v3, v2;
	v4 =	vadd.s32 v1, v4;
	_ =	sdelay $0x1  }
0xfe: {  	v3 =	vadd.s32 v1, v3;
	_ =	sdelay $0x1  }
0xff: {  	s8 =	simm.s32 $0x14180  }
0x100: {  	[tilespmem:s8], [sflag:$0x1] =	stream.indirect_vreg.gather [hbm4b:s3+s2], $0x80, v4, vm0, $0xb8;
	[tilespmem:$0x18180] =	vst v63  }
0x101: {  	s4 =	simm.s32 $0x14980  }
0x102: {  	[tilespmem:s4], [sflag:$0x1] =	stream.indirect_vreg.gather [hbm4b:s3+s2], $0x80, v3, vm0, $0xb8;
	[tilespmem:$0x18180] =	vst v63  }
0x103: {  	v3 =	vld [tilespmem:$0x150];
	_ =	sdelay $0x4  }
0x104: {  	v37 =	vshll.u32 v3, $0x1  }
0x105: {  	v3 =	vand.u32 $0x7, v3;
	v4 =	vand.u32 $0xFFFFFFF0, v37  }
0x106: {  	v3 =	vor.u32 v3, v4  }
0x107: {  	v4 =	vperm.xlane v3, v0;
	_ =	sdelay $0x1  }
0x108: {  	v3 =	vperm.xlane v3, v2;
	v4 =	vadd.s32 v1, v4;
	_ =	sdelay $0x1  }
0x109: {  	v3 =	vadd.s32 v1, v3;
	_ =	sdelay $0x1  }
0x10a: {  	s8 =	simm.s32 $0x15180  }
0x10b: {  	[tilespmem:s8], [sflag:$0x1] =	stream.indirect_vreg.gather [hbm4b:s3+s2], $0x80, v4, vm0, $0xb8;
	[tilespmem:$0x18180] =	vst v63  }
0x10c: {  	s4 =	simm.s32 $0x15980  }
0x10d: {  	[tilespmem:s4], [sflag:$0x1] =	stream.indirect_vreg.gather [hbm4b:s3+s2], $0x80, v3, vm0, $0xb8;
	[tilespmem:$0x18180] =	vst v63  }
0x10e: {  	v3 =	vld [tilespmem:$0x160];
	_ =	sdelay $0x4  }
0x10f: {  	v38 =	vshll.u32 v3, $0x1  }
0x110: {  	v3 =	vand.u32 $0x7, v3;
	v4 =	vand.u32 $0xFFFFFFF0, v38  }
0x111: {  	v3 =	vor.u32 v3, v4  }
0x112: {  	v4 =	vperm.xlane v3, v0;
	_ =	sdelay $0x1  }
0x113: {  	v3 =	vperm.xlane v3, v2;
	v4 =	vadd.s32 v1, v4;
	_ =	sdelay $0x1  }
0x114: {  	v3 =	vadd.s32 v1, v3;
	_ =	sdelay $0x1  }
0x115: {  	s8 =	simm.s32 $0x16180  }
0x116: {  	[tilespmem:s8], [sflag:$0x1] =	stream.indirect_vreg.gather [hbm4b:s3+s2], $0x80, v4, vm0, $0xb8;
	[tilespmem:$0x18180] =	vst v63  }
0x117: {  	s4 =	simm.s32 $0x16980  }
0x118: {  	[tilespmem:s4], [sflag:$0x1] =	stream.indirect_vreg.gather [hbm4b:s3+s2], $0x80, v3, vm0, $0xb8;
	[tilespmem:$0x18180] =	vst v63  }
0x119: {  	v3 =	vld [tilespmem:$0x170];
	_ =	sdelay $0x4  }
0x11a: {  	v39 =	vshll.u32 v3, $0x1  }
0x11b: {  	v3 =	vand.u32 $0x7, v3;
	v4 =	vand.u32 $0xFFFFFFF0, v39  }
0x11c: {  	v3 =	vor.u32 v3, v4  }
0x11d: {  	v4 =	vperm.xlane v3, v0;
	_ =	sdelay $0x1  }
0x11e: {  	v3 =	vperm.xlane v3, v2;
	v4 =	vadd.s32 v1, v4;
	_ =	sdelay $0x1  }
0x11f: {  	v3 =	vadd.s32 v1, v3;
	_ =	sdelay $0x1  }
0x120: {  	s8 =	simm.s32 $0x17180  }
0x121: {  	[tilespmem:s8], [sflag:$0x1] =	stream.indirect_vreg.gather [hbm4b:s3+s2], $0x80, v4, vm0, $0xb8;
	[tilespmem:$0x18180] =	vst v63  }
0x122: {  	s4 =	simm.s32 $0x17980  }
0x123: {  	[tilespmem:s4], [sflag:$0x1] =	stream.indirect_vreg.gather [hbm4b:s3+s2], $0x80, v3, vm0, $0xb8;
	[tilespmem:$0x18180] =	vst v63  }
0x124: {  	_ =	swait.ge [sflag:s0], $0x8000  }
0x125: {  	[sflag:s0] =	ssyncset.done $0x0  }
0x126: {  	[sflag:s0] =	ssyncadd.s32 $0xFFFF8000  }
0x127: {  	_ =	swait.ge [sflag:s0], $0x8000  }
0x128: {  	[sflag:s0] =	ssyncset.done $0x0  }
0x129: {  	[sflag:s0] =	ssyncadd.s32 $0xFFFF8000  }
0x12a: {  	_ =	swait.ge [sflag:s0], $0x8000  }
0x12b: {  	[sflag:s0] =	ssyncset.done $0x0  }
0x12c: {  	s4 =	simm.s32 $0x180;
	s8 =	rddreg [dreg:$0x5];
	[sflag:s0] =	ssyncadd.s32 $0xFFFF8000  }
0x12d: {  	[hbm4b:s8+s2] =	stream.linear.scatter [tilespmem:s4], [sflag:$0x2], $0x8000, $0x38;
	[tilespmem:$0x18180] =	vst v63  }
0x12e: {  	_ =	swait.ge [sflag:s5], $0x8000  }
0x12f: {  	[sflag:s5] =	ssyncset.done $0x0  }
0x130: {  	s8 =	rddreg [dreg:$0x6];
	[sflag:s5] =	ssyncadd.s32 $0xFFFF8000  }
0x131: {  	[hbm4b:s8+s2] =	stream.linear.scatter [tilespmem:s14], [sflag:$0x2], $0x8000, $0x38;
	[tilespmem:$0x18180] =	vst v63  }
0x132: {  	_ =	swait.ge [sflag:s5], $0x8000  }
0x133: {  	[sflag:s5] =	ssyncset.done $0x0  }
0x134: {  	s8 =	rddreg [dreg:$0x7];
	[sflag:s5] =	ssyncadd.s32 $0xFFFF8000  }
0x135: {  	[hbm4b:s8+s2] =	stream.linear.scatter [tilespmem:s6], [sflag:$0x2], $0x8000, $0x38;
	[tilespmem:$0x18180] =	vst v63  }
0x136: {  	_ =	swait.ge [sflag:s5], $0x8000  }
0x137: {  	[sflag:s5] =	ssyncset.done $0x0  }
0x138: {  	s8 =	rddreg [dreg:$0x8];
	[sflag:s5] =	ssyncadd.s32 $0xFFFF8000  }
0x139: {  	[tilespmem:s2], [sflag:$0x2] =	stream.linear.gather [hbm4b:s8+s2], $0x80, $0x38;
	[tilespmem:$0x18180] =	vst v63  }
0x13a: {  	_ =	swait.ge [sflag:s5], $0x80  }
0x13b: {  	[sflag:s5] =	ssyncset.done $0x0  }
0x13c: {  	s8 =	simm.s32 $0x80;
	s1 =	rddreg [dreg:$0x9];
	[sflag:s5] =	ssyncadd.s32 $0xFFFFFF80  }
0x13d: {  	[tilespmem:s8], [sflag:$0x2] =	stream.linear.gather [hbm4b:s1+s2], $0x80, $0x38;
	[tilespmem:$0x18180] =	vst v63  }
0x13e: {  	_ =	swait.ge [sflag:s5], $0x80  }
0x13f: {  	[sflag:s5] =	ssyncset.done $0x0  }
0x140: {  	s8 =	simm.s32 $0x100;
	s1 =	rddreg [dreg:$0xa];
	[sflag:s5] =	ssyncadd.s32 $0xFFFFFF80  }
0x141: {  	[tilespmem:s8], [sflag:$0x2] =	stream.linear.gather [hbm4b:s1+s2], $0x80, $0x38;
	[tilespmem:$0x18180] =	vst v63  }
0x142: {  	_ =	swait.ge [sflag:s5], $0x80  }
0x143: {  	[sflag:s5] =	ssyncset.done $0x0  }
0x144: {  	[sflag:s5] =	ssyncadd.s32 $0xFFFFFF80  }
0x145: {  	v3 =	vld [tilespmem:$0x0];
	_ =	sdelay $0x4  }
0x146: {  	v40 =	vshll.u32 v3, $0x1  }
0x147: {  	v3 =	vand.u32 $0x7, v3;
	v4 =	vand.u32 $0xFFFFFFF0, v40  }
0x148: {  	v3 =	vor.u32 v3, v4  }
0x149: {  	v4 =	vperm.xlane v3, v0;
	_ =	sdelay $0x1  }
0x14a: {  	v3 =	vperm.xlane v3, v2;
	v4 =	vadd.s32 v1, v4;
	_ =	sdelay $0x1  }
0x14b: {  	v3 =	vadd.s32 v1, v3;
	_ =	sdelay $0x2  }
0x14c: {  	[tilespmem:s4], [sflag:$0x1] =	stream.indirect_vreg.gather [hbm4b:s3+s2], $0x80, v4, vm0, $0xb8;
	[tilespmem:$0x18180] =	vst v63  }
0x14d: {  	_ = 	snop  }
0x14e: {  	[tilespmem:s9], [sflag:$0x1] =	stream.indirect_vreg.gather [hbm4b:s3+s2], $0x80, v3, vm0, $0xb8;
	[tilespmem:$0x18180] =	vst v63  }
0x14f: {  	v3 =	vld [tilespmem:$0x10];
	_ =	sdelay $0x4  }
0x150: {  	v41 =	vshll.u32 v3, $0x1  }
0x151: {  	v3 =	vand.u32 $0x7, v3;
	v4 =	vand.u32 $0xFFFFFFF0, v41  }
0x152: {  	v3 =	vor.u32 v3, v4  }
0x153: {  	v4 =	vperm.xlane v3, v0;
	_ =	sdelay $0x1  }
0x154: {  	v3 =	vperm.xlane v3, v2;
	v4 =	vadd.s32 v1, v4;
	_ =	sdelay $0x1  }
0x155: {  	v3 =	vadd.s32 v1, v3;
	_ =	sdelay $0x2  }
0x156: {  	[tilespmem:s10], [sflag:$0x1] =	stream.indirect_vreg.gather [hbm4b:s3+s2], $0x80, v4, vm0, $0xb8;
	[tilespmem:$0x18180] =	vst v63  }
0x157: {  	_ = 	snop  }
0x158: {  	[tilespmem:s11], [sflag:$0x1] =	stream.indirect_vreg.gather [hbm4b:s3+s2], $0x80, v3, vm0, $0xb8;
	[tilespmem:$0x18180] =	vst v63  }
0x159: {  	v3 =	vld [tilespmem:$0x20];
	_ =	sdelay $0x4  }
0x15a: {  	v42 =	vshll.u32 v3, $0x1  }
0x15b: {  	v3 =	vand.u32 $0x7, v3;
	v4 =	vand.u32 $0xFFFFFFF0, v42  }
0x15c: {  	v3 =	vor.u32 v3, v4  }
0x15d: {  	v4 =	vperm.xlane v3, v0;
	_ =	sdelay $0x1  }
0x15e: {  	v3 =	vperm.xlane v3, v2;
	v4 =	vadd.s32 v1, v4;
	_ =	sdelay $0x1  }
0x15f: {  	v3 =	vadd.s32 v1, v3;
	_ =	sdelay $0x2  }
0x160: {  	[tilespmem:s12], [sflag:$0x1] =	stream.indirect_vreg.gather [hbm4b:s3+s2], $0x80, v4, vm0, $0xb8;
	[tilespmem:$0x18180] =	vst v63  }
0x161: {  	_ = 	snop  }
0x162: {  	[tilespmem:s13], [sflag:$0x1] =	stream.indirect_vreg.gather [hbm4b:s3+s2], $0x80, v3, vm0, $0xb8;
	[tilespmem:$0x18180] =	vst v63  }
0x163: {  	v3 =	vld [tilespmem:$0x30];
	_ =	sdelay $0x4  }
0x164: {  	v43 =	vshll.u32 v3, $0x1  }
0x165: {  	v3 =	vand.u32 $0x7, v3;
	v4 =	vand.u32 $0xFFFFFFF0, v43  }
0x166: {  	v3 =	vor.u32 v3, v4  }
0x167: {  	v4 =	vperm.xlane v3, v0;
	_ =	sdelay $0x1  }
0x168: {  	v3 =	vperm.xlane v3, v2;
	v4 =	vadd.s32 v1, v4;
	_ =	sdelay $0x1  }
0x169: {  	v3 =	vadd.s32 v1, v3;
	_ =	sdelay $0x2  }
0x16a: {  	[tilespmem:s15], [sflag:$0x1] =	stream.indirect_vreg.gather [hbm4b:s3+s2], $0x80, v4, vm0, $0xb8;
	[tilespmem:$0x18180] =	vst v63  }
0x16b: {  	_ = 	snop  }
0x16c: {  	[tilespmem:s16], [sflag:$0x1] =	stream.indirect_vreg.gather [hbm4b:s3+s2], $0x80, v3, vm0, $0xb8;
	[tilespmem:$0x18180] =	vst v63  }
0x16d: {  	v3 =	vld [tilespmem:$0x40];
	_ =	sdelay $0x4  }
0x16e: {  	v44 =	vshll.u32 v3, $0x1  }
0x16f: {  	v3 =	vand.u32 $0x7, v3;
	v4 =	vand.u32 $0xFFFFFFF0, v44  }
0x170: {  	v3 =	vor.u32 v3, v4  }
0x171: {  	v4 =	vperm.xlane v3, v0;
	_ =	sdelay $0x1  }
0x172: {  	v3 =	vperm.xlane v3, v2;
	v4 =	vadd.s32 v1, v4;
	_ =	sdelay $0x1  }
0x173: {  	v3 =	vadd.s32 v1, v3;
	_ =	sdelay $0x2  }
0x174: {  	[tilespmem:s17], [sflag:$0x1] =	stream.indirect_vreg.gather [hbm4b:s3+s2], $0x80, v4, vm0, $0xb8;
	[tilespmem:$0x18180] =	vst v63  }
0x175: {  	_ = 	snop  }
0x176: {  	[tilespmem:s18], [sflag:$0x1] =	stream.indirect_vreg.gather [hbm4b:s3+s2], $0x80, v3, vm0, $0xb8;
	[tilespmem:$0x18180] =	vst v63  }
0x177: {  	v3 =	vld [tilespmem:$0x50];
	_ =	sdelay $0x4  }
0x178: {  	v45 =	vshll.u32 v3, $0x1  }
0x179: {  	v3 =	vand.u32 $0x7, v3;
	v4 =	vand.u32 $0xFFFFFFF0, v45  }
0x17a: {  	v3 =	vor.u32 v3, v4  }
0x17b: {  	v4 =	vperm.xlane v3, v0;
	_ =	sdelay $0x1  }
0x17c: {  	v3 =	vperm.xlane v3, v2;
	v4 =	vadd.s32 v1, v4;
	_ =	sdelay $0x1  }
0x17d: {  	v3 =	vadd.s32 v1, v3;
	_ =	sdelay $0x2  }
0x17e: {  	[tilespmem:s19], [sflag:$0x1] =	stream.indirect_vreg.gather [hbm4b:s3+s2], $0x80, v4, vm0, $0xb8;
	[tilespmem:$0x18180] =	vst v63  }
0x17f: {  	_ = 	snop  }
0x180: {  	[tilespmem:s20], [sflag:$0x1] =	stream.indirect_vreg.gather [hbm4b:s3+s2], $0x80, v3, vm0, $0xb8;
	[tilespmem:$0x18180] =	vst v63  }
0x181: {  	v3 =	vld [tilespmem:$0x60];
	_ =	sdelay $0x4  }
0x182: {  	v46 =	vshll.u32 v3, $0x1  }
0x183: {  	v3 =	vand.u32 $0x7, v3;
	v4 =	vand.u32 $0xFFFFFFF0, v46  }
0x184: {  	v3 =	vor.u32 v3, v4  }
0x185: {  	v4 =	vperm.xlane v3, v0;
	_ =	sdelay $0x1  }
0x186: {  	v3 =	vperm.xlane v3, v2;
	v4 =	vadd.s32 v1, v4;
	_ =	sdelay $0x1  }
0x187: {  	v3 =	vadd.s32 v1, v3;
	_ =	sdelay $0x2  }
0x188: {  	[tilespmem:s21], [sflag:$0x1] =	stream.indirect_vreg.gather [hbm4b:s3+s2], $0x80, v4, vm0, $0xb8;
	[tilespmem:$0x18180] =	vst v63  }
0x189: {  	_ = 	snop  }
0x18a: {  	[tilespmem:s22], [sflag:$0x1] =	stream.indirect_vreg.gather [hbm4b:s3+s2], $0x80, v3, vm0, $0xb8;
	[tilespmem:$0x18180] =	vst v63  }
0x18b: {  	v3 =	vld [tilespmem:$0x70];
	_ =	sdelay $0x4  }
0x18c: {  	v47 =	vshll.u32 v3, $0x1  }
0x18d: {  	v3 =	vand.u32 $0x7, v3;
	v4 =	vand.u32 $0xFFFFFFF0, v47  }
0x18e: {  	v3 =	vor.u32 v3, v4  }
0x18f: {  	v4 =	vperm.xlane v3, v0;
	_ =	sdelay $0x1  }
0x190: {  	v3 =	vperm.xlane v3, v2;
	v4 =	vadd.s32 v1, v4;
	_ =	sdelay $0x1  }
0x191: {  	v3 =	vadd.s32 v1, v3;
	_ =	sdelay $0x2  }
0x192: {  	[tilespmem:s23], [sflag:$0x1] =	stream.indirect_vreg.gather [hbm4b:s3+s2], $0x80, v4, vm0, $0xb8;
	[tilespmem:$0x18180] =	vst v63  }
0x193: {  	_ = 	snop  }
0x194: {  	[tilespmem:s25], [sflag:$0x1] =	stream.indirect_vreg.gather [hbm4b:s3+s2], $0x80, v3, vm0, $0xb8;
	[tilespmem:$0x18180] =	vst v63  }
0x195: {  	v3 =	vld [tilespmem:$0x80];
	_ =	sdelay $0x4  }
0x196: {  	v48 =	vshll.u32 v3, $0x1  }
0x197: {  	v3 =	vand.u32 $0x7, v3;
	v4 =	vand.u32 $0xFFFFFFF0, v48  }
0x198: {  	v3 =	vor.u32 v3, v4  }
0x199: {  	v4 =	vperm.xlane v3, v0;
	_ =	sdelay $0x1  }
0x19a: {  	v3 =	vperm.xlane v3, v2;
	v4 =	vadd.s32 v1, v4;
	_ =	sdelay $0x1  }
0x19b: {  	v3 =	vadd.s32 v1, v3;
	_ =	sdelay $0x2  }
0x19c: {  	[tilespmem:s14], [sflag:$0x1] =	stream.indirect_vreg.gather [hbm4b:s3+s2], $0x80, v4, vm0, $0xb8;
	[tilespmem:$0x18180] =	vst v63  }
0x19d: {  	_ = 	snop  }
0x19e: {  	[tilespmem:s26], [sflag:$0x1] =	stream.indirect_vreg.gather [hbm4b:s3+s2], $0x80, v3, vm0, $0xb8;
	[tilespmem:$0x18180] =	vst v63  }
0x19f: {  	v3 =	vld [tilespmem:$0x90];
	_ =	sdelay $0x4  }
0x1a0: {  	v49 =	vshll.u32 v3, $0x1  }
0x1a1: {  	v3 =	vand.u32 $0x7, v3;
	v4 =	vand.u32 $0xFFFFFFF0, v49  }
0x1a2: {  	v3 =	vor.u32 v3, v4  }
0x1a3: {  	v4 =	vperm.xlane v3, v0;
	_ =	sdelay $0x1  }
0x1a4: {  	v3 =	vperm.xlane v3, v2;
	v4 =	vadd.s32 v1, v4;
	_ =	sdelay $0x1  }
0x1a5: {  	v3 =	vadd.s32 v1, v3;
	_ =	sdelay $0x2  }
0x1a6: {  	[tilespmem:s28], [sflag:$0x1] =	stream.indirect_vreg.gather [hbm4b:s3+s2], $0x80, v4, vm0, $0xb8;
	[tilespmem:$0x18180] =	vst v63  }
0x1a7: {  	_ = 	snop  }
0x1a8: {  	[tilespmem:s29], [sflag:$0x1] =	stream.indirect_vreg.gather [hbm4b:s3+s2], $0x80, v3, vm0, $0xb8;
	[tilespmem:$0x18180] =	vst v63  }
0x1a9: {  	v3 =	vld [tilespmem:$0xA0];
	_ =	sdelay $0x4  }
0x1aa: {  	v50 =	vshll.u32 v3, $0x1  }
0x1ab: {  	v3 =	vand.u32 $0x7, v3;
	v4 =	vand.u32 $0xFFFFFFF0, v50  }
0x1ac: {  	v3 =	vor.u32 v3, v4  }
0x1ad: {  	v4 =	vperm.xlane v3, v0;
	_ =	sdelay $0x1  }
0x1ae: {  	v3 =	vperm.xlane v3, v2;
	v4 =	vadd.s32 v1, v4;
	_ =	sdelay $0x1  }
0x1af: {  	v3 =	vadd.s32 v1, v3;
	_ =	sdelay $0x2  }
0x1b0: {  	[tilespmem:s30], [sflag:$0x1] =	stream.indirect_vreg.gather [hbm4b:s3+s2], $0x80, v4, vm0, $0xb8;
	[tilespmem:$0x18180] =	vst v63  }
0x1b1: {  	_ = 	snop  }
0x1b2: {  	[tilespmem:s31], [sflag:$0x1] =	stream.indirect_vreg.gather [hbm4b:s3+s2], $0x80, v3, vm0, $0xb8;
	[tilespmem:$0x18180] =	vst v63  }
0x1b3: {  	v3 =	vld [tilespmem:$0xB0];
	_ =	sdelay $0x4  }
0x1b4: {  	v51 =	vshll.u32 v3, $0x1  }
0x1b5: {  	v3 =	vand.u32 $0x7, v3;
	v4 =	vand.u32 $0xFFFFFFF0, v51  }
0x1b6: {  	v3 =	vor.u32 v3, v4  }
0x1b7: {  	v4 =	vperm.xlane v3, v0;
	_ =	sdelay $0x1  }
0x1b8: {  	v3 =	vperm.xlane v3, v2;
	v4 =	vadd.s32 v1, v4;
	_ =	sdelay $0x1  }
0x1b9: {  	v3 =	vadd.s32 v1, v3;
	_ =	sdelay $0x1  }
0x1ba: {  	s8 =	simm.s32 $0xB180  }
0x1bb: {  	[tilespmem:s8], [sflag:$0x1] =	stream.indirect_vreg.gather [hbm4b:s3+s2], $0x80, v4, vm0, $0xb8;
	[tilespmem:$0x18180] =	vst v63  }
0x1bc: {  	_ = 	snop  }
0x1bd: {  	[tilespmem:s24], [sflag:$0x1] =	stream.indirect_vreg.gather [hbm4b:s3+s2], $0x80, v3, vm0, $0xb8;
	[tilespmem:$0x18180] =	vst v63  }
0x1be: {  	v3 =	vld [tilespmem:$0xC0];
	_ =	sdelay $0x4  }
0x1bf: {  	v52 =	vshll.u32 v3, $0x1  }
0x1c0: {  	v3 =	vand.u32 $0x7, v3;
	v4 =	vand.u32 $0xFFFFFFF0, v52  }
0x1c1: {  	v3 =	vor.u32 v3, v4  }
0x1c2: {  	v4 =	vperm.xlane v3, v0;
	_ =	sdelay $0x1  }
0x1c3: {  	v3 =	vperm.xlane v3, v2;
	v4 =	vadd.s32 v1, v4;
	_ =	sdelay $0x1  }
0x1c4: {  	v3 =	vadd.s32 v1, v3;
	_ =	sdelay $0x1  }
0x1c5: {  	s8 =	simm.s32 $0xC180  }
0x1c6: {  	[tilespmem:s8], [sflag:$0x1] =	stream.indirect_vreg.gather [hbm4b:s3+s2], $0x80, v4, vm0, $0xb8;
	[tilespmem:$0x18180] =	vst v63  }
0x1c7: {  	s8 =	simm.s32 $0xC980  }
0x1c8: {  	[tilespmem:s8], [sflag:$0x1] =	stream.indirect_vreg.gather [hbm4b:s3+s2], $0x80, v3, vm0, $0xb8;
	[tilespmem:$0x18180] =	vst v63  }
0x1c9: {  	v3 =	vld [tilespmem:$0xD0];
	_ =	sdelay $0x4  }
0x1ca: {  	v53 =	vshll.u32 v3, $0x1  }
0x1cb: {  	v3 =	vand.u32 $0x7, v3;
	v4 =	vand.u32 $0xFFFFFFF0, v53  }
0x1cc: {  	v3 =	vor.u32 v3, v4  }
0x1cd: {  	v4 =	vperm.xlane v3, v0;
	_ =	sdelay $0x1  }
0x1ce: {  	v3 =	vperm.xlane v3, v2;
	v4 =	vadd.s32 v1, v4;
	_ =	sdelay $0x1  }
0x1cf: {  	v3 =	vadd.s32 v1, v3;
	_ =	sdelay $0x1  }
0x1d0: {  	s8 =	simm.s32 $0xD180  }
0x1d1: {  	[tilespmem:s8], [sflag:$0x1] =	stream.indirect_vreg.gather [hbm4b:s3+s2], $0x80, v4, vm0, $0xb8;
	[tilespmem:$0x18180] =	vst v63  }
0x1d2: {  	s8 =	simm.s32 $0xD980  }
0x1d3: {  	[tilespmem:s8], [sflag:$0x1] =	stream.indirect_vreg.gather [hbm4b:s3+s2], $0x80, v3, vm0, $0xb8;
	[tilespmem:$0x18180] =	vst v63  }
0x1d4: {  	v3 =	vld [tilespmem:$0xE0];
	_ =	sdelay $0x4  }
0x1d5: {  	v54 =	vshll.u32 v3, $0x1  }
0x1d6: {  	v3 =	vand.u32 $0x7, v3;
	v4 =	vand.u32 $0xFFFFFFF0, v54  }
0x1d7: {  	v3 =	vor.u32 v3, v4  }
0x1d8: {  	v4 =	vperm.xlane v3, v0;
	_ =	sdelay $0x1  }
0x1d9: {  	v3 =	vperm.xlane v3, v2;
	v4 =	vadd.s32 v1, v4;
	_ =	sdelay $0x1  }
0x1da: {  	v3 =	vadd.s32 v1, v3;
	_ =	sdelay $0x1  }
0x1db: {  	s8 =	simm.s32 $0xE180  }
0x1dc: {  	[tilespmem:s8], [sflag:$0x1] =	stream.indirect_vreg.gather [hbm4b:s3+s2], $0x80, v4, vm0, $0xb8;
	[tilespmem:$0x18180] =	vst v63  }
0x1dd: {  	s8 =	simm.s32 $0xE980  }
0x1de: {  	[tilespmem:s8], [sflag:$0x1] =	stream.indirect_vreg.gather [hbm4b:s3+s2], $0x80, v3, vm0, $0xb8;
	[tilespmem:$0x18180] =	vst v63  }
0x1df: {  	v3 =	vld [tilespmem:$0xF0];
	_ =	sdelay $0x4  }
0x1e0: {  	v55 =	vshll.u32 v3, $0x1  }
0x1e1: {  	v3 =	vand.u32 $0x7, v3;
	v4 =	vand.u32 $0xFFFFFFF0, v55  }
0x1e2: {  	v3 =	vor.u32 v3, v4  }
0x1e3: {  	v4 =	vperm.xlane v3, v0;
	_ =	sdelay $0x1  }
0x1e4: {  	v3 =	vperm.xlane v3, v2;
	v4 =	vadd.s32 v1, v4;
	_ =	sdelay $0x1  }
0x1e5: {  	v3 =	vadd.s32 v1, v3;
	_ =	sdelay $0x1  }
0x1e6: {  	s8 =	simm.s32 $0xF180  }
0x1e7: {  	[tilespmem:s8], [sflag:$0x1] =	stream.indirect_vreg.gather [hbm4b:s3+s2], $0x80, v4, vm0, $0xb8;
	[tilespmem:$0x18180] =	vst v63  }
0x1e8: {  	s8 =	simm.s32 $0xF980  }
0x1e9: {  	[tilespmem:s8], [sflag:$0x1] =	stream.indirect_vreg.gather [hbm4b:s3+s2], $0x80, v3, vm0, $0xb8;
	[tilespmem:$0x18180] =	vst v63  }
0x1ea: {  	v3 =	vld [tilespmem:$0x100];
	_ =	sdelay $0x4  }
0x1eb: {  	v56 =	vshll.u32 v3, $0x1  }
0x1ec: {  	v3 =	vand.u32 $0x7, v3;
	v4 =	vand.u32 $0xFFFFFFF0, v56  }
0x1ed: {  	v3 =	vor.u32 v3, v4  }
0x1ee: {  	v4 =	vperm.xlane v3, v0;
	_ =	sdelay $0x1  }
0x1ef: {  	v3 =	vperm.xlane v3, v2;
	v4 =	vadd.s32 v1, v4;
	_ =	sdelay $0x1  }
0x1f0: {  	v3 =	vadd.s32 v1, v3;
	_ =	sdelay $0x2  }
0x1f1: {  	[tilespmem:s6], [sflag:$0x1] =	stream.indirect_vreg.gather [hbm4b:s3+s2], $0x80, v4, vm0, $0xb8;
	[tilespmem:$0x18180] =	vst v63  }
0x1f2: {  	s8 =	simm.s32 $0x10980  }
0x1f3: {  	[tilespmem:s8], [sflag:$0x1] =	stream.indirect_vreg.gather [hbm4b:s3+s2], $0x80, v3, vm0, $0xb8;
	[tilespmem:$0x18180] =	vst v63  }
0x1f4: {  	v3 =	vld [tilespmem:$0x110];
	_ =	sdelay $0x4  }
0x1f5: {  	v57 =	vshll.u32 v3, $0x1  }
0x1f6: {  	v3 =	vand.u32 $0x7, v3;
	v4 =	vand.u32 $0xFFFFFFF0, v57  }
0x1f7: {  	v3 =	vor.u32 v3, v4  }
0x1f8: {  	v4 =	vperm.xlane v3, v0;
	_ =	sdelay $0x1  }
0x1f9: {  	v3 =	vperm.xlane v3, v2;
	v4 =	vadd.s32 v1, v4;
	_ =	sdelay $0x1  }
0x1fa: {  	v3 =	vadd.s32 v1, v3;
	_ =	sdelay $0x1  }
0x1fb: {  	s8 =	simm.s32 $0x11180  }
0x1fc: {  	[tilespmem:s8], [sflag:$0x1] =	stream.indirect_vreg.gather [hbm4b:s3+s2], $0x80, v4, vm0, $0xb8;
	[tilespmem:$0x18180] =	vst v63  }
0x1fd: {  	s8 =	simm.s32 $0x11980  }
0x1fe: {  	[tilespmem:s8], [sflag:$0x1] =	stream.indirect_vreg.gather [hbm4b:s3+s2], $0x80, v3, vm0, $0xb8;
	[tilespmem:$0x18180] =	vst v63  }
0x1ff: {  	v3 =	vld [tilespmem:$0x120];
	_ =	sdelay $0x4  }
0x200: {  	v58 =	vshll.u32 v3, $0x1  }
0x201: {  	v3 =	vand.u32 $0x7, v3;
	v4 =	vand.u32 $0xFFFFFFF0, v58  }
0x202: {  	v3 =	vor.u32 v3, v4  }
0x203: {  	v4 =	vperm.xlane v3, v0;
	_ =	sdelay $0x1  }
0x204: {  	v3 =	vperm.xlane v3, v2;
	v4 =	vadd.s32 v1, v4;
	_ =	sdelay $0x1  }
0x205: {  	v3 =	vadd.s32 v1, v3;
	_ =	sdelay $0x1  }
0x206: {  	s8 =	simm.s32 $0x12180  }
0x207: {  	[tilespmem:s8], [sflag:$0x1] =	stream.indirect_vreg.gather [hbm4b:s3+s2], $0x80, v4, vm0, $0xb8;
	[tilespmem:$0x18180] =	vst v63  }
0x208: {  	s8 =	simm.s32 $0x12980  }
0x209: {  	[tilespmem:s8], [sflag:$0x1] =	stream.indirect_vreg.gather [hbm4b:s3+s2], $0x80, v3, vm0, $0xb8;
	[tilespmem:$0x18180] =	vst v63  }
0x20a: {  	v3 =	vld [tilespmem:$0x130];
	_ =	sdelay $0x4  }
0x20b: {  	v59 =	vshll.u32 v3, $0x1  }
0x20c: {  	v3 =	vand.u32 $0x7, v3;
	v4 =	vand.u32 $0xFFFFFFF0, v59  }
0x20d: {  	v3 =	vor.u32 v3, v4  }
0x20e: {  	v4 =	vperm.xlane v3, v0;
	_ =	sdelay $0x1  }
0x20f: {  	v3 =	vperm.xlane v3, v2;
	v4 =	vadd.s32 v1, v4;
	_ =	sdelay $0x1  }
0x210: {  	v3 =	vadd.s32 v1, v3;
	_ =	sdelay $0x1  }
0x211: {  	s8 =	simm.s32 $0x13180  }
0x212: {  	[tilespmem:s8], [sflag:$0x1] =	stream.indirect_vreg.gather [hbm4b:s3+s2], $0x80, v4, vm0, $0xb8;
	[tilespmem:$0x18180] =	vst v63  }
0x213: {  	s8 =	simm.s32 $0x13980  }
0x214: {  	[tilespmem:s8], [sflag:$0x1] =	stream.indirect_vreg.gather [hbm4b:s3+s2], $0x80, v3, vm0, $0xb8;
	[tilespmem:$0x18180] =	vst v63  }
0x215: {  	v3 =	vld [tilespmem:$0x140];
	_ =	sdelay $0x4  }
0x216: {  	v60 =	vshll.u32 v3, $0x1  }
0x217: {  	v3 =	vand.u32 $0x7, v3;
	v4 =	vand.u32 $0xFFFFFFF0, v60  }
0x218: {  	v3 =	vor.u32 v3, v4  }
0x219: {  	v4 =	vperm.xlane v3, v0;
	_ =	sdelay $0x1  }
0x21a: {  	v3 =	vperm.xlane v3, v2;
	v4 =	vadd.s32 v1, v4;
	_ =	sdelay $0x1  }
0x21b: {  	v3 =	vadd.s32 v1, v3;
	_ =	sdelay $0x1  }
0x21c: {  	s8 =	simm.s32 $0x14180  }
0x21d: {  	[tilespmem:s8], [sflag:$0x1] =	stream.indirect_vreg.gather [hbm4b:s3+s2], $0x80, v4, vm0, $0xb8;
	[tilespmem:$0x18180] =	vst v63  }
0x21e: {  	s8 =	simm.s32 $0x14980  }
0x21f: {  	[tilespmem:s8], [sflag:$0x1] =	stream.indirect_vreg.gather [hbm4b:s3+s2], $0x80, v3, vm0, $0xb8;
	[tilespmem:$0x18180] =	vst v63  }
0x220: {  	v3 =	vld [tilespmem:$0x150];
	_ =	sdelay $0x4  }
0x221: {  	v61 =	vshll.u32 v3, $0x1  }
0x222: {  	v3 =	vand.u32 $0x7, v3;
	v4 =	vand.u32 $0xFFFFFFF0, v61  }
0x223: {  	v3 =	vor.u32 v3, v4  }
0x224: {  	v4 =	vperm.xlane v3, v0;
	_ =	sdelay $0x1  }
0x225: {  	v3 =	vperm.xlane v3, v2;
	v4 =	vadd.s32 v1, v4;
	_ =	sdelay $0x1  }
0x226: {  	v3 =	vadd.s32 v1, v3;
	_ =	sdelay $0x1  }
0x227: {  	s8 =	simm.s32 $0x15180  }
0x228: {  	[tilespmem:s8], [sflag:$0x1] =	stream.indirect_vreg.gather [hbm4b:s3+s2], $0x80, v4, vm0, $0xb8;
	[tilespmem:$0x18180] =	vst v63  }
0x229: {  	s8 =	simm.s32 $0x15980  }
0x22a: {  	[tilespmem:s8], [sflag:$0x1] =	stream.indirect_vreg.gather [hbm4b:s3+s2], $0x80, v3, vm0, $0xb8;
	[tilespmem:$0x18180] =	vst v63  }
0x22b: {  	v3 =	vld [tilespmem:$0x160];
	_ =	sdelay $0x4  }
0x22c: {  	v62 =	vshll.u32 v3, $0x1  }
0x22d: {  	v3 =	vand.u32 $0x7, v3;
	v4 =	vand.u32 $0xFFFFFFF0, v62  }
0x22e: {  	v3 =	vor.u32 v3, v4  }
0x22f: {  	v4 =	vperm.xlane v3, v0;
	_ =	sdelay $0x1  }
0x230: {  	v3 =	vperm.xlane v3, v2;
	v4 =	vadd.s32 v1, v4;
	_ =	sdelay $0x1  }
0x231: {  	v3 =	vadd.s32 v1, v3;
	_ =	sdelay $0x1  }
0x232: {  	s8 =	simm.s32 $0x16180  }
0x233: {  	[tilespmem:s8], [sflag:$0x1] =	stream.indirect_vreg.gather [hbm4b:s3+s2], $0x80, v4, vm0, $0xb8;
	[tilespmem:$0x18180] =	vst v63  }
0x234: {  	s8 =	simm.s32 $0x16980  }
0x235: {  	[tilespmem:s8], [sflag:$0x1] =	stream.indirect_vreg.gather [hbm4b:s3+s2], $0x80, v3, vm0, $0xb8;
	[tilespmem:$0x18180] =	vst v63  }
0x236: {  	v3 =	vld [tilespmem:$0x170];
	_ =	sdelay $0x4  }
0x237: {  	v63 =	vshll.u32 v3, $0x1  }
0x238: {  	v3 =	vand.u32 $0x7, v3;
	v4 =	vand.u32 $0xFFFFFFF0, v63  }
0x239: {  	v3 =	vor.u32 v3, v4  }
0x23a: {  	v4 =	vperm.xlane v3, v0;
	_ =	sdelay $0x1  }
0x23b: {  	v3 =	vperm.xlane v3, v2;
	v4 =	vadd.s32 v1, v4;
	_ =	sdelay $0x1  }
0x23c: {  	v3 =	vadd.s32 v1, v3;
	_ =	sdelay $0x1  }
0x23d: {  	s8 =	simm.s32 $0x17180  }
0x23e: {  	[tilespmem:s8], [sflag:$0x1] =	stream.indirect_vreg.gather [hbm4b:s3+s2], $0x80, v4, vm0, $0xb8;
	[tilespmem:$0x18180] =	vst v63  }
0x23f: {  	s8 =	simm.s32 $0x17980  }
0x240: {  	[tilespmem:s8], [sflag:$0x1] =	stream.indirect_vreg.gather [hbm4b:s3+s2], $0x80, v3, vm0, $0xb8;
	[tilespmem:$0x18180] =	vst v63  }
0x241: {  	_ =	swait.ge [sflag:s0], $0x8000  }
0x242: {  	[sflag:s0] =	ssyncset.done $0x0  }
0x243: {  	[sflag:s0] =	ssyncadd.s32 $0xFFFF8000  }
0x244: {  	_ =	swait.ge [sflag:s0], $0x8000  }
0x245: {  	[sflag:s0] =	ssyncset.done $0x0  }
0x246: {  	[sflag:s0] =	ssyncadd.s32 $0xFFFF8000  }
0x247: {  	_ =	swait.ge [sflag:s0], $0x8000  }
0x248: {  	[sflag:s0] =	ssyncset.done $0x0  }
0x249: {  	s4 =	simm.s32 $0x180;
	s8 =	rddreg [dreg:$0xb];
	[sflag:s0] =	ssyncadd.s32 $0xFFFF8000  }
0x24a: {  	[hbm4b:s8+s2] =	stream.linear.scatter [tilespmem:s4], [sflag:$0x2], $0x8000, $0x38;
	[tilespmem:$0x18180] =	vst v63  }
0x24b: {  	_ =	swait.ge [sflag:s5], $0x8000  }
0x24c: {  	[sflag:s5] =	ssyncset.done $0x0  }
0x24d: {  	s4 =	rddreg [dreg:$0xc];
	[sflag:s5] =	ssyncadd.s32 $0xFFFF8000  }
0x24e: {  	[hbm4b:s4+s2] =	stream.linear.scatter [tilespmem:s14], [sflag:$0x2], $0x8000, $0x38;
	[tilespmem:$0x18180] =	vst v63  }
0x24f: {  	_ =	swait.ge [sflag:s5], $0x8000  }
0x250: {  	p0 =	sne.s32 s7, $0x1;
	[sflag:s5] =	ssyncset.done $0x0  }
.Ltmp0:
0x251: {  	s8 =	rddreg [dreg:$0xd];
	[sflag:s5] =	ssyncadd.s32 $0xFFFF8000;
	(pc) =	sbr.rel @p0 .LBB2_1-.Ltmp0, $4  }
0x252: {  	[hbm4b:s8+s2] =	stream.linear.scatter [tilespmem:s6], [sflag:$0x2], $0x8000, $0x38;
	[tilespmem:$0x18180] =	vst v63  }
0x253: {  	_ =	swait.ge [sflag:s5], $0x8000  }
0x254: {  	[sflag:s5] =	ssyncset.done $0x0  }
0x255: {  	s7 =	sadd.s32 $0xFFFFFFFF, s7;
	[sflag:s5] =	ssyncadd.s32 $0xFFFF8000  }
0x256: {  	_ =	sfence.sel $0x180000  }
0x257: {  	[bflag:$0x0] =	sbarrier.arrive $0xFFFF  }
0x258: {  	_ =	strace $0x9000004D  }
0x259: {  	s0 =	stileid.u32;
	[bflag:$0x2] =	sbarrier.arrive $0xFFFF  }
0x25a: {  	p0 =	sne.s32 s0, $0x0;
	s0 =	rddreg [dreg:$0x1]  }
0x25b: {  	s0 =	sadd.s32 @!p0 $0x100000, s0  }
0x25c: {  	[sflag:s0] =	ssyncadd.tile.s32 @!p0 $0x1;
	_ =	shalt  }
.Lfunc_end2:
_tile_overlayer_lowered:
.L_overlay_start_2:
0x25d: {  	(tag) =	ssettag $0x2  }
0x25e: {  	s0 =	rddreg [dreg:$0x0];
	s2 =	stileid.u32  }
0x25f: {  	s1 =	rddreg [dreg:$0x1];
	p0 =	sne.s32 s2, $0x0  }
0x260: {  	s3 =	rddreg [dreg:$0x2];
	[bflag:$0x3] =	sbarrier.arrive $0xFFFF;
	s2 =	simm.s32 @!p0 $0x1C02  }
0x261: {  	[timem:s3], [sflag:s2] =	dma.local @!p0 [hbm:s0], s1  }
0x262: {  	s0 =	simm.s32 @!p0 $0x2  }
0x263: {  	_ =	swait.ge @!p0 [sflag:s0], s1  }
0x264: {  	s1 =	ssub.s32 @!p0 $0x0, s1;
	[sflag:s0] =	ssyncset.done @!p0 $0x0  }
0x265: {  	[sflag:s0] =	ssyncadd.s32 @!p0 s1  }
0x266: {  	[bflag:$0x3] =	sbarrier.arrive $0xFFFF  }
0x267: {  	_ =	shalt  }

// kernel: kernel.23.cloned.1.call-start
scs
__scs_entry_jumppad:
0x0: {  	(pc) =	sbr.rel $0x88, $3  }
0x1: {  	(tag) =	ssettag $0x0;
	lr =	simm.s32 $0x1  }
0x2: {  	[smem:$0x3F99] =	sst lr;
	_ =	strace $0xD0000000  }
0x3: {  	_ = 	snop  }
0x4: {  	_ = 	snop  }
0x5: {  	_ = 	snop  }
0x6: {  	_ = 	snop  }
0x7: {  	_ = 	snop  }
__scs_overlays_trampoline_lowered:
0x8: {  	[smem:$0x3FA8] =	sst s0  }
0x9: {  	[smem:$0x3FA9] =	sst s1  }
0xa: {  	[smem:$0x3FAA] =	sst s2  }
0xb: {  	[smem:$0x3FAB] =	sst s3  }
0xc: {  	[smem:$0x3FAC] =	sst s4  }
0xd: {  	[smem:$0x3FAD] =	sst s5  }
0xe: {  	[smem:$0x3FAE] =	sst s6  }
0xf: {  	[smem:$0x3FAF] =	sst s7  }
0x10: {  	[smem:$0x3FB0] =	sst s8  }
0x11: {  	[smem:$0x3FB1] =	sst s9;
	s0 =	simm.s32 @!p0 $0x0  }
0x12: {  	s1 =	sld [smem:$0x3F97];
	s0 =	simm.s32 @p0 $0x1  }
0x13: {  	[smem:$0x3FB2] =	sst s0;
	s0 =	simm.s32 @!p1 $0x0  }
0x14: {  	s2 =	sld [smem:$0x3F96];
	s0 =	simm.s32 @p1 $0x1  }
0x15: {  	[smem:$0x3FB3] =	sst s0;
	s0 =	simm.s32 @!p2 $0x0  }
0x16: {  	s3 =	sld [smem:$0x3FDB];
	s0 =	simm.s32 @p2 $0x1  }
0x17: {  	s4 =	simm.s32 $0x1BF5;
	[smem:$0x3FB5] =	sst s0  }
0x18: {  	s0 =	sld [smem:$0x3F98];
	_ =	swait.ge [sflag:s4], $0x0  }
0x19: {  	s7 =	sld [smem:$0x3F99]  }
0x1a: {  	s8 =	sadd.s32 $0xFFFFE003, lr  }
0x1b: {  	s9 =	sadd.s32 $0xFFFFFEF7, lr;
	s5 =	simm.s32 $0xFFFFFFFF;
	p2 =	slt.u32 s8, $0xFFFFF086  }
0x1c: {  	p1 =	slt.u32 s9, $0xF7A;
	s5 =	simm.s32 @!p2 $0x0  }
0x1d: {  	s5 =	simm.s32 @p1 $0x1;
	p0 =	seq.s32 s7, s2  }
0x1e: {  	s7 =	smul.u32 @!p0 $0xF7A, s2;
	p2 =	seq.s32 @!p0 s5, $0x0  }
0x1f: {  	s9 =	smul.u32 $0xF7A, s1;
	s8 =	simm.s32 @!p0 $0x1BF5;
	p2 =	por !p2, p0  }
0x20: {  	[sflag:s8] =	ssyncset.s32 @!p0 $0xFFFFF086;
	s6 =	sadd.s32 @!p0 s3, s7;
	s7 =	simm.s32 @!p0 $0x108  }
0x21: {  	s3 =	sadd.s32 s3, s9;
	s6 =	sadd.s32 @!p0 $0x88, s6;
	s7 =	simm.s32 @p2 $0x1082  }
0x22: {  	[simem:s7], [sflag:s8] =	dma.local @!p0 [hbm:s6], $0xF7A  }
0x23: {  	s9 =	sor.u32 $0xD0000000, s2;
	s6 =	simm.s32 $0x108;
	_ =	swait.ge @!p0 [sflag:s8], $0x0  }
0x24: {  	s3 =	sadd.s32 $0x88, s3;
	s6 =	simm.s32 @!p1 $0x1082;
	[sflag:s4] =	ssyncset.s32 $0xFFFFF086  }
0x25: {  	[simem:s6], [sflag:s4] =	dma.local [hbm:s3], $0xF7A  }
0x26: {  	[smem:$0x3F99] =	sst s1;
	(tag) =	ssettag s2;
	_ =	strace s9  }
0x27: {  	s1 =	sld [smem:$0x3FA9]  }
0x28: {  	s2 =	sld [smem:$0x3FAA]  }
0x29: {  	s4 =	sld [smem:$0x3FAC]  }
0x2a: {  	p0 =	seq.s32 s5, $0x0;
	s5 =	sld [smem:$0x3FAD]  }
0x2b: {  	s6 =	sld [smem:$0x3FAE]  }
0x2c: {  	s7 =	sld [smem:$0x3FAF]  }
0x2d: {  	s3 =	simm.s32 $0x108;
	s8 =	sld [smem:$0x3FB0]  }
0x2e: {  	s3 =	simm.s32 @!p0 $0x1082;
	s9 =	sld [smem:$0x3FB1]  }
0x2f: {  	lr =	sadd.s32 s0, s3;
	s0 =	sld [smem:$0x3FA8]  }
0x30: {  	s3 =	sld [smem:$0x3FAB]  }
0x31: {  	[smem:$0x3FB4] =	sst s10  }
0x32: {  	s10 =	sld [smem:$0x3FB2];
	_ =	sdelay $0x3  }
0x33: {  	p0 =	seq.s32 s10, $0x1;
	s10 =	sld [smem:$0x3FB4];
	_ =	sdelay $0x3  }
0x34: {  	[smem:$0x3FB4] =	sst s10  }
0x35: {  	s10 =	sld [smem:$0x3FB3];
	_ =	sdelay $0x3  }
0x36: {  	p1 =	seq.s32 s10, $0x1;
	s10 =	sld [smem:$0x3FB4];
	_ =	sdelay $0x3  }
0x37: {  	[smem:$0x3FB4] =	sst s10  }
0x38: {  	s10 =	sld [smem:$0x3FB5]  }
0x39: {  	_ = 	snop;
	(pc) =	sbr.ind lr, $3  }
0x3a: {  	_ = 	snop  }
0x3b: {  	_ = 	snop  }
0x3c: {  	p2 =	seq.s32 s10, $0x1;
	s10 =	sld [smem:$0x3FB4]  }
0x3d: {  	_ =	shalt  }
0x3e: {  	_ =	shalt  }
0x3f: {  	_ =	shalt  }
0x40: {  	_ =	shalt  }
0x41: {  	_ =	shalt  }
0x42: {  	_ =	shalt  }
0x43: {  	_ =	shalt  }
0x44: {  	_ =	shalt  }
0x45: {  	_ =	shalt  }
0x46: {  	_ =	shalt  }
0x47: {  	_ =	shalt  }
0x48: {  	_ =	shalt  }
0x49: {  	_ =	shalt  }
0x4a: {  	_ =	shalt  }
0x4b: {  	_ =	shalt  }
0x4c: {  	_ =	shalt  }
0x4d: {  	_ =	shalt  }
0x4e: {  	_ =	shalt  }
0x4f: {  	_ =	shalt  }
0x50: {  	_ =	shalt  }
0x51: {  	_ =	shalt  }
0x52: {  	_ =	shalt  }
0x53: {  	_ =	shalt  }
0x54: {  	_ =	shalt  }
0x55: {  	_ =	shalt  }
0x56: {  	_ =	shalt  }
0x57: {  	_ =	shalt  }
0x58: {  	_ =	shalt  }
0x59: {  	_ =	shalt  }
0x5a: {  	_ =	shalt  }
0x5b: {  	_ =	shalt  }
0x5c: {  	_ =	shalt  }
0x5d: {  	_ =	shalt  }
0x5e: {  	_ =	shalt  }
0x5f: {  	_ =	shalt  }
0x60: {  	_ =	shalt  }
0x61: {  	_ =	shalt  }
0x62: {  	_ =	shalt  }
0x63: {  	_ =	shalt  }
0x64: {  	_ =	shalt  }
0x65: {  	_ =	shalt  }
0x66: {  	_ =	shalt  }
0x67: {  	_ =	shalt  }
0x68: {  	_ =	shalt  }
0x69: {  	_ =	shalt  }
0x6a: {  	_ =	shalt  }
0x6b: {  	_ =	shalt  }
0x6c: {  	_ =	shalt  }
0x6d: {  	_ =	shalt  }
0x6e: {  	_ =	shalt  }
0x6f: {  	_ =	shalt  }
0x70: {  	_ =	shalt  }
0x71: {  	_ =	shalt  }
0x72: {  	_ =	shalt  }
0x73: {  	_ =	shalt  }
0x74: {  	_ =	shalt  }
0x75: {  	_ =	shalt  }
0x76: {  	_ =	shalt  }
0x77: {  	_ =	shalt  }
0x78: {  	_ =	shalt  }
0x79: {  	_ =	shalt  }
0x7a: {  	_ =	shalt  }
0x7b: {  	_ =	shalt  }
0x7c: {  	_ =	shalt  }
0x7d: {  	_ =	shalt  }
0x7e: {  	_ =	shalt  }
0x7f: {  	_ =	shalt  }
0x80: {  	_ =	shalt  }
0x81: {  	_ =	shalt  }
0x82: {  	_ =	shalt  }
0x83: {  	_ =	shalt  }
0x84: {  	_ =	shalt  }
0x85: {  	_ =	shalt  }
0x86: {  	_ =	shalt  }
0x87: {  	_ =	shalt  }
.Lfunc_end0:
.L_simem_size_0:
called_computation.3_lowered:
.L_overlay_start_0:
0x88: {  	s2 =	sld [smem:$0x3FD9]  }
0x89: {  	s3 =	sld [smem:$0x3FFE];
	_ =	sdelay $0x1  }
0x8a: {  	s1 =	srdreg.scid  }
0x8b: {  	s0 =	sand.u32 $0x1, s1  }
0x8c: {  	s15 =	sshll.u32 s0, $0xA;
	s2 =	sadd.s32 s3, s2  }
0x8d: {  	s2 =	sadd.s32 s2, s15  }
0x8e: {  	[smem:$0x3FC0] =	sst s2  }
0x8f: {  	_ = 	snop  }
0x90: {  	s2 =	sld [smem:$0x3FD0];
	_ =	sdelay $0x2  }
0x91: {  	s16 =	simm.s32 $0xD;
	s4 =	simm.s32 $0x10  }
0x92: {  	[smem:s4], [sflag:s16] =	dma.local [hbm:s2], $0x1  }
0x93: {  	_ =	swait.eq [sflag:s16], $0x1  }
0x94: {  	[sflag:s16] =	ssyncset.done $0x0  }
0x95: {  	s17 =	sld [smem:$0x10];
	[sflag:s16] =	ssyncadd.s32 $0xFFFFFFFF  }
0x96: {  	s18 =	sld [smem:$0x11];
	(tm) =	ssettm $0x1  }
0x97: {  	s19 =	sld [smem:$0x3FFB];
	_ =	sdelay $0x3  }
0x98: {  	_ =	strace s19  }
0x99: {  	s2 =	sld [smem:$0x3FFC];
	_ =	sdelay $0x3  }
0x9a: {  	_ =	strace s2  }
0x9b: {  	s2 =	sld [smem:$0x3FFD];
	_ =	sdelay $0x3  }
0x9c: {  	_ =	strace s2  }
0x9d: {  	_ =	strace $0x8FFFFFFF  }
0x9e: {  	s20 =	sld [smem:$0x3FDB];
	_ =	sdelay $0x1  }
0x9f: {  	s5 =	simm.s32 $_scs_section_size  }
0xa0: {  	s6 =	simm.s32 $_size__tile_overlayer_lowered;
	s7 =	simm.s32 $_tile_overlayer_lowered  }
0xa1: {  	s8 =	simm.s32 $0x1BFF;
	s21 =	sshll.u32 s7, $0x1;
	s5 =	sadd.s32 s5, s20  }
0xa2: {  	s22 =	simm.s32 $0x0;
	s6 =	sshll.u32 s6, $0x1;
	s7 =	sadd.s32 s21, s5  }
0xa3: {  	[timem:s22], [sflag:s8] =	dma.local [hbm:s7], s6  }
0xa4: {  	_ =	swait.ge [sflag:s8], s6  }
0xa5: {  	s6 =	ssub.s32 $0x0, s6;
	[sflag:s8] =	ssyncset.done $0x0  }
0xa6: {  	[sflag:s8] =	ssyncadd.s32 s6;
	_ =	sdelay $0x1  }
0xa7: {  	s23 =	simm.s32 $0x1B8B  }
0xa8: {  	_ =	swait.ge [sflag:s23], $0x1  }
0xa9: {  	[sflag:s23] =	ssyncset.done $0x0  }
0xaa: {  	[sflag:s23] =	ssyncadd.s32 $0xFFFFFFFF  }
0xab: {  	s6 =	sld [smem:$0x0]  }
0xac: {  	s7 =	sand.u32 $0xFFFFFFFE, s1  }
0xad: {  	p0 =	sne.s32 s1, s7  }
0xae: {  	s7 =	sshll.u32 @p0 s7, $0xE  }
0xaf: {  	s7 =	sadd.s32 @p0 $0x11B8D, s7;
	s8 =	sshll.u32 @p0 s6, $0x11  }
0xb0: {  	s7 =	sor.u32 @p0 s8, s7  }
0xb1: {  	[sflag:s7] =	ssyncadd.remote.s32 @p0 $0x1;
	_ =	sdelay $0x1  }
0xb2: {  	s7 =	simm.s32 @p0 $0x1B8D  }
0xb3: {  	_ =	swait.eq @p0 [sflag:s7], $0x1  }
0xb4: {  	[sflag:s7] =	ssyncadd.s32 @p0 $0xFFFFFFFF  }
0xb5: {  	s8 =	sshll.u32 @!p0 s1, $0xE  }
0xb6: {  	s8 =	sor.u32 @!p0 $0x4000, s8;
	s7 =	simm.s32 @!p0 $0x1B8D  }
0xb7: {  	s6 =	sshll.u32 @!p0 s6, $0x11;
	s8 =	sadd.s32 @!p0 $0x11B8D, s8;
	_ =	swait.eq @!p0 [sflag:s7], $0x1  }
0xb8: {  	s6 =	sor.u32 @!p0 s6, s8;
	[sflag:s7] =	ssyncadd.s32 @!p0 $0xFFFFFFFF  }
0xb9: {  	s25 =	simm.s32 $0x1B8E;
	s24 =	sld [smem:$0x3FFE];
	[sflag:s6] =	ssyncadd.remote.s32 @!p0 $0x1  }
0xba: {  	s26 =	simm.s32 $execute0_lowered;
	[smem:$0x3FD2] =	sst s25  }
0xbb: {  	s7 =	sshll.u32 s26, $0x1;
	_ =	strace $0x8000004F;
	[dreg:$0x1] =	wrdreg $0xFFFFFFFF  }
0xbc: {  	s28 =	simm.s32 $_size_execute0_lowered;
	s5 =	sadd.s32 s5, s7;
	[dreg:$0x0] =	wrdreg $0x0  }
0xbd: {  	s7 =	sshll.u32 s28, $0x1;
	[dreg:$0x2] =	wrdreg s5  }
0xbe: {  	[dreg:$0x3] =	wrdreg s7  }
0xbf: {  	[dreg:$0x4] =	wrdreg $0xC0  }
0xc0: {  	_ =	task [dreg:s22], $0x5FFFF  }
0xc1: {  	[dreg:$0x1] =	wrdreg $0xFFFFFFFF  }
0xc2: {  	[dreg:$0x0] =	wrdreg $0x60  }
0xc3: {  	[dreg:$0x2] =	wrdreg s17  }
0xc4: {  	[dreg:$0x3] =	wrdreg s24  }
0xc5: {  	[dreg:$0x4] =	wrdreg s18  }
0xc6: {  	[dreg:$0x5] =	wrdreg $0xC  }
0xc7: {  	_ =	task.clear_ibuf [dreg:s22], $0x6FFFF;
	_ =	strace $0x9000004F  }
0xc8: {  	s29 =	simm.s32 $0xC;
	_ =	strace $0x80000051  }
0xc9: {  	_ =	swait.ge [sflag:s29], $0x1  }
0xca: {  	[sflag:s29] =	ssyncadd.s32 $0xFFFFFFFF  }
0xcb: {  	_ =	strace $0x90000051  }
0xcc: {  	_ =	sfence  }
0xcd: {  	s30 =	sld [smem:$0x0];
	_ =	sdelay $0x2  }
0xce: {  	s31 =	sshll.u32 s1, $0xD;
	s1 =	sshrl.u32 s1, $0x2  }
0xcf: {  	s4 =	sand.u32 $0x4000, s31;
	s1 =	sadd.s32 s1, s30  }
0xd0: {  	s0 =	sor.u32 s4, s0;
	s1 =	sshll.u32 s1, $0x11  }
0xd1: {  	s0 =	sor.u32 s1, s0  }
0xd2: {  	s0 =	sadd.s32 $0x8F2B, s0  }
0xd3: {  	[sflag:s0] =	ssyncadd.remote.s32 $0x1  }
0xd4: {  	_ =	sfence.sel $0xFFFF  }
0xd5: {  	[dreg:$0x0] =	wrdreg $0xFFFFFFFF;
	(pc) =	sbr.abs _section_cstart, $3  }
0xd6: {  	[dreg:$0x1] =	wrdreg $0xFFFFFFFF  }
0xd7: {  	_ =	task.clear_ibuf [dreg:s22], $0x2FFFF;
	_ =	strace $0x9FFFFFFF  }
0xd8: {  	(tm) =	ssettm $0x7FFFFFFF  }
0xd9: {  	_ =	shalt  }
tec
execute0_lowered:
.L_overlay_start_1:
0x0: {  	(tag) =	ssettag $0x1  }
0x1: {  	s0 =	rddreg [dreg:$0x0]  }
0x2: {  	s1 =	rddreg [dreg:$0x1]  }
0x3: {  	s4 =	rddreg [dreg:$0x2]  }
0x4: {  	s2 =	srdreg.scid;
	s3 =	stileid.u32;
	s13 =	simm.s32 $0x2980  }
0x5: {  	s28 =	simm.s32 $0x9180;
	s29 =	simm.s32 $0x9980;
	s30 =	simm.s32 $0xA180  }
0x6: {  	s31 =	simm.s32 $0xA980;
	s5 =	sand.u32 $0x1, s2;
	s3 =	sshll.u32 s3, $0x9  }
0x7: {  	s2 =	simm.s32 $0x0;
	s7 =	sadd.s32 $0x288400, s1;
	s8 =	sadd.s32 $0x288800, s1  }
0x8: {  	s10 =	sadd.s32 $0x288C00, s1;
	s11 =	sadd.s32 $0x2C8C00, s1;
	s6 =	sshll.u32 s5, $0x8  }
0x9: {  	[smem:$0x7FF] =	sst s2;
	s5 =	ssub.s32 $0x2, s5;
	s3 =	sor.u32 s6, s3  }
0xa: {  	_ =	strace $0x80000050;
	s24 =	sshrl.u32 s5, $0x1;
	s6 =	sshrl.u32 s3, $0x3  }
0xb: {  	s15 =	sshll.u32 s3, $0x5;
	s12 =	sor.u32 $0x80, s3;
	s9 =	sadd.s32 s0, s6  }
0xc: {  	s3 =	sadd.s32 $0x278400, s1;
	s14 =	sadd.s32 s7, s6;
	[dreg:$0x4] =	wrdreg s9  }
0xd: {  	s6 =	sadd.s32 s8, s6;
	s16 =	sadd.s32 s4, s15;
	[dreg:$0x5] =	wrdreg s14  }
0xe: {  	s17 =	sadd.s32 s10, s15;
	s18 =	sadd.s32 s11, s15;
	[dreg:$0x6] =	wrdreg s6  }
0xf: {  	s19 =	sshrl.u32 s12, $0x3;
	s22 =	sshll.u32 s12, $0x5;
	[dreg:$0x7] =	wrdreg s16  }
0x10: {  	s12 =	simm.s32 $0x2180;
	s15 =	simm.s32 $0x3180;
	[dreg:$0x8] =	wrdreg s17  }
0x11: {  	[dreg:$0x9] =	wrdreg s18;
	s0 =	sadd.s32 s0, s19;
	s20 =	sadd.s32 s7, s19  }
0x12: {  	s21 =	sadd.s32 s8, s19;
	s23 =	sadd.s32 s4, s22;
	s25 =	sadd.s32 s10, s22  }
0x13: {  	s4 =	ssub.s32 s5, s24;
	s26 =	sadd.s32 s11, s22;
	s5 =	simm.s32 $0x2  }
0x14: {  	s9 =	simm.s32 $0x980;
	s10 =	simm.s32 $0x1180;
	[dreg:$0xa] =	wrdreg s0  }
0x15: {  	s11 =	simm.s32 $0x1980;
	s16 =	simm.s32 $0x3980;
	[dreg:$0xb] =	wrdreg s20  }
0x16: {  	s17 =	simm.s32 $0x4180;
	s18 =	simm.s32 $0x4980;
	[dreg:$0xc] =	wrdreg s21  }
0x17: {  	s19 =	simm.s32 $0x5180;
	s22 =	simm.s32 $0x6980;
	[dreg:$0xd] =	wrdreg s23  }
0x18: {  	s14 =	simm.s32 $0x8180;
	s24 =	simm.s32 $0xB980;
	[dreg:$0xe] =	wrdreg s25  }
0x19: {  	v2 =	vlaneseq.u32;
	s6 =	simm.s32 $0x10180;
	[dreg:$0xf] =	wrdreg s26;
	s7 =	smax.u32 s4, $0x1  }
0x1a: {  	vm0 =	vmmov $0xffff;
	v1 =	vshrl.u32 v2, $0x3;
	s0 =	simm.s32 $0x1;
	s20 =	simm.s32 $0x5980;
	s21 =	simm.s32 $0x6180  }
0x1b: {  	v0 =	vand.u32 $0x7, v2;
	v2 =	vor.u32 $0x8, v2;
	v1 =	vmul.u32 $0x8, v1;
	s23 =	simm.s32 $0x7180;
	s25 =	simm.s32 $0x7980;
	s26 =	simm.s32 $0x8980  }
.LBB2_1:
0x1c: {  	s1 =	rddreg [dreg:$0x4]  }
0x1d: {  	[tilespmem:s2], [sflag:$0x2] =	stream.linear.gather [hbm4b:s1+s2], $0x80, $0x38;
	[tilespmem:$0x18180] =	vst v63  }
0x1e: {  	_ =	swait.ge [sflag:s5], $0x80  }
0x1f: {  	[sflag:s5] =	ssyncset.done $0x0  }
0x20: {  	s4 =	simm.s32 $0x80;
	s8 =	rddreg [dreg:$0x5];
	[sflag:s5] =	ssyncadd.s32 $0xFFFFFF80  }
0x21: {  	[tilespmem:s4], [sflag:$0x2] =	stream.linear.gather [hbm4b:s8+s2], $0x80, $0x38;
	[tilespmem:$0x18180] =	vst v63  }
0x22: {  	_ =	swait.ge [sflag:s5], $0x80  }
0x23: {  	[sflag:s5] =	ssyncset.done $0x0  }
0x24: {  	s8 =	simm.s32 $0x100;
	s4 =	rddreg [dreg:$0x6];
	[sflag:s5] =	ssyncadd.s32 $0xFFFFFF80  }
0x25: {  	[tilespmem:s8], [sflag:$0x2] =	stream.linear.gather [hbm4b:s4+s2], $0x80, $0x38;
	[tilespmem:$0x18180] =	vst v63  }
0x26: {  	_ =	swait.ge [sflag:s5], $0x80  }
0x27: {  	[sflag:s5] =	ssyncset.done $0x0  }
0x28: {  	[sflag:s5] =	ssyncadd.s32 $0xFFFFFF80  }
0x29: {  	v3 =	vld [tilespmem:$0x0];
	_ =	sdelay $0x4  }
0x2a: {  	v4 =	vshll.u32 v3, $0x1  }
0x2b: {  	v3 =	vand.u32 $0x7, v3;
	v4 =	vand.u32 $0xFFFFFFF0, v4  }
0x2c: {  	v3 =	vor.u32 v3, v4  }
0x2d: {  	v4 =	vperm.xlane v3, v0;
	_ =	sdelay $0x1  }
0x2e: {  	v3 =	vperm.xlane v3, v2;
	v4 =	vadd.s32 v1, v4;
	_ =	sdelay $0x1  }
0x2f: {  	v3 =	vadd.s32 v1, v3;
	_ =	sdelay $0x1  }
0x30: {  	s4 =	simm.s32 $0x180  }
0x31: {  	[tilespmem:s4], [sflag:$0x1] =	stream.indirect_vreg.gather [hbm4b:s3+s2], $0x80, v4, vm0, $0xb8;
	[tilespmem:$0x18180] =	vst v63  }
0x32: {  	_ = 	snop  }
0x33: {  	[tilespmem:s9], [sflag:$0x1] =	stream.indirect_vreg.gather [hbm4b:s3+s2], $0x80, v3, vm0, $0xb8;
	[tilespmem:$0x18180] =	vst v63  }
0x34: {  	v3 =	vld [tilespmem:$0x10];
	_ =	sdelay $0x4  }
0x35: {  	v17 =	vshll.u32 v3, $0x1  }
0x36: {  	v3 =	vand.u32 $0x7, v3;
	v4 =	vand.u32 $0xFFFFFFF0, v17  }
0x37: {  	v3 =	vor.u32 v3, v4  }
0x38: {  	v4 =	vperm.xlane v3, v0;
	_ =	sdelay $0x1  }
0x39: {  	v3 =	vperm.xlane v3, v2;
	v4 =	vadd.s32 v1, v4;
	_ =	sdelay $0x1  }
0x3a: {  	v3 =	vadd.s32 v1, v3;
	_ =	sdelay $0x2  }
0x3b: {  	[tilespmem:s10], [sflag:$0x1] =	stream.indirect_vreg.gather [hbm4b:s3+s2], $0x80, v4, vm0, $0xb8;
	[tilespmem:$0x18180] =	vst v63  }
0x3c: {  	_ = 	snop  }
0x3d: {  	[tilespmem:s11], [sflag:$0x1] =	stream.indirect_vreg.gather [hbm4b:s3+s2], $0x80, v3, vm0, $0xb8;
	[tilespmem:$0x18180] =	vst v63  }
0x3e: {  	v3 =	vld [tilespmem:$0x20];
	_ =	sdelay $0x4  }
0x3f: {  	v18 =	vshll.u32 v3, $0x1  }
0x40: {  	v3 =	vand.u32 $0x7, v3;
	v4 =	vand.u32 $0xFFFFFFF0, v18  }
0x41: {  	v3 =	vor.u32 v3, v4  }
0x42: {  	v4 =	vperm.xlane v3, v0;
	_ =	sdelay $0x1  }
0x43: {  	v3 =	vperm.xlane v3, v2;
	v4 =	vadd.s32 v1, v4;
	_ =	sdelay $0x1  }
0x44: {  	v3 =	vadd.s32 v1, v3;
	_ =	sdelay $0x2  }
0x45: {  	[tilespmem:s12], [sflag:$0x1] =	stream.indirect_vreg.gather [hbm4b:s3+s2], $0x80, v4, vm0, $0xb8;
	[tilespmem:$0x18180] =	vst v63  }
0x46: {  	_ = 	snop  }
0x47: {  	[tilespmem:s13], [sflag:$0x1] =	stream.indirect_vreg.gather [hbm4b:s3+s2], $0x80, v3, vm0, $0xb8;
	[tilespmem:$0x18180] =	vst v63  }
0x48: {  	v3 =	vld [tilespmem:$0x30];
	_ =	sdelay $0x4  }
0x49: {  	v19 =	vshll.u32 v3, $0x1  }
0x4a: {  	v3 =	vand.u32 $0x7, v3;
	v4 =	vand.u32 $0xFFFFFFF0, v19  }
0x4b: {  	v3 =	vor.u32 v3, v4  }
0x4c: {  	v4 =	vperm.xlane v3, v0;
	_ =	sdelay $0x1  }
0x4d: {  	v3 =	vperm.xlane v3, v2;
	v4 =	vadd.s32 v1, v4;
	_ =	sdelay $0x1  }
0x4e: {  	v3 =	vadd.s32 v1, v3;
	_ =	sdelay $0x2  }
0x4f: {  	[tilespmem:s15], [sflag:$0x1] =	stream.indirect_vreg.gather [hbm4b:s3+s2], $0x80, v4, vm0, $0xb8;
	[tilespmem:$0x18180] =	vst v63  }
0x50: {  	_ = 	snop  }
0x51: {  	[tilespmem:s16], [sflag:$0x1] =	stream.indirect_vreg.gather [hbm4b:s3+s2], $0x80, v3, vm0, $0xb8;
	[tilespmem:$0x18180] =	vst v63  }
0x52: {  	v3 =	vld [tilespmem:$0x40];
	_ =	sdelay $0x4  }
0x53: {  	v20 =	vshll.u32 v3, $0x1  }
0x54: {  	v3 =	vand.u32 $0x7, v3;
	v4 =	vand.u32 $0xFFFFFFF0, v20  }
0x55: {  	v3 =	vor.u32 v3, v4  }
0x56: {  	v4 =	vperm.xlane v3, v0;
	_ =	sdelay $0x1  }
0x57: {  	v3 =	vperm.xlane v3, v2;
	v4 =	vadd.s32 v1, v4;
	_ =	sdelay $0x1  }
0x58: {  	v3 =	vadd.s32 v1, v3;
	_ =	sdelay $0x2  }
0x59: {  	[tilespmem:s17], [sflag:$0x1] =	stream.indirect_vreg.gather [hbm4b:s3+s2], $0x80, v4, vm0, $0xb8;
	[tilespmem:$0x18180] =	vst v63  }
0x5a: {  	_ = 	snop  }
0x5b: {  	[tilespmem:s18], [sflag:$0x1] =	stream.indirect_vreg.gather [hbm4b:s3+s2], $0x80, v3, vm0, $0xb8;
	[tilespmem:$0x18180] =	vst v63  }
0x5c: {  	v3 =	vld [tilespmem:$0x50];
	_ =	sdelay $0x4  }
0x5d: {  	v21 =	vshll.u32 v3, $0x1  }
0x5e: {  	v3 =	vand.u32 $0x7, v3;
	v4 =	vand.u32 $0xFFFFFFF0, v21  }
0x5f: {  	v3 =	vor.u32 v3, v4  }
0x60: {  	v4 =	vperm.xlane v3, v0;
	_ =	sdelay $0x1  }
0x61: {  	v3 =	vperm.xlane v3, v2;
	v4 =	vadd.s32 v1, v4;
	_ =	sdelay $0x1  }
0x62: {  	v3 =	vadd.s32 v1, v3;
	_ =	sdelay $0x2  }
0x63: {  	[tilespmem:s19], [sflag:$0x1] =	stream.indirect_vreg.gather [hbm4b:s3+s2], $0x80, v4, vm0, $0xb8;
	[tilespmem:$0x18180] =	vst v63  }
0x64: {  	_ = 	snop  }
0x65: {  	[tilespmem:s20], [sflag:$0x1] =	stream.indirect_vreg.gather [hbm4b:s3+s2], $0x80, v3, vm0, $0xb8;
	[tilespmem:$0x18180] =	vst v63  }
0x66: {  	v3 =	vld [tilespmem:$0x60];
	_ =	sdelay $0x4  }
0x67: {  	v22 =	vshll.u32 v3, $0x1  }
0x68: {  	v3 =	vand.u32 $0x7, v3;
	v4 =	vand.u32 $0xFFFFFFF0, v22  }
0x69: {  	v3 =	vor.u32 v3, v4  }
0x6a: {  	v4 =	vperm.xlane v3, v0;
	_ =	sdelay $0x1  }
0x6b: {  	v3 =	vperm.xlane v3, v2;
	v4 =	vadd.s32 v1, v4;
	_ =	sdelay $0x1  }
0x6c: {  	v3 =	vadd.s32 v1, v3;
	_ =	sdelay $0x2  }
0x6d: {  	[tilespmem:s21], [sflag:$0x1] =	stream.indirect_vreg.gather [hbm4b:s3+s2], $0x80, v4, vm0, $0xb8;
	[tilespmem:$0x18180] =	vst v63  }
0x6e: {  	_ = 	snop  }
0x6f: {  	[tilespmem:s22], [sflag:$0x1] =	stream.indirect_vreg.gather [hbm4b:s3+s2], $0x80, v3, vm0, $0xb8;
	[tilespmem:$0x18180] =	vst v63  }
0x70: {  	v3 =	vld [tilespmem:$0x70];
	_ =	sdelay $0x4  }
0x71: {  	v23 =	vshll.u32 v3, $0x1  }
0x72: {  	v3 =	vand.u32 $0x7, v3;
	v4 =	vand.u32 $0xFFFFFFF0, v23  }
0x73: {  	v3 =	vor.u32 v3, v4  }
0x74: {  	v4 =	vperm.xlane v3, v0;
	_ =	sdelay $0x1  }
0x75: {  	v3 =	vperm.xlane v3, v2;
	v4 =	vadd.s32 v1, v4;
	_ =	sdelay $0x1  }
0x76: {  	v3 =	vadd.s32 v1, v3;
	_ =	sdelay $0x2  }
0x77: {  	[tilespmem:s23], [sflag:$0x1] =	stream.indirect_vreg.gather [hbm4b:s3+s2], $0x80, v4, vm0, $0xb8;
	[tilespmem:$0x18180] =	vst v63  }
0x78: {  	_ = 	snop  }
0x79: {  	[tilespmem:s25], [sflag:$0x1] =	stream.indirect_vreg.gather [hbm4b:s3+s2], $0x80, v3, vm0, $0xb8;
	[tilespmem:$0x18180] =	vst v63  }
0x7a: {  	v3 =	vld [tilespmem:$0x80];
	_ =	sdelay $0x4  }
0x7b: {  	v24 =	vshll.u32 v3, $0x1  }
0x7c: {  	v3 =	vand.u32 $0x7, v3;
	v4 =	vand.u32 $0xFFFFFFF0, v24  }
0x7d: {  	v3 =	vor.u32 v3, v4  }
0x7e: {  	v4 =	vperm.xlane v3, v0;
	_ =	sdelay $0x1  }
0x7f: {  	v3 =	vperm.xlane v3, v2;
	v4 =	vadd.s32 v1, v4;
	_ =	sdelay $0x1  }
0x80: {  	v3 =	vadd.s32 v1, v3;
	_ =	sdelay $0x2  }
0x81: {  	[tilespmem:s14], [sflag:$0x1] =	stream.indirect_vreg.gather [hbm4b:s3+s2], $0x80, v4, vm0, $0xb8;
	[tilespmem:$0x18180] =	vst v63  }
0x82: {  	_ = 	snop  }
0x83: {  	[tilespmem:s26], [sflag:$0x1] =	stream.indirect_vreg.gather [hbm4b:s3+s2], $0x80, v3, vm0, $0xb8;
	[tilespmem:$0x18180] =	vst v63  }
0x84: {  	v3 =	vld [tilespmem:$0x90];
	_ =	sdelay $0x4  }
0x85: {  	v25 =	vshll.u32 v3, $0x1  }
0x86: {  	v3 =	vand.u32 $0x7, v3;
	v4 =	vand.u32 $0xFFFFFFF0, v25  }
0x87: {  	v3 =	vor.u32 v3, v4  }
0x88: {  	v4 =	vperm.xlane v3, v0;
	_ =	sdelay $0x1  }
0x89: {  	v3 =	vperm.xlane v3, v2;
	v4 =	vadd.s32 v1, v4;
	_ =	sdelay $0x1  }
0x8a: {  	v3 =	vadd.s32 v1, v3;
	_ =	sdelay $0x2  }
0x8b: {  	[tilespmem:s28], [sflag:$0x1] =	stream.indirect_vreg.gather [hbm4b:s3+s2], $0x80, v4, vm0, $0xb8;
	[tilespmem:$0x18180] =	vst v63  }
0x8c: {  	_ = 	snop  }
0x8d: {  	[tilespmem:s29], [sflag:$0x1] =	stream.indirect_vreg.gather [hbm4b:s3+s2], $0x80, v3, vm0, $0xb8;
	[tilespmem:$0x18180] =	vst v63  }
0x8e: {  	v3 =	vld [tilespmem:$0xA0];
	_ =	sdelay $0x4  }
0x8f: {  	v26 =	vshll.u32 v3, $0x1  }
0x90: {  	v3 =	vand.u32 $0x7, v3;
	v4 =	vand.u32 $0xFFFFFFF0, v26  }
0x91: {  	v3 =	vor.u32 v3, v4  }
0x92: {  	v4 =	vperm.xlane v3, v0;
	_ =	sdelay $0x1  }
0x93: {  	v3 =	vperm.xlane v3, v2;
	v4 =	vadd.s32 v1, v4;
	_ =	sdelay $0x1  }
0x94: {  	v3 =	vadd.s32 v1, v3;
	_ =	sdelay $0x2  }
0x95: {  	[tilespmem:s30], [sflag:$0x1] =	stream.indirect_vreg.gather [hbm4b:s3+s2], $0x80, v4, vm0, $0xb8;
	[tilespmem:$0x18180] =	vst v63  }
0x96: {  	_ = 	snop  }
0x97: {  	[tilespmem:s31], [sflag:$0x1] =	stream.indirect_vreg.gather [hbm4b:s3+s2], $0x80, v3, vm0, $0xb8;
	[tilespmem:$0x18180] =	vst v63  }
0x98: {  	v3 =	vld [tilespmem:$0xB0];
	_ =	sdelay $0x4  }
0x99: {  	v27 =	vshll.u32 v3, $0x1  }
0x9a: {  	v3 =	vand.u32 $0x7, v3;
	v4 =	vand.u32 $0xFFFFFFF0, v27  }
0x9b: {  	v3 =	vor.u32 v3, v4  }
0x9c: {  	v4 =	vperm.xlane v3, v0;
	_ =	sdelay $0x1  }
0x9d: {  	v3 =	vperm.xlane v3, v2;
	v4 =	vadd.s32 v1, v4;
	_ =	sdelay $0x1  }
0x9e: {  	v3 =	vadd.s32 v1, v3;
	_ =	sdelay $0x1  }
0x9f: {  	s8 =	simm.s32 $0xB180  }
0xa0: {  	[tilespmem:s8], [sflag:$0x1] =	stream.indirect_vreg.gather [hbm4b:s3+s2], $0x80, v4, vm0, $0xb8;
	[tilespmem:$0x18180] =	vst v63  }
0xa1: {  	_ = 	snop  }
0xa2: {  	[tilespmem:s24], [sflag:$0x1] =	stream.indirect_vreg.gather [hbm4b:s3+s2], $0x80, v3, vm0, $0xb8;
	[tilespmem:$0x18180] =	vst v63  }
0xa3: {  	v3 =	vld [tilespmem:$0xC0];
	_ =	sdelay $0x4  }
0xa4: {  	v28 =	vshll.u32 v3, $0x1  }
0xa5: {  	v3 =	vand.u32 $0x7, v3;
	v4 =	vand.u32 $0xFFFFFFF0, v28  }
0xa6: {  	v3 =	vor.u32 v3, v4  }
0xa7: {  	v4 =	vperm.xlane v3, v0;
	_ =	sdelay $0x1  }
0xa8: {  	v3 =	vperm.xlane v3, v2;
	v4 =	vadd.s32 v1, v4;
	_ =	sdelay $0x1  }
0xa9: {  	v3 =	vadd.s32 v1, v3;
	_ =	sdelay $0x1  }
0xaa: {  	s4 =	simm.s32 $0xC180  }
0xab: {  	[tilespmem:s4], [sflag:$0x1] =	stream.indirect_vreg.gather [hbm4b:s3+s2], $0x80, v4, vm0, $0xb8;
	[tilespmem:$0x18180] =	vst v63  }
0xac: {  	s8 =	simm.s32 $0xC980  }
0xad: {  	[tilespmem:s8], [sflag:$0x1] =	stream.indirect_vreg.gather [hbm4b:s3+s2], $0x80, v3, vm0, $0xb8;
	[tilespmem:$0x18180] =	vst v63  }
0xae: {  	v3 =	vld [tilespmem:$0xD0];
	_ =	sdelay $0x4  }
0xaf: {  	v29 =	vshll.u32 v3, $0x1  }
0xb0: {  	v3 =	vand.u32 $0x7, v3;
	v4 =	vand.u32 $0xFFFFFFF0, v29  }
0xb1: {  	v3 =	vor.u32 v3, v4  }
0xb2: {  	v4 =	vperm.xlane v3, v0;
	_ =	sdelay $0x1  }
0xb3: {  	v3 =	vperm.xlane v3, v2;
	v4 =	vadd.s32 v1, v4;
	_ =	sdelay $0x1  }
0xb4: {  	v3 =	vadd.s32 v1, v3;
	_ =	sdelay $0x1  }
0xb5: {  	s4 =	simm.s32 $0xD180  }
0xb6: {  	[tilespmem:s4], [sflag:$0x1] =	stream.indirect_vreg.gather [hbm4b:s3+s2], $0x80, v4, vm0, $0xb8;
	[tilespmem:$0x18180] =	vst v63  }
0xb7: {  	s8 =	simm.s32 $0xD980  }
0xb8: {  	[tilespmem:s8], [sflag:$0x1] =	stream.indirect_vreg.gather [hbm4b:s3+s2], $0x80, v3, vm0, $0xb8;
	[tilespmem:$0x18180] =	vst v63  }
0xb9: {  	v3 =	vld [tilespmem:$0xE0];
	_ =	sdelay $0x4  }
0xba: {  	v30 =	vshll.u32 v3, $0x1  }
0xbb: {  	v3 =	vand.u32 $0x7, v3;
	v4 =	vand.u32 $0xFFFFFFF0, v30  }
0xbc: {  	v3 =	vor.u32 v3, v4  }
0xbd: {  	v4 =	vperm.xlane v3, v0;
	_ =	sdelay $0x1  }
0xbe: {  	v3 =	vperm.xlane v3, v2;
	v4 =	vadd.s32 v1, v4;
	_ =	sdelay $0x1  }
0xbf: {  	v3 =	vadd.s32 v1, v3;
	_ =	sdelay $0x1  }
0xc0: {  	s4 =	simm.s32 $0xE180  }
0xc1: {  	[tilespmem:s4], [sflag:$0x1] =	stream.indirect_vreg.gather [hbm4b:s3+s2], $0x80, v4, vm0, $0xb8;
	[tilespmem:$0x18180] =	vst v63  }
0xc2: {  	s8 =	simm.s32 $0xE980  }
0xc3: {  	[tilespmem:s8], [sflag:$0x1] =	stream.indirect_vreg.gather [hbm4b:s3+s2], $0x80, v3, vm0, $0xb8;
	[tilespmem:$0x18180] =	vst v63  }
0xc4: {  	v3 =	vld [tilespmem:$0xF0];
	_ =	sdelay $0x4  }
0xc5: {  	v31 =	vshll.u32 v3, $0x1  }
0xc6: {  	v3 =	vand.u32 $0x7, v3;
	v4 =	vand.u32 $0xFFFFFFF0, v31  }
0xc7: {  	v3 =	vor.u32 v3, v4  }
0xc8: {  	v4 =	vperm.xlane v3, v0;
	_ =	sdelay $0x1  }
0xc9: {  	v3 =	vperm.xlane v3, v2;
	v4 =	vadd.s32 v1, v4;
	_ =	sdelay $0x1  }
0xca: {  	v3 =	vadd.s32 v1, v3;
	_ =	sdelay $0x1  }
0xcb: {  	s4 =	simm.s32 $0xF180  }
0xcc: {  	[tilespmem:s4], [sflag:$0x1] =	stream.indirect_vreg.gather [hbm4b:s3+s2], $0x80, v4, vm0, $0xb8;
	[tilespmem:$0x18180] =	vst v63  }
0xcd: {  	s8 =	simm.s32 $0xF980  }
0xce: {  	[tilespmem:s8], [sflag:$0x1] =	stream.indirect_vreg.gather [hbm4b:s3+s2], $0x80, v3, vm0, $0xb8;
	[tilespmem:$0x18180] =	vst v63  }
0xcf: {  	v3 =	vld [tilespmem:$0x100];
	_ =	sdelay $0x4  }
0xd0: {  	v32 =	vshll.u32 v3, $0x1  }
0xd1: {  	v3 =	vand.u32 $0x7, v3;
	v4 =	vand.u32 $0xFFFFFFF0, v32  }
0xd2: {  	v3 =	vor.u32 v3, v4  }
0xd3: {  	v4 =	vperm.xlane v3, v0;
	_ =	sdelay $0x1  }
0xd4: {  	v3 =	vperm.xlane v3, v2;
	v4 =	vadd.s32 v1, v4;
	_ =	sdelay $0x1  }
0xd5: {  	v3 =	vadd.s32 v1, v3;
	_ =	sdelay $0x2  }
0xd6: {  	[tilespmem:s6], [sflag:$0x1] =	stream.indirect_vreg.gather [hbm4b:s3+s2], $0x80, v4, vm0, $0xb8;
	[tilespmem:$0x18180] =	vst v63  }
0xd7: {  	s4 =	simm.s32 $0x10980  }
0xd8: {  	[tilespmem:s4], [sflag:$0x1] =	stream.indirect_vreg.gather [hbm4b:s3+s2], $0x80, v3, vm0, $0xb8;
	[tilespmem:$0x18180] =	vst v63  }
0xd9: {  	v3 =	vld [tilespmem:$0x110];
	_ =	sdelay $0x4  }
0xda: {  	v33 =	vshll.u32 v3, $0x1  }
0xdb: {  	v3 =	vand.u32 $0x7, v3;
	v4 =	vand.u32 $0xFFFFFFF0, v33  }
0xdc: {  	v3 =	vor.u32 v3, v4  }
0xdd: {  	v4 =	vperm.xlane v3, v0;
	_ =	sdelay $0x1  }
0xde: {  	v3 =	vperm.xlane v3, v2;
	v4 =	vadd.s32 v1, v4;
	_ =	sdelay $0x1  }
0xdf: {  	v3 =	vadd.s32 v1, v3;
	_ =	sdelay $0x1  }
0xe0: {  	s8 =	simm.s32 $0x11180  }
0xe1: {  	[tilespmem:s8], [sflag:$0x1] =	stream.indirect_vreg.gather [hbm4b:s3+s2], $0x80, v4, vm0, $0xb8;
	[tilespmem:$0x18180] =	vst v63  }
0xe2: {  	s4 =	simm.s32 $0x11980  }
0xe3: {  	[tilespmem:s4], [sflag:$0x1] =	stream.indirect_vreg.gather [hbm4b:s3+s2], $0x80, v3, vm0, $0xb8;
	[tilespmem:$0x18180] =	vst v63  }
0xe4: {  	v3 =	vld [tilespmem:$0x120];
	_ =	sdelay $0x4  }
0xe5: {  	v34 =	vshll.u32 v3, $0x1  }
0xe6: {  	v3 =	vand.u32 $0x7, v3;
	v4 =	vand.u32 $0xFFFFFFF0, v34  }
0xe7: {  	v3 =	vor.u32 v3, v4  }
0xe8: {  	v4 =	vperm.xlane v3, v0;
	_ =	sdelay $0x1  }
0xe9: {  	v3 =	vperm.xlane v3, v2;
	v4 =	vadd.s32 v1, v4;
	_ =	sdelay $0x1  }
0xea: {  	v3 =	vadd.s32 v1, v3;
	_ =	sdelay $0x1  }
0xeb: {  	s8 =	simm.s32 $0x12180  }
0xec: {  	[tilespmem:s8], [sflag:$0x1] =	stream.indirect_vreg.gather [hbm4b:s3+s2], $0x80, v4, vm0, $0xb8;
	[tilespmem:$0x18180] =	vst v63  }
0xed: {  	s4 =	simm.s32 $0x12980  }
0xee: {  	[tilespmem:s4], [sflag:$0x1] =	stream.indirect_vreg.gather [hbm4b:s3+s2], $0x80, v3, vm0, $0xb8;
	[tilespmem:$0x18180] =	vst v63  }
0xef: {  	v3 =	vld [tilespmem:$0x130];
	_ =	sdelay $0x4  }
0xf0: {  	v35 =	vshll.u32 v3, $0x1  }
0xf1: {  	v3 =	vand.u32 $0x7, v3;
	v4 =	vand.u32 $0xFFFFFFF0, v35  }
0xf2: {  	v3 =	vor.u32 v3, v4  }
0xf3: {  	v4 =	vperm.xlane v3, v0;
	_ =	sdelay $0x1  }
0xf4: {  	v3 =	vperm.xlane v3, v2;
	v4 =	vadd.s32 v1, v4;
	_ =	sdelay $0x1  }
0xf5: {  	v3 =	vadd.s32 v1, v3;
	_ =	sdelay $0x1  }
0xf6: {  	s8 =	simm.s32 $0x13180  }
0xf7: {  	[tilespmem:s8], [sflag:$0x1] =	stream.indirect_vreg.gather [hbm4b:s3+s2], $0x80, v4, vm0, $0xb8;
	[tilespmem:$0x18180] =	vst v63  }
0xf8: {  	s4 =	simm.s32 $0x13980  }
0xf9: {  	[tilespmem:s4], [sflag:$0x1] =	stream.indirect_vreg.gather [hbm4b:s3+s2], $0x80, v3, vm0, $0xb8;
	[tilespmem:$0x18180] =	vst v63  }
0xfa: {  	v3 =	vld [tilespmem:$0x140];
	_ =	sdelay $0x4  }
0xfb: {  	v36 =	vshll.u32 v3, $0x1  }
0xfc: {  	v3 =	vand.u32 $0x7, v3;
	v4 =	vand.u32 $0xFFFFFFF0, v36  }
0xfd: {  	v3 =	vor.u32 v3, v4  }
0xfe: {  	v4 =	vperm.xlane v3, v0;
	_ =	sdelay $0x1  }
0xff: {  	v3 =	vperm.xlane v3, v2;
	v4 =	vadd.s32 v1, v4;
	_ =	sdelay $0x1  }
0x100: {  	v3 =	vadd.s32 v1, v3;
	_ =	sdelay $0x1  }
0x101: {  	s8 =	simm.s32 $0x14180  }
0x102: {  	[tilespmem:s8], [sflag:$0x1] =	stream.indirect_vreg.gather [hbm4b:s3+s2], $0x80, v4, vm0, $0xb8;
	[tilespmem:$0x18180] =	vst v63  }
0x103: {  	s4 =	simm.s32 $0x14980  }
0x104: {  	[tilespmem:s4], [sflag:$0x1] =	stream.indirect_vreg.gather [hbm4b:s3+s2], $0x80, v3, vm0, $0xb8;
	[tilespmem:$0x18180] =	vst v63  }
0x105: {  	v3 =	vld [tilespmem:$0x150];
	_ =	sdelay $0x4  }
0x106: {  	v37 =	vshll.u32 v3, $0x1  }
0x107: {  	v3 =	vand.u32 $0x7, v3;
	v4 =	vand.u32 $0xFFFFFFF0, v37  }
0x108: {  	v3 =	vor.u32 v3, v4  }
0x109: {  	v4 =	vperm.xlane v3, v0;
	_ =	sdelay $0x1  }
0x10a: {  	v3 =	vperm.xlane v3, v2;
	v4 =	vadd.s32 v1, v4;
	_ =	sdelay $0x1  }
0x10b: {  	v3 =	vadd.s32 v1, v3;
	_ =	sdelay $0x1  }
0x10c: {  	s8 =	simm.s32 $0x15180  }
0x10d: {  	[tilespmem:s8], [sflag:$0x1] =	stream.indirect_vreg.gather [hbm4b:s3+s2], $0x80, v4, vm0, $0xb8;
	[tilespmem:$0x18180] =	vst v63  }
0x10e: {  	s4 =	simm.s32 $0x15980  }
0x10f: {  	[tilespmem:s4], [sflag:$0x1] =	stream.indirect_vreg.gather [hbm4b:s3+s2], $0x80, v3, vm0, $0xb8;
	[tilespmem:$0x18180] =	vst v63  }
0x110: {  	v3 =	vld [tilespmem:$0x160];
	_ =	sdelay $0x4  }
0x111: {  	v38 =	vshll.u32 v3, $0x1  }
0x112: {  	v3 =	vand.u32 $0x7, v3;
	v4 =	vand.u32 $0xFFFFFFF0, v38  }
0x113: {  	v3 =	vor.u32 v3, v4  }
0x114: {  	v4 =	vperm.xlane v3, v0;
	_ =	sdelay $0x1  }
0x115: {  	v3 =	vperm.xlane v3, v2;
	v4 =	vadd.s32 v1, v4;
	_ =	sdelay $0x1  }
0x116: {  	v3 =	vadd.s32 v1, v3;
	_ =	sdelay $0x1  }
0x117: {  	s8 =	simm.s32 $0x16180  }
0x118: {  	[tilespmem:s8], [sflag:$0x1] =	stream.indirect_vreg.gather [hbm4b:s3+s2], $0x80, v4, vm0, $0xb8;
	[tilespmem:$0x18180] =	vst v63  }
0x119: {  	s4 =	simm.s32 $0x16980  }
0x11a: {  	[tilespmem:s4], [sflag:$0x1] =	stream.indirect_vreg.gather [hbm4b:s3+s2], $0x80, v3, vm0, $0xb8;
	[tilespmem:$0x18180] =	vst v63  }
0x11b: {  	v3 =	vld [tilespmem:$0x170];
	_ =	sdelay $0x4  }
0x11c: {  	v39 =	vshll.u32 v3, $0x1  }
0x11d: {  	v3 =	vand.u32 $0x7, v3;
	v4 =	vand.u32 $0xFFFFFFF0, v39  }
0x11e: {  	v3 =	vor.u32 v3, v4  }
0x11f: {  	v4 =	vperm.xlane v3, v0;
	_ =	sdelay $0x1  }
0x120: {  	v3 =	vperm.xlane v3, v2;
	v4 =	vadd.s32 v1, v4;
	_ =	sdelay $0x1  }
0x121: {  	v3 =	vadd.s32 v1, v3;
	_ =	sdelay $0x1  }
0x122: {  	s8 =	simm.s32 $0x17180  }
0x123: {  	[tilespmem:s8], [sflag:$0x1] =	stream.indirect_vreg.gather [hbm4b:s3+s2], $0x80, v4, vm0, $0xb8;
	[tilespmem:$0x18180] =	vst v63  }
0x124: {  	s4 =	simm.s32 $0x17980  }
0x125: {  	[tilespmem:s4], [sflag:$0x1] =	stream.indirect_vreg.gather [hbm4b:s3+s2], $0x80, v3, vm0, $0xb8;
	[tilespmem:$0x18180] =	vst v63  }
0x126: {  	_ =	swait.ge [sflag:s0], $0x8000  }
0x127: {  	[sflag:s0] =	ssyncset.done $0x0  }
0x128: {  	[sflag:s0] =	ssyncadd.s32 $0xFFFF8000  }
0x129: {  	_ =	swait.ge [sflag:s0], $0x8000  }
0x12a: {  	[sflag:s0] =	ssyncset.done $0x0  }
0x12b: {  	[sflag:s0] =	ssyncadd.s32 $0xFFFF8000  }
0x12c: {  	_ =	swait.ge [sflag:s0], $0x8000  }
0x12d: {  	[sflag:s0] =	ssyncset.done $0x0  }
0x12e: {  	s4 =	simm.s32 $0x180;
	s8 =	rddreg [dreg:$0x7];
	[sflag:s0] =	ssyncadd.s32 $0xFFFF8000  }
0x12f: {  	[hbm4b:s8+s2] =	stream.linear.scatter [tilespmem:s4], [sflag:$0x2], $0x8000, $0x38;
	[tilespmem:$0x18180] =	vst v63  }
0x130: {  	_ =	swait.ge [sflag:s5], $0x8000  }
0x131: {  	[sflag:s5] =	ssyncset.done $0x0  }
0x132: {  	s8 =	rddreg [dreg:$0x8];
	[sflag:s5] =	ssyncadd.s32 $0xFFFF8000  }
0x133: {  	[hbm4b:s8+s2] =	stream.linear.scatter [tilespmem:s14], [sflag:$0x2], $0x8000, $0x38;
	[tilespmem:$0x18180] =	vst v63  }
0x134: {  	_ =	swait.ge [sflag:s5], $0x8000  }
0x135: {  	[sflag:s5] =	ssyncset.done $0x0  }
0x136: {  	s8 =	rddreg [dreg:$0x9];
	[sflag:s5] =	ssyncadd.s32 $0xFFFF8000  }
0x137: {  	[hbm4b:s8+s2] =	stream.linear.scatter [tilespmem:s6], [sflag:$0x2], $0x8000, $0x38;
	[tilespmem:$0x18180] =	vst v63  }
0x138: {  	_ =	swait.ge [sflag:s5], $0x8000  }
0x139: {  	[sflag:s5] =	ssyncset.done $0x0  }
0x13a: {  	s8 =	rddreg [dreg:$0xa];
	[sflag:s5] =	ssyncadd.s32 $0xFFFF8000  }
0x13b: {  	[tilespmem:s2], [sflag:$0x2] =	stream.linear.gather [hbm4b:s8+s2], $0x80, $0x38;
	[tilespmem:$0x18180] =	vst v63  }
0x13c: {  	_ =	swait.ge [sflag:s5], $0x80  }
0x13d: {  	[sflag:s5] =	ssyncset.done $0x0  }
0x13e: {  	s8 =	simm.s32 $0x80;
	s1 =	rddreg [dreg:$0xb];
	[sflag:s5] =	ssyncadd.s32 $0xFFFFFF80  }
0x13f: {  	[tilespmem:s8], [sflag:$0x2] =	stream.linear.gather [hbm4b:s1+s2], $0x80, $0x38;
	[tilespmem:$0x18180] =	vst v63  }
0x140: {  	_ =	swait.ge [sflag:s5], $0x80  }
0x141: {  	[sflag:s5] =	ssyncset.done $0x0  }
0x142: {  	s8 =	simm.s32 $0x100;
	s1 =	rddreg [dreg:$0xc];
	[sflag:s5] =	ssyncadd.s32 $0xFFFFFF80  }
0x143: {  	[tilespmem:s8], [sflag:$0x2] =	stream.linear.gather [hbm4b:s1+s2], $0x80, $0x38;
	[tilespmem:$0x18180] =	vst v63  }
0x144: {  	_ =	swait.ge [sflag:s5], $0x80  }
0x145: {  	[sflag:s5] =	ssyncset.done $0x0  }
0x146: {  	[sflag:s5] =	ssyncadd.s32 $0xFFFFFF80  }
0x147: {  	v3 =	vld [tilespmem:$0x0];
	_ =	sdelay $0x4  }
0x148: {  	v40 =	vshll.u32 v3, $0x1  }
0x149: {  	v3 =	vand.u32 $0x7, v3;
	v4 =	vand.u32 $0xFFFFFFF0, v40  }
0x14a: {  	v3 =	vor.u32 v3, v4  }
0x14b: {  	v4 =	vperm.xlane v3, v0;
	_ =	sdelay $0x1  }
0x14c: {  	v3 =	vperm.xlane v3, v2;
	v4 =	vadd.s32 v1, v4;
	_ =	sdelay $0x1  }
0x14d: {  	v3 =	vadd.s32 v1, v3;
	_ =	sdelay $0x2  }
0x14e: {  	[tilespmem:s4], [sflag:$0x1] =	stream.indirect_vreg.gather [hbm4b:s3+s2], $0x80, v4, vm0, $0xb8;
	[tilespmem:$0x18180] =	vst v63  }
0x14f: {  	_ = 	snop  }
0x150: {  	[tilespmem:s9], [sflag:$0x1] =	stream.indirect_vreg.gather [hbm4b:s3+s2], $0x80, v3, vm0, $0xb8;
	[tilespmem:$0x18180] =	vst v63  }
0x151: {  	v3 =	vld [tilespmem:$0x10];
	_ =	sdelay $0x4  }
0x152: {  	v41 =	vshll.u32 v3, $0x1  }
0x153: {  	v3 =	vand.u32 $0x7, v3;
	v4 =	vand.u32 $0xFFFFFFF0, v41  }
0x154: {  	v3 =	vor.u32 v3, v4  }
0x155: {  	v4 =	vperm.xlane v3, v0;
	_ =	sdelay $0x1  }
0x156: {  	v3 =	vperm.xlane v3, v2;
	v4 =	vadd.s32 v1, v4;
	_ =	sdelay $0x1  }
0x157: {  	v3 =	vadd.s32 v1, v3;
	_ =	sdelay $0x2  }
0x158: {  	[tilespmem:s10], [sflag:$0x1] =	stream.indirect_vreg.gather [hbm4b:s3+s2], $0x80, v4, vm0, $0xb8;
	[tilespmem:$0x18180] =	vst v63  }
0x159: {  	_ = 	snop  }
0x15a: {  	[tilespmem:s11], [sflag:$0x1] =	stream.indirect_vreg.gather [hbm4b:s3+s2], $0x80, v3, vm0, $0xb8;
	[tilespmem:$0x18180] =	vst v63  }
0x15b: {  	v3 =	vld [tilespmem:$0x20];
	_ =	sdelay $0x4  }
0x15c: {  	v42 =	vshll.u32 v3, $0x1  }
0x15d: {  	v3 =	vand.u32 $0x7, v3;
	v4 =	vand.u32 $0xFFFFFFF0, v42  }
0x15e: {  	v3 =	vor.u32 v3, v4  }
0x15f: {  	v4 =	vperm.xlane v3, v0;
	_ =	sdelay $0x1  }
0x160: {  	v3 =	vperm.xlane v3, v2;
	v4 =	vadd.s32 v1, v4;
	_ =	sdelay $0x1  }
0x161: {  	v3 =	vadd.s32 v1, v3;
	_ =	sdelay $0x2  }
0x162: {  	[tilespmem:s12], [sflag:$0x1] =	stream.indirect_vreg.gather [hbm4b:s3+s2], $0x80, v4, vm0, $0xb8;
	[tilespmem:$0x18180] =	vst v63  }
0x163: {  	_ = 	snop  }
0x164: {  	[tilespmem:s13], [sflag:$0x1] =	stream.indirect_vreg.gather [hbm4b:s3+s2], $0x80, v3, vm0, $0xb8;
	[tilespmem:$0x18180] =	vst v63  }
0x165: {  	v3 =	vld [tilespmem:$0x30];
	_ =	sdelay $0x4  }
0x166: {  	v43 =	vshll.u32 v3, $0x1  }
0x167: {  	v3 =	vand.u32 $0x7, v3;
	v4 =	vand.u32 $0xFFFFFFF0, v43  }
0x168: {  	v3 =	vor.u32 v3, v4  }
0x169: {  	v4 =	vperm.xlane v3, v0;
	_ =	sdelay $0x1  }
0x16a: {  	v3 =	vperm.xlane v3, v2;
	v4 =	vadd.s32 v1, v4;
	_ =	sdelay $0x1  }
0x16b: {  	v3 =	vadd.s32 v1, v3;
	_ =	sdelay $0x2  }
0x16c: {  	[tilespmem:s15], [sflag:$0x1] =	stream.indirect_vreg.gather [hbm4b:s3+s2], $0x80, v4, vm0, $0xb8;
	[tilespmem:$0x18180] =	vst v63  }
0x16d: {  	_ = 	snop  }
0x16e: {  	[tilespmem:s16], [sflag:$0x1] =	stream.indirect_vreg.gather [hbm4b:s3+s2], $0x80, v3, vm0, $0xb8;
	[tilespmem:$0x18180] =	vst v63  }
0x16f: {  	v3 =	vld [tilespmem:$0x40];
	_ =	sdelay $0x4  }
0x170: {  	v44 =	vshll.u32 v3, $0x1  }
0x171: {  	v3 =	vand.u32 $0x7, v3;
	v4 =	vand.u32 $0xFFFFFFF0, v44  }
0x172: {  	v3 =	vor.u32 v3, v4  }
0x173: {  	v4 =	vperm.xlane v3, v0;
	_ =	sdelay $0x1  }
0x174: {  	v3 =	vperm.xlane v3, v2;
	v4 =	vadd.s32 v1, v4;
	_ =	sdelay $0x1  }
0x175: {  	v3 =	vadd.s32 v1, v3;
	_ =	sdelay $0x2  }
0x176: {  	[tilespmem:s17], [sflag:$0x1] =	stream.indirect_vreg.gather [hbm4b:s3+s2], $0x80, v4, vm0, $0xb8;
	[tilespmem:$0x18180] =	vst v63  }
0x177: {  	_ = 	snop  }
0x178: {  	[tilespmem:s18], [sflag:$0x1] =	stream.indirect_vreg.gather [hbm4b:s3+s2], $0x80, v3, vm0, $0xb8;
	[tilespmem:$0x18180] =	vst v63  }
0x179: {  	v3 =	vld [tilespmem:$0x50];
	_ =	sdelay $0x4  }
0x17a: {  	v45 =	vshll.u32 v3, $0x1  }
0x17b: {  	v3 =	vand.u32 $0x7, v3;
	v4 =	vand.u32 $0xFFFFFFF0, v45  }
0x17c: {  	v3 =	vor.u32 v3, v4  }
0x17d: {  	v4 =	vperm.xlane v3, v0;
	_ =	sdelay $0x1  }
0x17e: {  	v3 =	vperm.xlane v3, v2;
	v4 =	vadd.s32 v1, v4;
	_ =	sdelay $0x1  }
0x17f: {  	v3 =	vadd.s32 v1, v3;
	_ =	sdelay $0x2  }
0x180: {  	[tilespmem:s19], [sflag:$0x1] =	stream.indirect_vreg.gather [hbm4b:s3+s2], $0x80, v4, vm0, $0xb8;
	[tilespmem:$0x18180] =	vst v63  }
0x181: {  	_ = 	snop  }
0x182: {  	[tilespmem:s20], [sflag:$0x1] =	stream.indirect_vreg.gather [hbm4b:s3+s2], $0x80, v3, vm0, $0xb8;
	[tilespmem:$0x18180] =	vst v63  }
0x183: {  	v3 =	vld [tilespmem:$0x60];
	_ =	sdelay $0x4  }
0x184: {  	v46 =	vshll.u32 v3, $0x1  }
0x185: {  	v3 =	vand.u32 $0x7, v3;
	v4 =	vand.u32 $0xFFFFFFF0, v46  }
0x186: {  	v3 =	vor.u32 v3, v4  }
0x187: {  	v4 =	vperm.xlane v3, v0;
	_ =	sdelay $0x1  }
0x188: {  	v3 =	vperm.xlane v3, v2;
	v4 =	vadd.s32 v1, v4;
	_ =	sdelay $0x1  }
0x189: {  	v3 =	vadd.s32 v1, v3;
	_ =	sdelay $0x2  }
0x18a: {  	[tilespmem:s21], [sflag:$0x1] =	stream.indirect_vreg.gather [hbm4b:s3+s2], $0x80, v4, vm0, $0xb8;
	[tilespmem:$0x18180] =	vst v63  }
0x18b: {  	_ = 	snop  }
0x18c: {  	[tilespmem:s22], [sflag:$0x1] =	stream.indirect_vreg.gather [hbm4b:s3+s2], $0x80, v3, vm0, $0xb8;
	[tilespmem:$0x18180] =	vst v63  }
0x18d: {  	v3 =	vld [tilespmem:$0x70];
	_ =	sdelay $0x4  }
0x18e: {  	v47 =	vshll.u32 v3, $0x1  }
0x18f: {  	v3 =	vand.u32 $0x7, v3;
	v4 =	vand.u32 $0xFFFFFFF0, v47  }
0x190: {  	v3 =	vor.u32 v3, v4  }
0x191: {  	v4 =	vperm.xlane v3, v0;
	_ =	sdelay $0x1  }
0x192: {  	v3 =	vperm.xlane v3, v2;
	v4 =	vadd.s32 v1, v4;
	_ =	sdelay $0x1  }
0x193: {  	v3 =	vadd.s32 v1, v3;
	_ =	sdelay $0x2  }
0x194: {  	[tilespmem:s23], [sflag:$0x1] =	stream.indirect_vreg.gather [hbm4b:s3+s2], $0x80, v4, vm0, $0xb8;
	[tilespmem:$0x18180] =	vst v63  }
0x195: {  	_ = 	snop  }
0x196: {  	[tilespmem:s25], [sflag:$0x1] =	stream.indirect_vreg.gather [hbm4b:s3+s2], $0x80, v3, vm0, $0xb8;
	[tilespmem:$0x18180] =	vst v63  }
0x197: {  	v3 =	vld [tilespmem:$0x80];
	_ =	sdelay $0x4  }
0x198: {  	v48 =	vshll.u32 v3, $0x1  }
0x199: {  	v3 =	vand.u32 $0x7, v3;
	v4 =	vand.u32 $0xFFFFFFF0, v48  }
0x19a: {  	v3 =	vor.u32 v3, v4  }
0x19b: {  	v4 =	vperm.xlane v3, v0;
	_ =	sdelay $0x1  }
0x19c: {  	v3 =	vperm.xlane v3, v2;
	v4 =	vadd.s32 v1, v4;
	_ =	sdelay $0x1  }
0x19d: {  	v3 =	vadd.s32 v1, v3;
	_ =	sdelay $0x2  }
0x19e: {  	[tilespmem:s14], [sflag:$0x1] =	stream.indirect_vreg.gather [hbm4b:s3+s2], $0x80, v4, vm0, $0xb8;
	[tilespmem:$0x18180] =	vst v63  }
0x19f: {  	_ = 	snop  }
0x1a0: {  	[tilespmem:s26], [sflag:$0x1] =	stream.indirect_vreg.gather [hbm4b:s3+s2], $0x80, v3, vm0, $0xb8;
	[tilespmem:$0x18180] =	vst v63  }
0x1a1: {  	v3 =	vld [tilespmem:$0x90];
	_ =	sdelay $0x4  }
0x1a2: {  	v49 =	vshll.u32 v3, $0x1  }
0x1a3: {  	v3 =	vand.u32 $0x7, v3;
	v4 =	vand.u32 $0xFFFFFFF0, v49  }
0x1a4: {  	v3 =	vor.u32 v3, v4  }
0x1a5: {  	v4 =	vperm.xlane v3, v0;
	_ =	sdelay $0x1  }
0x1a6: {  	v3 =	vperm.xlane v3, v2;
	v4 =	vadd.s32 v1, v4;
	_ =	sdelay $0x1  }
0x1a7: {  	v3 =	vadd.s32 v1, v3;
	_ =	sdelay $0x2  }
0x1a8: {  	[tilespmem:s28], [sflag:$0x1] =	stream.indirect_vreg.gather [hbm4b:s3+s2], $0x80, v4, vm0, $0xb8;
	[tilespmem:$0x18180] =	vst v63  }
0x1a9: {  	_ = 	snop  }
0x1aa: {  	[tilespmem:s29], [sflag:$0x1] =	stream.indirect_vreg.gather [hbm4b:s3+s2], $0x80, v3, vm0, $0xb8;
	[tilespmem:$0x18180] =	vst v63  }
0x1ab: {  	v3 =	vld [tilespmem:$0xA0];
	_ =	sdelay $0x4  }
0x1ac: {  	v50 =	vshll.u32 v3, $0x1  }
0x1ad: {  	v3 =	vand.u32 $0x7, v3;
	v4 =	vand.u32 $0xFFFFFFF0, v50  }
0x1ae: {  	v3 =	vor.u32 v3, v4  }
0x1af: {  	v4 =	vperm.xlane v3, v0;
	_ =	sdelay $0x1  }
0x1b0: {  	v3 =	vperm.xlane v3, v2;
	v4 =	vadd.s32 v1, v4;
	_ =	sdelay $0x1  }
0x1b1: {  	v3 =	vadd.s32 v1, v3;
	_ =	sdelay $0x2  }
0x1b2: {  	[tilespmem:s30], [sflag:$0x1] =	stream.indirect_vreg.gather [hbm4b:s3+s2], $0x80, v4, vm0, $0xb8;
	[tilespmem:$0x18180] =	vst v63  }
0x1b3: {  	_ = 	snop  }
0x1b4: {  	[tilespmem:s31], [sflag:$0x1] =	stream.indirect_vreg.gather [hbm4b:s3+s2], $0x80, v3, vm0, $0xb8;
	[tilespmem:$0x18180] =	vst v63  }
0x1b5: {  	v3 =	vld [tilespmem:$0xB0];
	_ =	sdelay $0x4  }
0x1b6: {  	v51 =	vshll.u32 v3, $0x1  }
0x1b7: {  	v3 =	vand.u32 $0x7, v3;
	v4 =	vand.u32 $0xFFFFFFF0, v51  }
0x1b8: {  	v3 =	vor.u32 v3, v4  }
0x1b9: {  	v4 =	vperm.xlane v3, v0;
	_ =	sdelay $0x1  }
0x1ba: {  	v3 =	vperm.xlane v3, v2;
	v4 =	vadd.s32 v1, v4;
	_ =	sdelay $0x1  }
0x1bb: {  	v3 =	vadd.s32 v1, v3;
	_ =	sdelay $0x1  }
0x1bc: {  	s8 =	simm.s32 $0xB180  }
0x1bd: {  	[tilespmem:s8], [sflag:$0x1] =	stream.indirect_vreg.gather [hbm4b:s3+s2], $0x80, v4, vm0, $0xb8;
	[tilespmem:$0x18180] =	vst v63  }
0x1be: {  	_ = 	snop  }
0x1bf: {  	[tilespmem:s24], [sflag:$0x1] =	stream.indirect_vreg.gather [hbm4b:s3+s2], $0x80, v3, vm0, $0xb8;
	[tilespmem:$0x18180] =	vst v63  }
0x1c0: {  	v3 =	vld [tilespmem:$0xC0];
	_ =	sdelay $0x4  }
0x1c1: {  	v52 =	vshll.u32 v3, $0x1  }
0x1c2: {  	v3 =	vand.u32 $0x7, v3;
	v4 =	vand.u32 $0xFFFFFFF0, v52  }
0x1c3: {  	v3 =	vor.u32 v3, v4  }
0x1c4: {  	v4 =	vperm.xlane v3, v0;
	_ =	sdelay $0x1  }
0x1c5: {  	v3 =	vperm.xlane v3, v2;
	v4 =	vadd.s32 v1, v4;
	_ =	sdelay $0x1  }
0x1c6: {  	v3 =	vadd.s32 v1, v3;
	_ =	sdelay $0x1  }
0x1c7: {  	s8 =	simm.s32 $0xC180  }
0x1c8: {  	[tilespmem:s8], [sflag:$0x1] =	stream.indirect_vreg.gather [hbm4b:s3+s2], $0x80, v4, vm0, $0xb8;
	[tilespmem:$0x18180] =	vst v63  }
0x1c9: {  	s8 =	simm.s32 $0xC980  }
0x1ca: {  	[tilespmem:s8], [sflag:$0x1] =	stream.indirect_vreg.gather [hbm4b:s3+s2], $0x80, v3, vm0, $0xb8;
	[tilespmem:$0x18180] =	vst v63  }
0x1cb: {  	v3 =	vld [tilespmem:$0xD0];
	_ =	sdelay $0x4  }
0x1cc: {  	v53 =	vshll.u32 v3, $0x1  }
0x1cd: {  	v3 =	vand.u32 $0x7, v3;
	v4 =	vand.u32 $0xFFFFFFF0, v53  }
0x1ce: {  	v3 =	vor.u32 v3, v4  }
0x1cf: {  	v4 =	vperm.xlane v3, v0;
	_ =	sdelay $0x1  }
0x1d0: {  	v3 =	vperm.xlane v3, v2;
	v4 =	vadd.s32 v1, v4;
	_ =	sdelay $0x1  }
0x1d1: {  	v3 =	vadd.s32 v1, v3;
	_ =	sdelay $0x1  }
0x1d2: {  	s8 =	simm.s32 $0xD180  }
0x1d3: {  	[tilespmem:s8], [sflag:$0x1] =	stream.indirect_vreg.gather [hbm4b:s3+s2], $0x80, v4, vm0, $0xb8;
	[tilespmem:$0x18180] =	vst v63  }
0x1d4: {  	s8 =	simm.s32 $0xD980  }
0x1d5: {  	[tilespmem:s8], [sflag:$0x1] =	stream.indirect_vreg.gather [hbm4b:s3+s2], $0x80, v3, vm0, $0xb8;
	[tilespmem:$0x18180] =	vst v63  }
0x1d6: {  	v3 =	vld [tilespmem:$0xE0];
	_ =	sdelay $0x4  }
0x1d7: {  	v54 =	vshll.u32 v3, $0x1  }
0x1d8: {  	v3 =	vand.u32 $0x7, v3;
	v4 =	vand.u32 $0xFFFFFFF0, v54  }
0x1d9: {  	v3 =	vor.u32 v3, v4  }
0x1da: {  	v4 =	vperm.xlane v3, v0;
	_ =	sdelay $0x1  }
0x1db: {  	v3 =	vperm.xlane v3, v2;
	v4 =	vadd.s32 v1, v4;
	_ =	sdelay $0x1  }
0x1dc: {  	v3 =	vadd.s32 v1, v3;
	_ =	sdelay $0x1  }
0x1dd: {  	s8 =	simm.s32 $0xE180  }
0x1de: {  	[tilespmem:s8], [sflag:$0x1] =	stream.indirect_vreg.gather [hbm4b:s3+s2], $0x80, v4, vm0, $0xb8;
	[tilespmem:$0x18180] =	vst v63  }
0x1df: {  	s8 =	simm.s32 $0xE980  }
0x1e0: {  	[tilespmem:s8], [sflag:$0x1] =	stream.indirect_vreg.gather [hbm4b:s3+s2], $0x80, v3, vm0, $0xb8;
	[tilespmem:$0x18180] =	vst v63  }
0x1e1: {  	v3 =	vld [tilespmem:$0xF0];
	_ =	sdelay $0x4  }
0x1e2: {  	v55 =	vshll.u32 v3, $0x1  }
0x1e3: {  	v3 =	vand.u32 $0x7, v3;
	v4 =	vand.u32 $0xFFFFFFF0, v55  }
0x1e4: {  	v3 =	vor.u32 v3, v4  }
0x1e5: {  	v4 =	vperm.xlane v3, v0;
	_ =	sdelay $0x1  }
0x1e6: {  	v3 =	vperm.xlane v3, v2;
	v4 =	vadd.s32 v1, v4;
	_ =	sdelay $0x1  }
0x1e7: {  	v3 =	vadd.s32 v1, v3;
	_ =	sdelay $0x1  }
0x1e8: {  	s8 =	simm.s32 $0xF180  }
0x1e9: {  	[tilespmem:s8], [sflag:$0x1] =	stream.indirect_vreg.gather [hbm4b:s3+s2], $0x80, v4, vm0, $0xb8;
	[tilespmem:$0x18180] =	vst v63  }
0x1ea: {  	s8 =	simm.s32 $0xF980  }
0x1eb: {  	[tilespmem:s8], [sflag:$0x1] =	stream.indirect_vreg.gather [hbm4b:s3+s2], $0x80, v3, vm0, $0xb8;
	[tilespmem:$0x18180] =	vst v63  }
0x1ec: {  	v3 =	vld [tilespmem:$0x100];
	_ =	sdelay $0x4  }
0x1ed: {  	v56 =	vshll.u32 v3, $0x1  }
0x1ee: {  	v3 =	vand.u32 $0x7, v3;
	v4 =	vand.u32 $0xFFFFFFF0, v56  }
0x1ef: {  	v3 =	vor.u32 v3, v4  }
0x1f0: {  	v4 =	vperm.xlane v3, v0;
	_ =	sdelay $0x1  }
0x1f1: {  	v3 =	vperm.xlane v3, v2;
	v4 =	vadd.s32 v1, v4;
	_ =	sdelay $0x1  }
0x1f2: {  	v3 =	vadd.s32 v1, v3;
	_ =	sdelay $0x2  }
0x1f3: {  	[tilespmem:s6], [sflag:$0x1] =	stream.indirect_vreg.gather [hbm4b:s3+s2], $0x80, v4, vm0, $0xb8;
	[tilespmem:$0x18180] =	vst v63  }
0x1f4: {  	s8 =	simm.s32 $0x10980  }
0x1f5: {  	[tilespmem:s8], [sflag:$0x1] =	stream.indirect_vreg.gather [hbm4b:s3+s2], $0x80, v3, vm0, $0xb8;
	[tilespmem:$0x18180] =	vst v63  }
0x1f6: {  	v3 =	vld [tilespmem:$0x110];
	_ =	sdelay $0x4  }
0x1f7: {  	v57 =	vshll.u32 v3, $0x1  }
0x1f8: {  	v3 =	vand.u32 $0x7, v3;
	v4 =	vand.u32 $0xFFFFFFF0, v57  }
0x1f9: {  	v3 =	vor.u32 v3, v4  }
0x1fa: {  	v4 =	vperm.xlane v3, v0;
	_ =	sdelay $0x1  }
0x1fb: {  	v3 =	vperm.xlane v3, v2;
	v4 =	vadd.s32 v1, v4;
	_ =	sdelay $0x1  }
0x1fc: {  	v3 =	vadd.s32 v1, v3;
	_ =	sdelay $0x1  }
0x1fd: {  	s8 =	simm.s32 $0x11180  }
0x1fe: {  	[tilespmem:s8], [sflag:$0x1] =	stream.indirect_vreg.gather [hbm4b:s3+s2], $0x80, v4, vm0, $0xb8;
	[tilespmem:$0x18180] =	vst v63  }
0x1ff: {  	s8 =	simm.s32 $0x11980  }
0x200: {  	[tilespmem:s8], [sflag:$0x1] =	stream.indirect_vreg.gather [hbm4b:s3+s2], $0x80, v3, vm0, $0xb8;
	[tilespmem:$0x18180] =	vst v63  }
0x201: {  	v3 =	vld [tilespmem:$0x120];
	_ =	sdelay $0x4  }
0x202: {  	v58 =	vshll.u32 v3, $0x1  }
0x203: {  	v3 =	vand.u32 $0x7, v3;
	v4 =	vand.u32 $0xFFFFFFF0, v58  }
0x204: {  	v3 =	vor.u32 v3, v4  }
0x205: {  	v4 =	vperm.xlane v3, v0;
	_ =	sdelay $0x1  }
0x206: {  	v3 =	vperm.xlane v3, v2;
	v4 =	vadd.s32 v1, v4;
	_ =	sdelay $0x1  }
0x207: {  	v3 =	vadd.s32 v1, v3;
	_ =	sdelay $0x1  }
0x208: {  	s8 =	simm.s32 $0x12180  }
0x209: {  	[tilespmem:s8], [sflag:$0x1] =	stream.indirect_vreg.gather [hbm4b:s3+s2], $0x80, v4, vm0, $0xb8;
	[tilespmem:$0x18180] =	vst v63  }
0x20a: {  	s8 =	simm.s32 $0x12980  }
0x20b: {  	[tilespmem:s8], [sflag:$0x1] =	stream.indirect_vreg.gather [hbm4b:s3+s2], $0x80, v3, vm0, $0xb8;
	[tilespmem:$0x18180] =	vst v63  }
0x20c: {  	v3 =	vld [tilespmem:$0x130];
	_ =	sdelay $0x4  }
0x20d: {  	v59 =	vshll.u32 v3, $0x1  }
0x20e: {  	v3 =	vand.u32 $0x7, v3;
	v4 =	vand.u32 $0xFFFFFFF0, v59  }
0x20f: {  	v3 =	vor.u32 v3, v4  }
0x210: {  	v4 =	vperm.xlane v3, v0;
	_ =	sdelay $0x1  }
0x211: {  	v3 =	vperm.xlane v3, v2;
	v4 =	vadd.s32 v1, v4;
	_ =	sdelay $0x1  }
0x212: {  	v3 =	vadd.s32 v1, v3;
	_ =	sdelay $0x1  }
0x213: {  	s8 =	simm.s32 $0x13180  }
0x214: {  	[tilespmem:s8], [sflag:$0x1] =	stream.indirect_vreg.gather [hbm4b:s3+s2], $0x80, v4, vm0, $0xb8;
	[tilespmem:$0x18180] =	vst v63  }
0x215: {  	s8 =	simm.s32 $0x13980  }
0x216: {  	[tilespmem:s8], [sflag:$0x1] =	stream.indirect_vreg.gather [hbm4b:s3+s2], $0x80, v3, vm0, $0xb8;
	[tilespmem:$0x18180] =	vst v63  }
0x217: {  	v3 =	vld [tilespmem:$0x140];
	_ =	sdelay $0x4  }
0x218: {  	v60 =	vshll.u32 v3, $0x1  }
0x219: {  	v3 =	vand.u32 $0x7, v3;
	v4 =	vand.u32 $0xFFFFFFF0, v60  }
0x21a: {  	v3 =	vor.u32 v3, v4  }
0x21b: {  	v4 =	vperm.xlane v3, v0;
	_ =	sdelay $0x1  }
0x21c: {  	v3 =	vperm.xlane v3, v2;
	v4 =	vadd.s32 v1, v4;
	_ =	sdelay $0x1  }
0x21d: {  	v3 =	vadd.s32 v1, v3;
	_ =	sdelay $0x1  }
0x21e: {  	s8 =	simm.s32 $0x14180  }
0x21f: {  	[tilespmem:s8], [sflag:$0x1] =	stream.indirect_vreg.gather [hbm4b:s3+s2], $0x80, v4, vm0, $0xb8;
	[tilespmem:$0x18180] =	vst v63  }
0x220: {  	s8 =	simm.s32 $0x14980  }
0x221: {  	[tilespmem:s8], [sflag:$0x1] =	stream.indirect_vreg.gather [hbm4b:s3+s2], $0x80, v3, vm0, $0xb8;
	[tilespmem:$0x18180] =	vst v63  }
0x222: {  	v3 =	vld [tilespmem:$0x150];
	_ =	sdelay $0x4  }
0x223: {  	v61 =	vshll.u32 v3, $0x1  }
0x224: {  	v3 =	vand.u32 $0x7, v3;
	v4 =	vand.u32 $0xFFFFFFF0, v61  }
0x225: {  	v3 =	vor.u32 v3, v4  }
0x226: {  	v4 =	vperm.xlane v3, v0;
	_ =	sdelay $0x1  }
0x227: {  	v3 =	vperm.xlane v3, v2;
	v4 =	vadd.s32 v1, v4;
	_ =	sdelay $0x1  }
0x228: {  	v3 =	vadd.s32 v1, v3;
	_ =	sdelay $0x1  }
0x229: {  	s8 =	simm.s32 $0x15180  }
0x22a: {  	[tilespmem:s8], [sflag:$0x1] =	stream.indirect_vreg.gather [hbm4b:s3+s2], $0x80, v4, vm0, $0xb8;
	[tilespmem:$0x18180] =	vst v63  }
0x22b: {  	s8 =	simm.s32 $0x15980  }
0x22c: {  	[tilespmem:s8], [sflag:$0x1] =	stream.indirect_vreg.gather [hbm4b:s3+s2], $0x80, v3, vm0, $0xb8;
	[tilespmem:$0x18180] =	vst v63  }
0x22d: {  	v3 =	vld [tilespmem:$0x160];
	_ =	sdelay $0x4  }
0x22e: {  	v62 =	vshll.u32 v3, $0x1  }
0x22f: {  	v3 =	vand.u32 $0x7, v3;
	v4 =	vand.u32 $0xFFFFFFF0, v62  }
0x230: {  	v3 =	vor.u32 v3, v4  }
0x231: {  	v4 =	vperm.xlane v3, v0;
	_ =	sdelay $0x1  }
0x232: {  	v3 =	vperm.xlane v3, v2;
	v4 =	vadd.s32 v1, v4;
	_ =	sdelay $0x1  }
0x233: {  	v3 =	vadd.s32 v1, v3;
	_ =	sdelay $0x1  }
0x234: {  	s8 =	simm.s32 $0x16180  }
0x235: {  	[tilespmem:s8], [sflag:$0x1] =	stream.indirect_vreg.gather [hbm4b:s3+s2], $0x80, v4, vm0, $0xb8;
	[tilespmem:$0x18180] =	vst v63  }
0x236: {  	s8 =	simm.s32 $0x16980  }
0x237: {  	[tilespmem:s8], [sflag:$0x1] =	stream.indirect_vreg.gather [hbm4b:s3+s2], $0x80, v3, vm0, $0xb8;
	[tilespmem:$0x18180] =	vst v63  }
0x238: {  	v3 =	vld [tilespmem:$0x170];
	_ =	sdelay $0x4  }
0x239: {  	v63 =	vshll.u32 v3, $0x1  }
0x23a: {  	v3 =	vand.u32 $0x7, v3;
	v4 =	vand.u32 $0xFFFFFFF0, v63  }
0x23b: {  	v3 =	vor.u32 v3, v4  }
0x23c: {  	v4 =	vperm.xlane v3, v0;
	_ =	sdelay $0x1  }
0x23d: {  	v3 =	vperm.xlane v3, v2;
	v4 =	vadd.s32 v1, v4;
	_ =	sdelay $0x1  }
0x23e: {  	v3 =	vadd.s32 v1, v3;
	_ =	sdelay $0x1  }
0x23f: {  	s8 =	simm.s32 $0x17180  }
0x240: {  	[tilespmem:s8], [sflag:$0x1] =	stream.indirect_vreg.gather [hbm4b:s3+s2], $0x80, v4, vm0, $0xb8;
	[tilespmem:$0x18180] =	vst v63  }
0x241: {  	s8 =	simm.s32 $0x17980  }
0x242: {  	[tilespmem:s8], [sflag:$0x1] =	stream.indirect_vreg.gather [hbm4b:s3+s2], $0x80, v3, vm0, $0xb8;
	[tilespmem:$0x18180] =	vst v63  }
0x243: {  	_ =	swait.ge [sflag:s0], $0x8000  }
0x244: {  	[sflag:s0] =	ssyncset.done $0x0  }
0x245: {  	[sflag:s0] =	ssyncadd.s32 $0xFFFF8000  }
0x246: {  	_ =	swait.ge [sflag:s0], $0x8000  }
0x247: {  	[sflag:s0] =	ssyncset.done $0x0  }
0x248: {  	[sflag:s0] =	ssyncadd.s32 $0xFFFF8000  }
0x249: {  	_ =	swait.ge [sflag:s0], $0x8000  }
0x24a: {  	[sflag:s0] =	ssyncset.done $0x0  }
0x24b: {  	s4 =	simm.s32 $0x180;
	s8 =	rddreg [dreg:$0xd];
	[sflag:s0] =	ssyncadd.s32 $0xFFFF8000  }
0x24c: {  	[hbm4b:s8+s2] =	stream.linear.scatter [tilespmem:s4], [sflag:$0x2], $0x8000, $0x38;
	[tilespmem:$0x18180] =	vst v63  }
0x24d: {  	_ =	swait.ge [sflag:s5], $0x8000  }
0x24e: {  	[sflag:s5] =	ssyncset.done $0x0  }
0x24f: {  	s4 =	rddreg [dreg:$0xe];
	[sflag:s5] =	ssyncadd.s32 $0xFFFF8000  }
0x250: {  	[hbm4b:s4+s2] =	stream.linear.scatter [tilespmem:s14], [sflag:$0x2], $0x8000, $0x38;
	[tilespmem:$0x18180] =	vst v63  }
0x251: {  	_ =	swait.ge [sflag:s5], $0x8000  }
0x252: {  	p0 =	sne.s32 s7, $0x1;
	[sflag:s5] =	ssyncset.done $0x0  }
.Ltmp0:
0x253: {  	s8 =	rddreg [dreg:$0xf];
	[sflag:s5] =	ssyncadd.s32 $0xFFFF8000;
	(pc) =	sbr.rel @p0 .LBB2_1-.Ltmp0, $4  }
0x254: {  	[hbm4b:s8+s2] =	stream.linear.scatter [tilespmem:s6], [sflag:$0x2], $0x8000, $0x38;
	[tilespmem:$0x18180] =	vst v63  }
0x255: {  	_ =	swait.ge [sflag:s5], $0x8000  }
0x256: {  	[sflag:s5] =	ssyncset.done $0x0  }
0x257: {  	s7 =	sadd.s32 $0xFFFFFFFF, s7;
	[sflag:s5] =	ssyncadd.s32 $0xFFFF8000  }
0x258: {  	_ =	sfence.sel $0x180000  }
0x259: {  	[bflag:$0x0] =	sbarrier.arrive $0xFFFF  }
0x25a: {  	_ =	strace $0x90000050  }
0x25b: {  	s0 =	stileid.u32;
	[bflag:$0x2] =	sbarrier.arrive $0xFFFF  }
0x25c: {  	p0 =	sne.s32 s0, $0x0;
	s0 =	rddreg [dreg:$0x3]  }
0x25d: {  	s0 =	sadd.s32 @!p0 $0x100000, s0  }
0x25e: {  	[sflag:s0] =	ssyncadd.tile.s32 @!p0 $0x1;
	_ =	shalt  }
.Lfunc_end2:
_tile_overlayer_lowered:
.L_overlay_start_2:
0x25f: {  	(tag) =	ssettag $0x2  }
0x260: {  	s0 =	rddreg [dreg:$0x0];
	s2 =	stileid.u32  }
0x261: {  	s1 =	rddreg [dreg:$0x1];
	p0 =	sne.s32 s2, $0x0  }
0x262: {  	s3 =	rddreg [dreg:$0x2];
	[bflag:$0x3] =	sbarrier.arrive $0xFFFF;
	s2 =	simm.s32 @!p0 $0x1C02  }
0x263: {  	[timem:s3], [sflag:s2] =	dma.local @!p0 [hbm:s0], s1  }
0x264: {  	s0 =	simm.s32 @!p0 $0x2  }
0x265: {  	_ =	swait.ge @!p0 [sflag:s0], s1  }
0x266: {  	s1 =	ssub.s32 @!p0 $0x0, s1;
	[sflag:s0] =	ssyncset.done @!p0 $0x0  }
0x267: {  	[sflag:s0] =	ssyncadd.s32 @!p0 s1  }
0x268: {  	[bflag:$0x3] =	sbarrier.arrive $0xFFFF  }
0x269: {  	_ =	shalt  }

</sc_bundles>
